<compile_context>
chip_gen: v7x
topology: tpu7x:2x2x1
jax: 0.10.2.dev20260603
libtpu: 0.0.44.dev20260713+nightly
codegen_flags: <defaults>
</compile_context>

<pallas_src>
import functools

import jax
import jax.numpy as jnp
from jax import lax
from jax.experimental import pallas as pl
from jax.experimental.pallas import tpu as pltpu
from jax.experimental.pallas import tpu_sc as plsc

N = 10000
E = 320000
DF = 128
H = 8
HD = 16
NW = 32
EPW = E // NW
C = 80
NCH = EPW // C
NPAD = 10240
NPT = NPAD // 16


def _tc_proj(x, Wl, bl, Wr, br, Wv, bv):
    BN = 1000

    def body(x_ref, wl, bl_, wr, br_, wv, bv_, lo, ro, vo):
        xb = x_ref[...]
        lo[...] = jnp.dot(xb, wl[...], preferred_element_type=jnp.float32) + bl_[...]
        ro[...] = jnp.dot(xb, wr[...], preferred_element_type=jnp.float32) + br_[...]
        vo[...] = jnp.dot(xb, wv[...], preferred_element_type=jnp.float32) + bv_[...]

    w_spec = pl.BlockSpec((DF, DF), lambda i: (0, 0))
    b_spec = pl.BlockSpec((1, DF), lambda i: (0, 0))
    o_spec = pl.BlockSpec((BN, DF), lambda i: (i, 0))
    return pl.pallas_call(
        body,
        grid=(N // BN,),
        in_specs=[o_spec, w_spec, b_spec, w_spec, b_spec, w_spec, b_spec],
        out_specs=[o_spec, o_spec, o_spec],
        out_shape=[jax.ShapeDtypeStruct((N, DF), jnp.float32)] * 3,
    )(x, Wl, bl.reshape(1, DF), Wr, br.reshape(1, DF), Wv, bv.reshape(1, DF))


def _sc_combine(left, right, src_arr, tgt_arr):
    mesh = plsc.VectorSubcoreMesh(core_axis_name="c", subcore_axis_name="s")
    CH = 128
    TOT = E // CH
    TOTW = (TOT + NW - 1) // NW
    NB = 3

    @functools.partial(
        pl.kernel,
        out_type=jax.ShapeDtypeStruct((E, DF), jnp.float32),
        mesh=mesh,
        scratch_types=[
            pltpu.VMEM((NB, CH), jnp.int32),
            pltpu.VMEM((NB, CH), jnp.int32),
            pltpu.VMEM((NB, CH, DF), jnp.float32),
            pltpu.VMEM((NB, CH, DF), jnp.float32),
            [pltpu.SemaphoreType.DMA] * NB,
            [pltpu.SemaphoreType.DMA] * NB,
        ],
    )
    def k(left_hbm, right_hbm, src_hbm, tgt_hbm, out_hbm,
          tgtb, srcb, lb, rb, semg, semo):
        wid = lax.axis_index("s") * 2 + lax.axis_index("c")

        def cbase(g):
            return jnp.minimum(wid + g * NW, TOT - 1) * CH

        def fire(g, p):
            base = cbase(g)
            pltpu.sync_copy(tgt_hbm.at[pl.ds(base, CH)], tgtb.at[p])
            pltpu.sync_copy(src_hbm.at[pl.ds(base, CH)], srcb.at[p])
            pltpu.async_copy(left_hbm.at[tgtb.at[p]], lb.at[p], semg[p])
            pltpu.async_copy(right_hbm.at[srcb.at[p]], rb.at[p], semg[p])

        def wait_out(p):
            pltpu.make_async_copy(lb.at[p], out_hbm.at[pl.ds(0, CH)],
                                  semo[p]).wait()

        def proc(g, p):
            pltpu.make_async_copy(left_hbm.at[pl.ds(0, CH)], lb.at[p],
                                  semg[p]).wait()
            pltpu.make_async_copy(left_hbm.at[pl.ds(0, CH)], rb.at[p],
                                  semg[p]).wait()

            def row(i, c2):
                for j in range(DF // 16):
                    sl = pl.ds(j * 16, 16)
                    lb[p, i, sl] = lb[p, i, sl] + rb[p, i, sl]
                return c2

            lax.fori_loop(0, CH, row, 0)
            pltpu.async_copy(lb.at[p], out_hbm.at[pl.ds(cbase(g), CH)], semo[p])

        for p in range(NB):
            fire(p, p)

        def body(g, carry):
            par = lax.rem(g, NB)
            for p in range(NB):
                @pl.when(par == p)
                def _(p=p, g=g):
                    proc(g, p)

                    @pl.when((par == p) & (g + NB < TOTW))
                    def _(p=p, g=g):
                        wait_out(p)
                        fire(g + NB, p)
            return carry

        lax.fori_loop(0, TOTW, body, 0)
        for p in range(NB):
            wait_out(p)

    return k(left, right, src_arr, tgt_arr)


def _tc_scores(combined, ef, A128, We128, be128):
    BE = 2000

    def body(c_ref, e_ref, a_ref, w_ref, b_ref, out):
        c = c_ref[...]
        act = jnp.where(c >= 0, c, 0.2 * c)
        s = (jnp.dot(act, a_ref[...], preferred_element_type=jnp.float32)
             + jnp.dot(e_ref[...], w_ref[...],
                       preferred_element_type=jnp.float32)
             + b_ref[...])
        out[...] = jnp.exp(s)

    return pl.pallas_call(
        body,
        grid=(E // BE,),
        in_specs=[
            pl.BlockSpec((BE, DF), lambda i: (i, 0)),
            pl.BlockSpec((BE, 16), lambda i: (i, 0)),
            pl.BlockSpec((DF, 128), lambda i: (0, 0)),
            pl.BlockSpec((16, 128), lambda i: (0, 0)),
            pl.BlockSpec((1, 128), lambda i: (0, 0)),
        ],
        out_specs=pl.BlockSpec((BE, 128), lambda i: (i, 0)),
        out_shape=jax.ShapeDtypeStruct((E, 128), jnp.float32),
    )(combined, ef, A128, We128, be128)


def _sc_aggregate(values, ppk, src_arr, tgt_arr):
    mesh = plsc.VectorSubcoreMesh(core_axis_name="c", subcore_axis_name="s")
    ZR = 128
    CH = 80
    NB = 2
    TOT = E // CH
    NCHT = TOT // 16
    REMT = TOT - NCHT * 16

    @functools.partial(
        pl.kernel,
        out_type=(
            jax.ShapeDtypeStruct((2, NPAD, 64), jnp.float32),
            jax.ShapeDtypeStruct((2, NPAD, 16), jnp.float32),
        ),
        mesh=mesh,
        scratch_types=[
            pltpu.VMEM((NB, CH), jnp.int32),
            pltpu.VMEM((NB, CH), jnp.int32),
            pltpu.VMEM((NB, CH, DF), jnp.float32),
            pltpu.VMEM((NB, CH, 64), jnp.float32),
            pltpu.VMEM((NB, CH, DF), jnp.float32),
            pltpu.VMEM((NB, CH, 16), jnp.float32),
            pltpu.VMEM((ZR, 64), jnp.float32),
            pltpu.VMEM((NPT, 16), jnp.float32),
            pltpu.VMEM_SHARED((NPAD, 64), jnp.float32),
            pltpu.VMEM_SHARED((NPAD, 16), jnp.float32),
            [pltpu.SemaphoreType.DMA] * NB,
            [pltpu.SemaphoreType.DMA] * NB,
        ],
        compiler_params=pltpu.CompilerParams(use_tc_tiling_on_sc=False),
    )
    def k(values_hbm, p_hbm, src_hbm, tgt_hbm, acc_out, z_out,
          tgtb, srcb, vb, ob, pb, zb, zbuf, zbuf2, acc_sh, z_sh, semg, semo):
        cid = lax.axis_index("c")
        sid = lax.axis_index("s")

        zero16 = jnp.zeros((16,), jnp.float32)

        def zrow(i, carry):
            for j in range(64 // 16):
                zbuf[i, pl.ds(j * 16, 16)] = zero16
            return carry

        lax.fori_loop(0, ZR, zrow, 0)

        def zrow2(i, carry):
            zbuf2[i, pl.ds(0, 16)] = zero16
            return carry

        lax.fori_loop(0, NPT, zrow2, 0)

        for kk in range(5):
            pltpu.sync_copy(zbuf, acc_sh.at[pl.ds(sid * NPT + kk * ZR, ZR)])
        pltpu.sync_copy(zbuf2, z_sh.at[pl.ds(sid * NPT, NPT)])
        plsc.subcore_barrier()

        hbase = 4 * cid
        dn = lax.GatherDimensionNumbers(
            offset_dims=(), collapsed_slice_dims=(0,), start_index_map=(0,))

        def cbase(g):
            return (sid + 16 * g) * CH

        def fire(g, p):
            base = cbase(g)
            pltpu.sync_copy(tgt_hbm.at[pl.ds(base, CH)], tgtb.at[p])
            pltpu.sync_copy(src_hbm.at[pl.ds(base, CH)], srcb.at[p])
            pltpu.async_copy(values_hbm.at[srcb.at[p]], vb.at[p], semg[p])
            pltpu.async_copy(p_hbm.at[pl.ds(base, CH)], pb.at[p], semg[p])

        def wait_out(p):
            pltpu.make_async_copy(ob.at[p], acc_sh.at[pl.ds(0, CH)],
                                  semo[p]).wait()
            pltpu.make_async_copy(zb.at[p], z_sh.at[pl.ds(0, CH)],
                                  semo[p]).wait()

        def proc(p):
            pltpu.make_async_copy(values_hbm.at[pl.ds(0, CH)], vb.at[p],
                                  semg[p]).wait()
            pltpu.make_async_copy(p_hbm.at[pl.ds(0, CH)], pb.at[p],
                                  semg[p]).wait()

            def row(i, c2):
                pv = pb[p, i, pl.ds(0, 16)]
                zb[p, i, pl.ds(0, 16)] = pv
                for h in range(4):
                    idx = jnp.full((16, 1), hbase + h, jnp.int32)
                    ph = lax.gather(pv, idx, dn, (1,),
                                    mode=lax.GatherScatterMode.PROMISE_IN_BOUNDS)
                    ob[p, i, pl.ds(h * 16, 16)] = (
                        vb[p, i, pl.ds((hbase + h) * 16, 16)] * ph)
                return c2

            lax.fori_loop(0, CH, row, 0)
            pltpu.async_copy(ob.at[p], acc_sh.at[tgtb.at[p]], semo[p], add=True)
            pltpu.async_copy(zb.at[p], z_sh.at[tgtb.at[p]], semo[p], add=True)

        nch = NCHT + jnp.where(sid < REMT, 1, 0)

        for p in range(NB):
            @pl.when(p < nch)
            def _(p=p):
                fire(p, p)

        def body(g, carry):
            par = lax.rem(g, NB)
            for p in range(NB):
                @pl.when(par == p)
                def _(p=p, g=g):
                    proc(p)

                    @pl.when((par == p) & (g + NB < nch))
                    def _(p=p, g=g):
                        wait_out(p)
                        fire(g + NB, p)
            return carry

        lax.fori_loop(0, nch, body, 0)
        for p in range(NB):
            @pl.when(p < nch)
            def _(p=p):
                wait_out(p)
        plsc.subcore_barrier()

        pltpu.sync_copy(acc_sh.at[pl.ds(sid * NPT, NPT)],
                        acc_out.at[cid, pl.ds(sid * NPT, NPT)])
        pltpu.sync_copy(z_sh.at[pl.ds(sid * NPT, NPT)],
                        z_out.at[cid, pl.ds(sid * NPT, NPT)])

    return k(values, ppk, src_arr, tgt_arr)


def _tc_final(acc, z, R2lo, R2hi, Wo, bo):
    BN = 1000

    def body(a_ref, z_ref, rlo_ref, rhi_ref, wlo_ref, whi_ref, b_ref, out):
        zs = z_ref[0] + z_ref[1]
        zinv = 1.0 / (zs + 1e-30)
        zrlo = jnp.dot(zinv, rlo_ref[...], preferred_element_type=jnp.float32)
        zrhi = jnp.dot(zinv, rhi_ref[...], preferred_element_type=jnp.float32)
        out[...] = (jnp.dot(a_ref[0] * zrlo, wlo_ref[...],
                            preferred_element_type=jnp.float32)
                    + jnp.dot(a_ref[1] * zrhi, whi_ref[...],
                              preferred_element_type=jnp.float32)
                    + b_ref[...])

    return pl.pallas_call(
        body,
        grid=(N // BN,),
        in_specs=[
            pl.BlockSpec((2, BN, 64), lambda i: (0, i, 0)),
            pl.BlockSpec((2, BN, 16), lambda i: (0, i, 0)),
            pl.BlockSpec((16, 64), lambda i: (0, 0)),
            pl.BlockSpec((16, 64), lambda i: (0, 0)),
            pl.BlockSpec((64, DF), lambda i: (0, 0)),
            pl.BlockSpec((64, DF), lambda i: (0, 0)),
            pl.BlockSpec((1, DF), lambda i: (0, 0)),
        ],
        out_specs=pl.BlockSpec((BN, DF), lambda i: (i, 0)),
        out_shape=jax.ShapeDtypeStruct((N, DF), jnp.float32),
    )(acc, z, R2lo, R2hi, Wo[:64], Wo[64:], bo.reshape(1, DF))


def kernel(node_features, edge_index, edge_features, Wl, bl, Wr, br, We, be,
           attn_vec, Wv, bv, Wo, bo):
    left, right, values = _tc_proj(node_features, Wl, bl, Wr, br, Wv, bv)
    src_arr = edge_index[0]
    tgt_arr = edge_index[1]
    combined = _sc_combine(left, right, src_arr, tgt_arr)
    A16 = jnp.repeat(jnp.eye(H, 16, dtype=jnp.float32), HD, axis=0) \
        * attn_vec.reshape(DF, 1)
    A128 = jnp.pad(A16, ((0, 0), (0, 112)))
    We128 = jnp.pad(We, ((0, 0), (0, 120)))
    be128 = jnp.pad(be, (0, 120)).reshape(1, 128)
    ppk = _tc_scores(combined, edge_features, A128, We128, be128)
    acc, z = _sc_aggregate(values, ppk, src_arr, tgt_arr)
    R2 = 2.0 * jnp.repeat(jnp.eye(16, H, dtype=jnp.float32), HD, axis=1)
    return _tc_final(acc, z, R2[:, :64], R2[:, 64:], Wo, bo)

# --- scband reference (transcript-rebuilt; emitter-appended) ---
"""Pipeline reference for scband-gatv2-layer-43568148251357 (READ-ONLY COPY).

The authoritative reference and input builder live on the scoring server;
editing this copy changes nothing except your own understanding.
"""

import jax, jax.numpy as jnp
import numpy as np

N = 10000
E = 320000
DF = 128
DE = 16
H = 8
HD = 16
DOUT = 128
NEG_SLOPE = 0.2


def setup_inputs(seed: int = 0) -> dict:
    key = jax.random.key(seed)
    ks = jax.random.split(key, 16)
    node_features = jax.random.normal(ks[0], (N, DF), dtype=jnp.float32)
    edge_index = jax.random.randint(ks[1], (2, E), 0, N, dtype=jnp.int32)
    edge_features = jax.random.normal(ks[2], (E, DE), dtype=jnp.float32)
    s_in = 1.0 / np.sqrt(DF)
    s_e = 1.0 / np.sqrt(DE)
    s_o = 1.0 / np.sqrt(DOUT)
    Wl = jax.random.normal(ks[3], (DF, DOUT), dtype=jnp.float32) * s_in
    bl = jnp.zeros((DOUT,), dtype=jnp.float32)
    Wr = jax.random.normal(ks[4], (DF, DOUT), dtype=jnp.float32) * s_in
    br = jnp.zeros((DOUT,), dtype=jnp.float32)
    We = jax.random.normal(ks[5], (DE, H), dtype=jnp.float32) * s_e
    be = jnp.zeros((H,), dtype=jnp.float32)
    attn_vec = jax.random.normal(ks[6], (H, HD), dtype=jnp.float32) * 0.01
    Wv = jax.random.normal(ks[7], (DF, DOUT), dtype=jnp.float32) * s_in
    bv = jnp.zeros((DOUT,), dtype=jnp.float32)
    Wo = jax.random.normal(ks[8], (DOUT, DOUT), dtype=jnp.float32) * s_o
    bo = jnp.zeros((DOUT,), dtype=jnp.float32)
    return {
        "node_features": node_features,
        "edge_index": edge_index,
        "edge_features": edge_features,
        "Wl": Wl, "bl": bl, "Wr": Wr, "br": br,
        "We": We, "be": be, "attn_vec": attn_vec,
        "Wv": Wv, "bv": bv, "Wo": Wo, "bo": bo,
    }


def reference(node_features, edge_index, edge_features, Wl, bl, Wr, br, We, be, attn_vec, Wv, bv, Wo, bo):
    n_nodes = node_features.shape[0]
    n_edges = edge_index.shape[1]
    src = edge_index[0]
    tgt = edge_index[1]
    left = (node_features @ Wl + bl).reshape(n_nodes, H, HD)
    right = (node_features @ Wr + br).reshape(n_nodes, H, HD)
    combined = left[tgt] + right[src]
    activated = jax.nn.leaky_relu(combined, negative_slope=NEG_SLOPE)
    attn_scores = jnp.sum(activated * attn_vec[None, :, :], axis=-1)
    edge_bias = edge_features @ We + be
    attn_scores = attn_scores + edge_bias
    max_scores = jax.ops.segment_max(attn_scores, tgt, num_segments=n_nodes)
    attn_scores = attn_scores - max_scores[tgt]
    attn_exp = jnp.exp(attn_scores)
    attn_sum = jax.ops.segment_sum(attn_exp, tgt, num_segments=n_nodes) + 1e-10
    attn_probs = attn_exp / attn_sum[tgt]
    values = (node_features @ Wv + bv).reshape(n_nodes, H, HD)
    weighted = attn_probs[:, :, None] * values[src]
    aggregated = jax.ops.segment_sum(weighted.reshape(n_edges, -1), tgt, num_segments=n_nodes)
    return aggregated @ Wo + bo

if __name__ == "__main__":
    import jax
    _d = setup_inputs()
    print(jax.jit(kernel)(*tuple(_d.values())))

</pallas_src>

<mosaic_0001>
#map = affine_map<(d0, d1) -> (0, 0)>
#map1 = affine_map<(d0, d1) -> (0)>
module attributes {stable_mosaic.version = 14 : i64} {
  func.func @k(%arg0: i32, %arg1: i32, %arg2: memref<10000x128xf32, #tpu.memory_space<hbm>>, %arg3: memref<10000x128xf32, #tpu.memory_space<hbm>>, %arg4: memref<320000xi32, #tpu.memory_space<hbm>>, %arg5: memref<320000xi32, #tpu.memory_space<hbm>>, %arg6: memref<320000x128xf32, #tpu.memory_space<hbm>>, %arg7: memref<3x128xi32, #tpu.memory_space<vmem>>, %arg8: memref<3x128xi32, #tpu.memory_space<vmem>>, %arg9: memref<3x128x128xf32, #tpu.memory_space<vmem>>, %arg10: memref<3x128x128xf32, #tpu.memory_space<vmem>>, %arg11: memref<!tpu.dma_semaphore, #tpu.memory_space<semaphore_mem>>, %arg12: memref<!tpu.dma_semaphore, #tpu.memory_space<semaphore_mem>>, %arg13: memref<!tpu.dma_semaphore, #tpu.memory_space<semaphore_mem>>, %arg14: memref<!tpu.dma_semaphore, #tpu.memory_space<semaphore_mem>>, %arg15: memref<!tpu.dma_semaphore, #tpu.memory_space<semaphore_mem>>, %arg16: memref<!tpu.dma_semaphore, #tpu.memory_space<semaphore_mem>>) attributes {dimension_semantics = [#tpu.dimension_semantics<core_parallel>, #tpu.dimension_semantics<subcore_parallel>], iteration_bounds = array<i64: 2, 16>, scalar_prefetch = 0 : i64, scratch_operands = 10 : i64, tpu.core_type = #tpu.core_type<sc_vector_subcore>, window_params = [{transform_indices = #map}, {transform_indices = #map}, {transform_indices = #map1}, {transform_indices = #map1}, {transform_indices = #map}]} {
    %mul3A = arith.constant 2 : i32
    %mul3A_0 = arith.muli %arg1, %mul3A : i32
    %add3A = arith.addi %mul3A_0, %arg0 : i32
    %add3A_1 = arith.constant 0 : i32
    %add3A_2 = arith.addi %add3A, %add3A_1 : i32
    %min3A = arith.constant 2499 : i32
    %min3A_3 = arith.minsi %add3A_2, %min3A : i32
    %mul3A_4 = arith.constant 128 : i32
    %mul3A_5 = arith.muli %min3A_3, %mul3A_4 : i32
    %run_scoped3A = arith.constant 0 : i32
    "tpu.region"() ({
      %run_scoped3A_143 = tpu.sem_alloc : memref<!tpu.dma_semaphore, #tpu.memory_space<semaphore_mem>>
      %dma_start3A_144 = arith.constant 0 : i32
      %dma_start3A_145 = tpu.memref_slice %arg7[%run_scoped3A, %dma_start3A_144] : memref<3x128xi32, #tpu.memory_space<vmem>> -> memref<1x128xi32, #tpu.memory_space<vmem>>
      %dma_start3A_146 = tpu.memref_squeeze %dma_start3A_145 : memref<1x128xi32, #tpu.memory_space<vmem>> -> memref<128xi32, #tpu.memory_space<vmem>>
      %dma_start3A_147 = tpu.memref_slice %arg5[%mul3A_5] : memref<320000xi32, #tpu.memory_space<hbm>> -> memref<128xi32, #tpu.memory_space<hbm>>
      %dma_start3A_148 = arith.constant 0 : i32
      %dma_start3A_149 = tpu.memref_slice %arg7[%run_scoped3A, %dma_start3A_148] : memref<3x128xi32, #tpu.memory_space<vmem>> -> memref<1x128xi32, #tpu.memory_space<vmem>>
      %dma_start3A_150 = tpu.memref_squeeze %dma_start3A_149 : memref<1x128xi32, #tpu.memory_space<vmem>> -> memref<128xi32, #tpu.memory_space<vmem>>
      %dma_start3A_151 = tpu.memref_slice %arg5[%mul3A_5] : memref<320000xi32, #tpu.memory_space<hbm>> -> memref<128xi32, #tpu.memory_space<hbm>>
      tpu.enqueue_dma source(%dma_start3A_151 : memref<128xi32, #tpu.memory_space<hbm>>) target(%dma_start3A_150 : memref<128xi32, #tpu.memory_space<vmem>>) target_semaphore(%run_scoped3A_143 : memref<!tpu.dma_semaphore, #tpu.memory_space<semaphore_mem>>)
      %dma_wait3A_152 = arith.constant 0 : i32
      %dma_wait3A_153 = tpu.memref_slice %arg7[%run_scoped3A, %dma_wait3A_152] : memref<3x128xi32, #tpu.memory_space<vmem>> -> memref<1x128xi32, #tpu.memory_space<vmem>>
      %dma_wait3A_154 = tpu.memref_squeeze %dma_wait3A_153 : memref<1x128xi32, #tpu.memory_space<vmem>> -> memref<128xi32, #tpu.memory_space<vmem>>
      %dma_wait3A_155 = tpu.memref_slice %arg5[%mul3A_5] : memref<320000xi32, #tpu.memory_space<hbm>> -> memref<128xi32, #tpu.memory_space<hbm>>
      %dma_wait3A_156 = arith.constant 0 : i32
      %dma_wait3A_157 = tpu.memref_slice %arg7[%run_scoped3A, %dma_wait3A_156] : memref<3x128xi32, #tpu.memory_space<vmem>> -> memref<1x128xi32, #tpu.memory_space<vmem>>
      %dma_wait3A_158 = tpu.memref_squeeze %dma_wait3A_157 : memref<1x128xi32, #tpu.memory_space<vmem>> -> memref<128xi32, #tpu.memory_space<vmem>>
      %dma_wait3A_159 = tpu.memref_slice %arg5[%mul3A_5] : memref<320000xi32, #tpu.memory_space<hbm>> -> memref<128xi32, #tpu.memory_space<hbm>>
      tpu.wait_dma2 semaphore(%run_scoped3A_143 : memref<!tpu.dma_semaphore, #tpu.memory_space<semaphore_mem>>) src(%dma_wait3A_159 : memref<128xi32, #tpu.memory_space<hbm>>) dst(%dma_wait3A_158 : memref<128xi32, #tpu.memory_space<vmem>>)
      tpu.yield
    }) : () -> ()
    %run_scoped3A_6 = arith.constant 0 : i32
    "tpu.region"() ({
      %run_scoped3A_143 = tpu.sem_alloc : memref<!tpu.dma_semaphore, #tpu.memory_space<semaphore_mem>>
      %dma_start3A_144 = arith.constant 0 : i32
      %dma_start3A_145 = tpu.memref_slice %arg8[%run_scoped3A_6, %dma_start3A_144] : memref<3x128xi32, #tpu.memory_space<vmem>> -> memref<1x128xi32, #tpu.memory_space<vmem>>
      %dma_start3A_146 = tpu.memref_squeeze %dma_start3A_145 : memref<1x128xi32, #tpu.memory_space<vmem>> -> memref<128xi32, #tpu.memory_space<vmem>>
      %dma_start3A_147 = tpu.memref_slice %arg4[%mul3A_5] : memref<320000xi32, #tpu.memory_space<hbm>> -> memref<128xi32, #tpu.memory_space<hbm>>
      %dma_start3A_148 = arith.constant 0 : i32
      %dma_start3A_149 = tpu.memref_slice %arg8[%run_scoped3A_6, %dma_start3A_148] : memref<3x128xi32, #tpu.memory_space<vmem>> -> memref<1x128xi32, #tpu.memory_space<vmem>>
      %dma_start3A_150 = tpu.memref_squeeze %dma_start3A_149 : memref<1x128xi32, #tpu.memory_space<vmem>> -> memref<128xi32, #tpu.memory_space<vmem>>
      %dma_start3A_151 = tpu.memref_slice %arg4[%mul3A_5] : memref<320000xi32, #tpu.memory_space<hbm>> -> memref<128xi32, #tpu.memory_space<hbm>>
      tpu.enqueue_dma source(%dma_start3A_151 : memref<128xi32, #tpu.memory_space<hbm>>) target(%dma_start3A_150 : memref<128xi32, #tpu.memory_space<vmem>>) target_semaphore(%run_scoped3A_143 : memref<!tpu.dma_semaphore, #tpu.memory_space<semaphore_mem>>)
      %dma_wait3A_152 = arith.constant 0 : i32
      %dma_wait3A_153 = tpu.memref_slice %arg8[%run_scoped3A_6, %dma_wait3A_152] : memref<3x128xi32, #tpu.memory_space<vmem>> -> memref<1x128xi32, #tpu.memory_space<vmem>>
      %dma_wait3A_154 = tpu.memref_squeeze %dma_wait3A_153 : memref<1x128xi32, #tpu.memory_space<vmem>> -> memref<128xi32, #tpu.memory_space<vmem>>
      %dma_wait3A_155 = tpu.memref_slice %arg4[%mul3A_5] : memref<320000xi32, #tpu.memory_space<hbm>> -> memref<128xi32, #tpu.memory_space<hbm>>
      %dma_wait3A_156 = arith.constant 0 : i32
      %dma_wait3A_157 = tpu.memref_slice %arg8[%run_scoped3A_6, %dma_wait3A_156] : memref<3x128xi32, #tpu.memory_space<vmem>> -> memref<1x128xi32, #tpu.memory_space<vmem>>
      %dma_wait3A_158 = tpu.memref_squeeze %dma_wait3A_157 : memref<1x128xi32, #tpu.memory_space<vmem>> -> memref<128xi32, #tpu.memory_space<vmem>>
      %dma_wait3A_159 = tpu.memref_slice %arg4[%mul3A_5] : memref<320000xi32, #tpu.memory_space<hbm>> -> memref<128xi32, #tpu.memory_space<hbm>>
      tpu.wait_dma2 semaphore(%run_scoped3A_143 : memref<!tpu.dma_semaphore, #tpu.memory_space<semaphore_mem>>) src(%dma_wait3A_159 : memref<128xi32, #tpu.memory_space<hbm>>) dst(%dma_wait3A_158 : memref<128xi32, #tpu.memory_space<vmem>>)
      tpu.yield
    }) : () -> ()
    %dma_start3A = arith.constant 0 : i32
    %dma_start3A_7 = arith.constant 0 : i32
    %dma_start3A_8 = arith.constant 0 : i32
    %dma_start3A_9 = arith.constant 0 : i32
    %dma_start3A_10 = tpu.memref_slice %arg9[%dma_start3A_7, %dma_start3A_8, %dma_start3A_9] : memref<3x128x128xf32, #tpu.memory_space<vmem>> -> memref<1x128x128xf32, #tpu.memory_space<vmem>>
    %dma_start3A_11 = tpu.memref_squeeze %dma_start3A_10 : memref<1x128x128xf32, #tpu.memory_space<vmem>> -> memref<128x128xf32, #tpu.memory_space<vmem>>
    %dma_start3A_12 = arith.constant 0 : i32
    %dma_start3A_13 = tpu.memref_slice %arg7[%dma_start3A, %dma_start3A_12] : memref<3x128xi32, #tpu.memory_space<vmem>> -> memref<1x128xi32, #tpu.memory_space<vmem>>
    %dma_start3A_14 = tpu.memref_squeeze %dma_start3A_13 : memref<1x128xi32, #tpu.memory_space<vmem>> -> memref<128xi32, #tpu.memory_space<vmem>>
    %dma_start3A_15 = arith.constant 0 : i32
    %dma_start3A_16 = arith.constant 0 : i32
    %dma_start3A_17 = tpu.memref_slice %arg2[%dma_start3A_15, %dma_start3A_16] : memref<10000x128xf32, #tpu.memory_space<hbm>> -> memref<10000x128xf32, #tpu.memory_space<hbm>>
    tpu.enqueue_indirect_dma source(%dma_start3A_17 : memref<10000x128xf32, #tpu.memory_space<hbm>>) target(%dma_start3A_11 : memref<128x128xf32, #tpu.memory_space<vmem>>) offsets(%dma_start3A_14 : memref<128xi32, #tpu.memory_space<vmem>>) semaphore(%arg11 : memref<!tpu.dma_semaphore, #tpu.memory_space<semaphore_mem>>)
    %dma_start3A_18 = arith.constant 0 : i32
    %dma_start3A_19 = arith.constant 0 : i32
    %dma_start3A_20 = arith.constant 0 : i32
    %dma_start3A_21 = arith.constant 0 : i32
    %dma_start3A_22 = tpu.memref_slice %arg10[%dma_start3A_19, %dma_start3A_20, %dma_start3A_21] : memref<3x128x128xf32, #tpu.memory_space<vmem>> -> memref<1x128x128xf32, #tpu.memory_space<vmem>>
    %dma_start3A_23 = tpu.memref_squeeze %dma_start3A_22 : memref<1x128x128xf32, #tpu.memory_space<vmem>> -> memref<128x128xf32, #tpu.memory_space<vmem>>
    %dma_start3A_24 = arith.constant 0 : i32
    %dma_start3A_25 = tpu.memref_slice %arg8[%dma_start3A_18, %dma_start3A_24] : memref<3x128xi32, #tpu.memory_space<vmem>> -> memref<1x128xi32, #tpu.memory_space<vmem>>
    %dma_start3A_26 = tpu.memref_squeeze %dma_start3A_25 : memref<1x128xi32, #tpu.memory_space<vmem>> -> memref<128xi32, #tpu.memory_space<vmem>>
    %dma_start3A_27 = arith.constant 0 : i32
    %dma_start3A_28 = arith.constant 0 : i32
    %dma_start3A_29 = tpu.memref_slice %arg3[%dma_start3A_27, %dma_start3A_28] : memref<10000x128xf32, #tpu.memory_space<hbm>> -> memref<10000x128xf32, #tpu.memory_space<hbm>>
    tpu.enqueue_indirect_dma source(%dma_start3A_29 : memref<10000x128xf32, #tpu.memory_space<hbm>>) target(%dma_start3A_23 : memref<128x128xf32, #tpu.memory_space<vmem>>) offsets(%dma_start3A_26 : memref<128xi32, #tpu.memory_space<vmem>>) semaphore(%arg11 : memref<!tpu.dma_semaphore, #tpu.memory_space<semaphore_mem>>)
    %add3A_30 = arith.constant 32 : i32
    %add3A_31 = arith.addi %add3A, %add3A_30 : i32
    %min3A_32 = arith.constant 2499 : i32
    %min3A_33 = arith.minsi %add3A_31, %min3A_32 : i32
    %mul3A_34 = arith.constant 128 : i32
    %mul3A_35 = arith.muli %min3A_33, %mul3A_34 : i32
    %run_scoped3A_36 = arith.constant 1 : i32
    "tpu.region"() ({
      %run_scoped3A_143 = tpu.sem_alloc : memref<!tpu.dma_semaphore, #tpu.memory_space<semaphore_mem>>
      %dma_start3A_144 = arith.constant 0 : i32
      %dma_start3A_145 = tpu.memref_slice %arg7[%run_scoped3A_36, %dma_start3A_144] : memref<3x128xi32, #tpu.memory_space<vmem>> -> memref<1x128xi32, #tpu.memory_space<vmem>>
      %dma_start3A_146 = tpu.memref_squeeze %dma_start3A_145 : memref<1x128xi32, #tpu.memory_space<vmem>> -> memref<128xi32, #tpu.memory_space<vmem>>
      %dma_start3A_147 = tpu.memref_slice %arg5[%mul3A_35] : memref<320000xi32, #tpu.memory_space<hbm>> -> memref<128xi32, #tpu.memory_space<hbm>>
      %dma_start3A_148 = arith.constant 0 : i32
      %dma_start3A_149 = tpu.memref_slice %arg7[%run_scoped3A_36, %dma_start3A_148] : memref<3x128xi32, #tpu.memory_space<vmem>> -> memref<1x128xi32, #tpu.memory_space<vmem>>
      %dma_start3A_150 = tpu.memref_squeeze %dma_start3A_149 : memref<1x128xi32, #tpu.memory_space<vmem>> -> memref<128xi32, #tpu.memory_space<vmem>>
      %dma_start3A_151 = tpu.memref_slice %arg5[%mul3A_35] : memref<320000xi32, #tpu.memory_space<hbm>> -> memref<128xi32, #tpu.memory_space<hbm>>
      tpu.enqueue_dma source(%dma_start3A_151 : memref<128xi32, #tpu.memory_space<hbm>>) target(%dma_start3A_150 : memref<128xi32, #tpu.memory_space<vmem>>) target_semaphore(%run_scoped3A_143 : memref<!tpu.dma_semaphore, #tpu.memory_space<semaphore_mem>>)
      %dma_wait3A_152 = arith.constant 0 : i32
      %dma_wait3A_153 = tpu.memref_slice %arg7[%run_scoped3A_36, %dma_wait3A_152] : memref<3x128xi32, #tpu.memory_space<vmem>> -> memref<1x128xi32, #tpu.memory_space<vmem>>
      %dma_wait3A_154 = tpu.memref_squeeze %dma_wait3A_153 : memref<1x128xi32, #tpu.memory_space<vmem>> -> memref<128xi32, #tpu.memory_space<vmem>>
      %dma_wait3A_155 = tpu.memref_slice %arg5[%mul3A_35] : memref<320000xi32, #tpu.memory_space<hbm>> -> memref<128xi32, #tpu.memory_space<hbm>>
      %dma_wait3A_156 = arith.constant 0 : i32
      %dma_wait3A_157 = tpu.memref_slice %arg7[%run_scoped3A_36, %dma_wait3A_156] : memref<3x128xi32, #tpu.memory_space<vmem>> -> memref<1x128xi32, #tpu.memory_space<vmem>>
      %dma_wait3A_158 = tpu.memref_squeeze %dma_wait3A_157 : memref<1x128xi32, #tpu.memory_space<vmem>> -> memref<128xi32, #tpu.memory_space<vmem>>
      %dma_wait3A_159 = tpu.memref_slice %arg5[%mul3A_35] : memref<320000xi32, #tpu.memory_space<hbm>> -> memref<128xi32, #tpu.memory_space<hbm>>
      tpu.wait_dma2 semaphore(%run_scoped3A_143 : memref<!tpu.dma_semaphore, #tpu.memory_space<semaphore_mem>>) src(%dma_wait3A_159 : memref<128xi32, #tpu.memory_space<hbm>>) dst(%dma_wait3A_158 : memref<128xi32, #tpu.memory_space<vmem>>)
      tpu.yield
    }) : () -> ()
    %run_scoped3A_37 = arith.constant 1 : i32
    "tpu.region"() ({
      %run_scoped3A_143 = tpu.sem_alloc : memref<!tpu.dma_semaphore, #tpu.memory_space<semaphore_mem>>
      %dma_start3A_144 = arith.constant 0 : i32
      %dma_start3A_145 = tpu.memref_slice %arg8[%run_scoped3A_37, %dma_start3A_144] : memref<3x128xi32, #tpu.memory_space<vmem>> -> memref<1x128xi32, #tpu.memory_space<vmem>>
      %dma_start3A_146 = tpu.memref_squeeze %dma_start3A_145 : memref<1x128xi32, #tpu.memory_space<vmem>> -> memref<128xi32, #tpu.memory_space<vmem>>
      %dma_start3A_147 = tpu.memref_slice %arg4[%mul3A_35] : memref<320000xi32, #tpu.memory_space<hbm>> -> memref<128xi32, #tpu.memory_space<hbm>>
      %dma_start3A_148 = arith.constant 0 : i32
      %dma_start3A_149 = tpu.memref_slice %arg8[%run_scoped3A_37, %dma_start3A_148] : memref<3x128xi32, #tpu.memory_space<vmem>> -> memref<1x128xi32, #tpu.memory_space<vmem>>
      %dma_start3A_150 = tpu.memref_squeeze %dma_start3A_149 : memref<1x128xi32, #tpu.memory_space<vmem>> -> memref<128xi32, #tpu.memory_space<vmem>>
      %dma_start3A_151 = tpu.memref_slice %arg4[%mul3A_35] : memref<320000xi32, #tpu.memory_space<hbm>> -> memref<128xi32, #tpu.memory_space<hbm>>
      tpu.enqueue_dma source(%dma_start3A_151 : memref<128xi32, #tpu.memory_space<hbm>>) target(%dma_start3A_150 : memref<128xi32, #tpu.memory_space<vmem>>) target_semaphore(%run_scoped3A_143 : memref<!tpu.dma_semaphore, #tpu.memory_space<semaphore_mem>>)
      %dma_wait3A_152 = arith.constant 0 : i32
      %dma_wait3A_153 = tpu.memref_slice %arg8[%run_scoped3A_37, %dma_wait3A_152] : memref<3x128xi32, #tpu.memory_space<vmem>> -> memref<1x128xi32, #tpu.memory_space<vmem>>
      %dma_wait3A_154 = tpu.memref_squeeze %dma_wait3A_153 : memref<1x128xi32, #tpu.memory_space<vmem>> -> memref<128xi32, #tpu.memory_space<vmem>>
      %dma_wait3A_155 = tpu.memref_slice %arg4[%mul3A_35] : memref<320000xi32, #tpu.memory_space<hbm>> -> memref<128xi32, #tpu.memory_space<hbm>>
      %dma_wait3A_156 = arith.constant 0 : i32
      %dma_wait3A_157 = tpu.memref_slice %arg8[%run_scoped3A_37, %dma_wait3A_156] : memref<3x128xi32, #tpu.memory_space<vmem>> -> memref<1x128xi32, #tpu.memory_space<vmem>>
      %dma_wait3A_158 = tpu.memref_squeeze %dma_wait3A_157 : memref<1x128xi32, #tpu.memory_space<vmem>> -> memref<128xi32, #tpu.memory_space<vmem>>
      %dma_wait3A_159 = tpu.memref_slice %arg4[%mul3A_35] : memref<320000xi32, #tpu.memory_space<hbm>> -> memref<128xi32, #tpu.memory_space<hbm>>
      tpu.wait_dma2 semaphore(%run_scoped3A_143 : memref<!tpu.dma_semaphore, #tpu.memory_space<semaphore_mem>>) src(%dma_wait3A_159 : memref<128xi32, #tpu.memory_space<hbm>>) dst(%dma_wait3A_158 : memref<128xi32, #tpu.memory_space<vmem>>)
      tpu.yield
    }) : () -> ()
    %dma_start3A_38 = arith.constant 1 : i32
    %dma_start3A_39 = arith.constant 1 : i32
    %dma_start3A_40 = arith.constant 0 : i32
    %dma_start3A_41 = arith.constant 0 : i32
    %dma_start3A_42 = tpu.memref_slice %arg9[%dma_start3A_39, %dma_start3A_40, %dma_start3A_41] : memref<3x128x128xf32, #tpu.memory_space<vmem>> -> memref<1x128x128xf32, #tpu.memory_space<vmem>>
    %dma_start3A_43 = tpu.memref_squeeze %dma_start3A_42 : memref<1x128x128xf32, #tpu.memory_space<vmem>> -> memref<128x128xf32, #tpu.memory_space<vmem>>
    %dma_start3A_44 = arith.constant 0 : i32
    %dma_start3A_45 = tpu.memref_slice %arg7[%dma_start3A_38, %dma_start3A_44] : memref<3x128xi32, #tpu.memory_space<vmem>> -> memref<1x128xi32, #tpu.memory_space<vmem>>
    %dma_start3A_46 = tpu.memref_squeeze %dma_start3A_45 : memref<1x128xi32, #tpu.memory_space<vmem>> -> memref<128xi32, #tpu.memory_space<vmem>>
    %dma_start3A_47 = arith.constant 0 : i32
    %dma_start3A_48 = arith.constant 0 : i32
    %dma_start3A_49 = tpu.memref_slice %arg2[%dma_start3A_47, %dma_start3A_48] : memref<10000x128xf32, #tpu.memory_space<hbm>> -> memref<10000x128xf32, #tpu.memory_space<hbm>>
    tpu.enqueue_indirect_dma source(%dma_start3A_49 : memref<10000x128xf32, #tpu.memory_space<hbm>>) target(%dma_start3A_43 : memref<128x128xf32, #tpu.memory_space<vmem>>) offsets(%dma_start3A_46 : memref<128xi32, #tpu.memory_space<vmem>>) semaphore(%arg12 : memref<!tpu.dma_semaphore, #tpu.memory_space<semaphore_mem>>)
    %dma_start3A_50 = arith.constant 1 : i32
    %dma_start3A_51 = arith.constant 1 : i32
    %dma_start3A_52 = arith.constant 0 : i32
    %dma_start3A_53 = arith.constant 0 : i32
    %dma_start3A_54 = tpu.memref_slice %arg10[%dma_start3A_51, %dma_start3A_52, %dma_start3A_53] : memref<3x128x128xf32, #tpu.memory_space<vmem>> -> memref<1x128x128xf32, #tpu.memory_space<vmem>>
    %dma_start3A_55 = tpu.memref_squeeze %dma_start3A_54 : memref<1x128x128xf32, #tpu.memory_space<vmem>> -> memref<128x128xf32, #tpu.memory_space<vmem>>
    %dma_start3A_56 = arith.constant 0 : i32
    %dma_start3A_57 = tpu.memref_slice %arg8[%dma_start3A_50, %dma_start3A_56] : memref<3x128xi32, #tpu.memory_space<vmem>> -> memref<1x128xi32, #tpu.memory_space<vmem>>
    %dma_start3A_58 = tpu.memref_squeeze %dma_start3A_57 : memref<1x128xi32, #tpu.memory_space<vmem>> -> memref<128xi32, #tpu.memory_space<vmem>>
    %dma_start3A_59 = arith.constant 0 : i32
    %dma_start3A_60 = arith.constant 0 : i32
    %dma_start3A_61 = tpu.memref_slice %arg3[%dma_start3A_59, %dma_start3A_60] : memref<10000x128xf32, #tpu.memory_space<hbm>> -> memref<10000x128xf32, #tpu.memory_space<hbm>>
    tpu.enqueue_indirect_dma source(%dma_start3A_61 : memref<10000x128xf32, #tpu.memory_space<hbm>>) target(%dma_start3A_55 : memref<128x128xf32, #tpu.memory_space<vmem>>) offsets(%dma_start3A_58 : memref<128xi32, #tpu.memory_space<vmem>>) semaphore(%arg12 : memref<!tpu.dma_semaphore, #tpu.memory_space<semaphore_mem>>)
    %add3A_62 = arith.constant 64 : i32
    %add3A_63 = arith.addi %add3A, %add3A_62 : i32
    %min3A_64 = arith.constant 2499 : i32
    %min3A_65 = arith.minsi %add3A_63, %min3A_64 : i32
    %mul3A_66 = arith.constant 128 : i32
    %mul3A_67 = arith.muli %min3A_65, %mul3A_66 : i32
    %run_scoped3A_68 = arith.constant 2 : i32
    "tpu.region"() ({
      %run_scoped3A_143 = tpu.sem_alloc : memref<!tpu.dma_semaphore, #tpu.memory_space<semaphore_mem>>
      %dma_start3A_144 = arith.constant 0 : i32
      %dma_start3A_145 = tpu.memref_slice %arg7[%run_scoped3A_68, %dma_start3A_144] : memref<3x128xi32, #tpu.memory_space<vmem>> -> memref<1x128xi32, #tpu.memory_space<vmem>>
      %dma_start3A_146 = tpu.memref_squeeze %dma_start3A_145 : memref<1x128xi32, #tpu.memory_space<vmem>> -> memref<128xi32, #tpu.memory_space<vmem>>
      %dma_start3A_147 = tpu.memref_slice %arg5[%mul3A_67] : memref<320000xi32, #tpu.memory_space<hbm>> -> memref<128xi32, #tpu.memory_space<hbm>>
      %dma_start3A_148 = arith.constant 0 : i32
      %dma_start3A_149 = tpu.memref_slice %arg7[%run_scoped3A_68, %dma_start3A_148] : memref<3x128xi32, #tpu.memory_space<vmem>> -> memref<1x128xi32, #tpu.memory_space<vmem>>
      %dma_start3A_150 = tpu.memref_squeeze %dma_start3A_149 : memref<1x128xi32, #tpu.memory_space<vmem>> -> memref<128xi32, #tpu.memory_space<vmem>>
      %dma_start3A_151 = tpu.memref_slice %arg5[%mul3A_67] : memref<320000xi32, #tpu.memory_space<hbm>> -> memref<128xi32, #tpu.memory_space<hbm>>
      tpu.enqueue_dma source(%dma_start3A_151 : memref<128xi32, #tpu.memory_space<hbm>>) target(%dma_start3A_150 : memref<128xi32, #tpu.memory_space<vmem>>) target_semaphore(%run_scoped3A_143 : memref<!tpu.dma_semaphore, #tpu.memory_space<semaphore_mem>>)
      %dma_wait3A_152 = arith.constant 0 : i32
      %dma_wait3A_153 = tpu.memref_slice %arg7[%run_scoped3A_68, %dma_wait3A_152] : memref<3x128xi32, #tpu.memory_space<vmem>> -> memref<1x128xi32, #tpu.memory_space<vmem>>
      %dma_wait3A_154 = tpu.memref_squeeze %dma_wait3A_153 : memref<1x128xi32, #tpu.memory_space<vmem>> -> memref<128xi32, #tpu.memory_space<vmem>>
      %dma_wait3A_155 = tpu.memref_slice %arg5[%mul3A_67] : memref<320000xi32, #tpu.memory_space<hbm>> -> memref<128xi32, #tpu.memory_space<hbm>>
      %dma_wait3A_156 = arith.constant 0 : i32
      %dma_wait3A_157 = tpu.memref_slice %arg7[%run_scoped3A_68, %dma_wait3A_156] : memref<3x128xi32, #tpu.memory_space<vmem>> -> memref<1x128xi32, #tpu.memory_space<vmem>>
      %dma_wait3A_158 = tpu.memref_squeeze %dma_wait3A_157 : memref<1x128xi32, #tpu.memory_space<vmem>> -> memref<128xi32, #tpu.memory_space<vmem>>
      %dma_wait3A_159 = tpu.memref_slice %arg5[%mul3A_67] : memref<320000xi32, #tpu.memory_space<hbm>> -> memref<128xi32, #tpu.memory_space<hbm>>
      tpu.wait_dma2 semaphore(%run_scoped3A_143 : memref<!tpu.dma_semaphore, #tpu.memory_space<semaphore_mem>>) src(%dma_wait3A_159 : memref<128xi32, #tpu.memory_space<hbm>>) dst(%dma_wait3A_158 : memref<128xi32, #tpu.memory_space<vmem>>)
      tpu.yield
    }) : () -> ()
    %run_scoped3A_69 = arith.constant 2 : i32
    "tpu.region"() ({
      %run_scoped3A_143 = tpu.sem_alloc : memref<!tpu.dma_semaphore, #tpu.memory_space<semaphore_mem>>
      %dma_start3A_144 = arith.constant 0 : i32
      %dma_start3A_145 = tpu.memref_slice %arg8[%run_scoped3A_69, %dma_start3A_144] : memref<3x128xi32, #tpu.memory_space<vmem>> -> memref<1x128xi32, #tpu.memory_space<vmem>>
      %dma_start3A_146 = tpu.memref_squeeze %dma_start3A_145 : memref<1x128xi32, #tpu.memory_space<vmem>> -> memref<128xi32, #tpu.memory_space<vmem>>
      %dma_start3A_147 = tpu.memref_slice %arg4[%mul3A_67] : memref<320000xi32, #tpu.memory_space<hbm>> -> memref<128xi32, #tpu.memory_space<hbm>>
      %dma_start3A_148 = arith.constant 0 : i32
      %dma_start3A_149 = tpu.memref_slice %arg8[%run_scoped3A_69, %dma_start3A_148] : memref<3x128xi32, #tpu.memory_space<vmem>> -> memref<1x128xi32, #tpu.memory_space<vmem>>
      %dma_start3A_150 = tpu.memref_squeeze %dma_start3A_149 : memref<1x128xi32, #tpu.memory_space<vmem>> -> memref<128xi32, #tpu.memory_space<vmem>>
      %dma_start3A_151 = tpu.memref_slice %arg4[%mul3A_67] : memref<320000xi32, #tpu.memory_space<hbm>> -> memref<128xi32, #tpu.memory_space<hbm>>
      tpu.enqueue_dma source(%dma_start3A_151 : memref<128xi32, #tpu.memory_space<hbm>>) target(%dma_start3A_150 : memref<128xi32, #tpu.memory_space<vmem>>) target_semaphore(%run_scoped3A_143 : memref<!tpu.dma_semaphore, #tpu.memory_space<semaphore_mem>>)
      %dma_wait3A_152 = arith.constant 0 : i32
      %dma_wait3A_153 = tpu.memref_slice %arg8[%run_scoped3A_69, %dma_wait3A_152] : memref<3x128xi32, #tpu.memory_space<vmem>> -> memref<1x128xi32, #tpu.memory_space<vmem>>
      %dma_wait3A_154 = tpu.memref_squeeze %dma_wait3A_153 : memref<1x128xi32, #tpu.memory_space<vmem>> -> memref<128xi32, #tpu.memory_space<vmem>>
      %dma_wait3A_155 = tpu.memref_slice %arg4[%mul3A_67] : memref<320000xi32, #tpu.memory_space<hbm>> -> memref<128xi32, #tpu.memory_space<hbm>>
      %dma_wait3A_156 = arith.constant 0 : i32
      %dma_wait3A_157 = tpu.memref_slice %arg8[%run_scoped3A_69, %dma_wait3A_156] : memref<3x128xi32, #tpu.memory_space<vmem>> -> memref<1x128xi32, #tpu.memory_space<vmem>>
      %dma_wait3A_158 = tpu.memref_squeeze %dma_wait3A_157 : memref<1x128xi32, #tpu.memory_space<vmem>> -> memref<128xi32, #tpu.memory_space<vmem>>
      %dma_wait3A_159 = tpu.memref_slice %arg4[%mul3A_67] : memref<320000xi32, #tpu.memory_space<hbm>> -> memref<128xi32, #tpu.memory_space<hbm>>
      tpu.wait_dma2 semaphore(%run_scoped3A_143 : memref<!tpu.dma_semaphore, #tpu.memory_space<semaphore_mem>>) src(%dma_wait3A_159 : memref<128xi32, #tpu.memory_space<hbm>>) dst(%dma_wait3A_158 : memref<128xi32, #tpu.memory_space<vmem>>)
      tpu.yield
    }) : () -> ()
    %dma_start3A_70 = arith.constant 2 : i32
    %dma_start3A_71 = arith.constant 2 : i32
    %dma_start3A_72 = arith.constant 0 : i32
    %dma_start3A_73 = arith.constant 0 : i32
    %dma_start3A_74 = tpu.memref_slice %arg9[%dma_start3A_71, %dma_start3A_72, %dma_start3A_73] : memref<3x128x128xf32, #tpu.memory_space<vmem>> -> memref<1x128x128xf32, #tpu.memory_space<vmem>>
    %dma_start3A_75 = tpu.memref_squeeze %dma_start3A_74 : memref<1x128x128xf32, #tpu.memory_space<vmem>> -> memref<128x128xf32, #tpu.memory_space<vmem>>
    %dma_start3A_76 = arith.constant 0 : i32
    %dma_start3A_77 = tpu.memref_slice %arg7[%dma_start3A_70, %dma_start3A_76] : memref<3x128xi32, #tpu.memory_space<vmem>> -> memref<1x128xi32, #tpu.memory_space<vmem>>
    %dma_start3A_78 = tpu.memref_squeeze %dma_start3A_77 : memref<1x128xi32, #tpu.memory_space<vmem>> -> memref<128xi32, #tpu.memory_space<vmem>>
    %dma_start3A_79 = arith.constant 0 : i32
    %dma_start3A_80 = arith.constant 0 : i32
    %dma_start3A_81 = tpu.memref_slice %arg2[%dma_start3A_79, %dma_start3A_80] : memref<10000x128xf32, #tpu.memory_space<hbm>> -> memref<10000x128xf32, #tpu.memory_space<hbm>>
    tpu.enqueue_indirect_dma source(%dma_start3A_81 : memref<10000x128xf32, #tpu.memory_space<hbm>>) target(%dma_start3A_75 : memref<128x128xf32, #tpu.memory_space<vmem>>) offsets(%dma_start3A_78 : memref<128xi32, #tpu.memory_space<vmem>>) semaphore(%arg13 : memref<!tpu.dma_semaphore, #tpu.memory_space<semaphore_mem>>)
    %dma_start3A_82 = arith.constant 2 : i32
    %dma_start3A_83 = arith.constant 2 : i32
    %dma_start3A_84 = arith.constant 0 : i32
    %dma_start3A_85 = arith.constant 0 : i32
    %dma_start3A_86 = tpu.memref_slice %arg10[%dma_start3A_83, %dma_start3A_84, %dma_start3A_85] : memref<3x128x128xf32, #tpu.memory_space<vmem>> -> memref<1x128x128xf32, #tpu.memory_space<vmem>>
    %dma_start3A_87 = tpu.memref_squeeze %dma_start3A_86 : memref<1x128x128xf32, #tpu.memory_space<vmem>> -> memref<128x128xf32, #tpu.memory_space<vmem>>
    %dma_start3A_88 = arith.constant 0 : i32
    %dma_start3A_89 = tpu.memref_slice %arg8[%dma_start3A_82, %dma_start3A_88] : memref<3x128xi32, #tpu.memory_space<vmem>> -> memref<1x128xi32, #tpu.memory_space<vmem>>
    %dma_start3A_90 = tpu.memref_squeeze %dma_start3A_89 : memref<1x128xi32, #tpu.memory_space<vmem>> -> memref<128xi32, #tpu.memory_space<vmem>>
    %dma_start3A_91 = arith.constant 0 : i32
    %dma_start3A_92 = arith.constant 0 : i32
    %dma_start3A_93 = tpu.memref_slice %arg3[%dma_start3A_91, %dma_start3A_92] : memref<10000x128xf32, #tpu.memory_space<hbm>> -> memref<10000x128xf32, #tpu.memory_space<hbm>>
    tpu.enqueue_indirect_dma source(%dma_start3A_93 : memref<10000x128xf32, #tpu.memory_space<hbm>>) target(%dma_start3A_87 : memref<128x128xf32, #tpu.memory_space<vmem>>) offsets(%dma_start3A_90 : memref<128xi32, #tpu.memory_space<vmem>>) semaphore(%arg13 : memref<!tpu.dma_semaphore, #tpu.memory_space<semaphore_mem>>)
    %scan3A = arith.constant 0 : i32
    %scan3A_94 = arith.constant 0 : i32
    %scan3A_95 = arith.constant 79 : i32
    %scan3A_96 = arith.addi %scan3A_94, %scan3A_95 : i32
    %scan3A_97 = arith.constant 1 : i32
    scf.for %scan3A_143 = %scan3A_94 to %scan3A_96 step %scan3A_97  : i32 {
      %rem3A = arith.constant 3 : i32
      %rem3A_144 = arith.remsi %scan3A_143, %rem3A : i32
      %eq3A = arith.constant 0 : i32
      %eq3A_145 = arith.cmpi eq, %rem3A_144, %eq3A : i32
      %convert_element_type3A = arith.extui %eq3A_145 : i1 to i32
      %cond3A = arith.constant 0 : i32
      %cond3A_146 = arith.cmpi ne, %convert_element_type3A, %cond3A : i32
      scf.if %cond3A_146 {
        %dma_wait3A_157 = arith.constant 0 : i32
        %dma_wait3A_158 = arith.constant 0 : i32
        %dma_wait3A_159 = arith.constant 0 : i32
        %dma_wait3A_160 = tpu.memref_slice %arg9[%dma_wait3A_157, %dma_wait3A_158, %dma_wait3A_159] : memref<3x128x128xf32, #tpu.memory_space<vmem>> -> memref<1x128x128xf32, #tpu.memory_space<vmem>>
        %dma_wait3A_161 = tpu.memref_squeeze %dma_wait3A_160 : memref<1x128x128xf32, #tpu.memory_space<vmem>> -> memref<128x128xf32, #tpu.memory_space<vmem>>
        %dma_wait3A_162 = arith.constant 0 : i32
        %dma_wait3A_163 = arith.constant 0 : i32
        %dma_wait3A_164 = tpu.memref_slice %arg2[%dma_wait3A_162, %dma_wait3A_163] : memref<10000x128xf32, #tpu.memory_space<hbm>> -> memref<128x128xf32, #tpu.memory_space<hbm>>
        %dma_wait3A_165 = arith.constant 0 : i32
        %dma_wait3A_166 = arith.constant 0 : i32
        %dma_wait3A_167 = tpu.memref_slice %arg9[%dma_wait3A_157, %dma_wait3A_165, %dma_wait3A_166] : memref<3x128x128xf32, #tpu.memory_space<vmem>> -> memref<1x128x128xf32, #tpu.memory_space<vmem>>
        %dma_wait3A_168 = tpu.memref_squeeze %dma_wait3A_167 : memref<1x128x128xf32, #tpu.memory_space<vmem>> -> memref<128x128xf32, #tpu.memory_space<vmem>>
        %dma_wait3A_169 = arith.constant 0 : i32
        %dma_wait3A_170 = arith.constant 0 : i32
        %dma_wait3A_171 = tpu.memref_slice %arg2[%dma_wait3A_169, %dma_wait3A_170] : memref<10000x128xf32, #tpu.memory_space<hbm>> -> memref<128x128xf32, #tpu.memory_space<hbm>>
        tpu.wait_dma2 semaphore(%arg11 : memref<!tpu.dma_semaphore, #tpu.memory_space<semaphore_mem>>) src(%dma_wait3A_171 : memref<128x128xf32, #tpu.memory_space<hbm>>) dst(%dma_wait3A_168 : memref<128x128xf32, #tpu.memory_space<vmem>>)
        %dma_wait3A_172 = arith.constant 0 : i32
        %dma_wait3A_173 = arith.constant 0 : i32
        %dma_wait3A_174 = arith.constant 0 : i32
        %dma_wait3A_175 = tpu.memref_slice %arg10[%dma_wait3A_172, %dma_wait3A_173, %dma_wait3A_174] : memref<3x128x128xf32, #tpu.memory_space<vmem>> -> memref<1x128x128xf32, #tpu.memory_space<vmem>>
        %dma_wait3A_176 = tpu.memref_squeeze %dma_wait3A_175 : memref<1x128x128xf32, #tpu.memory_space<vmem>> -> memref<128x128xf32, #tpu.memory_space<vmem>>
        %dma_wait3A_177 = arith.constant 0 : i32
        %dma_wait3A_178 = arith.constant 0 : i32
        %dma_wait3A_179 = tpu.memref_slice %arg2[%dma_wait3A_177, %dma_wait3A_178] : memref<10000x128xf32, #tpu.memory_space<hbm>> -> memref<128x128xf32, #tpu.memory_space<hbm>>
        %dma_wait3A_180 = arith.constant 0 : i32
        %dma_wait3A_181 = arith.constant 0 : i32
        %dma_wait3A_182 = tpu.memref_slice %arg10[%dma_wait3A_172, %dma_wait3A_180, %dma_wait3A_181] : memref<3x128x128xf32, #tpu.memory_space<vmem>> -> memref<1x128x128xf32, #tpu.memory_space<vmem>>
        %dma_wait3A_183 = tpu.memref_squeeze %dma_wait3A_182 : memref<1x128x128xf32, #tpu.memory_space<vmem>> -> memref<128x128xf32, #tpu.memory_space<vmem>>
        %dma_wait3A_184 = arith.constant 0 : i32
        %dma_wait3A_185 = arith.constant 0 : i32
        %dma_wait3A_186 = tpu.memref_slice %arg2[%dma_wait3A_184, %dma_wait3A_185] : memref<10000x128xf32, #tpu.memory_space<hbm>> -> memref<128x128xf32, #tpu.memory_space<hbm>>
        tpu.wait_dma2 semaphore(%arg11 : memref<!tpu.dma_semaphore, #tpu.memory_space<semaphore_mem>>) src(%dma_wait3A_186 : memref<128x128xf32, #tpu.memory_space<hbm>>) dst(%dma_wait3A_183 : memref<128x128xf32, #tpu.memory_space<vmem>>)
        %scan3A_187 = arith.constant 0 : i32
        %scan3A_188 = arith.constant 0 : i32
        %scan3A_189 = arith.constant 128 : i32
        %scan3A_190 = arith.addi %scan3A_188, %scan3A_189 : i32
        %scan3A_191 = arith.constant 1 : i32
        scf.for %scan3A_221 = %scan3A_188 to %scan3A_190 step %scan3A_191  : i32 {
          %get3A = arith.constant 0 : i32
          %get3A_222 = arith.index_cast %get3A : i32 to index
          %get3A_223 = arith.index_cast %scan3A_221 : i32 to index
          %get3A_224 = arith.constant 0 : index
          %get3A_225 = tpu.vector_load %arg9[%get3A_222, %get3A_223, %get3A_224] {strides = array<i32>} : memref<3x128x128xf32, #tpu.memory_space<vmem>>, vector<1x1x16xf32>,
          %get3A_226 = vector.shape_cast %get3A_225 : vector<1x1x16xf32> to vector<16xf32>
          %get3A_227 = arith.constant 0 : i32
          %get3A_228 = arith.index_cast %get3A_227 : i32 to index
          %get3A_229 = arith.index_cast %scan3A_221 : i32 to index
          %get3A_230 = arith.constant 0 : index
          %get3A_231 = tpu.vector_load %arg10[%get3A_228, %get3A_229, %get3A_230] {strides = array<i32>} : memref<3x128x128xf32, #tpu.memory_space<vmem>>, vector<1x1x16xf32>,
          %get3A_232 = vector.shape_cast %get3A_231 : vector<1x1x16xf32> to vector<16xf32>
          %add3A_233 = arith.addf %get3A_226, %get3A_232 : vector<16xf32>
          %swap3A = arith.constant 0 : i32
          %swap3A_234 = arith.index_cast %swap3A : i32 to index
          %swap3A_235 = arith.index_cast %scan3A_221 : i32 to index
          %swap3A_236 = arith.constant 0 : index
          %swap3A_237 = tpu.vector_load %arg9[%swap3A_234, %swap3A_235, %swap3A_236] {strides = array<i32>} : memref<3x128x128xf32, #tpu.memory_space<vmem>>, vector<1x1x16xf32>,
          %swap3A_238 = vector.shape_cast %swap3A_237 : vector<1x1x16xf32> to vector<16xf32>
          %swap3A_239 = vector.shape_cast %add3A_233 : vector<16xf32> to vector<1x1x16xf32>
          tpu.vector_store %arg9[%swap3A_234, %swap3A_235, %swap3A_236], %swap3A_239 {strides = array<i32>} : memref<3x128x128xf32, #tpu.memory_space<vmem>>, vector<1x1x16xf32>,
          %get3A_240 = arith.constant 0 : i32
          %get3A_241 = arith.index_cast %get3A_240 : i32 to index
          %get3A_242 = arith.index_cast %scan3A_221 : i32 to index
          %get3A_243 = arith.constant 16 : index
          %get3A_244 = tpu.vector_load %arg9[%get3A_241, %get3A_242, %get3A_243] {strides = array<i32>} : memref<3x128x128xf32, #tpu.memory_space<vmem>>, vector<1x1x16xf32>,
          %get3A_245 = vector.shape_cast %get3A_244 : vector<1x1x16xf32> to vector<16xf32>
          %get3A_246 = arith.constant 0 : i32
          %get3A_247 = arith.index_cast %get3A_246 : i32 to index
          %get3A_248 = arith.index_cast %scan3A_221 : i32 to index
          %get3A_249 = arith.constant 16 : index
          %get3A_250 = tpu.vector_load %arg10[%get3A_247, %get3A_248, %get3A_249] {strides = array<i32>} : memref<3x128x128xf32, #tpu.memory_space<vmem>>, vector<1x1x16xf32>,
          %get3A_251 = vector.shape_cast %get3A_250 : vector<1x1x16xf32> to vector<16xf32>
          %add3A_252 = arith.addf %get3A_245, %get3A_251 : vector<16xf32>
          %swap3A_253 = arith.constant 0 : i32
          %swap3A_254 = arith.index_cast %swap3A_253 : i32 to index
          %swap3A_255 = arith.index_cast %scan3A_221 : i32 to index
          %swap3A_256 = arith.constant 16 : index
          %swap3A_257 = tpu.vector_load %arg9[%swap3A_254, %swap3A_255, %swap3A_256] {strides = array<i32>} : memref<3x128x128xf32, #tpu.memory_space<vmem>>, vector<1x1x16xf32>,
          %swap3A_258 = vector.shape_cast %swap3A_257 : vector<1x1x16xf32> to vector<16xf32>
          %swap3A_259 = vector.shape_cast %add3A_252 : vector<16xf32> to vector<1x1x16xf32>
          tpu.vector_store %arg9[%swap3A_254, %swap3A_255, %swap3A_256], %swap3A_259 {strides = array<i32>} : memref<3x128x128xf32, #tpu.memory_space<vmem>>, vector<1x1x16xf32>,
          %get3A_260 = arith.constant 0 : i32
          %get3A_261 = arith.index_cast %get3A_260 : i32 to index
          %get3A_262 = arith.index_cast %scan3A_221 : i32 to index
          %get3A_263 = arith.constant 32 : index
          %get3A_264 = tpu.vector_load %arg9[%get3A_261, %get3A_262, %get3A_263] {strides = array<i32>} : memref<3x128x128xf32, #tpu.memory_space<vmem>>, vector<1x1x16xf32>,
          %get3A_265 = vector.shape_cast %get3A_264 : vector<1x1x16xf32> to vector<16xf32>
          %get3A_266 = arith.constant 0 : i32
          %get3A_267 = arith.index_cast %get3A_266 : i32 to index
          %get3A_268 = arith.index_cast %scan3A_221 : i32 to index
          %get3A_269 = arith.constant 32 : index
          %get3A_270 = tpu.vector_load %arg10[%get3A_267, %get3A_268, %get3A_269] {strides = array<i32>} : memref<3x128x128xf32, #tpu.memory_space<vmem>>, vector<1x1x16xf32>,
          %get3A_271 = vector.shape_cast %get3A_270 : vector<1x1x16xf32> to vector<16xf32>
          %add3A_272 = arith.addf %get3A_265, %get3A_271 : vector<16xf32>
          %swap3A_273 = arith.constant 0 : i32
          %swap3A_274 = arith.index_cast %swap3A_273 : i32 to index
          %swap3A_275 = arith.index_cast %scan3A_221 : i32 to index
          %swap3A_276 = arith.constant 32 : index
          %swap3A_277 = tpu.vector_load %arg9[%swap3A_274, %swap3A_275, %swap3A_276] {strides = array<i32>} : memref<3x128x128xf32, #tpu.memory_space<vmem>>, vector<1x1x16xf32>,
          %swap3A_278 = vector.shape_cast %swap3A_277 : vector<1x1x16xf32> to vector<16xf32>
          %swap3A_279 = vector.shape_cast %add3A_272 : vector<16xf32> to vector<1x1x16xf32>
          tpu.vector_store %arg9[%swap3A_274, %swap3A_275, %swap3A_276], %swap3A_279 {strides = array<i32>} : memref<3x128x128xf32, #tpu.memory_space<vmem>>, vector<1x1x16xf32>,
          %get3A_280 = arith.constant 0 : i32
          %get3A_281 = arith.index_cast %get3A_280 : i32 to index
          %get3A_282 = arith.index_cast %scan3A_221 : i32 to index
          %get3A_283 = arith.constant 48 : index
          %get3A_284 = tpu.vector_load %arg9[%get3A_281, %get3A_282, %get3A_283] {strides = array<i32>} : memref<3x128x128xf32, #tpu.memory_space<vmem>>, vector<1x1x16xf32>,
          %get3A_285 = vector.shape_cast %get3A_284 : vector<1x1x16xf32> to vector<16xf32>
          %get3A_286 = arith.constant 0 : i32
          %get3A_287 = arith.index_cast %get3A_286 : i32 to index
          %get3A_288 = arith.index_cast %scan3A_221 : i32 to index
          %get3A_289 = arith.constant 48 : index
          %get3A_290 = tpu.vector_load %arg10[%get3A_287, %get3A_288, %get3A_289] {strides = array<i32>} : memref<3x128x128xf32, #tpu.memory_space<vmem>>, vector<1x1x16xf32>,
          %get3A_291 = vector.shape_cast %get3A_290 : vector<1x1x16xf32> to vector<16xf32>
          %add3A_292 = arith.addf %get3A_285, %get3A_291 : vector<16xf32>
          %swap3A_293 = arith.constant 0 : i32
          %swap3A_294 = arith.index_cast %swap3A_293 : i32 to index
          %swap3A_295 = arith.index_cast %scan3A_221 : i32 to index
          %swap3A_296 = arith.constant 48 : index
          %swap3A_297 = tpu.vector_load %arg9[%swap3A_294, %swap3A_295, %swap3A_296] {strides = array<i32>} : memref<3x128x128xf32, #tpu.memory_space<vmem>>, vector<1x1x16xf32>,
          %swap3A_298 = vector.shape_cast %swap3A_297 : vector<1x1x16xf32> to vector<16xf32>
          %swap3A_299 = vector.shape_cast %add3A_292 : vector<16xf32> to vector<1x1x16xf32>
          tpu.vector_store %arg9[%swap3A_294, %swap3A_295, %swap3A_296], %swap3A_299 {strides = array<i32>} : memref<3x128x128xf32, #tpu.memory_space<vmem>>, vector<1x1x16xf32>,
          %get3A_300 = arith.constant 0 : i32
          %get3A_301 = arith.index_cast %get3A_300 : i32 to index
          %get3A_302 = arith.index_cast %scan3A_221 : i32 to index
          %get3A_303 = arith.constant 64 : index
          %get3A_304 = tpu.vector_load %arg9[%get3A_301, %get3A_302, %get3A_303] {strides = array<i32>} : memref<3x128x128xf32, #tpu.memory_space<vmem>>, vector<1x1x16xf32>,
          %get3A_305 = vector.shape_cast %get3A_304 : vector<1x1x16xf32> to vector<16xf32>
          %get3A_306 = arith.constant 0 : i32
          %get3A_307 = arith.index_cast %get3A_306 : i32 to index
          %get3A_308 = arith.index_cast %scan3A_221 : i32 to index
          %get3A_309 = arith.constant 64 : index
          %get3A_310 = tpu.vector_load %arg10[%get3A_307, %get3A_308, %get3A_309] {strides = array<i32>} : memref<3x128x128xf32, #tpu.memory_space<vmem>>, vector<1x1x16xf32>,
          %get3A_311 = vector.shape_cast %get3A_310 : vector<1x1x16xf32> to vector<16xf32>
          %add3A_312 = arith.addf %get3A_305, %get3A_311 : vector<16xf32>
          %swap3A_313 = arith.constant 0 : i32
          %swap3A_314 = arith.index_cast %swap3A_313 : i32 to index
          %swap3A_315 = arith.index_cast %scan3A_221 : i32 to index
          %swap3A_316 = arith.constant 64 : index
          %swap3A_317 = tpu.vector_load %arg9[%swap3A_314, %swap3A_315, %swap3A_316] {strides = array<i32>} : memref<3x128x128xf32, #tpu.memory_space<vmem>>, vector<1x1x16xf32>,
          %swap3A_318 = vector.shape_cast %swap3A_317 : vector<1x1x16xf32> to vector<16xf32>
          %swap3A_319 = vector.shape_cast %add3A_312 : vector<16xf32> to vector<1x1x16xf32>
          tpu.vector_store %arg9[%swap3A_314, %swap3A_315, %swap3A_316], %swap3A_319 {strides = array<i32>} : memref<3x128x128xf32, #tpu.memory_space<vmem>>, vector<1x1x16xf32>,
          %get3A_320 = arith.constant 0 : i32
          %get3A_321 = arith.index_cast %get3A_320 : i32 to index
          %get3A_322 = arith.index_cast %scan3A_221 : i32 to index
          %get3A_323 = arith.constant 80 : index
          %get3A_324 = tpu.vector_load %arg9[%get3A_321, %get3A_322, %get3A_323] {strides = array<i32>} : memref<3x128x128xf32, #tpu.memory_space<vmem>>, vector<1x1x16xf32>,
          %get3A_325 = vector.shape_cast %get3A_324 : vector<1x1x16xf32> to vector<16xf32>
          %get3A_326 = arith.constant 0 : i32
          %get3A_327 = arith.index_cast %get3A_326 : i32 to index
          %get3A_328 = arith.index_cast %scan3A_221 : i32 to index
          %get3A_329 = arith.constant 80 : index
          %get3A_330 = tpu.vector_load %arg10[%get3A_327, %get3A_328, %get3A_329] {strides = array<i32>} : memref<3x128x128xf32, #tpu.memory_space<vmem>>, vector<1x1x16xf32>,
          %get3A_331 = vector.shape_cast %get3A_330 : vector<1x1x16xf32> to vector<16xf32>
          %add3A_332 = arith.addf %get3A_325, %get3A_331 : vector<16xf32>
          %swap3A_333 = arith.constant 0 : i32
          %swap3A_334 = arith.index_cast %swap3A_333 : i32 to index
          %swap3A_335 = arith.index_cast %scan3A_221 : i32 to index
          %swap3A_336 = arith.constant 80 : index
          %swap3A_337 = tpu.vector_load %arg9[%swap3A_334, %swap3A_335, %swap3A_336] {strides = array<i32>} : memref<3x128x128xf32, #tpu.memory_space<vmem>>, vector<1x1x16xf32>,
          %swap3A_338 = vector.shape_cast %swap3A_337 : vector<1x1x16xf32> to vector<16xf32>
          %swap3A_339 = vector.shape_cast %add3A_332 : vector<16xf32> to vector<1x1x16xf32>
          tpu.vector_store %arg9[%swap3A_334, %swap3A_335, %swap3A_336], %swap3A_339 {strides = array<i32>} : memref<3x128x128xf32, #tpu.memory_space<vmem>>, vector<1x1x16xf32>,
          %get3A_340 = arith.constant 0 : i32
          %get3A_341 = arith.index_cast %get3A_340 : i32 to index
          %get3A_342 = arith.index_cast %scan3A_221 : i32 to index
          %get3A_343 = arith.constant 96 : index
          %get3A_344 = tpu.vector_load %arg9[%get3A_341, %get3A_342, %get3A_343] {strides = array<i32>} : memref<3x128x128xf32, #tpu.memory_space<vmem>>, vector<1x1x16xf32>,
          %get3A_345 = vector.shape_cast %get3A_344 : vector<1x1x16xf32> to vector<16xf32>
          %get3A_346 = arith.constant 0 : i32
          %get3A_347 = arith.index_cast %get3A_346 : i32 to index
          %get3A_348 = arith.index_cast %scan3A_221 : i32 to index
          %get3A_349 = arith.constant 96 : index
          %get3A_350 = tpu.vector_load %arg10[%get3A_347, %get3A_348, %get3A_349] {strides = array<i32>} : memref<3x128x128xf32, #tpu.memory_space<vmem>>, vector<1x1x16xf32>,
          %get3A_351 = vector.shape_cast %get3A_350 : vector<1x1x16xf32> to vector<16xf32>
          %add3A_352 = arith.addf %get3A_345, %get3A_351 : vector<16xf32>
          %swap3A_353 = arith.constant 0 : i32
          %swap3A_354 = arith.index_cast %swap3A_353 : i32 to index
          %swap3A_355 = arith.index_cast %scan3A_221 : i32 to index
          %swap3A_356 = arith.constant 96 : index
          %swap3A_357 = tpu.vector_load %arg9[%swap3A_354, %swap3A_355, %swap3A_356] {strides = array<i32>} : memref<3x128x128xf32, #tpu.memory_space<vmem>>, vector<1x1x16xf32>,
          %swap3A_358 = vector.shape_cast %swap3A_357 : vector<1x1x16xf32> to vector<16xf32>
          %swap3A_359 = vector.shape_cast %add3A_352 : vector<16xf32> to vector<1x1x16xf32>
          tpu.vector_store %arg9[%swap3A_354, %swap3A_355, %swap3A_356], %swap3A_359 {strides = array<i32>} : memref<3x128x128xf32, #tpu.memory_space<vmem>>, vector<1x1x16xf32>,
          %get3A_360 = arith.constant 0 : i32
          %get3A_361 = arith.index_cast %get3A_360 : i32 to index
          %get3A_362 = arith.index_cast %scan3A_221 : i32 to index
          %get3A_363 = arith.constant 112 : index
          %get3A_364 = tpu.vector_load %arg9[%get3A_361, %get3A_362, %get3A_363] {strides = array<i32>} : memref<3x128x128xf32, #tpu.memory_space<vmem>>, vector<1x1x16xf32>,
          %get3A_365 = vector.shape_cast %get3A_364 : vector<1x1x16xf32> to vector<16xf32>
          %get3A_366 = arith.constant 0 : i32
          %get3A_367 = arith.index_cast %get3A_366 : i32 to index
          %get3A_368 = arith.index_cast %scan3A_221 : i32 to index
          %get3A_369 = arith.constant 112 : index
          %get3A_370 = tpu.vector_load %arg10[%get3A_367, %get3A_368, %get3A_369] {strides = array<i32>} : memref<3x128x128xf32, #tpu.memory_space<vmem>>, vector<1x1x16xf32>,
          %get3A_371 = vector.shape_cast %get3A_370 : vector<1x1x16xf32> to vector<16xf32>
          %add3A_372 = arith.addf %get3A_365, %get3A_371 : vector<16xf32>
          %swap3A_373 = arith.constant 0 : i32
          %swap3A_374 = arith.index_cast %swap3A_373 : i32 to index
          %swap3A_375 = arith.index_cast %scan3A_221 : i32 to index
          %swap3A_376 = arith.constant 112 : index
          %swap3A_377 = tpu.vector_load %arg9[%swap3A_374, %swap3A_375, %swap3A_376] {strides = array<i32>} : memref<3x128x128xf32, #tpu.memory_space<vmem>>, vector<1x1x16xf32>,
          %swap3A_378 = vector.shape_cast %swap3A_377 : vector<1x1x16xf32> to vector<16xf32>
          %swap3A_379 = vector.shape_cast %add3A_372 : vector<16xf32> to vector<1x1x16xf32>
          tpu.vector_store %arg9[%swap3A_374, %swap3A_375, %swap3A_376], %swap3A_379 {strides = array<i32>} : memref<3x128x128xf32, #tpu.memory_space<vmem>>, vector<1x1x16xf32>,
        }
        %scan3A_192 = arith.constant 128 : i32
        %mul3A_193 = arith.constant 32 : i32
        %mul3A_194 = arith.muli %scan3A_143, %mul3A_193 : i32
        %add3A_195 = arith.addi %add3A, %mul3A_194 : i32
        %min3A_196 = arith.constant 2499 : i32
        %min3A_197 = arith.minsi %add3A_195, %min3A_196 : i32
        %mul3A_198 = arith.constant 128 : i32
        %mul3A_199 = arith.muli %min3A_197, %mul3A_198 : i32
        %dma_start3A_200 = arith.constant 0 : i32
        %dma_start3A_201 = arith.constant 0 : i32
        %dma_start3A_202 = arith.constant 0 : i32
        %dma_start3A_203 = tpu.memref_slice %arg9[%dma_start3A_200, %dma_start3A_201, %dma_start3A_202] : memref<3x128x128xf32, #tpu.memory_space<vmem>> -> memref<1x128x128xf32, #tpu.memory_space<vmem>>
        %dma_start3A_204 = tpu.memref_squeeze %dma_start3A_203 : memref<1x128x128xf32, #tpu.memory_space<vmem>> -> memref<128x128xf32, #tpu.memory_space<vmem>>
        %dma_start3A_205 = arith.constant 0 : i32
        %dma_start3A_206 = tpu.memref_slice %arg6[%mul3A_199, %dma_start3A_205] : memref<320000x128xf32, #tpu.memory_space<hbm>> -> memref<128x128xf32, #tpu.memory_space<hbm>>
        %dma_start3A_207 = arith.constant 0 : i32
        %dma_start3A_208 = tpu.memref_slice %arg6[%mul3A_199, %dma_start3A_207] : memref<320000x128xf32, #tpu.memory_space<hbm>> -> memref<128x128xf32, #tpu.memory_space<hbm>>
        %dma_start3A_209 = arith.constant 0 : i32
        %dma_start3A_210 = arith.constant 0 : i32
        %dma_start3A_211 = tpu.memref_slice %arg9[%dma_start3A_200, %dma_start3A_209, %dma_start3A_210] : memref<3x128x128xf32, #tpu.memory_space<vmem>> -> memref<1x128x128xf32, #tpu.memory_space<vmem>>
        %dma_start3A_212 = tpu.memref_squeeze %dma_start3A_211 : memref<1x128x128xf32, #tpu.memory_space<vmem>> -> memref<128x128xf32, #tpu.memory_space<vmem>>
        tpu.enqueue_dma source(%dma_start3A_212 : memref<128x128xf32, #tpu.memory_space<vmem>>) target(%dma_start3A_208 : memref<128x128xf32, #tpu.memory_space<hbm>>) target_semaphore(%arg14 : memref<!tpu.dma_semaphore, #tpu.memory_space<semaphore_mem>>)
        %eq3A_213 = arith.constant 0 : i32
        %eq3A_214 = arith.cmpi eq, %rem3A_144, %eq3A_213 : i32
        %add3A_215 = arith.constant 3 : i32
        %add3A_216 = arith.addi %scan3A_143, %add3A_215 : i32
        %lt3A = arith.constant 79 : i32
        %lt3A_217 = arith.cmpi slt, %add3A_216, %lt3A : i32
        %and3A = arith.andi %eq3A_214, %lt3A_217 : i1
        %convert_element_type3A_218 = arith.extui %and3A : i1 to i32
        %cond3A_219 = arith.constant 0 : i32
        %cond3A_220 = arith.cmpi ne, %convert_element_type3A_218, %cond3A_219 : i32
        scf.if %cond3A_220 {
          %dma_wait3A_221 = arith.constant 0 : i32
          %dma_wait3A_222 = arith.constant 0 : i32
          %dma_wait3A_223 = arith.constant 0 : i32
          %dma_wait3A_224 = tpu.memref_slice %arg9[%dma_wait3A_221, %dma_wait3A_222, %dma_wait3A_223] : memref<3x128x128xf32, #tpu.memory_space<vmem>> -> memref<1x128x128xf32, #tpu.memory_space<vmem>>
          %dma_wait3A_225 = tpu.memref_squeeze %dma_wait3A_224 : memref<1x128x128xf32, #tpu.memory_space<vmem>> -> memref<128x128xf32, #tpu.memory_space<vmem>>
          %dma_wait3A_226 = arith.constant 0 : i32
          %dma_wait3A_227 = arith.constant 0 : i32
          %dma_wait3A_228 = tpu.memref_slice %arg6[%dma_wait3A_226, %dma_wait3A_227] : memref<320000x128xf32, #tpu.memory_space<hbm>> -> memref<128x128xf32, #tpu.memory_space<hbm>>
          %dma_wait3A_229 = arith.constant 0 : i32
          %dma_wait3A_230 = arith.constant 0 : i32
          %dma_wait3A_231 = tpu.memref_slice %arg6[%dma_wait3A_229, %dma_wait3A_230] : memref<320000x128xf32, #tpu.memory_space<hbm>> -> memref<128x128xf32, #tpu.memory_space<hbm>>
          %dma_wait3A_232 = arith.constant 0 : i32
          %dma_wait3A_233 = arith.constant 0 : i32
          %dma_wait3A_234 = tpu.memref_slice %arg9[%dma_wait3A_221, %dma_wait3A_232, %dma_wait3A_233] : memref<3x128x128xf32, #tpu.memory_space<vmem>> -> memref<1x128x128xf32, #tpu.memory_space<vmem>>
          %dma_wait3A_235 = tpu.memref_squeeze %dma_wait3A_234 : memref<1x128x128xf32, #tpu.memory_space<vmem>> -> memref<128x128xf32, #tpu.memory_space<vmem>>
          tpu.wait_dma2 semaphore(%arg14 : memref<!tpu.dma_semaphore, #tpu.memory_space<semaphore_mem>>) src(%dma_wait3A_235 : memref<128x128xf32, #tpu.memory_space<vmem>>) dst(%dma_wait3A_231 : memref<128x128xf32, #tpu.memory_space<hbm>>)
          %add3A_236 = arith.constant 3 : i32
          %add3A_237 = arith.addi %scan3A_143, %add3A_236 : i32
          %mul3A_238 = arith.constant 32 : i32
          %mul3A_239 = arith.muli %add3A_237, %mul3A_238 : i32
          %add3A_240 = arith.addi %add3A, %mul3A_239 : i32
          %min3A_241 = arith.constant 2499 : i32
          %min3A_242 = arith.minsi %add3A_240, %min3A_241 : i32
          %mul3A_243 = arith.constant 128 : i32
          %mul3A_244 = arith.muli %min3A_242, %mul3A_243 : i32
          %run_scoped3A_245 = arith.constant 0 : i32
          "tpu.region"() ({
            %run_scoped3A_271 = tpu.sem_alloc : memref<!tpu.dma_semaphore, #tpu.memory_space<semaphore_mem>>
            %dma_start3A_272 = arith.constant 0 : i32
            %dma_start3A_273 = tpu.memref_slice %arg7[%run_scoped3A_245, %dma_start3A_272] : memref<3x128xi32, #tpu.memory_space<vmem>> -> memref<1x128xi32, #tpu.memory_space<vmem>>
            %dma_start3A_274 = tpu.memref_squeeze %dma_start3A_273 : memref<1x128xi32, #tpu.memory_space<vmem>> -> memref<128xi32, #tpu.memory_space<vmem>>
            %dma_start3A_275 = tpu.memref_slice %arg5[%mul3A_244] : memref<320000xi32, #tpu.memory_space<hbm>> -> memref<128xi32, #tpu.memory_space<hbm>>
            %dma_start3A_276 = arith.constant 0 : i32
            %dma_start3A_277 = tpu.memref_slice %arg7[%run_scoped3A_245, %dma_start3A_276] : memref<3x128xi32, #tpu.memory_space<vmem>> -> memref<1x128xi32, #tpu.memory_space<vmem>>
            %dma_start3A_278 = tpu.memref_squeeze %dma_start3A_277 : memref<1x128xi32, #tpu.memory_space<vmem>> -> memref<128xi32, #tpu.memory_space<vmem>>
            %dma_start3A_279 = tpu.memref_slice %arg5[%mul3A_244] : memref<320000xi32, #tpu.memory_space<hbm>> -> memref<128xi32, #tpu.memory_space<hbm>>
            tpu.enqueue_dma source(%dma_start3A_279 : memref<128xi32, #tpu.memory_space<hbm>>) target(%dma_start3A_278 : memref<128xi32, #tpu.memory_space<vmem>>) target_semaphore(%run_scoped3A_271 : memref<!tpu.dma_semaphore, #tpu.memory_space<semaphore_mem>>)
            %dma_wait3A_280 = arith.constant 0 : i32
            %dma_wait3A_281 = tpu.memref_slice %arg7[%run_scoped3A_245, %dma_wait3A_280] : memref<3x128xi32, #tpu.memory_space<vmem>> -> memref<1x128xi32, #tpu.memory_space<vmem>>
            %dma_wait3A_282 = tpu.memref_squeeze %dma_wait3A_281 : memref<1x128xi32, #tpu.memory_space<vmem>> -> memref<128xi32, #tpu.memory_space<vmem>>
            %dma_wait3A_283 = tpu.memref_slice %arg5[%mul3A_244] : memref<320000xi32, #tpu.memory_space<hbm>> -> memref<128xi32, #tpu.memory_space<hbm>>
            %dma_wait3A_284 = arith.constant 0 : i32
            %dma_wait3A_285 = tpu.memref_slice %arg7[%run_scoped3A_245, %dma_wait3A_284] : memref<3x128xi32, #tpu.memory_space<vmem>> -> memref<1x128xi32, #tpu.memory_space<vmem>>
            %dma_wait3A_286 = tpu.memref_squeeze %dma_wait3A_285 : memref<1x128xi32, #tpu.memory_space<vmem>> -> memref<128xi32, #tpu.memory_space<vmem>>
            %dma_wait3A_287 = tpu.memref_slice %arg5[%mul3A_244] : memref<320000xi32, #tpu.memory_space<hbm>> -> memref<128xi32, #tpu.memory_space<hbm>>
            tpu.wait_dma2 semaphore(%run_scoped3A_271 : memref<!tpu.dma_semaphore, #tpu.memory_space<semaphore_mem>>) src(%dma_wait3A_287 : memref<128xi32, #tpu.memory_space<hbm>>) dst(%dma_wait3A_286 : memref<128xi32, #tpu.memory_space<vmem>>)
            tpu.yield
          }) : () -> ()
          %run_scoped3A_246 = arith.constant 0 : i32
          "tpu.region"() ({
            %run_scoped3A_271 = tpu.sem_alloc : memref<!tpu.dma_semaphore, #tpu.memory_space<semaphore_mem>>
            %dma_start3A_272 = arith.constant 0 : i32
            %dma_start3A_273 = tpu.memref_slice %arg8[%run_scoped3A_246, %dma_start3A_272] : memref<3x128xi32, #tpu.memory_space<vmem>> -> memref<1x128xi32, #tpu.memory_space<vmem>>
            %dma_start3A_274 = tpu.memref_squeeze %dma_start3A_273 : memref<1x128xi32, #tpu.memory_space<vmem>> -> memref<128xi32, #tpu.memory_space<vmem>>
            %dma_start3A_275 = tpu.memref_slice %arg4[%mul3A_244] : memref<320000xi32, #tpu.memory_space<hbm>> -> memref<128xi32, #tpu.memory_space<hbm>>
            %dma_start3A_276 = arith.constant 0 : i32
            %dma_start3A_277 = tpu.memref_slice %arg8[%run_scoped3A_246, %dma_start3A_276] : memref<3x128xi32, #tpu.memory_space<vmem>> -> memref<1x128xi32, #tpu.memory_space<vmem>>
            %dma_start3A_278 = tpu.memref_squeeze %dma_start3A_277 : memref<1x128xi32, #tpu.memory_space<vmem>> -> memref<128xi32, #tpu.memory_space<vmem>>
            %dma_start3A_279 = tpu.memref_slice %arg4[%mul3A_244] : memref<320000xi32, #tpu.memory_space<hbm>> -> memref<128xi32, #tpu.memory_space<hbm>>
            tpu.enqueue_dma source(%dma_start3A_279 : memref<128xi32, #tpu.memory_space<hbm>>) target(%dma_start3A_278 : memref<128xi32, #tpu.memory_space<vmem>>) target_semaphore(%run_scoped3A_271 : memref<!tpu.dma_semaphore, #tpu.memory_space<semaphore_mem>>)
            %dma_wait3A_280 = arith.constant 0 : i32
            %dma_wait3A_281 = tpu.memref_slice %arg8[%run_scoped3A_246, %dma_wait3A_280] : memref<3x128xi32, #tpu.memory_space<vmem>> -> memref<1x128xi32, #tpu.memory_space<vmem>>
            %dma_wait3A_282 = tpu.memref_squeeze %dma_wait3A_281 : memref<1x128xi32, #tpu.memory_space<vmem>> -> memref<128xi32, #tpu.memory_space<vmem>>
            %dma_wait3A_283 = tpu.memref_slice %arg4[%mul3A_244] : memref<320000xi32, #tpu.memory_space<hbm>> -> memref<128xi32, #tpu.memory_space<hbm>>
            %dma_wait3A_284 = arith.constant 0 : i32
            %dma_wait3A_285 = tpu.memref_slice %arg8[%run_scoped3A_246, %dma_wait3A_284] : memref<3x128xi32, #tpu.memory_space<vmem>> -> memref<1x128xi32, #tpu.memory_space<vmem>>
            %dma_wait3A_286 = tpu.memref_squeeze %dma_wait3A_285 : memref<1x128xi32, #tpu.memory_space<vmem>> -> memref<128xi32, #tpu.memory_space<vmem>>
            %dma_wait3A_287 = tpu.memref_slice %arg4[%mul3A_244] : memref<320000xi32, #tpu.memory_space<hbm>> -> memref<128xi32, #tpu.memory_space<hbm>>
            tpu.wait_dma2 semaphore(%run_scoped3A_271 : memref<!tpu.dma_semaphore, #tpu.memory_space<semaphore_mem>>) src(%dma_wait3A_287 : memref<128xi32, #tpu.memory_space<hbm>>) dst(%dma_wait3A_286 : memref<128xi32, #tpu.memory_space<vmem>>)
            tpu.yield
          }) : () -> ()
          %dma_start3A_247 = arith.constant 0 : i32
          %dma_start3A_248 = arith.constant 0 : i32
          %dma_start3A_249 = arith.constant 0 : i32
          %dma_start3A_250 = arith.constant 0 : i32
          %dma_start3A_251 = tpu.memref_slice %arg9[%dma_start3A_248, %dma_start3A_249, %dma_start3A_250] : memref<3x128x128xf32, #tpu.memory_space<vmem>> -> memref<1x128x128xf32, #tpu.memory_space<vmem>>
          %dma_start3A_252 = tpu.memref_squeeze %dma_start3A_251 : memref<1x128x128xf32, #tpu.memory_space<vmem>> -> memref<128x128xf32, #tpu.memory_space<vmem>>
          %dma_start3A_253 = arith.constant 0 : i32
          %dma_start3A_254 = tpu.memref_slice %arg7[%dma_start3A_247, %dma_start3A_253] : memref<3x128xi32, #tpu.memory_space<vmem>> -> memref<1x128xi32, #tpu.memory_space<vmem>>
          %dma_start3A_255 = tpu.memref_squeeze %dma_start3A_254 : memref<1x128xi32, #tpu.memory_space<vmem>> -> memref<128xi32, #tpu.memory_space<vmem>>
          %dma_start3A_256 = arith.constant 0 : i32
          %dma_start3A_257 = arith.constant 0 : i32
          %dma_start3A_258 = tpu.memref_slice %arg2[%dma_start3A_256, %dma_start3A_257] : memref<10000x128xf32, #tpu.memory_space<hbm>> -> memref<10000x128xf32, #tpu.memory_space<hbm>>
          tpu.enqueue_indirect_dma source(%dma_start3A_258 : memref<10000x128xf32, #tpu.memory_space<hbm>>) target(%dma_start3A_252 : memref<128x128xf32, #tpu.memory_space<vmem>>) offsets(%dma_start3A_255 : memref<128xi32, #tpu.memory_space<vmem>>) semaphore(%arg11 : memref<!tpu.dma_semaphore, #tpu.memory_space<semaphore_mem>>)
          %dma_start3A_259 = arith.constant 0 : i32
          %dma_start3A_260 = arith.constant 0 : i32
          %dma_start3A_261 = arith.constant 0 : i32
          %dma_start3A_262 = arith.constant 0 : i32
          %dma_start3A_263 = tpu.memref_slice %arg10[%dma_start3A_260, %dma_start3A_261, %dma_start3A_262] : memref<3x128x128xf32, #tpu.memory_space<vmem>> -> memref<1x128x128xf32, #tpu.memory_space<vmem>>
          %dma_start3A_264 = tpu.memref_squeeze %dma_start3A_263 : memref<1x128x128xf32, #tpu.memory_space<vmem>> -> memref<128x128xf32, #tpu.memory_space<vmem>>
          %dma_start3A_265 = arith.constant 0 : i32
          %dma_start3A_266 = tpu.memref_slice %arg8[%dma_start3A_259, %dma_start3A_265] : memref<3x128xi32, #tpu.memory_space<vmem>> -> memref<1x128xi32, #tpu.memory_space<vmem>>
          %dma_start3A_267 = tpu.memref_squeeze %dma_start3A_266 : memref<1x128xi32, #tpu.memory_space<vmem>> -> memref<128xi32, #tpu.memory_space<vmem>>
          %dma_start3A_268 = arith.constant 0 : i32
          %dma_start3A_269 = arith.constant 0 : i32
          %dma_start3A_270 = tpu.memref_slice %arg3[%dma_start3A_268, %dma_start3A_269] : memref<10000x128xf32, #tpu.memory_space<hbm>> -> memref<10000x128xf32, #tpu.memory_space<hbm>>
          tpu.enqueue_indirect_dma source(%dma_start3A_270 : memref<10000x128xf32, #tpu.memory_space<hbm>>) target(%dma_start3A_264 : memref<128x128xf32, #tpu.memory_space<vmem>>) offsets(%dma_start3A_267 : memref<128xi32, #tpu.memory_space<vmem>>) semaphore(%arg11 : memref<!tpu.dma_semaphore, #tpu.memory_space<semaphore_mem>>)
        } else {
        }
      } else {
      }
      %eq3A_147 = arith.constant 1 : i32
      %eq3A_148 = arith.cmpi eq, %rem3A_144, %eq3A_147 : i32
      %convert_element_type3A_149 = arith.extui %eq3A_148 : i1 to i32
      %cond3A_150 = arith.constant 0 : i32
      %cond3A_151 = arith.cmpi ne, %convert_element_type3A_149, %cond3A_150 : i32
      scf.if %cond3A_151 {
        %dma_wait3A_157 = arith.constant 1 : i32
        %dma_wait3A_158 = arith.constant 0 : i32
        %dma_wait3A_159 = arith.constant 0 : i32
        %dma_wait3A_160 = tpu.memref_slice %arg9[%dma_wait3A_157, %dma_wait3A_158, %dma_wait3A_159] : memref<3x128x128xf32, #tpu.memory_space<vmem>> -> memref<1x128x128xf32, #tpu.memory_space<vmem>>
        %dma_wait3A_161 = tpu.memref_squeeze %dma_wait3A_160 : memref<1x128x128xf32, #tpu.memory_space<vmem>> -> memref<128x128xf32, #tpu.memory_space<vmem>>
        %dma_wait3A_162 = arith.constant 0 : i32
        %dma_wait3A_163 = arith.constant 0 : i32
        %dma_wait3A_164 = tpu.memref_slice %arg2[%dma_wait3A_162, %dma_wait3A_163] : memref<10000x128xf32, #tpu.memory_space<hbm>> -> memref<128x128xf32, #tpu.memory_space<hbm>>
        %dma_wait3A_165 = arith.constant 0 : i32
        %dma_wait3A_166 = arith.constant 0 : i32
        %dma_wait3A_167 = tpu.memref_slice %arg9[%dma_wait3A_157, %dma_wait3A_165, %dma_wait3A_166] : memref<3x128x128xf32, #tpu.memory_space<vmem>> -> memref<1x128x128xf32, #tpu.memory_space<vmem>>
        %dma_wait3A_168 = tpu.memref_squeeze %dma_wait3A_167 : memref<1x128x128xf32, #tpu.memory_space<vmem>> -> memref<128x128xf32, #tpu.memory_space<vmem>>
        %dma_wait3A_169 = arith.constant 0 : i32
        %dma_wait3A_170 = arith.constant 0 : i32
        %dma_wait3A_171 = tpu.memref_slice %arg2[%dma_wait3A_169, %dma_wait3A_170] : memref<10000x128xf32, #tpu.memory_space<hbm>> -> memref<128x128xf32, #tpu.memory_space<hbm>>
        tpu.wait_dma2 semaphore(%arg12 : memref<!tpu.dma_semaphore, #tpu.memory_space<semaphore_mem>>) src(%dma_wait3A_171 : memref<128x128xf32, #tpu.memory_space<hbm>>) dst(%dma_wait3A_168 : memref<128x128xf32, #tpu.memory_space<vmem>>)
        %dma_wait3A_172 = arith.constant 1 : i32
        %dma_wait3A_173 = arith.constant 0 : i32
        %dma_wait3A_174 = arith.constant 0 : i32
        %dma_wait3A_175 = tpu.memref_slice %arg10[%dma_wait3A_172, %dma_wait3A_173, %dma_wait3A_174] : memref<3x128x128xf32, #tpu.memory_space<vmem>> -> memref<1x128x128xf32, #tpu.memory_space<vmem>>
        %dma_wait3A_176 = tpu.memref_squeeze %dma_wait3A_175 : memref<1x128x128xf32, #tpu.memory_space<vmem>> -> memref<128x128xf32, #tpu.memory_space<vmem>>
        %dma_wait3A_177 = arith.constant 0 : i32
        %dma_wait3A_178 = arith.constant 0 : i32
        %dma_wait3A_179 = tpu.memref_slice %arg2[%dma_wait3A_177, %dma_wait3A_178] : memref<10000x128xf32, #tpu.memory_space<hbm>> -> memref<128x128xf32, #tpu.memory_space<hbm>>
        %dma_wait3A_180 = arith.constant 0 : i32
        %dma_wait3A_181 = arith.constant 0 : i32
        %dma_wait3A_182 = tpu.memref_slice %arg10[%dma_wait3A_172, %dma_wait3A_180, %dma_wait3A_181] : memref<3x128x128xf32, #tpu.memory_space<vmem>> -> memref<1x128x128xf32, #tpu.memory_space<vmem>>
        %dma_wait3A_183 = tpu.memref_squeeze %dma_wait3A_182 : memref<1x128x128xf32, #tpu.memory_space<vmem>> -> memref<128x128xf32, #tpu.memory_space<vmem>>
        %dma_wait3A_184 = arith.constant 0 : i32
        %dma_wait3A_185 = arith.constant 0 : i32
        %dma_wait3A_186 = tpu.memref_slice %arg2[%dma_wait3A_184, %dma_wait3A_185] : memref<10000x128xf32, #tpu.memory_space<hbm>> -> memref<128x128xf32, #tpu.memory_space<hbm>>
        tpu.wait_dma2 semaphore(%arg12 : memref<!tpu.dma_semaphore, #tpu.memory_space<semaphore_mem>>) src(%dma_wait3A_186 : memref<128x128xf32, #tpu.memory_space<hbm>>) dst(%dma_wait3A_183 : memref<128x128xf32, #tpu.memory_space<vmem>>)
        %scan3A_187 = arith.constant 0 : i32
        %scan3A_188 = arith.constant 0 : i32
        %scan3A_189 = arith.constant 128 : i32
        %scan3A_190 = arith.addi %scan3A_188, %scan3A_189 : i32
        %scan3A_191 = arith.constant 1 : i32
        scf.for %scan3A_221 = %scan3A_188 to %scan3A_190 step %scan3A_191  : i32 {
          %get3A = arith.constant 1 : i32
          %get3A_222 = arith.index_cast %get3A : i32 to index
          %get3A_223 = arith.index_cast %scan3A_221 : i32 to index
          %get3A_224 = arith.constant 0 : index
          %get3A_225 = tpu.vector_load %arg9[%get3A_222, %get3A_223, %get3A_224] {strides = array<i32>} : memref<3x128x128xf32, #tpu.memory_space<vmem>>, vector<1x1x16xf32>,
          %get3A_226 = vector.shape_cast %get3A_225 : vector<1x1x16xf32> to vector<16xf32>
          %get3A_227 = arith.constant 1 : i32
          %get3A_228 = arith.index_cast %get3A_227 : i32 to index
          %get3A_229 = arith.index_cast %scan3A_221 : i32 to index
          %get3A_230 = arith.constant 0 : index
          %get3A_231 = tpu.vector_load %arg10[%get3A_228, %get3A_229, %get3A_230] {strides = array<i32>} : memref<3x128x128xf32, #tpu.memory_space<vmem>>, vector<1x1x16xf32>,
          %get3A_232 = vector.shape_cast %get3A_231 : vector<1x1x16xf32> to vector<16xf32>
          %add3A_233 = arith.addf %get3A_226, %get3A_232 : vector<16xf32>
          %swap3A = arith.constant 1 : i32
          %swap3A_234 = arith.index_cast %swap3A : i32 to index
          %swap3A_235 = arith.index_cast %scan3A_221 : i32 to index
          %swap3A_236 = arith.constant 0 : index
          %swap3A_237 = tpu.vector_load %arg9[%swap3A_234, %swap3A_235, %swap3A_236] {strides = array<i32>} : memref<3x128x128xf32, #tpu.memory_space<vmem>>, vector<1x1x16xf32>,
          %swap3A_238 = vector.shape_cast %swap3A_237 : vector<1x1x16xf32> to vector<16xf32>
          %swap3A_239 = vector.shape_cast %add3A_233 : vector<16xf32> to vector<1x1x16xf32>
          tpu.vector_store %arg9[%swap3A_234, %swap3A_235, %swap3A_236], %swap3A_239 {strides = array<i32>} : memref<3x128x128xf32, #tpu.memory_space<vmem>>, vector<1x1x16xf32>,
          %get3A_240 = arith.constant 1 : i32
          %get3A_241 = arith.index_cast %get3A_240 : i32 to index
          %get3A_242 = arith.index_cast %scan3A_221 : i32 to index
          %get3A_243 = arith.constant 16 : index
          %get3A_244 = tpu.vector_load %arg9[%get3A_241, %get3A_242, %get3A_243] {strides = array<i32>} : memref<3x128x128xf32, #tpu.memory_space<vmem>>, vector<1x1x16xf32>,
          %get3A_245 = vector.shape_cast %get3A_244 : vector<1x1x16xf32> to vector<16xf32>
          %get3A_246 = arith.constant 1 : i32
          %get3A_247 = arith.index_cast %get3A_246 : i32 to index
          %get3A_248 = arith.index_cast %scan3A_221 : i32 to index
          %get3A_249 = arith.constant 16 : index
          %get3A_250 = tpu.vector_load %arg10[%get3A_247, %get3A_248, %get3A_249] {strides = array<i32>} : memref<3x128x128xf32, #tpu.memory_space<vmem>>, vector<1x1x16xf32>,
          %get3A_251 = vector.shape_cast %get3A_250 : vector<1x1x16xf32> to vector<16xf32>
          %add3A_252 = arith.addf %get3A_245, %get3A_251 : vector<16xf32>
          %swap3A_253 = arith.constant 1 : i32
          %swap3A_254 = arith.index_cast %swap3A_253 : i32 to index
          %swap3A_255 = arith.index_cast %scan3A_221 : i32 to index
          %swap3A_256 = arith.constant 16 : index
          %swap3A_257 = tpu.vector_load %arg9[%swap3A_254, %swap3A_255, %swap3A_256] {strides = array<i32>} : memref<3x128x128xf32, #tpu.memory_space<vmem>>, vector<1x1x16xf32>,
          %swap3A_258 = vector.shape_cast %swap3A_257 : vector<1x1x16xf32> to vector<16xf32>
          %swap3A_259 = vector.shape_cast %add3A_252 : vector<16xf32> to vector<1x1x16xf32>
          tpu.vector_store %arg9[%swap3A_254, %swap3A_255, %swap3A_256], %swap3A_259 {strides = array<i32>} : memref<3x128x128xf32, #tpu.memory_space<vmem>>, vector<1x1x16xf32>,
          %get3A_260 = arith.constant 1 : i32
          %get3A_261 = arith.index_cast %get3A_260 : i32 to index
          %get3A_262 = arith.index_cast %scan3A_221 : i32 to index
          %get3A_263 = arith.constant 32 : index
          %get3A_264 = tpu.vector_load %arg9[%get3A_261, %get3A_262, %get3A_263] {strides = array<i32>} : memref<3x128x128xf32, #tpu.memory_space<vmem>>, vector<1x1x16xf32>,
          %get3A_265 = vector.shape_cast %get3A_264 : vector<1x1x16xf32> to vector<16xf32>
          %get3A_266 = arith.constant 1 : i32
          %get3A_267 = arith.index_cast %get3A_266 : i32 to index
          %get3A_268 = arith.index_cast %scan3A_221 : i32 to index
          %get3A_269 = arith.constant 32 : index
          %get3A_270 = tpu.vector_load %arg10[%get3A_267, %get3A_268, %get3A_269] {strides = array<i32>} : memref<3x128x128xf32, #tpu.memory_space<vmem>>, vector<1x1x16xf32>,
          %get3A_271 = vector.shape_cast %get3A_270 : vector<1x1x16xf32> to vector<16xf32>
          %add3A_272 = arith.addf %get3A_265, %get3A_271 : vector<16xf32>
          %swap3A_273 = arith.constant 1 : i32
          %swap3A_274 = arith.index_cast %swap3A_273 : i32 to index
          %swap3A_275 = arith.index_cast %scan3A_221 : i32 to index
          %swap3A_276 = arith.constant 32 : index
          %swap3A_277 = tpu.vector_load %arg9[%swap3A_274, %swap3A_275, %swap3A_276] {strides = array<i32>} : memref<3x128x128xf32, #tpu.memory_space<vmem>>, vector<1x1x16xf32>,
          %swap3A_278 = vector.shape_cast %swap3A_277 : vector<1x1x16xf32> to vector<16xf32>
          %swap3A_279 = vector.shape_cast %add3A_272 : vector<16xf32> to vector<1x1x16xf32>
          tpu.vector_store %arg9[%swap3A_274, %swap3A_275, %swap3A_276], %swap3A_279 {strides = array<i32>} : memref<3x128x128xf32, #tpu.memory_space<vmem>>, vector<1x1x16xf32>,
          %get3A_280 = arith.constant 1 : i32
          %get3A_281 = arith.index_cast %get3A_280 : i32 to index
          %get3A_282 = arith.index_cast %scan3A_221 : i32 to index
          %get3A_283 = arith.constant 48 : index
          %get3A_284 = tpu.vector_load %arg9[%get3A_281, %get3A_282, %get3A_283] {strides = array<i32>} : memref<3x128x128xf32, #tpu.memory_space<vmem>>, vector<1x1x16xf32>,
          %get3A_285 = vector.shape_cast %get3A_284 : vector<1x1x16xf32> to vector<16xf32>
          %get3A_286 = arith.constant 1 : i32
          %get3A_287 = arith.index_cast %get3A_286 : i32 to index
          %get3A_288 = arith.index_cast %scan3A_221 : i32 to index
          %get3A_289 = arith.constant 48 : index
          %get3A_290 = tpu.vector_load %arg10[%get3A_287, %get3A_288, %get3A_289] {strides = array<i32>} : memref<3x128x128xf32, #tpu.memory_space<vmem>>, vector<1x1x16xf32>,
          %get3A_291 = vector.shape_cast %get3A_290 : vector<1x1x16xf32> to vector<16xf32>
          %add3A_292 = arith.addf %get3A_285, %get3A_291 : vector<16xf32>
          %swap3A_293 = arith.constant 1 : i32
          %swap3A_294 = arith.index_cast %swap3A_293 : i32 to index
          %swap3A_295 = arith.index_cast %scan3A_221 : i32 to index
          %swap3A_296 = arith.constant 48 : index
          %swap3A_297 = tpu.vector_load %arg9[%swap3A_294, %swap3A_295, %swap3A_296] {strides = array<i32>} : memref<3x128x128xf32, #tpu.memory_space<vmem>>, vector<1x1x16xf32>,
          %swap3A_298 = vector.shape_cast %swap3A_297 : vector<1x1x16xf32> to vector<16xf32>
          %swap3A_299 = vector.shape_cast %add3A_292 : vector<16xf32> to vector<1x1x16xf32>
          tpu.vector_store %arg9[%swap3A_294, %swap3A_295, %swap3A_296], %swap3A_299 {strides = array<i32>} : memref<3x128x128xf32, #tpu.memory_space<vmem>>, vector<1x1x16xf32>,
          %get3A_300 = arith.constant 1 : i32
          %get3A_301 = arith.index_cast %get3A_300 : i32 to index
          %get3A_302 = arith.index_cast %scan3A_221 : i32 to index
          %get3A_303 = arith.constant 64 : index
          %get3A_304 = tpu.vector_load %arg9[%get3A_301, %get3A_302, %get3A_303] {strides = array<i32>} : memref<3x128x128xf32, #tpu.memory_space<vmem>>, vector<1x1x16xf32>,
          %get3A_305 = vector.shape_cast %get3A_304 : vector<1x1x16xf32> to vector<16xf32>
          %get3A_306 = arith.constant 1 : i32
          %get3A_307 = arith.index_cast %get3A_306 : i32 to index
          %get3A_308 = arith.index_cast %scan3A_221 : i32 to index
          %get3A_309 = arith.constant 64 : index
          %get3A_310 = tpu.vector_load %arg10[%get3A_307, %get3A_308, %get3A_309] {strides = array<i32>} : memref<3x128x128xf32, #tpu.memory_space<vmem>>, vector<1x1x16xf32>,
          %get3A_311 = vector.shape_cast %get3A_310 : vector<1x1x16xf32> to vector<16xf32>
          %add3A_312 = arith.addf %get3A_305, %get3A_311 : vector<16xf32>
          %swap3A_313 = arith.constant 1 : i32
          %swap3A_314 = arith.index_cast %swap3A_313 : i32 to index
          %swap3A_315 = arith.index_cast %scan3A_221 : i32 to index
          %swap3A_316 = arith.constant 64 : index
          %swap3A_317 = tpu.vector_load %arg9[%swap3A_314, %swap3A_315, %swap3A_316] {strides = array<i32>} : memref<3x128x128xf32, #tpu.memory_space<vmem>>, vector<1x1x16xf32>,
          %swap3A_318 = vector.shape_cast %swap3A_317 : vector<1x1x16xf32> to vector<16xf32>
          %swap3A_319 = vector.shape_cast %add3A_312 : vector<16xf32> to vector<1x1x16xf32>
          tpu.vector_store %arg9[%swap3A_314, %swap3A_315, %swap3A_316], %swap3A_319 {strides = array<i32>} : memref<3x128x128xf32, #tpu.memory_space<vmem>>, vector<1x1x16xf32>,
          %get3A_320 = arith.constant 1 : i32
          %get3A_321 = arith.index_cast %get3A_320 : i32 to index
          %get3A_322 = arith.index_cast %scan3A_221 : i32 to index
          %get3A_323 = arith.constant 80 : index
          %get3A_324 = tpu.vector_load %arg9[%get3A_321, %get3A_322, %get3A_323] {strides = array<i32>} : memref<3x128x128xf32, #tpu.memory_space<vmem>>, vector<1x1x16xf32>,
          %get3A_325 = vector.shape_cast %get3A_324 : vector<1x1x16xf32> to vector<16xf32>
          %get3A_326 = arith.constant 1 : i32
          %get3A_327 = arith.index_cast %get3A_326 : i32 to index
          %get3A_328 = arith.index_cast %scan3A_221 : i32 to index
          %get3A_329 = arith.constant 80 : index
          %get3A_330 = tpu.vector_load %arg10[%get3A_327, %get3A_328, %get3A_329] {strides = array<i32>} : memref<3x128x128xf32, #tpu.memory_space<vmem>>, vector<1x1x16xf32>,
          %get3A_331 = vector.shape_cast %get3A_330 : vector<1x1x16xf32> to vector<16xf32>
          %add3A_332 = arith.addf %get3A_325, %get3A_331 : vector<16xf32>
          %swap3A_333 = arith.constant 1 : i32
          %swap3A_334 = arith.index_cast %swap3A_333 : i32 to index
          %swap3A_335 = arith.index_cast %scan3A_221 : i32 to index
          %swap3A_336 = arith.constant 80 : index
          %swap3A_337 = tpu.vector_load %arg9[%swap3A_334, %swap3A_335, %swap3A_336] {strides = array<i32>} : memref<3x128x128xf32, #tpu.memory_space<vmem>>, vector<1x1x16xf32>,
          %swap3A_338 = vector.shape_cast %swap3A_337 : vector<1x1x16xf32> to vector<16xf32>
          %swap3A_339 = vector.shape_cast %add3A_332 : vector<16xf32> to vector<1x1x16xf32>
          tpu.vector_store %arg9[%swap3A_334, %swap3A_335, %swap3A_336], %swap3A_339 {strides = array<i32>} : memref<3x128x128xf32, #tpu.memory_space<vmem>>, vector<1x1x16xf32>,
          %get3A_340 = arith.constant 1 : i32
          %get3A_341 = arith.index_cast %get3A_340 : i32 to index
          %get3A_342 = arith.index_cast %scan3A_221 : i32 to index
          %get3A_343 = arith.constant 96 : index
          %get3A_344 = tpu.vector_load %arg9[%get3A_341, %get3A_342, %get3A_343] {strides = array<i32>} : memref<3x128x128xf32, #tpu.memory_space<vmem>>, vector<1x1x16xf32>,
          %get3A_345 = vector.shape_cast %get3A_344 : vector<1x1x16xf32> to vector<16xf32>
          %get3A_346 = arith.constant 1 : i32
          %get3A_347 = arith.index_cast %get3A_346 : i32 to index
          %get3A_348 = arith.index_cast %scan3A_221 : i32 to index
          %get3A_349 = arith.constant 96 : index
          %get3A_350 = tpu.vector_load %arg10[%get3A_347, %get3A_348, %get3A_349] {strides = array<i32>} : memref<3x128x128xf32, #tpu.memory_space<vmem>>, vector<1x1x16xf32>,
          %get3A_351 = vector.shape_cast %get3A_350 : vector<1x1x16xf32> to vector<16xf32>
          %add3A_352 = arith.addf %get3A_345, %get3A_351 : vector<16xf32>
          %swap3A_353 = arith.constant 1 : i32
          %swap3A_354 = arith.index_cast %swap3A_353 : i32 to index
          %swap3A_355 = arith.index_cast %scan3A_221 : i32 to index
          %swap3A_356 = arith.constant 96 : index
          %swap3A_357 = tpu.vector_load %arg9[%swap3A_354, %swap3A_355, %swap3A_356] {strides = array<i32>} : memref<3x128x128xf32, #tpu.memory_space<vmem>>, vector<1x1x16xf32>,
          %swap3A_358 = vector.shape_cast %swap3A_357 : vector<1x1x16xf32> to vector<16xf32>
          %swap3A_359 = vector.shape_cast %add3A_352 : vector<16xf32> to vector<1x1x16xf32>
          tpu.vector_store %arg9[%swap3A_354, %swap3A_355, %swap3A_356], %swap3A_359 {strides = array<i32>} : memref<3x128x128xf32, #tpu.memory_space<vmem>>, vector<1x1x16xf32>,
          %get3A_360 = arith.constant 1 : i32
          %get3A_361 = arith.index_cast %get3A_360 : i32 to index
          %get3A_362 = arith.index_cast %scan3A_221 : i32 to index
          %get3A_363 = arith.constant 112 : index
          %get3A_364 = tpu.vector_load %arg9[%get3A_361, %get3A_362, %get3A_363] {strides = array<i32>} : memref<3x128x128xf32, #tpu.memory_space<vmem>>, vector<1x1x16xf32>,
          %get3A_365 = vector.shape_cast %get3A_364 : vector<1x1x16xf32> to vector<16xf32>
          %get3A_366 = arith.constant 1 : i32
          %get3A_367 = arith.index_cast %get3A_366 : i32 to index
          %get3A_368 = arith.index_cast %scan3A_221 : i32 to index
          %get3A_369 = arith.constant 112 : index
          %get3A_370 = tpu.vector_load %arg10[%get3A_367, %get3A_368, %get3A_369] {strides = array<i32>} : memref<3x128x128xf32, #tpu.memory_space<vmem>>, vector<1x1x16xf32>,
          %get3A_371 = vector.shape_cast %get3A_370 : vector<1x1x16xf32> to vector<16xf32>
          %add3A_372 = arith.addf %get3A_365, %get3A_371 : vector<16xf32>
          %swap3A_373 = arith.constant 1 : i32
          %swap3A_374 = arith.index_cast %swap3A_373 : i32 to index
          %swap3A_375 = arith.index_cast %scan3A_221 : i32 to index
          %swap3A_376 = arith.constant 112 : index
          %swap3A_377 = tpu.vector_load %arg9[%swap3A_374, %swap3A_375, %swap3A_376] {strides = array<i32>} : memref<3x128x128xf32, #tpu.memory_space<vmem>>, vector<1x1x16xf32>,
          %swap3A_378 = vector.shape_cast %swap3A_377 : vector<1x1x16xf32> to vector<16xf32>
          %swap3A_379 = vector.shape_cast %add3A_372 : vector<16xf32> to vector<1x1x16xf32>
          tpu.vector_store %arg9[%swap3A_374, %swap3A_375, %swap3A_376], %swap3A_379 {strides = array<i32>} : memref<3x128x128xf32, #tpu.memory_space<vmem>>, vector<1x1x16xf32>,
        }
        %scan3A_192 = arith.constant 128 : i32
        %mul3A_193 = arith.constant 32 : i32
        %mul3A_194 = arith.muli %scan3A_143, %mul3A_193 : i32
        %add3A_195 = arith.addi %add3A, %mul3A_194 : i32
        %min3A_196 = arith.constant 2499 : i32
        %min3A_197 = arith.minsi %add3A_195, %min3A_196 : i32
        %mul3A_198 = arith.constant 128 : i32
        %mul3A_199 = arith.muli %min3A_197, %mul3A_198 : i32
        %dma_start3A_200 = arith.constant 1 : i32
        %dma_start3A_201 = arith.constant 0 : i32
        %dma_start3A_202 = arith.constant 0 : i32
        %dma_start3A_203 = tpu.memref_slice %arg9[%dma_start3A_200, %dma_start3A_201, %dma_start3A_202] : memref<3x128x128xf32, #tpu.memory_space<vmem>> -> memref<1x128x128xf32, #tpu.memory_space<vmem>>
        %dma_start3A_204 = tpu.memref_squeeze %dma_start3A_203 : memref<1x128x128xf32, #tpu.memory_space<vmem>> -> memref<128x128xf32, #tpu.memory_space<vmem>>
        %dma_start3A_205 = arith.constant 0 : i32
        %dma_start3A_206 = tpu.memref_slice %arg6[%mul3A_199, %dma_start3A_205] : memref<320000x128xf32, #tpu.memory_space<hbm>> -> memref<128x128xf32, #tpu.memory_space<hbm>>
        %dma_start3A_207 = arith.constant 0 : i32
        %dma_start3A_208 = tpu.memref_slice %arg6[%mul3A_199, %dma_start3A_207] : memref<320000x128xf32, #tpu.memory_space<hbm>> -> memref<128x128xf32, #tpu.memory_space<hbm>>
        %dma_start3A_209 = arith.constant 0 : i32
        %dma_start3A_210 = arith.constant 0 : i32
        %dma_start3A_211 = tpu.memref_slice %arg9[%dma_start3A_200, %dma_start3A_209, %dma_start3A_210] : memref<3x128x128xf32, #tpu.memory_space<vmem>> -> memref<1x128x128xf32, #tpu.memory_space<vmem>>
        %dma_start3A_212 = tpu.memref_squeeze %dma_start3A_211 : memref<1x128x128xf32, #tpu.memory_space<vmem>> -> memref<128x128xf32, #tpu.memory_space<vmem>>
        tpu.enqueue_dma source(%dma_start3A_212 : memref<128x128xf32, #tpu.memory_space<vmem>>) target(%dma_start3A_208 : memref<128x128xf32, #tpu.memory_space<hbm>>) target_semaphore(%arg15 : memref<!tpu.dma_semaphore, #tpu.memory_space<semaphore_mem>>)
        %eq3A_213 = arith.constant 1 : i32
        %eq3A_214 = arith.cmpi eq, %rem3A_144, %eq3A_213 : i32
        %add3A_215 = arith.constant 3 : i32
        %add3A_216 = arith.addi %scan3A_143, %add3A_215 : i32
        %lt3A = arith.constant 79 : i32
        %lt3A_217 = arith.cmpi slt, %add3A_216, %lt3A : i32
        %and3A = arith.andi %eq3A_214, %lt3A_217 : i1
        %convert_element_type3A_218 = arith.extui %and3A : i1 to i32
        %cond3A_219 = arith.constant 0 : i32
        %cond3A_220 = arith.cmpi ne, %convert_element_type3A_218, %cond3A_219 : i32
        scf.if %cond3A_220 {
          %dma_wait3A_221 = arith.constant 1 : i32
          %dma_wait3A_222 = arith.constant 0 : i32
          %dma_wait3A_223 = arith.constant 0 : i32
          %dma_wait3A_224 = tpu.memref_slice %arg9[%dma_wait3A_221, %dma_wait3A_222, %dma_wait3A_223] : memref<3x128x128xf32, #tpu.memory_space<vmem>> -> memref<1x128x128xf32, #tpu.memory_space<vmem>>
          %dma_wait3A_225 = tpu.memref_squeeze %dma_wait3A_224 : memref<1x128x128xf32, #tpu.memory_space<vmem>> -> memref<128x128xf32, #tpu.memory_space<vmem>>
          %dma_wait3A_226 = arith.constant 0 : i32
          %dma_wait3A_227 = arith.constant 0 : i32
          %dma_wait3A_228 = tpu.memref_slice %arg6[%dma_wait3A_226, %dma_wait3A_227] : memref<320000x128xf32, #tpu.memory_space<hbm>> -> memref<128x128xf32, #tpu.memory_space<hbm>>
          %dma_wait3A_229 = arith.constant 0 : i32
          %dma_wait3A_230 = arith.constant 0 : i32
          %dma_wait3A_231 = tpu.memref_slice %arg6[%dma_wait3A_229, %dma_wait3A_230] : memref<320000x128xf32, #tpu.memory_space<hbm>> -> memref<128x128xf32, #tpu.memory_space<hbm>>
          %dma_wait3A_232 = arith.constant 0 : i32
          %dma_wait3A_233 = arith.constant 0 : i32
          %dma_wait3A_234 = tpu.memref_slice %arg9[%dma_wait3A_221, %dma_wait3A_232, %dma_wait3A_233] : memref<3x128x128xf32, #tpu.memory_space<vmem>> -> memref<1x128x128xf32, #tpu.memory_space<vmem>>
          %dma_wait3A_235 = tpu.memref_squeeze %dma_wait3A_234 : memref<1x128x128xf32, #tpu.memory_space<vmem>> -> memref<128x128xf32, #tpu.memory_space<vmem>>
          tpu.wait_dma2 semaphore(%arg15 : memref<!tpu.dma_semaphore, #tpu.memory_space<semaphore_mem>>) src(%dma_wait3A_235 : memref<128x128xf32, #tpu.memory_space<vmem>>) dst(%dma_wait3A_231 : memref<128x128xf32, #tpu.memory_space<hbm>>)
          %add3A_236 = arith.constant 3 : i32
          %add3A_237 = arith.addi %scan3A_143, %add3A_236 : i32
          %mul3A_238 = arith.constant 32 : i32
          %mul3A_239 = arith.muli %add3A_237, %mul3A_238 : i32
          %add3A_240 = arith.addi %add3A, %mul3A_239 : i32
          %min3A_241 = arith.constant 2499 : i32
          %min3A_242 = arith.minsi %add3A_240, %min3A_241 : i32
          %mul3A_243 = arith.constant 128 : i32
          %mul3A_244 = arith.muli %min3A_242, %mul3A_243 : i32
          %run_scoped3A_245 = arith.constant 1 : i32
          "tpu.region"() ({
            %run_scoped3A_271 = tpu.sem_alloc : memref<!tpu.dma_semaphore, #tpu.memory_space<semaphore_mem>>
            %dma_start3A_272 = arith.constant 0 : i32
            %dma_start3A_273 = tpu.memref_slice %arg7[%run_scoped3A_245, %dma_start3A_272] : memref<3x128xi32, #tpu.memory_space<vmem>> -> memref<1x128xi32, #tpu.memory_space<vmem>>
            %dma_start3A_274 = tpu.memref_squeeze %dma_start3A_273 : memref<1x128xi32, #tpu.memory_space<vmem>> -> memref<128xi32, #tpu.memory_space<vmem>>
            %dma_start3A_275 = tpu.memref_slice %arg5[%mul3A_244] : memref<320000xi32, #tpu.memory_space<hbm>> -> memref<128xi32, #tpu.memory_space<hbm>>
            %dma_start3A_276 = arith.constant 0 : i32
            %dma_start3A_277 = tpu.memref_slice %arg7[%run_scoped3A_245, %dma_start3A_276] : memref<3x128xi32, #tpu.memory_space<vmem>> -> memref<1x128xi32, #tpu.memory_space<vmem>>
            %dma_start3A_278 = tpu.memref_squeeze %dma_start3A_277 : memref<1x128xi32, #tpu.memory_space<vmem>> -> memref<128xi32, #tpu.memory_space<vmem>>
            %dma_start3A_279 = tpu.memref_slice %arg5[%mul3A_244] : memref<320000xi32, #tpu.memory_space<hbm>> -> memref<128xi32, #tpu.memory_space<hbm>>
            tpu.enqueue_dma source(%dma_start3A_279 : memref<128xi32, #tpu.memory_space<hbm>>) target(%dma_start3A_278 : memref<128xi32, #tpu.memory_space<vmem>>) target_semaphore(%run_scoped3A_271 : memref<!tpu.dma_semaphore, #tpu.memory_space<semaphore_mem>>)
            %dma_wait3A_280 = arith.constant 0 : i32
            %dma_wait3A_281 = tpu.memref_slice %arg7[%run_scoped3A_245, %dma_wait3A_280] : memref<3x128xi32, #tpu.memory_space<vmem>> -> memref<1x128xi32, #tpu.memory_space<vmem>>
            %dma_wait3A_282 = tpu.memref_squeeze %dma_wait3A_281 : memref<1x128xi32, #tpu.memory_space<vmem>> -> memref<128xi32, #tpu.memory_space<vmem>>
            %dma_wait3A_283 = tpu.memref_slice %arg5[%mul3A_244] : memref<320000xi32, #tpu.memory_space<hbm>> -> memref<128xi32, #tpu.memory_space<hbm>>
            %dma_wait3A_284 = arith.constant 0 : i32
            %dma_wait3A_285 = tpu.memref_slice %arg7[%run_scoped3A_245, %dma_wait3A_284] : memref<3x128xi32, #tpu.memory_space<vmem>> -> memref<1x128xi32, #tpu.memory_space<vmem>>
            %dma_wait3A_286 = tpu.memref_squeeze %dma_wait3A_285 : memref<1x128xi32, #tpu.memory_space<vmem>> -> memref<128xi32, #tpu.memory_space<vmem>>
            %dma_wait3A_287 = tpu.memref_slice %arg5[%mul3A_244] : memref<320000xi32, #tpu.memory_space<hbm>> -> memref<128xi32, #tpu.memory_space<hbm>>
            tpu.wait_dma2 semaphore(%run_scoped3A_271 : memref<!tpu.dma_semaphore, #tpu.memory_space<semaphore_mem>>) src(%dma_wait3A_287 : memref<128xi32, #tpu.memory_space<hbm>>) dst(%dma_wait3A_286 : memref<128xi32, #tpu.memory_space<vmem>>)
            tpu.yield
          }) : () -> ()
          %run_scoped3A_246 = arith.constant 1 : i32
          "tpu.region"() ({
            %run_scoped3A_271 = tpu.sem_alloc : memref<!tpu.dma_semaphore, #tpu.memory_space<semaphore_mem>>
            %dma_start3A_272 = arith.constant 0 : i32
            %dma_start3A_273 = tpu.memref_slice %arg8[%run_scoped3A_246, %dma_start3A_272] : memref<3x128xi32, #tpu.memory_space<vmem>> -> memref<1x128xi32, #tpu.memory_space<vmem>>
            %dma_start3A_274 = tpu.memref_squeeze %dma_start3A_273 : memref<1x128xi32, #tpu.memory_space<vmem>> -> memref<128xi32, #tpu.memory_space<vmem>>
            %dma_start3A_275 = tpu.memref_slice %arg4[%mul3A_244] : memref<320000xi32, #tpu.memory_space<hbm>> -> memref<128xi32, #tpu.memory_space<hbm>>
            %dma_start3A_276 = arith.constant 0 : i32
            %dma_start3A_277 = tpu.memref_slice %arg8[%run_scoped3A_246, %dma_start3A_276] : memref<3x128xi32, #tpu.memory_space<vmem>> -> memref<1x128xi32, #tpu.memory_space<vmem>>
            %dma_start3A_278 = tpu.memref_squeeze %dma_start3A_277 : memref<1x128xi32, #tpu.memory_space<vmem>> -> memref<128xi32, #tpu.memory_space<vmem>>
            %dma_start3A_279 = tpu.memref_slice %arg4[%mul3A_244] : memref<320000xi32, #tpu.memory_space<hbm>> -> memref<128xi32, #tpu.memory_space<hbm>>
            tpu.enqueue_dma source(%dma_start3A_279 : memref<128xi32, #tpu.memory_space<hbm>>) target(%dma_start3A_278 : memref<128xi32, #tpu.memory_space<vmem>>) target_semaphore(%run_scoped3A_271 : memref<!tpu.dma_semaphore, #tpu.memory_space<semaphore_mem>>)
            %dma_wait3A_280 = arith.constant 0 : i32
            %dma_wait3A_281 = tpu.memref_slice %arg8[%run_scoped3A_246, %dma_wait3A_280] : memref<3x128xi32, #tpu.memory_space<vmem>> -> memref<1x128xi32, #tpu.memory_space<vmem>>
            %dma_wait3A_282 = tpu.memref_squeeze %dma_wait3A_281 : memref<1x128xi32, #tpu.memory_space<vmem>> -> memref<128xi32, #tpu.memory_space<vmem>>
            %dma_wait3A_283 = tpu.memref_slice %arg4[%mul3A_244] : memref<320000xi32, #tpu.memory_space<hbm>> -> memref<128xi32, #tpu.memory_space<hbm>>
            %dma_wait3A_284 = arith.constant 0 : i32
            %dma_wait3A_285 = tpu.memref_slice %arg8[%run_scoped3A_246, %dma_wait3A_284] : memref<3x128xi32, #tpu.memory_space<vmem>> -> memref<1x128xi32, #tpu.memory_space<vmem>>
            %dma_wait3A_286 = tpu.memref_squeeze %dma_wait3A_285 : memref<1x128xi32, #tpu.memory_space<vmem>> -> memref<128xi32, #tpu.memory_space<vmem>>
            %dma_wait3A_287 = tpu.memref_slice %arg4[%mul3A_244] : memref<320000xi32, #tpu.memory_space<hbm>> -> memref<128xi32, #tpu.memory_space<hbm>>
            tpu.wait_dma2 semaphore(%run_scoped3A_271 : memref<!tpu.dma_semaphore, #tpu.memory_space<semaphore_mem>>) src(%dma_wait3A_287 : memref<128xi32, #tpu.memory_space<hbm>>) dst(%dma_wait3A_286 : memref<128xi32, #tpu.memory_space<vmem>>)
            tpu.yield
          }) : () -> ()
          %dma_start3A_247 = arith.constant 1 : i32
          %dma_start3A_248 = arith.constant 1 : i32
          %dma_start3A_249 = arith.constant 0 : i32
          %dma_start3A_250 = arith.constant 0 : i32
          %dma_start3A_251 = tpu.memref_slice %arg9[%dma_start3A_248, %dma_start3A_249, %dma_start3A_250] : memref<3x128x128xf32, #tpu.memory_space<vmem>> -> memref<1x128x128xf32, #tpu.memory_space<vmem>>
          %dma_start3A_252 = tpu.memref_squeeze %dma_start3A_251 : memref<1x128x128xf32, #tpu.memory_space<vmem>> -> memref<128x128xf32, #tpu.memory_space<vmem>>
          %dma_start3A_253 = arith.constant 0 : i32
          %dma_start3A_254 = tpu.memref_slice %arg7[%dma_start3A_247, %dma_start3A_253] : memref<3x128xi32, #tpu.memory_space<vmem>> -> memref<1x128xi32, #tpu.memory_space<vmem>>
          %dma_start3A_255 = tpu.memref_squeeze %dma_start3A_254 : memref<1x128xi32, #tpu.memory_space<vmem>> -> memref<128xi32, #tpu.memory_space<vmem>>
          %dma_start3A_256 = arith.constant 0 : i32
          %dma_start3A_257 = arith.constant 0 : i32
          %dma_start3A_258 = tpu.memref_slice %arg2[%dma_start3A_256, %dma_start3A_257] : memref<10000x128xf32, #tpu.memory_space<hbm>> -> memref<10000x128xf32, #tpu.memory_space<hbm>>
          tpu.enqueue_indirect_dma source(%dma_start3A_258 : memref<10000x128xf32, #tpu.memory_space<hbm>>) target(%dma_start3A_252 : memref<128x128xf32, #tpu.memory_space<vmem>>) offsets(%dma_start3A_255 : memref<128xi32, #tpu.memory_space<vmem>>) semaphore(%arg12 : memref<!tpu.dma_semaphore, #tpu.memory_space<semaphore_mem>>)
          %dma_start3A_259 = arith.constant 1 : i32
          %dma_start3A_260 = arith.constant 1 : i32
          %dma_start3A_261 = arith.constant 0 : i32
          %dma_start3A_262 = arith.constant 0 : i32
          %dma_start3A_263 = tpu.memref_slice %arg10[%dma_start3A_260, %dma_start3A_261, %dma_start3A_262] : memref<3x128x128xf32, #tpu.memory_space<vmem>> -> memref<1x128x128xf32, #tpu.memory_space<vmem>>
          %dma_start3A_264 = tpu.memref_squeeze %dma_start3A_263 : memref<1x128x128xf32, #tpu.memory_space<vmem>> -> memref<128x128xf32, #tpu.memory_space<vmem>>
          %dma_start3A_265 = arith.constant 0 : i32
          %dma_start3A_266 = tpu.memref_slice %arg8[%dma_start3A_259, %dma_start3A_265] : memref<3x128xi32, #tpu.memory_space<vmem>> -> memref<1x128xi32, #tpu.memory_space<vmem>>
          %dma_start3A_267 = tpu.memref_squeeze %dma_start3A_266 : memref<1x128xi32, #tpu.memory_space<vmem>> -> memref<128xi32, #tpu.memory_space<vmem>>
          %dma_start3A_268 = arith.constant 0 : i32
          %dma_start3A_269 = arith.constant 0 : i32
          %dma_start3A_270 = tpu.memref_slice %arg3[%dma_start3A_268, %dma_start3A_269] : memref<10000x128xf32, #tpu.memory_space<hbm>> -> memref<10000x128xf32, #tpu.memory_space<hbm>>
          tpu.enqueue_indirect_dma source(%dma_start3A_270 : memref<10000x128xf32, #tpu.memory_space<hbm>>) target(%dma_start3A_264 : memref<128x128xf32, #tpu.memory_space<vmem>>) offsets(%dma_start3A_267 : memref<128xi32, #tpu.memory_space<vmem>>) semaphore(%arg12 : memref<!tpu.dma_semaphore, #tpu.memory_space<semaphore_mem>>)
        } else {
        }
      } else {
      }
      %eq3A_152 = arith.constant 2 : i32
      %eq3A_153 = arith.cmpi eq, %rem3A_144, %eq3A_152 : i32
      %convert_element_type3A_154 = arith.extui %eq3A_153 : i1 to i32
      %cond3A_155 = arith.constant 0 : i32
      %cond3A_156 = arith.cmpi ne, %convert_element_type3A_154, %cond3A_155 : i32
      scf.if %cond3A_156 {
        %dma_wait3A_157 = arith.constant 2 : i32
        %dma_wait3A_158 = arith.constant 0 : i32
        %dma_wait3A_159 = arith.constant 0 : i32
        %dma_wait3A_160 = tpu.memref_slice %arg9[%dma_wait3A_157, %dma_wait3A_158, %dma_wait3A_159] : memref<3x128x128xf32, #tpu.memory_space<vmem>> -> memref<1x128x128xf32, #tpu.memory_space<vmem>>
        %dma_wait3A_161 = tpu.memref_squeeze %dma_wait3A_160 : memref<1x128x128xf32, #tpu.memory_space<vmem>> -> memref<128x128xf32, #tpu.memory_space<vmem>>
        %dma_wait3A_162 = arith.constant 0 : i32
        %dma_wait3A_163 = arith.constant 0 : i32
        %dma_wait3A_164 = tpu.memref_slice %arg2[%dma_wait3A_162, %dma_wait3A_163] : memref<10000x128xf32, #tpu.memory_space<hbm>> -> memref<128x128xf32, #tpu.memory_space<hbm>>
        %dma_wait3A_165 = arith.constant 0 : i32
        %dma_wait3A_166 = arith.constant 0 : i32
        %dma_wait3A_167 = tpu.memref_slice %arg9[%dma_wait3A_157, %dma_wait3A_165, %dma_wait3A_166] : memref<3x128x128xf32, #tpu.memory_space<vmem>> -> memref<1x128x128xf32, #tpu.memory_space<vmem>>
        %dma_wait3A_168 = tpu.memref_squeeze %dma_wait3A_167 : memref<1x128x128xf32, #tpu.memory_space<vmem>> -> memref<128x128xf32, #tpu.memory_space<vmem>>
        %dma_wait3A_169 = arith.constant 0 : i32
        %dma_wait3A_170 = arith.constant 0 : i32
        %dma_wait3A_171 = tpu.memref_slice %arg2[%dma_wait3A_169, %dma_wait3A_170] : memref<10000x128xf32, #tpu.memory_space<hbm>> -> memref<128x128xf32, #tpu.memory_space<hbm>>
        tpu.wait_dma2 semaphore(%arg13 : memref<!tpu.dma_semaphore, #tpu.memory_space<semaphore_mem>>) src(%dma_wait3A_171 : memref<128x128xf32, #tpu.memory_space<hbm>>) dst(%dma_wait3A_168 : memref<128x128xf32, #tpu.memory_space<vmem>>)
        %dma_wait3A_172 = arith.constant 2 : i32
        %dma_wait3A_173 = arith.constant 0 : i32
        %dma_wait3A_174 = arith.constant 0 : i32
        %dma_wait3A_175 = tpu.memref_slice %arg10[%dma_wait3A_172, %dma_wait3A_173, %dma_wait3A_174] : memref<3x128x128xf32, #tpu.memory_space<vmem>> -> memref<1x128x128xf32, #tpu.memory_space<vmem>>
        %dma_wait3A_176 = tpu.memref_squeeze %dma_wait3A_175 : memref<1x128x128xf32, #tpu.memory_space<vmem>> -> memref<128x128xf32, #tpu.memory_space<vmem>>
        %dma_wait3A_177 = arith.constant 0 : i32
        %dma_wait3A_178 = arith.constant 0 : i32
        %dma_wait3A_179 = tpu.memref_slice %arg2[%dma_wait3A_177, %dma_wait3A_178] : memref<10000x128xf32, #tpu.memory_space<hbm>> -> memref<128x128xf32, #tpu.memory_space<hbm>>
        %dma_wait3A_180 = arith.constant 0 : i32
        %dma_wait3A_181 = arith.constant 0 : i32
        %dma_wait3A_182 = tpu.memref_slice %arg10[%dma_wait3A_172, %dma_wait3A_180, %dma_wait3A_181] : memref<3x128x128xf32, #tpu.memory_space<vmem>> -> memref<1x128x128xf32, #tpu.memory_space<vmem>>
        %dma_wait3A_183 = tpu.memref_squeeze %dma_wait3A_182 : memref<1x128x128xf32, #tpu.memory_space<vmem>> -> memref<128x128xf32, #tpu.memory_space<vmem>>
        %dma_wait3A_184 = arith.constant 0 : i32
        %dma_wait3A_185 = arith.constant 0 : i32
        %dma_wait3A_186 = tpu.memref_slice %arg2[%dma_wait3A_184, %dma_wait3A_185] : memref<10000x128xf32, #tpu.memory_space<hbm>> -> memref<128x128xf32, #tpu.memory_space<hbm>>
        tpu.wait_dma2 semaphore(%arg13 : memref<!tpu.dma_semaphore, #tpu.memory_space<semaphore_mem>>) src(%dma_wait3A_186 : memref<128x128xf32, #tpu.memory_space<hbm>>) dst(%dma_wait3A_183 : memref<128x128xf32, #tpu.memory_space<vmem>>)
        %scan3A_187 = arith.constant 0 : i32
        %scan3A_188 = arith.constant 0 : i32
        %scan3A_189 = arith.constant 128 : i32
        %scan3A_190 = arith.addi %scan3A_188, %scan3A_189 : i32
        %scan3A_191 = arith.constant 1 : i32
        scf.for %scan3A_221 = %scan3A_188 to %scan3A_190 step %scan3A_191  : i32 {
          %get3A = arith.constant 2 : i32
          %get3A_222 = arith.index_cast %get3A : i32 to index
          %get3A_223 = arith.index_cast %scan3A_221 : i32 to index
          %get3A_224 = arith.constant 0 : index
          %get3A_225 = tpu.vector_load %arg9[%get3A_222, %get3A_223, %get3A_224] {strides = array<i32>} : memref<3x128x128xf32, #tpu.memory_space<vmem>>, vector<1x1x16xf32>,
          %get3A_226 = vector.shape_cast %get3A_225 : vector<1x1x16xf32> to vector<16xf32>
          %get3A_227 = arith.constant 2 : i32
          %get3A_228 = arith.index_cast %get3A_227 : i32 to index
          %get3A_229 = arith.index_cast %scan3A_221 : i32 to index
          %get3A_230 = arith.constant 0 : index
          %get3A_231 = tpu.vector_load %arg10[%get3A_228, %get3A_229, %get3A_230] {strides = array<i32>} : memref<3x128x128xf32, #tpu.memory_space<vmem>>, vector<1x1x16xf32>,
          %get3A_232 = vector.shape_cast %get3A_231 : vector<1x1x16xf32> to vector<16xf32>
          %add3A_233 = arith.addf %get3A_226, %get3A_232 : vector<16xf32>
          %swap3A = arith.constant 2 : i32
          %swap3A_234 = arith.index_cast %swap3A : i32 to index
          %swap3A_235 = arith.index_cast %scan3A_221 : i32 to index
          %swap3A_236 = arith.constant 0 : index
          %swap3A_237 = tpu.vector_load %arg9[%swap3A_234, %swap3A_235, %swap3A_236] {strides = array<i32>} : memref<3x128x128xf32, #tpu.memory_space<vmem>>, vector<1x1x16xf32>,
          %swap3A_238 = vector.shape_cast %swap3A_237 : vector<1x1x16xf32> to vector<16xf32>
          %swap3A_239 = vector.shape_cast %add3A_233 : vector<16xf32> to vector<1x1x16xf32>
          tpu.vector_store %arg9[%swap3A_234, %swap3A_235, %swap3A_236], %swap3A_239 {strides = array<i32>} : memref<3x128x128xf32, #tpu.memory_space<vmem>>, vector<1x1x16xf32>,
          %get3A_240 = arith.constant 2 : i32
          %get3A_241 = arith.index_cast %get3A_240 : i32 to index
          %get3A_242 = arith.index_cast %scan3A_221 : i32 to index
          %get3A_243 = arith.constant 16 : index
          %get3A_244 = tpu.vector_load %arg9[%get3A_241, %get3A_242, %get3A_243] {strides = array<i32>} : memref<3x128x128xf32, #tpu.memory_space<vmem>>, vector<1x1x16xf32>,
          %get3A_245 = vector.shape_cast %get3A_244 : vector<1x1x16xf32> to vector<16xf32>
          %get3A_246 = arith.constant 2 : i32
          %get3A_247 = arith.index_cast %get3A_246 : i32 to index
          %get3A_248 = arith.index_cast %scan3A_221 : i32 to index
          %get3A_249 = arith.constant 16 : index
          %get3A_250 = tpu.vector_load %arg10[%get3A_247, %get3A_248, %get3A_249] {strides = array<i32>} : memref<3x128x128xf32, #tpu.memory_space<vmem>>, vector<1x1x16xf32>,
          %get3A_251 = vector.shape_cast %get3A_250 : vector<1x1x16xf32> to vector<16xf32>
          %add3A_252 = arith.addf %get3A_245, %get3A_251 : vector<16xf32>
          %swap3A_253 = arith.constant 2 : i32
          %swap3A_254 = arith.index_cast %swap3A_253 : i32 to index
          %swap3A_255 = arith.index_cast %scan3A_221 : i32 to index
          %swap3A_256 = arith.constant 16 : index
          %swap3A_257 = tpu.vector_load %arg9[%swap3A_254, %swap3A_255, %swap3A_256] {strides = array<i32>} : memref<3x128x128xf32, #tpu.memory_space<vmem>>, vector<1x1x16xf32>,
          %swap3A_258 = vector.shape_cast %swap3A_257 : vector<1x1x16xf32> to vector<16xf32>
          %swap3A_259 = vector.shape_cast %add3A_252 : vector<16xf32> to vector<1x1x16xf32>
          tpu.vector_store %arg9[%swap3A_254, %swap3A_255, %swap3A_256], %swap3A_259 {strides = array<i32>} : memref<3x128x128xf32, #tpu.memory_space<vmem>>, vector<1x1x16xf32>,
          %get3A_260 = arith.constant 2 : i32
          %get3A_261 = arith.index_cast %get3A_260 : i32 to index
          %get3A_262 = arith.index_cast %scan3A_221 : i32 to index
          %get3A_263 = arith.constant 32 : index
          %get3A_264 = tpu.vector_load %arg9[%get3A_261, %get3A_262, %get3A_263] {strides = array<i32>} : memref<3x128x128xf32, #tpu.memory_space<vmem>>, vector<1x1x16xf32>,
          %get3A_265 = vector.shape_cast %get3A_264 : vector<1x1x16xf32> to vector<16xf32>
          %get3A_266 = arith.constant 2 : i32
          %get3A_267 = arith.index_cast %get3A_266 : i32 to index
          %get3A_268 = arith.index_cast %scan3A_221 : i32 to index
          %get3A_269 = arith.constant 32 : index
          %get3A_270 = tpu.vector_load %arg10[%get3A_267, %get3A_268, %get3A_269] {strides = array<i32>} : memref<3x128x128xf32, #tpu.memory_space<vmem>>, vector<1x1x16xf32>,
          %get3A_271 = vector.shape_cast %get3A_270 : vector<1x1x16xf32> to vector<16xf32>
          %add3A_272 = arith.addf %get3A_265, %get3A_271 : vector<16xf32>
          %swap3A_273 = arith.constant 2 : i32
          %swap3A_274 = arith.index_cast %swap3A_273 : i32 to index
          %swap3A_275 = arith.index_cast %scan3A_221 : i32 to index
          %swap3A_276 = arith.constant 32 : index
          %swap3A_277 = tpu.vector_load %arg9[%swap3A_274, %swap3A_275, %swap3A_276] {strides = array<i32>} : memref<3x128x128xf32, #tpu.memory_space<vmem>>, vector<1x1x16xf32>,
          %swap3A_278 = vector.shape_cast %swap3A_277 : vector<1x1x16xf32> to vector<16xf32>
          %swap3A_279 = vector.shape_cast %add3A_272 : vector<16xf32> to vector<1x1x16xf32>
          tpu.vector_store %arg9[%swap3A_274, %swap3A_275, %swap3A_276], %swap3A_279 {strides = array<i32>} : memref<3x128x128xf32, #tpu.memory_space<vmem>>, vector<1x1x16xf32>,
          %get3A_280 = arith.constant 2 : i32
          %get3A_281 = arith.index_cast %get3A_280 : i32 to index
          %get3A_282 = arith.index_cast %scan3A_221 : i32 to index
          %get3A_283 = arith.constant 48 : index
          %get3A_284 = tpu.vector_load %arg9[%get3A_281, %get3A_282, %get3A_283] {strides = array<i32>} : memref<3x128x128xf32, #tpu.memory_space<vmem>>, vector<1x1x16xf32>,
          %get3A_285 = vector.shape_cast %get3A_284 : vector<1x1x16xf32> to vector<16xf32>
          %get3A_286 = arith.constant 2 : i32
          %get3A_287 = arith.index_cast %get3A_286 : i32 to index
          %get3A_288 = arith.index_cast %scan3A_221 : i32 to index
          %get3A_289 = arith.constant 48 : index
          %get3A_290 = tpu.vector_load %arg10[%get3A_287, %get3A_288, %get3A_289] {strides = array<i32>} : memref<3x128x128xf32, #tpu.memory_space<vmem>>, vector<1x1x16xf32>,
          %get3A_291 = vector.shape_cast %get3A_290 : vector<1x1x16xf32> to vector<16xf32>
          %add3A_292 = arith.addf %get3A_285, %get3A_291 : vector<16xf32>
          %swap3A_293 = arith.constant 2 : i32
          %swap3A_294 = arith.index_cast %swap3A_293 : i32 to index
          %swap3A_295 = arith.index_cast %scan3A_221 : i32 to index
          %swap3A_296 = arith.constant 48 : index
          %swap3A_297 = tpu.vector_load %arg9[%swap3A_294, %swap3A_295, %swap3A_296] {strides = array<i32>} : memref<3x128x128xf32, #tpu.memory_space<vmem>>, vector<1x1x16xf32>,
          %swap3A_298 = vector.shape_cast %swap3A_297 : vector<1x1x16xf32> to vector<16xf32>
          %swap3A_299 = vector.shape_cast %add3A_292 : vector<16xf32> to vector<1x1x16xf32>
          tpu.vector_store %arg9[%swap3A_294, %swap3A_295, %swap3A_296], %swap3A_299 {strides = array<i32>} : memref<3x128x128xf32, #tpu.memory_space<vmem>>, vector<1x1x16xf32>,
          %get3A_300 = arith.constant 2 : i32
          %get3A_301 = arith.index_cast %get3A_300 : i32 to index
          %get3A_302 = arith.index_cast %scan3A_221 : i32 to index
          %get3A_303 = arith.constant 64 : index
          %get3A_304 = tpu.vector_load %arg9[%get3A_301, %get3A_302, %get3A_303] {strides = array<i32>} : memref<3x128x128xf32, #tpu.memory_space<vmem>>, vector<1x1x16xf32>,
          %get3A_305 = vector.shape_cast %get3A_304 : vector<1x1x16xf32> to vector<16xf32>
          %get3A_306 = arith.constant 2 : i32
          %get3A_307 = arith.index_cast %get3A_306 : i32 to index
          %get3A_308 = arith.index_cast %scan3A_221 : i32 to index
          %get3A_309 = arith.constant 64 : index
          %get3A_310 = tpu.vector_load %arg10[%get3A_307, %get3A_308, %get3A_309] {strides = array<i32>} : memref<3x128x128xf32, #tpu.memory_space<vmem>>, vector<1x1x16xf32>,
          %get3A_311 = vector.shape_cast %get3A_310 : vector<1x1x16xf32> to vector<16xf32>
          %add3A_312 = arith.addf %get3A_305, %get3A_311 : vector<16xf32>
          %swap3A_313 = arith.constant 2 : i32
          %swap3A_314 = arith.index_cast %swap3A_313 : i32 to index
          %swap3A_315 = arith.index_cast %scan3A_221 : i32 to index
          %swap3A_316 = arith.constant 64 : index
          %swap3A_317 = tpu.vector_load %arg9[%swap3A_314, %swap3A_315, %swap3A_316] {strides = array<i32>} : memref<3x128x128xf32, #tpu.memory_space<vmem>>, vector<1x1x16xf32>,
          %swap3A_318 = vector.shape_cast %swap3A_317 : vector<1x1x16xf32> to vector<16xf32>
          %swap3A_319 = vector.shape_cast %add3A_312 : vector<16xf32> to vector<1x1x16xf32>
          tpu.vector_store %arg9[%swap3A_314, %swap3A_315, %swap3A_316], %swap3A_319 {strides = array<i32>} : memref<3x128x128xf32, #tpu.memory_space<vmem>>, vector<1x1x16xf32>,
          %get3A_320 = arith.constant 2 : i32
          %get3A_321 = arith.index_cast %get3A_320 : i32 to index
          %get3A_322 = arith.index_cast %scan3A_221 : i32 to index
          %get3A_323 = arith.constant 80 : index
          %get3A_324 = tpu.vector_load %arg9[%get3A_321, %get3A_322, %get3A_323] {strides = array<i32>} : memref<3x128x128xf32, #tpu.memory_space<vmem>>, vector<1x1x16xf32>,
          %get3A_325 = vector.shape_cast %get3A_324 : vector<1x1x16xf32> to vector<16xf32>
          %get3A_326 = arith.constant 2 : i32
          %get3A_327 = arith.index_cast %get3A_326 : i32 to index
          %get3A_328 = arith.index_cast %scan3A_221 : i32 to index
          %get3A_329 = arith.constant 80 : index
          %get3A_330 = tpu.vector_load %arg10[%get3A_327, %get3A_328, %get3A_329] {strides = array<i32>} : memref<3x128x128xf32, #tpu.memory_space<vmem>>, vector<1x1x16xf32>,
          %get3A_331 = vector.shape_cast %get3A_330 : vector<1x1x16xf32> to vector<16xf32>
          %add3A_332 = arith.addf %get3A_325, %get3A_331 : vector<16xf32>
          %swap3A_333 = arith.constant 2 : i32
          %swap3A_334 = arith.index_cast %swap3A_333 : i32 to index
          %swap3A_335 = arith.index_cast %scan3A_221 : i32 to index
          %swap3A_336 = arith.constant 80 : index
          %swap3A_337 = tpu.vector_load %arg9[%swap3A_334, %swap3A_335, %swap3A_336] {strides = array<i32>} : memref<3x128x128xf32, #tpu.memory_space<vmem>>, vector<1x1x16xf32>,
          %swap3A_338 = vector.shape_cast %swap3A_337 : vector<1x1x16xf32> to vector<16xf32>
          %swap3A_339 = vector.shape_cast %add3A_332 : vector<16xf32> to vector<1x1x16xf32>
          tpu.vector_store %arg9[%swap3A_334, %swap3A_335, %swap3A_336], %swap3A_339 {strides = array<i32>} : memref<3x128x128xf32, #tpu.memory_space<vmem>>, vector<1x1x16xf32>,
          %get3A_340 = arith.constant 2 : i32
          %get3A_341 = arith.index_cast %get3A_340 : i32 to index
          %get3A_342 = arith.index_cast %scan3A_221 : i32 to index
          %get3A_343 = arith.constant 96 : index
          %get3A_344 = tpu.vector_load %arg9[%get3A_341, %get3A_342, %get3A_343] {strides = array<i32>} : memref<3x128x128xf32, #tpu.memory_space<vmem>>, vector<1x1x16xf32>,
          %get3A_345 = vector.shape_cast %get3A_344 : vector<1x1x16xf32> to vector<16xf32>
          %get3A_346 = arith.constant 2 : i32
          %get3A_347 = arith.index_cast %get3A_346 : i32 to index
          %get3A_348 = arith.index_cast %scan3A_221 : i32 to index
          %get3A_349 = arith.constant 96 : index
          %get3A_350 = tpu.vector_load %arg10[%get3A_347, %get3A_348, %get3A_349] {strides = array<i32>} : memref<3x128x128xf32, #tpu.memory_space<vmem>>, vector<1x1x16xf32>,
          %get3A_351 = vector.shape_cast %get3A_350 : vector<1x1x16xf32> to vector<16xf32>
          %add3A_352 = arith.addf %get3A_345, %get3A_351 : vector<16xf32>
          %swap3A_353 = arith.constant 2 : i32
          %swap3A_354 = arith.index_cast %swap3A_353 : i32 to index
          %swap3A_355 = arith.index_cast %scan3A_221 : i32 to index
          %swap3A_356 = arith.constant 96 : index
          %swap3A_357 = tpu.vector_load %arg9[%swap3A_354, %swap3A_355, %swap3A_356] {strides = array<i32>} : memref<3x128x128xf32, #tpu.memory_space<vmem>>, vector<1x1x16xf32>,
          %swap3A_358 = vector.shape_cast %swap3A_357 : vector<1x1x16xf32> to vector<16xf32>
          %swap3A_359 = vector.shape_cast %add3A_352 : vector<16xf32> to vector<1x1x16xf32>
          tpu.vector_store %arg9[%swap3A_354, %swap3A_355, %swap3A_356], %swap3A_359 {strides = array<i32>} : memref<3x128x128xf32, #tpu.memory_space<vmem>>, vector<1x1x16xf32>,
          %get3A_360 = arith.constant 2 : i32
          %get3A_361 = arith.index_cast %get3A_360 : i32 to index
          %get3A_362 = arith.index_cast %scan3A_221 : i32 to index
          %get3A_363 = arith.constant 112 : index
          %get3A_364 = tpu.vector_load %arg9[%get3A_361, %get3A_362, %get3A_363] {strides = array<i32>} : memref<3x128x128xf32, #tpu.memory_space<vmem>>, vector<1x1x16xf32>,
          %get3A_365 = vector.shape_cast %get3A_364 : vector<1x1x16xf32> to vector<16xf32>
          %get3A_366 = arith.constant 2 : i32
          %get3A_367 = arith.index_cast %get3A_366 : i32 to index
          %get3A_368 = arith.index_cast %scan3A_221 : i32 to index
          %get3A_369 = arith.constant 112 : index
          %get3A_370 = tpu.vector_load %arg10[%get3A_367, %get3A_368, %get3A_369] {strides = array<i32>} : memref<3x128x128xf32, #tpu.memory_space<vmem>>, vector<1x1x16xf32>,
          %get3A_371 = vector.shape_cast %get3A_370 : vector<1x1x16xf32> to vector<16xf32>
          %add3A_372 = arith.addf %get3A_365, %get3A_371 : vector<16xf32>
          %swap3A_373 = arith.constant 2 : i32
          %swap3A_374 = arith.index_cast %swap3A_373 : i32 to index
          %swap3A_375 = arith.index_cast %scan3A_221 : i32 to index
          %swap3A_376 = arith.constant 112 : index
          %swap3A_377 = tpu.vector_load %arg9[%swap3A_374, %swap3A_375, %swap3A_376] {strides = array<i32>} : memref<3x128x128xf32, #tpu.memory_space<vmem>>, vector<1x1x16xf32>,
          %swap3A_378 = vector.shape_cast %swap3A_377 : vector<1x1x16xf32> to vector<16xf32>
          %swap3A_379 = vector.shape_cast %add3A_372 : vector<16xf32> to vector<1x1x16xf32>
          tpu.vector_store %arg9[%swap3A_374, %swap3A_375, %swap3A_376], %swap3A_379 {strides = array<i32>} : memref<3x128x128xf32, #tpu.memory_space<vmem>>, vector<1x1x16xf32>,
        }
        %scan3A_192 = arith.constant 128 : i32
        %mul3A_193 = arith.constant 32 : i32
        %mul3A_194 = arith.muli %scan3A_143, %mul3A_193 : i32
        %add3A_195 = arith.addi %add3A, %mul3A_194 : i32
        %min3A_196 = arith.constant 2499 : i32
        %min3A_197 = arith.minsi %add3A_195, %min3A_196 : i32
        %mul3A_198 = arith.constant 128 : i32
        %mul3A_199 = arith.muli %min3A_197, %mul3A_198 : i32
        %dma_start3A_200 = arith.constant 2 : i32
        %dma_start3A_201 = arith.constant 0 : i32
        %dma_start3A_202 = arith.constant 0 : i32
        %dma_start3A_203 = tpu.memref_slice %arg9[%dma_start3A_200, %dma_start3A_201, %dma_start3A_202] : memref<3x128x128xf32, #tpu.memory_space<vmem>> -> memref<1x128x128xf32, #tpu.memory_space<vmem>>
        %dma_start3A_204 = tpu.memref_squeeze %dma_start3A_203 : memref<1x128x128xf32, #tpu.memory_space<vmem>> -> memref<128x128xf32, #tpu.memory_space<vmem>>
        %dma_start3A_205 = arith.constant 0 : i32
        %dma_start3A_206 = tpu.memref_slice %arg6[%mul3A_199, %dma_start3A_205] : memref<320000x128xf32, #tpu.memory_space<hbm>> -> memref<128x128xf32, #tpu.memory_space<hbm>>
        %dma_start3A_207 = arith.constant 0 : i32
        %dma_start3A_208 = tpu.memref_slice %arg6[%mul3A_199, %dma_start3A_207] : memref<320000x128xf32, #tpu.memory_space<hbm>> -> memref<128x128xf32, #tpu.memory_space<hbm>>
        %dma_start3A_209 = arith.constant 0 : i32
        %dma_start3A_210 = arith.constant 0 : i32
        %dma_start3A_211 = tpu.memref_slice %arg9[%dma_start3A_200, %dma_start3A_209, %dma_start3A_210] : memref<3x128x128xf32, #tpu.memory_space<vmem>> -> memref<1x128x128xf32, #tpu.memory_space<vmem>>
        %dma_start3A_212 = tpu.memref_squeeze %dma_start3A_211 : memref<1x128x128xf32, #tpu.memory_space<vmem>> -> memref<128x128xf32, #tpu.memory_space<vmem>>
        tpu.enqueue_dma source(%dma_start3A_212 : memref<128x128xf32, #tpu.memory_space<vmem>>) target(%dma_start3A_208 : memref<128x128xf32, #tpu.memory_space<hbm>>) target_semaphore(%arg16 : memref<!tpu.dma_semaphore, #tpu.memory_space<semaphore_mem>>)
        %eq3A_213 = arith.constant 2 : i32
        %eq3A_214 = arith.cmpi eq, %rem3A_144, %eq3A_213 : i32
        %add3A_215 = arith.constant 3 : i32
        %add3A_216 = arith.addi %scan3A_143, %add3A_215 : i32
        %lt3A = arith.constant 79 : i32
        %lt3A_217 = arith.cmpi slt, %add3A_216, %lt3A : i32
        %and3A = arith.andi %eq3A_214, %lt3A_217 : i1
        %convert_element_type3A_218 = arith.extui %and3A : i1 to i32
        %cond3A_219 = arith.constant 0 : i32
        %cond3A_220 = arith.cmpi ne, %convert_element_type3A_218, %cond3A_219 : i32
        scf.if %cond3A_220 {
          %dma_wait3A_221 = arith.constant 2 : i32
          %dma_wait3A_222 = arith.constant 0 : i32
          %dma_wait3A_223 = arith.constant 0 : i32
          %dma_wait3A_224 = tpu.memref_slice %arg9[%dma_wait3A_221, %dma_wait3A_222, %dma_wait3A_223] : memref<3x128x128xf32, #tpu.memory_space<vmem>> -> memref<1x128x128xf32, #tpu.memory_space<vmem>>
          %dma_wait3A_225 = tpu.memref_squeeze %dma_wait3A_224 : memref<1x128x128xf32, #tpu.memory_space<vmem>> -> memref<128x128xf32, #tpu.memory_space<vmem>>
          %dma_wait3A_226 = arith.constant 0 : i32
          %dma_wait3A_227 = arith.constant 0 : i32
          %dma_wait3A_228 = tpu.memref_slice %arg6[%dma_wait3A_226, %dma_wait3A_227] : memref<320000x128xf32, #tpu.memory_space<hbm>> -> memref<128x128xf32, #tpu.memory_space<hbm>>
          %dma_wait3A_229 = arith.constant 0 : i32
          %dma_wait3A_230 = arith.constant 0 : i32
          %dma_wait3A_231 = tpu.memref_slice %arg6[%dma_wait3A_229, %dma_wait3A_230] : memref<320000x128xf32, #tpu.memory_space<hbm>> -> memref<128x128xf32, #tpu.memory_space<hbm>>
          %dma_wait3A_232 = arith.constant 0 : i32
          %dma_wait3A_233 = arith.constant 0 : i32
          %dma_wait3A_234 = tpu.memref_slice %arg9[%dma_wait3A_221, %dma_wait3A_232, %dma_wait3A_233] : memref<3x128x128xf32, #tpu.memory_space<vmem>> -> memref<1x128x128xf32, #tpu.memory_space<vmem>>
          %dma_wait3A_235 = tpu.memref_squeeze %dma_wait3A_234 : memref<1x128x128xf32, #tpu.memory_space<vmem>> -> memref<128x128xf32, #tpu.memory_space<vmem>>
          tpu.wait_dma2 semaphore(%arg16 : memref<!tpu.dma_semaphore, #tpu.memory_space<semaphore_mem>>) src(%dma_wait3A_235 : memref<128x128xf32, #tpu.memory_space<vmem>>) dst(%dma_wait3A_231 : memref<128x128xf32, #tpu.memory_space<hbm>>)
          %add3A_236 = arith.constant 3 : i32
          %add3A_237 = arith.addi %scan3A_143, %add3A_236 : i32
          %mul3A_238 = arith.constant 32 : i32
          %mul3A_239 = arith.muli %add3A_237, %mul3A_238 : i32
          %add3A_240 = arith.addi %add3A, %mul3A_239 : i32
          %min3A_241 = arith.constant 2499 : i32
          %min3A_242 = arith.minsi %add3A_240, %min3A_241 : i32
          %mul3A_243 = arith.constant 128 : i32
          %mul3A_244 = arith.muli %min3A_242, %mul3A_243 : i32
          %run_scoped3A_245 = arith.constant 2 : i32
          "tpu.region"() ({
            %run_scoped3A_271 = tpu.sem_alloc : memref<!tpu.dma_semaphore, #tpu.memory_space<semaphore_mem>>
            %dma_start3A_272 = arith.constant 0 : i32
            %dma_start3A_273 = tpu.memref_slice %arg7[%run_scoped3A_245, %dma_start3A_272] : memref<3x128xi32, #tpu.memory_space<vmem>> -> memref<1x128xi32, #tpu.memory_space<vmem>>
            %dma_start3A_274 = tpu.memref_squeeze %dma_start3A_273 : memref<1x128xi32, #tpu.memory_space<vmem>> -> memref<128xi32, #tpu.memory_space<vmem>>
            %dma_start3A_275 = tpu.memref_slice %arg5[%mul3A_244] : memref<320000xi32, #tpu.memory_space<hbm>> -> memref<128xi32, #tpu.memory_space<hbm>>
            %dma_start3A_276 = arith.constant 0 : i32
            %dma_start3A_277 = tpu.memref_slice %arg7[%run_scoped3A_245, %dma_start3A_276] : memref<3x128xi32, #tpu.memory_space<vmem>> -> memref<1x128xi32, #tpu.memory_space<vmem>>
            %dma_start3A_278 = tpu.memref_squeeze %dma_start3A_277 : memref<1x128xi32, #tpu.memory_space<vmem>> -> memref<128xi32, #tpu.memory_space<vmem>>
            %dma_start3A_279 = tpu.memref_slice %arg5[%mul3A_244] : memref<320000xi32, #tpu.memory_space<hbm>> -> memref<128xi32, #tpu.memory_space<hbm>>
            tpu.enqueue_dma source(%dma_start3A_279 : memref<128xi32, #tpu.memory_space<hbm>>) target(%dma_start3A_278 : memref<128xi32, #tpu.memory_space<vmem>>) target_semaphore(%run_scoped3A_271 : memref<!tpu.dma_semaphore, #tpu.memory_space<semaphore_mem>>)
            %dma_wait3A_280 = arith.constant 0 : i32
            %dma_wait3A_281 = tpu.memref_slice %arg7[%run_scoped3A_245, %dma_wait3A_280] : memref<3x128xi32, #tpu.memory_space<vmem>> -> memref<1x128xi32, #tpu.memory_space<vmem>>
            %dma_wait3A_282 = tpu.memref_squeeze %dma_wait3A_281 : memref<1x128xi32, #tpu.memory_space<vmem>> -> memref<128xi32, #tpu.memory_space<vmem>>
            %dma_wait3A_283 = tpu.memref_slice %arg5[%mul3A_244] : memref<320000xi32, #tpu.memory_space<hbm>> -> memref<128xi32, #tpu.memory_space<hbm>>
            %dma_wait3A_284 = arith.constant 0 : i32
            %dma_wait3A_285 = tpu.memref_slice %arg7[%run_scoped3A_245, %dma_wait3A_284] : memref<3x128xi32, #tpu.memory_space<vmem>> -> memref<1x128xi32, #tpu.memory_space<vmem>>
            %dma_wait3A_286 = tpu.memref_squeeze %dma_wait3A_285 : memref<1x128xi32, #tpu.memory_space<vmem>> -> memref<128xi32, #tpu.memory_space<vmem>>
            %dma_wait3A_287 = tpu.memref_slice %arg5[%mul3A_244] : memref<320000xi32, #tpu.memory_space<hbm>> -> memref<128xi32, #tpu.memory_space<hbm>>
            tpu.wait_dma2 semaphore(%run_scoped3A_271 : memref<!tpu.dma_semaphore, #tpu.memory_space<semaphore_mem>>) src(%dma_wait3A_287 : memref<128xi32, #tpu.memory_space<hbm>>) dst(%dma_wait3A_286 : memref<128xi32, #tpu.memory_space<vmem>>)
            tpu.yield
          }) : () -> ()
          %run_scoped3A_246 = arith.constant 2 : i32
          "tpu.region"() ({
            %run_scoped3A_271 = tpu.sem_alloc : memref<!tpu.dma_semaphore, #tpu.memory_space<semaphore_mem>>
            %dma_start3A_272 = arith.constant 0 : i32
            %dma_start3A_273 = tpu.memref_slice %arg8[%run_scoped3A_246, %dma_start3A_272] : memref<3x128xi32, #tpu.memory_space<vmem>> -> memref<1x128xi32, #tpu.memory_space<vmem>>
            %dma_start3A_274 = tpu.memref_squeeze %dma_start3A_273 : memref<1x128xi32, #tpu.memory_space<vmem>> -> memref<128xi32, #tpu.memory_space<vmem>>
            %dma_start3A_275 = tpu.memref_slice %arg4[%mul3A_244] : memref<320000xi32, #tpu.memory_space<hbm>> -> memref<128xi32, #tpu.memory_space<hbm>>
            %dma_start3A_276 = arith.constant 0 : i32
            %dma_start3A_277 = tpu.memref_slice %arg8[%run_scoped3A_246, %dma_start3A_276] : memref<3x128xi32, #tpu.memory_space<vmem>> -> memref<1x128xi32, #tpu.memory_space<vmem>>
            %dma_start3A_278 = tpu.memref_squeeze %dma_start3A_277 : memref<1x128xi32, #tpu.memory_space<vmem>> -> memref<128xi32, #tpu.memory_space<vmem>>
            %dma_start3A_279 = tpu.memref_slice %arg4[%mul3A_244] : memref<320000xi32, #tpu.memory_space<hbm>> -> memref<128xi32, #tpu.memory_space<hbm>>
            tpu.enqueue_dma source(%dma_start3A_279 : memref<128xi32, #tpu.memory_space<hbm>>) target(%dma_start3A_278 : memref<128xi32, #tpu.memory_space<vmem>>) target_semaphore(%run_scoped3A_271 : memref<!tpu.dma_semaphore, #tpu.memory_space<semaphore_mem>>)
            %dma_wait3A_280 = arith.constant 0 : i32
            %dma_wait3A_281 = tpu.memref_slice %arg8[%run_scoped3A_246, %dma_wait3A_280] : memref<3x128xi32, #tpu.memory_space<vmem>> -> memref<1x128xi32, #tpu.memory_space<vmem>>
            %dma_wait3A_282 = tpu.memref_squeeze %dma_wait3A_281 : memref<1x128xi32, #tpu.memory_space<vmem>> -> memref<128xi32, #tpu.memory_space<vmem>>
            %dma_wait3A_283 = tpu.memref_slice %arg4[%mul3A_244] : memref<320000xi32, #tpu.memory_space<hbm>> -> memref<128xi32, #tpu.memory_space<hbm>>
            %dma_wait3A_284 = arith.constant 0 : i32
            %dma_wait3A_285 = tpu.memref_slice %arg8[%run_scoped3A_246, %dma_wait3A_284] : memref<3x128xi32, #tpu.memory_space<vmem>> -> memref<1x128xi32, #tpu.memory_space<vmem>>
            %dma_wait3A_286 = tpu.memref_squeeze %dma_wait3A_285 : memref<1x128xi32, #tpu.memory_space<vmem>> -> memref<128xi32, #tpu.memory_space<vmem>>
            %dma_wait3A_287 = tpu.memref_slice %arg4[%mul3A_244] : memref<320000xi32, #tpu.memory_space<hbm>> -> memref<128xi32, #tpu.memory_space<hbm>>
            tpu.wait_dma2 semaphore(%run_scoped3A_271 : memref<!tpu.dma_semaphore, #tpu.memory_space<semaphore_mem>>) src(%dma_wait3A_287 : memref<128xi32, #tpu.memory_space<hbm>>) dst(%dma_wait3A_286 : memref<128xi32, #tpu.memory_space<vmem>>)
            tpu.yield
          }) : () -> ()
          %dma_start3A_247 = arith.constant 2 : i32
          %dma_start3A_248 = arith.constant 2 : i32
          %dma_start3A_249 = arith.constant 0 : i32
          %dma_start3A_250 = arith.constant 0 : i32
          %dma_start3A_251 = tpu.memref_slice %arg9[%dma_start3A_248, %dma_start3A_249, %dma_start3A_250] : memref<3x128x128xf32, #tpu.memory_space<vmem>> -> memref<1x128x128xf32, #tpu.memory_space<vmem>>
          %dma_start3A_252 = tpu.memref_squeeze %dma_start3A_251 : memref<1x128x128xf32, #tpu.memory_space<vmem>> -> memref<128x128xf32, #tpu.memory_space<vmem>>
          %dma_start3A_253 = arith.constant 0 : i32
          %dma_start3A_254 = tpu.memref_slice %arg7[%dma_start3A_247, %dma_start3A_253] : memref<3x128xi32, #tpu.memory_space<vmem>> -> memref<1x128xi32, #tpu.memory_space<vmem>>
          %dma_start3A_255 = tpu.memref_squeeze %dma_start3A_254 : memref<1x128xi32, #tpu.memory_space<vmem>> -> memref<128xi32, #tpu.memory_space<vmem>>
          %dma_start3A_256 = arith.constant 0 : i32
          %dma_start3A_257 = arith.constant 0 : i32
          %dma_start3A_258 = tpu.memref_slice %arg2[%dma_start3A_256, %dma_start3A_257] : memref<10000x128xf32, #tpu.memory_space<hbm>> -> memref<10000x128xf32, #tpu.memory_space<hbm>>
          tpu.enqueue_indirect_dma source(%dma_start3A_258 : memref<10000x128xf32, #tpu.memory_space<hbm>>) target(%dma_start3A_252 : memref<128x128xf32, #tpu.memory_space<vmem>>) offsets(%dma_start3A_255 : memref<128xi32, #tpu.memory_space<vmem>>) semaphore(%arg13 : memref<!tpu.dma_semaphore, #tpu.memory_space<semaphore_mem>>)
          %dma_start3A_259 = arith.constant 2 : i32
          %dma_start3A_260 = arith.constant 2 : i32
          %dma_start3A_261 = arith.constant 0 : i32
          %dma_start3A_262 = arith.constant 0 : i32
          %dma_start3A_263 = tpu.memref_slice %arg10[%dma_start3A_260, %dma_start3A_261, %dma_start3A_262] : memref<3x128x128xf32, #tpu.memory_space<vmem>> -> memref<1x128x128xf32, #tpu.memory_space<vmem>>
          %dma_start3A_264 = tpu.memref_squeeze %dma_start3A_263 : memref<1x128x128xf32, #tpu.memory_space<vmem>> -> memref<128x128xf32, #tpu.memory_space<vmem>>
          %dma_start3A_265 = arith.constant 0 : i32
          %dma_start3A_266 = tpu.memref_slice %arg8[%dma_start3A_259, %dma_start3A_265] : memref<3x128xi32, #tpu.memory_space<vmem>> -> memref<1x128xi32, #tpu.memory_space<vmem>>
          %dma_start3A_267 = tpu.memref_squeeze %dma_start3A_266 : memref<1x128xi32, #tpu.memory_space<vmem>> -> memref<128xi32, #tpu.memory_space<vmem>>
          %dma_start3A_268 = arith.constant 0 : i32
          %dma_start3A_269 = arith.constant 0 : i32
          %dma_start3A_270 = tpu.memref_slice %arg3[%dma_start3A_268, %dma_start3A_269] : memref<10000x128xf32, #tpu.memory_space<hbm>> -> memref<10000x128xf32, #tpu.memory_space<hbm>>
          tpu.enqueue_indirect_dma source(%dma_start3A_270 : memref<10000x128xf32, #tpu.memory_space<hbm>>) target(%dma_start3A_264 : memref<128x128xf32, #tpu.memory_space<vmem>>) offsets(%dma_start3A_267 : memref<128xi32, #tpu.memory_space<vmem>>) semaphore(%arg13 : memref<!tpu.dma_semaphore, #tpu.memory_space<semaphore_mem>>)
        } else {
        }
      } else {
      }
    }
    %scan3A_98 = arith.constant 79 : i32
    %dma_wait3A = arith.constant 0 : i32
    %dma_wait3A_99 = arith.constant 0 : i32
    %dma_wait3A_100 = arith.constant 0 : i32
    %dma_wait3A_101 = tpu.memref_slice %arg9[%dma_wait3A, %dma_wait3A_99, %dma_wait3A_100] : memref<3x128x128xf32, #tpu.memory_space<vmem>> -> memref<1x128x128xf32, #tpu.memory_space<vmem>>
    %dma_wait3A_102 = tpu.memref_squeeze %dma_wait3A_101 : memref<1x128x128xf32, #tpu.memory_space<vmem>> -> memref<128x128xf32, #tpu.memory_space<vmem>>
    %dma_wait3A_103 = arith.constant 0 : i32
    %dma_wait3A_104 = arith.constant 0 : i32
    %dma_wait3A_105 = tpu.memref_slice %arg6[%dma_wait3A_103, %dma_wait3A_104] : memref<320000x128xf32, #tpu.memory_space<hbm>> -> memref<128x128xf32, #tpu.memory_space<hbm>>
    %dma_wait3A_106 = arith.constant 0 : i32
    %dma_wait3A_107 = arith.constant 0 : i32
    %dma_wait3A_108 = tpu.memref_slice %arg6[%dma_wait3A_106, %dma_wait3A_107] : memref<320000x128xf32, #tpu.memory_space<hbm>> -> memref<128x128xf32, #tpu.memory_space<hbm>>
    %dma_wait3A_109 = arith.constant 0 : i32
    %dma_wait3A_110 = arith.constant 0 : i32
    %dma_wait3A_111 = tpu.memref_slice %arg9[%dma_wait3A, %dma_wait3A_109, %dma_wait3A_110] : memref<3x128x128xf32, #tpu.memory_space<vmem>> -> memref<1x128x128xf32, #tpu.memory_space<vmem>>
    %dma_wait3A_112 = tpu.memref_squeeze %dma_wait3A_111 : memref<1x128x128xf32, #tpu.memory_space<vmem>> -> memref<128x128xf32, #tpu.memory_space<vmem>>
    tpu.wait_dma2 semaphore(%arg14 : memref<!tpu.dma_semaphore, #tpu.memory_space<semaphore_mem>>) src(%dma_wait3A_112 : memref<128x128xf32, #tpu.memory_space<vmem>>) dst(%dma_wait3A_108 : memref<128x128xf32, #tpu.memory_space<hbm>>)
    %dma_wait3A_113 = arith.constant 1 : i32
    %dma_wait3A_114 = arith.constant 0 : i32
    %dma_wait3A_115 = arith.constant 0 : i32
    %dma_wait3A_116 = tpu.memref_slice %arg9[%dma_wait3A_113, %dma_wait3A_114, %dma_wait3A_115] : memref<3x128x128xf32, #tpu.memory_space<vmem>> -> memref<1x128x128xf32, #tpu.memory_space<vmem>>
    %dma_wait3A_117 = tpu.memref_squeeze %dma_wait3A_116 : memref<1x128x128xf32, #tpu.memory_space<vmem>> -> memref<128x128xf32, #tpu.memory_space<vmem>>
    %dma_wait3A_118 = arith.constant 0 : i32
    %dma_wait3A_119 = arith.constant 0 : i32
    %dma_wait3A_120 = tpu.memref_slice %arg6[%dma_wait3A_118, %dma_wait3A_119] : memref<320000x128xf32, #tpu.memory_space<hbm>> -> memref<128x128xf32, #tpu.memory_space<hbm>>
    %dma_wait3A_121 = arith.constant 0 : i32
    %dma_wait3A_122 = arith.constant 0 : i32
    %dma_wait3A_123 = tpu.memref_slice %arg6[%dma_wait3A_121, %dma_wait3A_122] : memref<320000x128xf32, #tpu.memory_space<hbm>> -> memref<128x128xf32, #tpu.memory_space<hbm>>
    %dma_wait3A_124 = arith.constant 0 : i32
    %dma_wait3A_125 = arith.constant 0 : i32
    %dma_wait3A_126 = tpu.memref_slice %arg9[%dma_wait3A_113, %dma_wait3A_124, %dma_wait3A_125] : memref<3x128x128xf32, #tpu.memory_space<vmem>> -> memref<1x128x128xf32, #tpu.memory_space<vmem>>
    %dma_wait3A_127 = tpu.memref_squeeze %dma_wait3A_126 : memref<1x128x128xf32, #tpu.memory_space<vmem>> -> memref<128x128xf32, #tpu.memory_space<vmem>>
    tpu.wait_dma2 semaphore(%arg15 : memref<!tpu.dma_semaphore, #tpu.memory_space<semaphore_mem>>) src(%dma_wait3A_127 : memref<128x128xf32, #tpu.memory_space<vmem>>) dst(%dma_wait3A_123 : memref<128x128xf32, #tpu.memory_space<hbm>>)
    %dma_wait3A_128 = arith.constant 2 : i32
    %dma_wait3A_129 = arith.constant 0 : i32
    %dma_wait3A_130 = arith.constant 0 : i32
    %dma_wait3A_131 = tpu.memref_slice %arg9[%dma_wait3A_128, %dma_wait3A_129, %dma_wait3A_130] : memref<3x128x128xf32, #tpu.memory_space<vmem>> -> memref<1x128x128xf32, #tpu.memory_space<vmem>>
    %dma_wait3A_132 = tpu.memref_squeeze %dma_wait3A_131 : memref<1x128x128xf32, #tpu.memory_space<vmem>> -> memref<128x128xf32, #tpu.memory_space<vmem>>
    %dma_wait3A_133 = arith.constant 0 : i32
    %dma_wait3A_134 = arith.constant 0 : i32
    %dma_wait3A_135 = tpu.memref_slice %arg6[%dma_wait3A_133, %dma_wait3A_134] : memref<320000x128xf32, #tpu.memory_space<hbm>> -> memref<128x128xf32, #tpu.memory_space<hbm>>
    %dma_wait3A_136 = arith.constant 0 : i32
    %dma_wait3A_137 = arith.constant 0 : i32
    %dma_wait3A_138 = tpu.memref_slice %arg6[%dma_wait3A_136, %dma_wait3A_137] : memref<320000x128xf32, #tpu.memory_space<hbm>> -> memref<128x128xf32, #tpu.memory_space<hbm>>
    %dma_wait3A_139 = arith.constant 0 : i32
    %dma_wait3A_140 = arith.constant 0 : i32
    %dma_wait3A_141 = tpu.memref_slice %arg9[%dma_wait3A_128, %dma_wait3A_139, %dma_wait3A_140] : memref<3x128x128xf32, #tpu.memory_space<vmem>> -> memref<1x128x128xf32, #tpu.memory_space<vmem>>
    %dma_wait3A_142 = tpu.memref_squeeze %dma_wait3A_141 : memref<1x128x128xf32, #tpu.memory_space<vmem>> -> memref<128x128xf32, #tpu.memory_space<vmem>>
    tpu.wait_dma2 semaphore(%arg16 : memref<!tpu.dma_semaphore, #tpu.memory_space<semaphore_mem>>) src(%dma_wait3A_142 : memref<128x128xf32, #tpu.memory_space<vmem>>) dst(%dma_wait3A_138 : memref<128x128xf32, #tpu.memory_space<hbm>>)
    return
  }
}

#map = affine_map<(d0, d1) -> (0, 0)>
#map1 = affine_map<(d0, d1) -> (0)>
#map2 = affine_map<(d0, d1) -> (0, 0, 0)>
module attributes {stable_mosaic.version = 14 : i64} {
  func.func @k(%arg0: i32, %arg1: i32, %arg2: memref<10000x128xf32, #tpu.memory_space<hbm>>, %arg3: memref<320000x128xf32, #tpu.memory_space<hbm>>, %arg4: memref<320000xi32, #tpu.memory_space<hbm>>, %arg5: memref<320000xi32, #tpu.memory_space<hbm>>, %arg6: memref<2x10240x64xf32, #tpu.memory_space<hbm>>, %arg7: memref<2x10240x16xf32, #tpu.memory_space<hbm>>, %arg8: memref<2x80xi32, #tpu.memory_space<vmem>>, %arg9: memref<2x80xi32, #tpu.memory_space<vmem>>, %arg10: memref<2x80x128xf32, #tpu.memory_space<vmem>>, %arg11: memref<2x80x64xf32, #tpu.memory_space<vmem>>, %arg12: memref<2x80x128xf32, #tpu.memory_space<vmem>>, %arg13: memref<2x80x16xf32, #tpu.memory_space<vmem>>, %arg14: memref<128x64xf32, #tpu.memory_space<vmem>>, %arg15: memref<640x16xf32, #tpu.memory_space<vmem>>, %arg16: memref<10240x64xf32, #tpu.memory_space<vmem_shared>>, %arg17: memref<10240x16xf32, #tpu.memory_space<vmem_shared>>, %arg18: memref<!tpu.dma_semaphore, #tpu.memory_space<semaphore_mem>>, %arg19: memref<!tpu.dma_semaphore, #tpu.memory_space<semaphore_mem>>, %arg20: memref<!tpu.dma_semaphore, #tpu.memory_space<semaphore_mem>>, %arg21: memref<!tpu.dma_semaphore, #tpu.memory_space<semaphore_mem>>) attributes {dimension_semantics = [#tpu.dimension_semantics<core_parallel>, #tpu.dimension_semantics<subcore_parallel>], iteration_bounds = array<i64: 2, 16>, scalar_prefetch = 0 : i64, scratch_operands = 14 : i64, tpu.core_type = #tpu.core_type<sc_vector_subcore>, window_params = [{transform_indices = #map}, {transform_indices = #map}, {transform_indices = #map1}, {transform_indices = #map1}, {transform_indices = #map2}, {transform_indices = #map2}]} {
    %broadcast_in_dim3A = arith.constant 0.000000e+00 : f32
    %broadcast_in_dim3A_0 = vector.broadcast %broadcast_in_dim3A : f32 to vector<16xf32>
    %scan3A = arith.constant 0 : i32
    %scan3A_1 = arith.constant 0 : i32
    %scan3A_2 = arith.constant 128 : i32
    %scan3A_3 = arith.addi %scan3A_1, %scan3A_2 : i32
    %scan3A_4 = arith.constant 1 : i32
    scf.for %scan3A_73 = %scan3A_1 to %scan3A_3 step %scan3A_4  : i32 {
      %swap3A = arith.index_cast %scan3A_73 : i32 to index
      %swap3A_74 = arith.constant 0 : index
      %swap3A_75 = tpu.vector_load %arg14[%swap3A, %swap3A_74] {strides = array<i32>} : memref<128x64xf32, #tpu.memory_space<vmem>>, vector<1x16xf32>,
      %swap3A_76 = vector.shape_cast %swap3A_75 : vector<1x16xf32> to vector<16xf32>
      %swap3A_77 = vector.shape_cast %broadcast_in_dim3A_0 : vector<16xf32> to vector<1x16xf32>
      tpu.vector_store %arg14[%swap3A, %swap3A_74], %swap3A_77 {strides = array<i32>} : memref<128x64xf32, #tpu.memory_space<vmem>>, vector<1x16xf32>,
      %swap3A_78 = arith.index_cast %scan3A_73 : i32 to index
      %swap3A_79 = arith.constant 16 : index
      %swap3A_80 = tpu.vector_load %arg14[%swap3A_78, %swap3A_79] {strides = array<i32>} : memref<128x64xf32, #tpu.memory_space<vmem>>, vector<1x16xf32>,
      %swap3A_81 = vector.shape_cast %swap3A_80 : vector<1x16xf32> to vector<16xf32>
      %swap3A_82 = vector.shape_cast %broadcast_in_dim3A_0 : vector<16xf32> to vector<1x16xf32>
      tpu.vector_store %arg14[%swap3A_78, %swap3A_79], %swap3A_82 {strides = array<i32>} : memref<128x64xf32, #tpu.memory_space<vmem>>, vector<1x16xf32>,
      %swap3A_83 = arith.index_cast %scan3A_73 : i32 to index
      %swap3A_84 = arith.constant 32 : index
      %swap3A_85 = tpu.vector_load %arg14[%swap3A_83, %swap3A_84] {strides = array<i32>} : memref<128x64xf32, #tpu.memory_space<vmem>>, vector<1x16xf32>,
      %swap3A_86 = vector.shape_cast %swap3A_85 : vector<1x16xf32> to vector<16xf32>
      %swap3A_87 = vector.shape_cast %broadcast_in_dim3A_0 : vector<16xf32> to vector<1x16xf32>
      tpu.vector_store %arg14[%swap3A_83, %swap3A_84], %swap3A_87 {strides = array<i32>} : memref<128x64xf32, #tpu.memory_space<vmem>>, vector<1x16xf32>,
      %swap3A_88 = arith.index_cast %scan3A_73 : i32 to index
      %swap3A_89 = arith.constant 48 : index
      %swap3A_90 = tpu.vector_load %arg14[%swap3A_88, %swap3A_89] {strides = array<i32>} : memref<128x64xf32, #tpu.memory_space<vmem>>, vector<1x16xf32>,
      %swap3A_91 = vector.shape_cast %swap3A_90 : vector<1x16xf32> to vector<16xf32>
      %swap3A_92 = vector.shape_cast %broadcast_in_dim3A_0 : vector<16xf32> to vector<1x16xf32>
      tpu.vector_store %arg14[%swap3A_88, %swap3A_89], %swap3A_92 {strides = array<i32>} : memref<128x64xf32, #tpu.memory_space<vmem>>, vector<1x16xf32>,
    }
    %scan3A_5 = arith.constant 128 : i32
    %scan3A_6 = arith.constant 0 : i32
    %scan3A_7 = arith.constant 0 : i32
    %scan3A_8 = arith.constant 640 : i32
    %scan3A_9 = arith.addi %scan3A_7, %scan3A_8 : i32
    %scan3A_10 = arith.constant 1 : i32
    scf.for %scan3A_73 = %scan3A_7 to %scan3A_9 step %scan3A_10  : i32 {
      %swap3A = arith.index_cast %scan3A_73 : i32 to index
      %swap3A_74 = arith.constant 0 : index
      %swap3A_75 = tpu.vector_load %arg15[%swap3A, %swap3A_74] {strides = array<i32>} : memref<640x16xf32, #tpu.memory_space<vmem>>, vector<1x16xf32>,
      %swap3A_76 = vector.shape_cast %swap3A_75 : vector<1x16xf32> to vector<16xf32>
      %swap3A_77 = vector.shape_cast %broadcast_in_dim3A_0 : vector<16xf32> to vector<1x16xf32>
      tpu.vector_store %arg15[%swap3A, %swap3A_74], %swap3A_77 {strides = array<i32>} : memref<640x16xf32, #tpu.memory_space<vmem>>, vector<1x16xf32>,
    }
    %scan3A_11 = arith.constant 640 : i32
    %mul3A = arith.constant 640 : i32
    %mul3A_12 = arith.muli %arg1, %mul3A : i32
    %add3A = arith.constant 0 : i32
    %add3A_13 = arith.addi %mul3A_12, %add3A : i32
    "tpu.region"() ({
      %run_scoped3A = tpu.sem_alloc : memref<!tpu.dma_semaphore, #tpu.memory_space<semaphore_mem>>
      %dma_start3A = arith.constant 0 : i32
      %dma_start3A_73 = tpu.memref_slice %arg16[%add3A_13, %dma_start3A] : memref<10240x64xf32, #tpu.memory_space<vmem_shared>> -> memref<128x64xf32, #tpu.memory_space<vmem_shared>>
      %dma_start3A_74 = arith.constant 0 : i32
      %dma_start3A_75 = tpu.memref_slice %arg16[%add3A_13, %dma_start3A_74] : memref<10240x64xf32, #tpu.memory_space<vmem_shared>> -> memref<128x64xf32, #tpu.memory_space<vmem_shared>>
      tpu.enqueue_dma source(%arg14 : memref<128x64xf32, #tpu.memory_space<vmem>>) target(%dma_start3A_75 : memref<128x64xf32, #tpu.memory_space<vmem_shared>>) target_semaphore(%run_scoped3A : memref<!tpu.dma_semaphore, #tpu.memory_space<semaphore_mem>>)
      %dma_wait3A = arith.constant 0 : i32
      %dma_wait3A_76 = tpu.memref_slice %arg16[%add3A_13, %dma_wait3A] : memref<10240x64xf32, #tpu.memory_space<vmem_shared>> -> memref<128x64xf32, #tpu.memory_space<vmem_shared>>
      %dma_wait3A_77 = arith.constant 0 : i32
      %dma_wait3A_78 = tpu.memref_slice %arg16[%add3A_13, %dma_wait3A_77] : memref<10240x64xf32, #tpu.memory_space<vmem_shared>> -> memref<128x64xf32, #tpu.memory_space<vmem_shared>>
      tpu.wait_dma2 semaphore(%run_scoped3A : memref<!tpu.dma_semaphore, #tpu.memory_space<semaphore_mem>>) src(%arg14 : memref<128x64xf32, #tpu.memory_space<vmem>>) dst(%dma_wait3A_78 : memref<128x64xf32, #tpu.memory_space<vmem_shared>>)
      tpu.yield
    }) : () -> ()
    %mul3A_14 = arith.constant 640 : i32
    %mul3A_15 = arith.muli %arg1, %mul3A_14 : i32
    %add3A_16 = arith.constant 128 : i32
    %add3A_17 = arith.addi %mul3A_15, %add3A_16 : i32
    "tpu.region"() ({
      %run_scoped3A = tpu.sem_alloc : memref<!tpu.dma_semaphore, #tpu.memory_space<semaphore_mem>>
      %dma_start3A = arith.constant 0 : i32
      %dma_start3A_73 = tpu.memref_slice %arg16[%add3A_17, %dma_start3A] : memref<10240x64xf32, #tpu.memory_space<vmem_shared>> -> memref<128x64xf32, #tpu.memory_space<vmem_shared>>
      %dma_start3A_74 = arith.constant 0 : i32
      %dma_start3A_75 = tpu.memref_slice %arg16[%add3A_17, %dma_start3A_74] : memref<10240x64xf32, #tpu.memory_space<vmem_shared>> -> memref<128x64xf32, #tpu.memory_space<vmem_shared>>
      tpu.enqueue_dma source(%arg14 : memref<128x64xf32, #tpu.memory_space<vmem>>) target(%dma_start3A_75 : memref<128x64xf32, #tpu.memory_space<vmem_shared>>) target_semaphore(%run_scoped3A : memref<!tpu.dma_semaphore, #tpu.memory_space<semaphore_mem>>)
      %dma_wait3A = arith.constant 0 : i32
      %dma_wait3A_76 = tpu.memref_slice %arg16[%add3A_17, %dma_wait3A] : memref<10240x64xf32, #tpu.memory_space<vmem_shared>> -> memref<128x64xf32, #tpu.memory_space<vmem_shared>>
      %dma_wait3A_77 = arith.constant 0 : i32
      %dma_wait3A_78 = tpu.memref_slice %arg16[%add3A_17, %dma_wait3A_77] : memref<10240x64xf32, #tpu.memory_space<vmem_shared>> -> memref<128x64xf32, #tpu.memory_space<vmem_shared>>
      tpu.wait_dma2 semaphore(%run_scoped3A : memref<!tpu.dma_semaphore, #tpu.memory_space<semaphore_mem>>) src(%arg14 : memref<128x64xf32, #tpu.memory_space<vmem>>) dst(%dma_wait3A_78 : memref<128x64xf32, #tpu.memory_space<vmem_shared>>)
      tpu.yield
    }) : () -> ()
    %mul3A_18 = arith.constant 640 : i32
    %mul3A_19 = arith.muli %arg1, %mul3A_18 : i32
    %add3A_20 = arith.constant 256 : i32
    %add3A_21 = arith.addi %mul3A_19, %add3A_20 : i32
    "tpu.region"() ({
      %run_scoped3A = tpu.sem_alloc : memref<!tpu.dma_semaphore, #tpu.memory_space<semaphore_mem>>
      %dma_start3A = arith.constant 0 : i32
      %dma_start3A_73 = tpu.memref_slice %arg16[%add3A_21, %dma_start3A] : memref<10240x64xf32, #tpu.memory_space<vmem_shared>> -> memref<128x64xf32, #tpu.memory_space<vmem_shared>>
      %dma_start3A_74 = arith.constant 0 : i32
      %dma_start3A_75 = tpu.memref_slice %arg16[%add3A_21, %dma_start3A_74] : memref<10240x64xf32, #tpu.memory_space<vmem_shared>> -> memref<128x64xf32, #tpu.memory_space<vmem_shared>>
      tpu.enqueue_dma source(%arg14 : memref<128x64xf32, #tpu.memory_space<vmem>>) target(%dma_start3A_75 : memref<128x64xf32, #tpu.memory_space<vmem_shared>>) target_semaphore(%run_scoped3A : memref<!tpu.dma_semaphore, #tpu.memory_space<semaphore_mem>>)
      %dma_wait3A = arith.constant 0 : i32
      %dma_wait3A_76 = tpu.memref_slice %arg16[%add3A_21, %dma_wait3A] : memref<10240x64xf32, #tpu.memory_space<vmem_shared>> -> memref<128x64xf32, #tpu.memory_space<vmem_shared>>
      %dma_wait3A_77 = arith.constant 0 : i32
      %dma_wait3A_78 = tpu.memref_slice %arg16[%add3A_21, %dma_wait3A_77] : memref<10240x64xf32, #tpu.memory_space<vmem_shared>> -> memref<128x64xf32, #tpu.memory_space<vmem_shared>>
      tpu.wait_dma2 semaphore(%run_scoped3A : memref<!tpu.dma_semaphore, #tpu.memory_space<semaphore_mem>>) src(%arg14 : memref<128x64xf32, #tpu.memory_space<vmem>>) dst(%dma_wait3A_78 : memref<128x64xf32, #tpu.memory_space<vmem_shared>>)
      tpu.yield
    }) : () -> ()
    %mul3A_22 = arith.constant 640 : i32
    %mul3A_23 = arith.muli %arg1, %mul3A_22 : i32
    %add3A_24 = arith.constant 384 : i32
    %add3A_25 = arith.addi %mul3A_23, %add3A_24 : i32
    "tpu.region"() ({
      %run_scoped3A = tpu.sem_alloc : memref<!tpu.dma_semaphore, #tpu.memory_space<semaphore_mem>>
      %dma_start3A = arith.constant 0 : i32
      %dma_start3A_73 = tpu.memref_slice %arg16[%add3A_25, %dma_start3A] : memref<10240x64xf32, #tpu.memory_space<vmem_shared>> -> memref<128x64xf32, #tpu.memory_space<vmem_shared>>
      %dma_start3A_74 = arith.constant 0 : i32
      %dma_start3A_75 = tpu.memref_slice %arg16[%add3A_25, %dma_start3A_74] : memref<10240x64xf32, #tpu.memory_space<vmem_shared>> -> memref<128x64xf32, #tpu.memory_space<vmem_shared>>
      tpu.enqueue_dma source(%arg14 : memref<128x64xf32, #tpu.memory_space<vmem>>) target(%dma_start3A_75 : memref<128x64xf32, #tpu.memory_space<vmem_shared>>) target_semaphore(%run_scoped3A : memref<!tpu.dma_semaphore, #tpu.memory_space<semaphore_mem>>)
      %dma_wait3A = arith.constant 0 : i32
      %dma_wait3A_76 = tpu.memref_slice %arg16[%add3A_25, %dma_wait3A] : memref<10240x64xf32, #tpu.memory_space<vmem_shared>> -> memref<128x64xf32, #tpu.memory_space<vmem_shared>>
      %dma_wait3A_77 = arith.constant 0 : i32
      %dma_wait3A_78 = tpu.memref_slice %arg16[%add3A_25, %dma_wait3A_77] : memref<10240x64xf32, #tpu.memory_space<vmem_shared>> -> memref<128x64xf32, #tpu.memory_space<vmem_shared>>
      tpu.wait_dma2 semaphore(%run_scoped3A : memref<!tpu.dma_semaphore, #tpu.memory_space<semaphore_mem>>) src(%arg14 : memref<128x64xf32, #tpu.memory_space<vmem>>) dst(%dma_wait3A_78 : memref<128x64xf32, #tpu.memory_space<vmem_shared>>)
      tpu.yield
    }) : () -> ()
    %mul3A_26 = arith.constant 640 : i32
    %mul3A_27 = arith.muli %arg1, %mul3A_26 : i32
    %add3A_28 = arith.constant 512 : i32
    %add3A_29 = arith.addi %mul3A_27, %add3A_28 : i32
    "tpu.region"() ({
      %run_scoped3A = tpu.sem_alloc : memref<!tpu.dma_semaphore, #tpu.memory_space<semaphore_mem>>
      %dma_start3A = arith.constant 0 : i32
      %dma_start3A_73 = tpu.memref_slice %arg16[%add3A_29, %dma_start3A] : memref<10240x64xf32, #tpu.memory_space<vmem_shared>> -> memref<128x64xf32, #tpu.memory_space<vmem_shared>>
      %dma_start3A_74 = arith.constant 0 : i32
      %dma_start3A_75 = tpu.memref_slice %arg16[%add3A_29, %dma_start3A_74] : memref<10240x64xf32, #tpu.memory_space<vmem_shared>> -> memref<128x64xf32, #tpu.memory_space<vmem_shared>>
      tpu.enqueue_dma source(%arg14 : memref<128x64xf32, #tpu.memory_space<vmem>>) target(%dma_start3A_75 : memref<128x64xf32, #tpu.memory_space<vmem_shared>>) target_semaphore(%run_scoped3A : memref<!tpu.dma_semaphore, #tpu.memory_space<semaphore_mem>>)
      %dma_wait3A = arith.constant 0 : i32
      %dma_wait3A_76 = tpu.memref_slice %arg16[%add3A_29, %dma_wait3A] : memref<10240x64xf32, #tpu.memory_space<vmem_shared>> -> memref<128x64xf32, #tpu.memory_space<vmem_shared>>
      %dma_wait3A_77 = arith.constant 0 : i32
      %dma_wait3A_78 = tpu.memref_slice %arg16[%add3A_29, %dma_wait3A_77] : memref<10240x64xf32, #tpu.memory_space<vmem_shared>> -> memref<128x64xf32, #tpu.memory_space<vmem_shared>>
      tpu.wait_dma2 semaphore(%run_scoped3A : memref<!tpu.dma_semaphore, #tpu.memory_space<semaphore_mem>>) src(%arg14 : memref<128x64xf32, #tpu.memory_space<vmem>>) dst(%dma_wait3A_78 : memref<128x64xf32, #tpu.memory_space<vmem_shared>>)
      tpu.yield
    }) : () -> ()
    %mul3A_30 = arith.constant 640 : i32
    %mul3A_31 = arith.muli %arg1, %mul3A_30 : i32
    "tpu.region"() ({
      %run_scoped3A = tpu.sem_alloc : memref<!tpu.dma_semaphore, #tpu.memory_space<semaphore_mem>>
      %dma_start3A = arith.constant 0 : i32
      %dma_start3A_73 = tpu.memref_slice %arg17[%mul3A_31, %dma_start3A] : memref<10240x16xf32, #tpu.memory_space<vmem_shared>> -> memref<640x16xf32, #tpu.memory_space<vmem_shared>>
      %dma_start3A_74 = arith.constant 0 : i32
      %dma_start3A_75 = tpu.memref_slice %arg17[%mul3A_31, %dma_start3A_74] : memref<10240x16xf32, #tpu.memory_space<vmem_shared>> -> memref<640x16xf32, #tpu.memory_space<vmem_shared>>
      tpu.enqueue_dma source(%arg15 : memref<640x16xf32, #tpu.memory_space<vmem>>) target(%dma_start3A_75 : memref<640x16xf32, #tpu.memory_space<vmem_shared>>) target_semaphore(%run_scoped3A : memref<!tpu.dma_semaphore, #tpu.memory_space<semaphore_mem>>)
      %dma_wait3A = arith.constant 0 : i32
      %dma_wait3A_76 = tpu.memref_slice %arg17[%mul3A_31, %dma_wait3A] : memref<10240x16xf32, #tpu.memory_space<vmem_shared>> -> memref<640x16xf32, #tpu.memory_space<vmem_shared>>
      %dma_wait3A_77 = arith.constant 0 : i32
      %dma_wait3A_78 = tpu.memref_slice %arg17[%mul3A_31, %dma_wait3A_77] : memref<10240x16xf32, #tpu.memory_space<vmem_shared>> -> memref<640x16xf32, #tpu.memory_space<vmem_shared>>
      tpu.wait_dma2 semaphore(%run_scoped3A : memref<!tpu.dma_semaphore, #tpu.memory_space<semaphore_mem>>) src(%arg15 : memref<640x16xf32, #tpu.memory_space<vmem>>) dst(%dma_wait3A_78 : memref<640x16xf32, #tpu.memory_space<vmem_shared>>)
      tpu.yield
    }) : () -> ()
    %barrier3A = arith.constant 0 : index
    tpu.barrier barrier_id(%barrier3A)
    %mul3A_32 = arith.constant 4 : i32
    %mul3A_33 = arith.muli %mul3A_32, %arg0 : i32
    %lt3A = arith.constant 0 : i32
    %lt3A_34 = arith.cmpi slt, %arg1, %lt3A : i32
    %jit3A = arith.constant 1 : i32
    %jit3A_35 = arith.constant 0 : i32
    %select_n3A = arith.select %lt3A_34, %jit3A, %jit3A_35 : i32
    %add3A_36 = arith.constant 250 : i32
    %add3A_37 = arith.addi %add3A_36, %select_n3A : i32
    %gt3A = arith.constant 0 : i32
    %gt3A_38 = arith.cmpi sgt, %add3A_37, %gt3A : i32
    %convert_element_type3A = arith.extui %gt3A_38 : i1 to i32
    %cond3A = arith.constant 0 : i32
    %cond3A_39 = arith.cmpi ne, %convert_element_type3A, %cond3A : i32
    scf.if %cond3A_39 {
      %add3A_73 = arith.constant 0 : i32
      %add3A_74 = arith.addi %arg1, %add3A_73 : i32
      %mul3A_75 = arith.constant 80 : i32
      %mul3A_76 = arith.muli %add3A_74, %mul3A_75 : i32
      %run_scoped3A = arith.constant 0 : i32
      "tpu.region"() ({
        %run_scoped3A_102 = tpu.sem_alloc : memref<!tpu.dma_semaphore, #tpu.memory_space<semaphore_mem>>
        %dma_start3A_103 = arith.constant 0 : i32
        %dma_start3A_104 = tpu.memref_slice %arg8[%run_scoped3A, %dma_start3A_103] : memref<2x80xi32, #tpu.memory_space<vmem>> -> memref<1x80xi32, #tpu.memory_space<vmem>>
        %dma_start3A_105 = tpu.memref_squeeze %dma_start3A_104 : memref<1x80xi32, #tpu.memory_space<vmem>> -> memref<80xi32, #tpu.memory_space<vmem>>
        %dma_start3A_106 = tpu.memref_slice %arg5[%mul3A_76] : memref<320000xi32, #tpu.memory_space<hbm>> -> memref<80xi32, #tpu.memory_space<hbm>>
        %dma_start3A_107 = arith.constant 0 : i32
        %dma_start3A_108 = tpu.memref_slice %arg8[%run_scoped3A, %dma_start3A_107] : memref<2x80xi32, #tpu.memory_space<vmem>> -> memref<1x80xi32, #tpu.memory_space<vmem>>
        %dma_start3A_109 = tpu.memref_squeeze %dma_start3A_108 : memref<1x80xi32, #tpu.memory_space<vmem>> -> memref<80xi32, #tpu.memory_space<vmem>>
        %dma_start3A_110 = tpu.memref_slice %arg5[%mul3A_76] : memref<320000xi32, #tpu.memory_space<hbm>> -> memref<80xi32, #tpu.memory_space<hbm>>
        tpu.enqueue_dma source(%dma_start3A_110 : memref<80xi32, #tpu.memory_space<hbm>>) target(%dma_start3A_109 : memref<80xi32, #tpu.memory_space<vmem>>) target_semaphore(%run_scoped3A_102 : memref<!tpu.dma_semaphore, #tpu.memory_space<semaphore_mem>>)
        %dma_wait3A = arith.constant 0 : i32
        %dma_wait3A_111 = tpu.memref_slice %arg8[%run_scoped3A, %dma_wait3A] : memref<2x80xi32, #tpu.memory_space<vmem>> -> memref<1x80xi32, #tpu.memory_space<vmem>>
        %dma_wait3A_112 = tpu.memref_squeeze %dma_wait3A_111 : memref<1x80xi32, #tpu.memory_space<vmem>> -> memref<80xi32, #tpu.memory_space<vmem>>
        %dma_wait3A_113 = tpu.memref_slice %arg5[%mul3A_76] : memref<320000xi32, #tpu.memory_space<hbm>> -> memref<80xi32, #tpu.memory_space<hbm>>
        %dma_wait3A_114 = arith.constant 0 : i32
        %dma_wait3A_115 = tpu.memref_slice %arg8[%run_scoped3A, %dma_wait3A_114] : memref<2x80xi32, #tpu.memory_space<vmem>> -> memref<1x80xi32, #tpu.memory_space<vmem>>
        %dma_wait3A_116 = tpu.memref_squeeze %dma_wait3A_115 : memref<1x80xi32, #tpu.memory_space<vmem>> -> memref<80xi32, #tpu.memory_space<vmem>>
        %dma_wait3A_117 = tpu.memref_slice %arg5[%mul3A_76] : memref<320000xi32, #tpu.memory_space<hbm>> -> memref<80xi32, #tpu.memory_space<hbm>>
        tpu.wait_dma2 semaphore(%run_scoped3A_102 : memref<!tpu.dma_semaphore, #tpu.memory_space<semaphore_mem>>) src(%dma_wait3A_117 : memref<80xi32, #tpu.memory_space<hbm>>) dst(%dma_wait3A_116 : memref<80xi32, #tpu.memory_space<vmem>>)
        tpu.yield
      }) : () -> ()
      %run_scoped3A_77 = arith.constant 0 : i32
      "tpu.region"() ({
        %run_scoped3A_102 = tpu.sem_alloc : memref<!tpu.dma_semaphore, #tpu.memory_space<semaphore_mem>>
        %dma_start3A_103 = arith.constant 0 : i32
        %dma_start3A_104 = tpu.memref_slice %arg9[%run_scoped3A_77, %dma_start3A_103] : memref<2x80xi32, #tpu.memory_space<vmem>> -> memref<1x80xi32, #tpu.memory_space<vmem>>
        %dma_start3A_105 = tpu.memref_squeeze %dma_start3A_104 : memref<1x80xi32, #tpu.memory_space<vmem>> -> memref<80xi32, #tpu.memory_space<vmem>>
        %dma_start3A_106 = tpu.memref_slice %arg4[%mul3A_76] : memref<320000xi32, #tpu.memory_space<hbm>> -> memref<80xi32, #tpu.memory_space<hbm>>
        %dma_start3A_107 = arith.constant 0 : i32
        %dma_start3A_108 = tpu.memref_slice %arg9[%run_scoped3A_77, %dma_start3A_107] : memref<2x80xi32, #tpu.memory_space<vmem>> -> memref<1x80xi32, #tpu.memory_space<vmem>>
        %dma_start3A_109 = tpu.memref_squeeze %dma_start3A_108 : memref<1x80xi32, #tpu.memory_space<vmem>> -> memref<80xi32, #tpu.memory_space<vmem>>
        %dma_start3A_110 = tpu.memref_slice %arg4[%mul3A_76] : memref<320000xi32, #tpu.memory_space<hbm>> -> memref<80xi32, #tpu.memory_space<hbm>>
        tpu.enqueue_dma source(%dma_start3A_110 : memref<80xi32, #tpu.memory_space<hbm>>) target(%dma_start3A_109 : memref<80xi32, #tpu.memory_space<vmem>>) target_semaphore(%run_scoped3A_102 : memref<!tpu.dma_semaphore, #tpu.memory_space<semaphore_mem>>)
        %dma_wait3A = arith.constant 0 : i32
        %dma_wait3A_111 = tpu.memref_slice %arg9[%run_scoped3A_77, %dma_wait3A] : memref<2x80xi32, #tpu.memory_space<vmem>> -> memref<1x80xi32, #tpu.memory_space<vmem>>
        %dma_wait3A_112 = tpu.memref_squeeze %dma_wait3A_111 : memref<1x80xi32, #tpu.memory_space<vmem>> -> memref<80xi32, #tpu.memory_space<vmem>>
        %dma_wait3A_113 = tpu.memref_slice %arg4[%mul3A_76] : memref<320000xi32, #tpu.memory_space<hbm>> -> memref<80xi32, #tpu.memory_space<hbm>>
        %dma_wait3A_114 = arith.constant 0 : i32
        %dma_wait3A_115 = tpu.memref_slice %arg9[%run_scoped3A_77, %dma_wait3A_114] : memref<2x80xi32, #tpu.memory_space<vmem>> -> memref<1x80xi32, #tpu.memory_space<vmem>>
        %dma_wait3A_116 = tpu.memref_squeeze %dma_wait3A_115 : memref<1x80xi32, #tpu.memory_space<vmem>> -> memref<80xi32, #tpu.memory_space<vmem>>
        %dma_wait3A_117 = tpu.memref_slice %arg4[%mul3A_76] : memref<320000xi32, #tpu.memory_space<hbm>> -> memref<80xi32, #tpu.memory_space<hbm>>
        tpu.wait_dma2 semaphore(%run_scoped3A_102 : memref<!tpu.dma_semaphore, #tpu.memory_space<semaphore_mem>>) src(%dma_wait3A_117 : memref<80xi32, #tpu.memory_space<hbm>>) dst(%dma_wait3A_116 : memref<80xi32, #tpu.memory_space<vmem>>)
        tpu.yield
      }) : () -> ()
      %dma_start3A = arith.constant 0 : i32
      %dma_start3A_78 = arith.constant 0 : i32
      %dma_start3A_79 = arith.constant 0 : i32
      %dma_start3A_80 = arith.constant 0 : i32
      %dma_start3A_81 = tpu.memref_slice %arg10[%dma_start3A_78, %dma_start3A_79, %dma_start3A_80] : memref<2x80x128xf32, #tpu.memory_space<vmem>> -> memref<1x80x128xf32, #tpu.memory_space<vmem>>
      %dma_start3A_82 = tpu.memref_squeeze %dma_start3A_81 : memref<1x80x128xf32, #tpu.memory_space<vmem>> -> memref<80x128xf32, #tpu.memory_space<vmem>>
      %dma_start3A_83 = arith.constant 0 : i32
      %dma_start3A_84 = tpu.memref_slice %arg9[%dma_start3A, %dma_start3A_83] : memref<2x80xi32, #tpu.memory_space<vmem>> -> memref<1x80xi32, #tpu.memory_space<vmem>>
      %dma_start3A_85 = tpu.memref_squeeze %dma_start3A_84 : memref<1x80xi32, #tpu.memory_space<vmem>> -> memref<80xi32, #tpu.memory_space<vmem>>
      %dma_start3A_86 = arith.constant 0 : i32
      %dma_start3A_87 = arith.constant 0 : i32
      %dma_start3A_88 = tpu.memref_slice %arg2[%dma_start3A_86, %dma_start3A_87] : memref<10000x128xf32, #tpu.memory_space<hbm>> -> memref<10000x128xf32, #tpu.memory_space<hbm>>
      tpu.enqueue_indirect_dma source(%dma_start3A_88 : memref<10000x128xf32, #tpu.memory_space<hbm>>) target(%dma_start3A_82 : memref<80x128xf32, #tpu.memory_space<vmem>>) offsets(%dma_start3A_85 : memref<80xi32, #tpu.memory_space<vmem>>) semaphore(%arg18 : memref<!tpu.dma_semaphore, #tpu.memory_space<semaphore_mem>>)
      %dma_start3A_89 = arith.constant 0 : i32
      %dma_start3A_90 = arith.constant 0 : i32
      %dma_start3A_91 = arith.constant 0 : i32
      %dma_start3A_92 = tpu.memref_slice %arg12[%dma_start3A_89, %dma_start3A_90, %dma_start3A_91] : memref<2x80x128xf32, #tpu.memory_space<vmem>> -> memref<1x80x128xf32, #tpu.memory_space<vmem>>
      %dma_start3A_93 = tpu.memref_squeeze %dma_start3A_92 : memref<1x80x128xf32, #tpu.memory_space<vmem>> -> memref<80x128xf32, #tpu.memory_space<vmem>>
      %dma_start3A_94 = arith.constant 0 : i32
      %dma_start3A_95 = tpu.memref_slice %arg3[%mul3A_76, %dma_start3A_94] : memref<320000x128xf32, #tpu.memory_space<hbm>> -> memref<80x128xf32, #tpu.memory_space<hbm>>
      %dma_start3A_96 = arith.constant 0 : i32
      %dma_start3A_97 = arith.constant 0 : i32
      %dma_start3A_98 = tpu.memref_slice %arg12[%dma_start3A_89, %dma_start3A_96, %dma_start3A_97] : memref<2x80x128xf32, #tpu.memory_space<vmem>> -> memref<1x80x128xf32, #tpu.memory_space<vmem>>
      %dma_start3A_99 = tpu.memref_squeeze %dma_start3A_98 : memref<1x80x128xf32, #tpu.memory_space<vmem>> -> memref<80x128xf32, #tpu.memory_space<vmem>>
      %dma_start3A_100 = arith.constant 0 : i32
      %dma_start3A_101 = tpu.memref_slice %arg3[%mul3A_76, %dma_start3A_100] : memref<320000x128xf32, #tpu.memory_space<hbm>> -> memref<80x128xf32, #tpu.memory_space<hbm>>
      tpu.enqueue_dma source(%dma_start3A_101 : memref<80x128xf32, #tpu.memory_space<hbm>>) target(%dma_start3A_99 : memref<80x128xf32, #tpu.memory_space<vmem>>) target_semaphore(%arg18 : memref<!tpu.dma_semaphore, #tpu.memory_space<semaphore_mem>>)
    } else {
    }
    %gt3A_40 = arith.constant 1 : i32
    %gt3A_41 = arith.cmpi sgt, %add3A_37, %gt3A_40 : i32
    %convert_element_type3A_42 = arith.extui %gt3A_41 : i1 to i32
    %cond3A_43 = arith.constant 0 : i32
    %cond3A_44 = arith.cmpi ne, %convert_element_type3A_42, %cond3A_43 : i32
    scf.if %cond3A_44 {
      %add3A_73 = arith.constant 16 : i32
      %add3A_74 = arith.addi %arg1, %add3A_73 : i32
      %mul3A_75 = arith.constant 80 : i32
      %mul3A_76 = arith.muli %add3A_74, %mul3A_75 : i32
      %run_scoped3A = arith.constant 1 : i32
      "tpu.region"() ({
        %run_scoped3A_102 = tpu.sem_alloc : memref<!tpu.dma_semaphore, #tpu.memory_space<semaphore_mem>>
        %dma_start3A_103 = arith.constant 0 : i32
        %dma_start3A_104 = tpu.memref_slice %arg8[%run_scoped3A, %dma_start3A_103] : memref<2x80xi32, #tpu.memory_space<vmem>> -> memref<1x80xi32, #tpu.memory_space<vmem>>
        %dma_start3A_105 = tpu.memref_squeeze %dma_start3A_104 : memref<1x80xi32, #tpu.memory_space<vmem>> -> memref<80xi32, #tpu.memory_space<vmem>>
        %dma_start3A_106 = tpu.memref_slice %arg5[%mul3A_76] : memref<320000xi32, #tpu.memory_space<hbm>> -> memref<80xi32, #tpu.memory_space<hbm>>
        %dma_start3A_107 = arith.constant 0 : i32
        %dma_start3A_108 = tpu.memref_slice %arg8[%run_scoped3A, %dma_start3A_107] : memref<2x80xi32, #tpu.memory_space<vmem>> -> memref<1x80xi32, #tpu.memory_space<vmem>>
        %dma_start3A_109 = tpu.memref_squeeze %dma_start3A_108 : memref<1x80xi32, #tpu.memory_space<vmem>> -> memref<80xi32, #tpu.memory_space<vmem>>
        %dma_start3A_110 = tpu.memref_slice %arg5[%mul3A_76] : memref<320000xi32, #tpu.memory_space<hbm>> -> memref<80xi32, #tpu.memory_space<hbm>>
        tpu.enqueue_dma source(%dma_start3A_110 : memref<80xi32, #tpu.memory_space<hbm>>) target(%dma_start3A_109 : memref<80xi32, #tpu.memory_space<vmem>>) target_semaphore(%run_scoped3A_102 : memref<!tpu.dma_semaphore, #tpu.memory_space<semaphore_mem>>)
        %dma_wait3A = arith.constant 0 : i32
        %dma_wait3A_111 = tpu.memref_slice %arg8[%run_scoped3A, %dma_wait3A] : memref<2x80xi32, #tpu.memory_space<vmem>> -> memref<1x80xi32, #tpu.memory_space<vmem>>
        %dma_wait3A_112 = tpu.memref_squeeze %dma_wait3A_111 : memref<1x80xi32, #tpu.memory_space<vmem>> -> memref<80xi32, #tpu.memory_space<vmem>>
        %dma_wait3A_113 = tpu.memref_slice %arg5[%mul3A_76] : memref<320000xi32, #tpu.memory_space<hbm>> -> memref<80xi32, #tpu.memory_space<hbm>>
        %dma_wait3A_114 = arith.constant 0 : i32
        %dma_wait3A_115 = tpu.memref_slice %arg8[%run_scoped3A, %dma_wait3A_114] : memref<2x80xi32, #tpu.memory_space<vmem>> -> memref<1x80xi32, #tpu.memory_space<vmem>>
        %dma_wait3A_116 = tpu.memref_squeeze %dma_wait3A_115 : memref<1x80xi32, #tpu.memory_space<vmem>> -> memref<80xi32, #tpu.memory_space<vmem>>
        %dma_wait3A_117 = tpu.memref_slice %arg5[%mul3A_76] : memref<320000xi32, #tpu.memory_space<hbm>> -> memref<80xi32, #tpu.memory_space<hbm>>
        tpu.wait_dma2 semaphore(%run_scoped3A_102 : memref<!tpu.dma_semaphore, #tpu.memory_space<semaphore_mem>>) src(%dma_wait3A_117 : memref<80xi32, #tpu.memory_space<hbm>>) dst(%dma_wait3A_116 : memref<80xi32, #tpu.memory_space<vmem>>)
        tpu.yield
      }) : () -> ()
      %run_scoped3A_77 = arith.constant 1 : i32
      "tpu.region"() ({
        %run_scoped3A_102 = tpu.sem_alloc : memref<!tpu.dma_semaphore, #tpu.memory_space<semaphore_mem>>
        %dma_start3A_103 = arith.constant 0 : i32
        %dma_start3A_104 = tpu.memref_slice %arg9[%run_scoped3A_77, %dma_start3A_103] : memref<2x80xi32, #tpu.memory_space<vmem>> -> memref<1x80xi32, #tpu.memory_space<vmem>>
        %dma_start3A_105 = tpu.memref_squeeze %dma_start3A_104 : memref<1x80xi32, #tpu.memory_space<vmem>> -> memref<80xi32, #tpu.memory_space<vmem>>
        %dma_start3A_106 = tpu.memref_slice %arg4[%mul3A_76] : memref<320000xi32, #tpu.memory_space<hbm>> -> memref<80xi32, #tpu.memory_space<hbm>>
        %dma_start3A_107 = arith.constant 0 : i32
        %dma_start3A_108 = tpu.memref_slice %arg9[%run_scoped3A_77, %dma_start3A_107] : memref<2x80xi32, #tpu.memory_space<vmem>> -> memref<1x80xi32, #tpu.memory_space<vmem>>
        %dma_start3A_109 = tpu.memref_squeeze %dma_start3A_108 : memref<1x80xi32, #tpu.memory_space<vmem>> -> memref<80xi32, #tpu.memory_space<vmem>>
        %dma_start3A_110 = tpu.memref_slice %arg4[%mul3A_76] : memref<320000xi32, #tpu.memory_space<hbm>> -> memref<80xi32, #tpu.memory_space<hbm>>
        tpu.enqueue_dma source(%dma_start3A_110 : memref<80xi32, #tpu.memory_space<hbm>>) target(%dma_start3A_109 : memref<80xi32, #tpu.memory_space<vmem>>) target_semaphore(%run_scoped3A_102 : memref<!tpu.dma_semaphore, #tpu.memory_space<semaphore_mem>>)
        %dma_wait3A = arith.constant 0 : i32
        %dma_wait3A_111 = tpu.memref_slice %arg9[%run_scoped3A_77, %dma_wait3A] : memref<2x80xi32, #tpu.memory_space<vmem>> -> memref<1x80xi32, #tpu.memory_space<vmem>>
        %dma_wait3A_112 = tpu.memref_squeeze %dma_wait3A_111 : memref<1x80xi32, #tpu.memory_space<vmem>> -> memref<80xi32, #tpu.memory_space<vmem>>
        %dma_wait3A_113 = tpu.memref_slice %arg4[%mul3A_76] : memref<320000xi32, #tpu.memory_space<hbm>> -> memref<80xi32, #tpu.memory_space<hbm>>
        %dma_wait3A_114 = arith.constant 0 : i32
        %dma_wait3A_115 = tpu.memref_slice %arg9[%run_scoped3A_77, %dma_wait3A_114] : memref<2x80xi32, #tpu.memory_space<vmem>> -> memref<1x80xi32, #tpu.memory_space<vmem>>
        %dma_wait3A_116 = tpu.memref_squeeze %dma_wait3A_115 : memref<1x80xi32, #tpu.memory_space<vmem>> -> memref<80xi32, #tpu.memory_space<vmem>>
        %dma_wait3A_117 = tpu.memref_slice %arg4[%mul3A_76] : memref<320000xi32, #tpu.memory_space<hbm>> -> memref<80xi32, #tpu.memory_space<hbm>>
        tpu.wait_dma2 semaphore(%run_scoped3A_102 : memref<!tpu.dma_semaphore, #tpu.memory_space<semaphore_mem>>) src(%dma_wait3A_117 : memref<80xi32, #tpu.memory_space<hbm>>) dst(%dma_wait3A_116 : memref<80xi32, #tpu.memory_space<vmem>>)
        tpu.yield
      }) : () -> ()
      %dma_start3A = arith.constant 1 : i32
      %dma_start3A_78 = arith.constant 1 : i32
      %dma_start3A_79 = arith.constant 0 : i32
      %dma_start3A_80 = arith.constant 0 : i32
      %dma_start3A_81 = tpu.memref_slice %arg10[%dma_start3A_78, %dma_start3A_79, %dma_start3A_80] : memref<2x80x128xf32, #tpu.memory_space<vmem>> -> memref<1x80x128xf32, #tpu.memory_space<vmem>>
      %dma_start3A_82 = tpu.memref_squeeze %dma_start3A_81 : memref<1x80x128xf32, #tpu.memory_space<vmem>> -> memref<80x128xf32, #tpu.memory_space<vmem>>
      %dma_start3A_83 = arith.constant 0 : i32
      %dma_start3A_84 = tpu.memref_slice %arg9[%dma_start3A, %dma_start3A_83] : memref<2x80xi32, #tpu.memory_space<vmem>> -> memref<1x80xi32, #tpu.memory_space<vmem>>
      %dma_start3A_85 = tpu.memref_squeeze %dma_start3A_84 : memref<1x80xi32, #tpu.memory_space<vmem>> -> memref<80xi32, #tpu.memory_space<vmem>>
      %dma_start3A_86 = arith.constant 0 : i32
      %dma_start3A_87 = arith.constant 0 : i32
      %dma_start3A_88 = tpu.memref_slice %arg2[%dma_start3A_86, %dma_start3A_87] : memref<10000x128xf32, #tpu.memory_space<hbm>> -> memref<10000x128xf32, #tpu.memory_space<hbm>>
      tpu.enqueue_indirect_dma source(%dma_start3A_88 : memref<10000x128xf32, #tpu.memory_space<hbm>>) target(%dma_start3A_82 : memref<80x128xf32, #tpu.memory_space<vmem>>) offsets(%dma_start3A_85 : memref<80xi32, #tpu.memory_space<vmem>>) semaphore(%arg19 : memref<!tpu.dma_semaphore, #tpu.memory_space<semaphore_mem>>)
      %dma_start3A_89 = arith.constant 1 : i32
      %dma_start3A_90 = arith.constant 0 : i32
      %dma_start3A_91 = arith.constant 0 : i32
      %dma_start3A_92 = tpu.memref_slice %arg12[%dma_start3A_89, %dma_start3A_90, %dma_start3A_91] : memref<2x80x128xf32, #tpu.memory_space<vmem>> -> memref<1x80x128xf32, #tpu.memory_space<vmem>>
      %dma_start3A_93 = tpu.memref_squeeze %dma_start3A_92 : memref<1x80x128xf32, #tpu.memory_space<vmem>> -> memref<80x128xf32, #tpu.memory_space<vmem>>
      %dma_start3A_94 = arith.constant 0 : i32
      %dma_start3A_95 = tpu.memref_slice %arg3[%mul3A_76, %dma_start3A_94] : memref<320000x128xf32, #tpu.memory_space<hbm>> -> memref<80x128xf32, #tpu.memory_space<hbm>>
      %dma_start3A_96 = arith.constant 0 : i32
      %dma_start3A_97 = arith.constant 0 : i32
      %dma_start3A_98 = tpu.memref_slice %arg12[%dma_start3A_89, %dma_start3A_96, %dma_start3A_97] : memref<2x80x128xf32, #tpu.memory_space<vmem>> -> memref<1x80x128xf32, #tpu.memory_space<vmem>>
      %dma_start3A_99 = tpu.memref_squeeze %dma_start3A_98 : memref<1x80x128xf32, #tpu.memory_space<vmem>> -> memref<80x128xf32, #tpu.memory_space<vmem>>
      %dma_start3A_100 = arith.constant 0 : i32
      %dma_start3A_101 = tpu.memref_slice %arg3[%mul3A_76, %dma_start3A_100] : memref<320000x128xf32, #tpu.memory_space<hbm>> -> memref<80x128xf32, #tpu.memory_space<hbm>>
      tpu.enqueue_dma source(%dma_start3A_101 : memref<80x128xf32, #tpu.memory_space<hbm>>) target(%dma_start3A_99 : memref<80x128xf32, #tpu.memory_space<vmem>>) target_semaphore(%arg19 : memref<!tpu.dma_semaphore, #tpu.memory_space<semaphore_mem>>)
    } else {
    }
    %while3A = arith.constant 0 : i32
    %while3A_45 = arith.constant 0 : i32
    %while3A_46 = arith.subi %add3A_37, %while3A_45 : i32
    %while3A_47 = arith.addi %while3A_45, %while3A_46 : i32
    %while3A_48 = arith.constant 1 : i32
    %while3A_49 = arith.divsi %while3A_46, %while3A_48 : i32
    %while3A_50 = arith.muli %while3A_49, %while3A_48 : i32
    %while3A_51 = arith.addi %while3A_45, %while3A_50 : i32
    %while3A_52 = arith.constant 1 : i32
    scf.for %while3A_73 = %while3A_45 to %while3A_51 step %while3A_52  : i32 {
      %rem3A = arith.constant 2 : i32
      %rem3A_74 = arith.remsi %while3A_73, %rem3A : i32
      %eq3A = arith.constant 0 : i32
      %eq3A_75 = arith.cmpi eq, %rem3A_74, %eq3A : i32
      %convert_element_type3A_76 = arith.extui %eq3A_75 : i1 to i32
      %cond3A_77 = arith.constant 0 : i32
      %cond3A_78 = arith.cmpi ne, %convert_element_type3A_76, %cond3A_77 : i32
      scf.if %cond3A_78 {
        %dma_wait3A = arith.constant 0 : i32
        %dma_wait3A_84 = arith.constant 0 : i32
        %dma_wait3A_85 = arith.constant 0 : i32
        %dma_wait3A_86 = tpu.memref_slice %arg10[%dma_wait3A, %dma_wait3A_84, %dma_wait3A_85] : memref<2x80x128xf32, #tpu.memory_space<vmem>> -> memref<1x80x128xf32, #tpu.memory_space<vmem>>
        %dma_wait3A_87 = tpu.memref_squeeze %dma_wait3A_86 : memref<1x80x128xf32, #tpu.memory_space<vmem>> -> memref<80x128xf32, #tpu.memory_space<vmem>>
        %dma_wait3A_88 = arith.constant 0 : i32
        %dma_wait3A_89 = arith.constant 0 : i32
        %dma_wait3A_90 = tpu.memref_slice %arg2[%dma_wait3A_88, %dma_wait3A_89] : memref<10000x128xf32, #tpu.memory_space<hbm>> -> memref<80x128xf32, #tpu.memory_space<hbm>>
        %dma_wait3A_91 = arith.constant 0 : i32
        %dma_wait3A_92 = arith.constant 0 : i32
        %dma_wait3A_93 = tpu.memref_slice %arg10[%dma_wait3A, %dma_wait3A_91, %dma_wait3A_92] : memref<2x80x128xf32, #tpu.memory_space<vmem>> -> memref<1x80x128xf32, #tpu.memory_space<vmem>>
        %dma_wait3A_94 = tpu.memref_squeeze %dma_wait3A_93 : memref<1x80x128xf32, #tpu.memory_space<vmem>> -> memref<80x128xf32, #tpu.memory_space<vmem>>
        %dma_wait3A_95 = arith.constant 0 : i32
        %dma_wait3A_96 = arith.constant 0 : i32
        %dma_wait3A_97 = tpu.memref_slice %arg2[%dma_wait3A_95, %dma_wait3A_96] : memref<10000x128xf32, #tpu.memory_space<hbm>> -> memref<80x128xf32, #tpu.memory_space<hbm>>
        tpu.wait_dma2 semaphore(%arg18 : memref<!tpu.dma_semaphore, #tpu.memory_space<semaphore_mem>>) src(%dma_wait3A_97 : memref<80x128xf32, #tpu.memory_space<hbm>>) dst(%dma_wait3A_94 : memref<80x128xf32, #tpu.memory_space<vmem>>)
        %dma_wait3A_98 = arith.constant 0 : i32
        %dma_wait3A_99 = arith.constant 0 : i32
        %dma_wait3A_100 = arith.constant 0 : i32
        %dma_wait3A_101 = tpu.memref_slice %arg12[%dma_wait3A_98, %dma_wait3A_99, %dma_wait3A_100] : memref<2x80x128xf32, #tpu.memory_space<vmem>> -> memref<1x80x128xf32, #tpu.memory_space<vmem>>
        %dma_wait3A_102 = tpu.memref_squeeze %dma_wait3A_101 : memref<1x80x128xf32, #tpu.memory_space<vmem>> -> memref<80x128xf32, #tpu.memory_space<vmem>>
        %dma_wait3A_103 = arith.constant 0 : i32
        %dma_wait3A_104 = arith.constant 0 : i32
        %dma_wait3A_105 = tpu.memref_slice %arg3[%dma_wait3A_103, %dma_wait3A_104] : memref<320000x128xf32, #tpu.memory_space<hbm>> -> memref<80x128xf32, #tpu.memory_space<hbm>>
        %dma_wait3A_106 = arith.constant 0 : i32
        %dma_wait3A_107 = arith.constant 0 : i32
        %dma_wait3A_108 = tpu.memref_slice %arg12[%dma_wait3A_98, %dma_wait3A_106, %dma_wait3A_107] : memref<2x80x128xf32, #tpu.memory_space<vmem>> -> memref<1x80x128xf32, #tpu.memory_space<vmem>>
        %dma_wait3A_109 = tpu.memref_squeeze %dma_wait3A_108 : memref<1x80x128xf32, #tpu.memory_space<vmem>> -> memref<80x128xf32, #tpu.memory_space<vmem>>
        %dma_wait3A_110 = arith.constant 0 : i32
        %dma_wait3A_111 = arith.constant 0 : i32
        %dma_wait3A_112 = tpu.memref_slice %arg3[%dma_wait3A_110, %dma_wait3A_111] : memref<320000x128xf32, #tpu.memory_space<hbm>> -> memref<80x128xf32, #tpu.memory_space<hbm>>
        tpu.wait_dma2 semaphore(%arg18 : memref<!tpu.dma_semaphore, #tpu.memory_space<semaphore_mem>>) src(%dma_wait3A_112 : memref<80x128xf32, #tpu.memory_space<hbm>>) dst(%dma_wait3A_109 : memref<80x128xf32, #tpu.memory_space<vmem>>)
        %scan3A_113 = arith.constant 0 : i32
        %scan3A_114 = arith.constant 0 : i32
        %scan3A_115 = arith.constant 80 : i32
        %scan3A_116 = arith.addi %scan3A_114, %scan3A_115 : i32
        %scan3A_117 = arith.constant 1 : i32
        scf.for %scan3A_150 = %scan3A_114 to %scan3A_116 step %scan3A_117  : i32 {
          %get3A = arith.constant 0 : i32
          %get3A_151 = arith.index_cast %get3A : i32 to index
          %get3A_152 = arith.index_cast %scan3A_150 : i32 to index
          %get3A_153 = arith.constant 0 : index
          %get3A_154 = tpu.vector_load %arg12[%get3A_151, %get3A_152, %get3A_153] {strides = array<i32>} : memref<2x80x128xf32, #tpu.memory_space<vmem>>, vector<1x1x16xf32>,
          %get3A_155 = vector.shape_cast %get3A_154 : vector<1x1x16xf32> to vector<16xf32>
          %swap3A = arith.constant 0 : i32
          %swap3A_156 = arith.index_cast %swap3A : i32 to index
          %swap3A_157 = arith.index_cast %scan3A_150 : i32 to index
          %swap3A_158 = arith.constant 0 : index
          %swap3A_159 = tpu.vector_load %arg13[%swap3A_156, %swap3A_157, %swap3A_158] {strides = array<i32>} : memref<2x80x16xf32, #tpu.memory_space<vmem>>, vector<1x1x16xf32>,
          %swap3A_160 = vector.shape_cast %swap3A_159 : vector<1x1x16xf32> to vector<16xf32>
          %swap3A_161 = vector.shape_cast %get3A_155 : vector<16xf32> to vector<1x1x16xf32>
          tpu.vector_store %arg13[%swap3A_156, %swap3A_157, %swap3A_158], %swap3A_161 {strides = array<i32>} : memref<2x80x16xf32, #tpu.memory_space<vmem>>, vector<1x1x16xf32>,
          %add3A_162 = arith.constant 0 : i32
          %add3A_163 = arith.addi %mul3A_33, %add3A_162 : i32
          %broadcast_in_dim3A_164 = vector.broadcast %add3A_163 : i32 to vector<16x1xi32>
          %gather3A = vector.shape_cast %broadcast_in_dim3A_164 : vector<16x1xi32> to vector<16xi32>
          %gather3A_165 = tpu.dynamic_gather %get3A_155[%gather3A] in [0] : vector<16xf32>, vector<16xi32> -> vector<16xf32>
          %add3A_166 = arith.constant 0 : i32
          %add3A_167 = arith.addi %mul3A_33, %add3A_166 : i32
          %mul3A_168 = arith.constant 16 : i32
          %mul3A_169 = arith.muli %add3A_167, %mul3A_168 : i32
          %get3A_170 = arith.constant 0 : i32
          %get3A_171 = arith.index_cast %get3A_170 : i32 to index
          %get3A_172 = arith.index_cast %scan3A_150 : i32 to index
          %get3A_173 = arith.index_cast %mul3A_169 : i32 to index
          %get3A_174 = tpu.vector_load %arg10[%get3A_171, %get3A_172, %get3A_173] {strides = array<i32>} : memref<2x80x128xf32, #tpu.memory_space<vmem>>, vector<1x1x16xf32>,
          %get3A_175 = vector.shape_cast %get3A_174 : vector<1x1x16xf32> to vector<16xf32>
          %mul3A_176 = arith.mulf %get3A_175, %gather3A_165 : vector<16xf32>
          %swap3A_177 = arith.constant 0 : i32
          %swap3A_178 = arith.index_cast %swap3A_177 : i32 to index
          %swap3A_179 = arith.index_cast %scan3A_150 : i32 to index
          %swap3A_180 = arith.constant 0 : index
          %swap3A_181 = tpu.vector_load %arg11[%swap3A_178, %swap3A_179, %swap3A_180] {strides = array<i32>} : memref<2x80x64xf32, #tpu.memory_space<vmem>>, vector<1x1x16xf32>,
          %swap3A_182 = vector.shape_cast %swap3A_181 : vector<1x1x16xf32> to vector<16xf32>
          %swap3A_183 = vector.shape_cast %mul3A_176 : vector<16xf32> to vector<1x1x16xf32>
          tpu.vector_store %arg11[%swap3A_178, %swap3A_179, %swap3A_180], %swap3A_183 {strides = array<i32>} : memref<2x80x64xf32, #tpu.memory_space<vmem>>, vector<1x1x16xf32>,
          %add3A_184 = arith.constant 1 : i32
          %add3A_185 = arith.addi %mul3A_33, %add3A_184 : i32
          %broadcast_in_dim3A_186 = vector.broadcast %add3A_185 : i32 to vector<16x1xi32>
          %gather3A_187 = vector.shape_cast %broadcast_in_dim3A_186 : vector<16x1xi32> to vector<16xi32>
          %gather3A_188 = tpu.dynamic_gather %get3A_155[%gather3A_187] in [0] : vector<16xf32>, vector<16xi32> -> vector<16xf32>
          %add3A_189 = arith.constant 1 : i32
          %add3A_190 = arith.addi %mul3A_33, %add3A_189 : i32
          %mul3A_191 = arith.constant 16 : i32
          %mul3A_192 = arith.muli %add3A_190, %mul3A_191 : i32
          %get3A_193 = arith.constant 0 : i32
          %get3A_194 = arith.index_cast %get3A_193 : i32 to index
          %get3A_195 = arith.index_cast %scan3A_150 : i32 to index
          %get3A_196 = arith.index_cast %mul3A_192 : i32 to index
          %get3A_197 = tpu.vector_load %arg10[%get3A_194, %get3A_195, %get3A_196] {strides = array<i32>} : memref<2x80x128xf32, #tpu.memory_space<vmem>>, vector<1x1x16xf32>,
          %get3A_198 = vector.shape_cast %get3A_197 : vector<1x1x16xf32> to vector<16xf32>
          %mul3A_199 = arith.mulf %get3A_198, %gather3A_188 : vector<16xf32>
          %swap3A_200 = arith.constant 0 : i32
          %swap3A_201 = arith.index_cast %swap3A_200 : i32 to index
          %swap3A_202 = arith.index_cast %scan3A_150 : i32 to index
          %swap3A_203 = arith.constant 16 : index
          %swap3A_204 = tpu.vector_load %arg11[%swap3A_201, %swap3A_202, %swap3A_203] {strides = array<i32>} : memref<2x80x64xf32, #tpu.memory_space<vmem>>, vector<1x1x16xf32>,
          %swap3A_205 = vector.shape_cast %swap3A_204 : vector<1x1x16xf32> to vector<16xf32>
          %swap3A_206 = vector.shape_cast %mul3A_199 : vector<16xf32> to vector<1x1x16xf32>
          tpu.vector_store %arg11[%swap3A_201, %swap3A_202, %swap3A_203], %swap3A_206 {strides = array<i32>} : memref<2x80x64xf32, #tpu.memory_space<vmem>>, vector<1x1x16xf32>,
          %add3A_207 = arith.constant 2 : i32
          %add3A_208 = arith.addi %mul3A_33, %add3A_207 : i32
          %broadcast_in_dim3A_209 = vector.broadcast %add3A_208 : i32 to vector<16x1xi32>
          %gather3A_210 = vector.shape_cast %broadcast_in_dim3A_209 : vector<16x1xi32> to vector<16xi32>
          %gather3A_211 = tpu.dynamic_gather %get3A_155[%gather3A_210] in [0] : vector<16xf32>, vector<16xi32> -> vector<16xf32>
          %add3A_212 = arith.constant 2 : i32
          %add3A_213 = arith.addi %mul3A_33, %add3A_212 : i32
          %mul3A_214 = arith.constant 16 : i32
          %mul3A_215 = arith.muli %add3A_213, %mul3A_214 : i32
          %get3A_216 = arith.constant 0 : i32
          %get3A_217 = arith.index_cast %get3A_216 : i32 to index
          %get3A_218 = arith.index_cast %scan3A_150 : i32 to index
          %get3A_219 = arith.index_cast %mul3A_215 : i32 to index
          %get3A_220 = tpu.vector_load %arg10[%get3A_217, %get3A_218, %get3A_219] {strides = array<i32>} : memref<2x80x128xf32, #tpu.memory_space<vmem>>, vector<1x1x16xf32>,
          %get3A_221 = vector.shape_cast %get3A_220 : vector<1x1x16xf32> to vector<16xf32>
          %mul3A_222 = arith.mulf %get3A_221, %gather3A_211 : vector<16xf32>
          %swap3A_223 = arith.constant 0 : i32
          %swap3A_224 = arith.index_cast %swap3A_223 : i32 to index
          %swap3A_225 = arith.index_cast %scan3A_150 : i32 to index
          %swap3A_226 = arith.constant 32 : index
          %swap3A_227 = tpu.vector_load %arg11[%swap3A_224, %swap3A_225, %swap3A_226] {strides = array<i32>} : memref<2x80x64xf32, #tpu.memory_space<vmem>>, vector<1x1x16xf32>,
          %swap3A_228 = vector.shape_cast %swap3A_227 : vector<1x1x16xf32> to vector<16xf32>
          %swap3A_229 = vector.shape_cast %mul3A_222 : vector<16xf32> to vector<1x1x16xf32>
          tpu.vector_store %arg11[%swap3A_224, %swap3A_225, %swap3A_226], %swap3A_229 {strides = array<i32>} : memref<2x80x64xf32, #tpu.memory_space<vmem>>, vector<1x1x16xf32>,
          %add3A_230 = arith.constant 3 : i32
          %add3A_231 = arith.addi %mul3A_33, %add3A_230 : i32
          %broadcast_in_dim3A_232 = vector.broadcast %add3A_231 : i32 to vector<16x1xi32>
          %gather3A_233 = vector.shape_cast %broadcast_in_dim3A_232 : vector<16x1xi32> to vector<16xi32>
          %gather3A_234 = tpu.dynamic_gather %get3A_155[%gather3A_233] in [0] : vector<16xf32>, vector<16xi32> -> vector<16xf32>
          %add3A_235 = arith.constant 3 : i32
          %add3A_236 = arith.addi %mul3A_33, %add3A_235 : i32
          %mul3A_237 = arith.constant 16 : i32
          %mul3A_238 = arith.muli %add3A_236, %mul3A_237 : i32
          %get3A_239 = arith.constant 0 : i32
          %get3A_240 = arith.index_cast %get3A_239 : i32 to index
          %get3A_241 = arith.index_cast %scan3A_150 : i32 to index
          %get3A_242 = arith.index_cast %mul3A_238 : i32 to index
          %get3A_243 = tpu.vector_load %arg10[%get3A_240, %get3A_241, %get3A_242] {strides = array<i32>} : memref<2x80x128xf32, #tpu.memory_space<vmem>>, vector<1x1x16xf32>,
          %get3A_244 = vector.shape_cast %get3A_243 : vector<1x1x16xf32> to vector<16xf32>
          %mul3A_245 = arith.mulf %get3A_244, %gather3A_234 : vector<16xf32>
          %swap3A_246 = arith.constant 0 : i32
          %swap3A_247 = arith.index_cast %swap3A_246 : i32 to index
          %swap3A_248 = arith.index_cast %scan3A_150 : i32 to index
          %swap3A_249 = arith.constant 48 : index
          %swap3A_250 = tpu.vector_load %arg11[%swap3A_247, %swap3A_248, %swap3A_249] {strides = array<i32>} : memref<2x80x64xf32, #tpu.memory_space<vmem>>, vector<1x1x16xf32>,
          %swap3A_251 = vector.shape_cast %swap3A_250 : vector<1x1x16xf32> to vector<16xf32>
          %swap3A_252 = vector.shape_cast %mul3A_245 : vector<16xf32> to vector<1x1x16xf32>
          tpu.vector_store %arg11[%swap3A_247, %swap3A_248, %swap3A_249], %swap3A_252 {strides = array<i32>} : memref<2x80x64xf32, #tpu.memory_space<vmem>>, vector<1x1x16xf32>,
        }
        %scan3A_118 = arith.constant 80 : i32
        %dma_start3A = arith.constant 0 : i32
        %dma_start3A_119 = arith.constant 0 : i32
        %dma_start3A_120 = arith.constant 0 : i32
        %dma_start3A_121 = arith.constant 0 : i32
        %dma_start3A_122 = tpu.memref_slice %arg11[%dma_start3A, %dma_start3A_120, %dma_start3A_121] : memref<2x80x64xf32, #tpu.memory_space<vmem>> -> memref<1x80x64xf32, #tpu.memory_space<vmem>>
        %dma_start3A_123 = tpu.memref_squeeze %dma_start3A_122 : memref<1x80x64xf32, #tpu.memory_space<vmem>> -> memref<80x64xf32, #tpu.memory_space<vmem>>
        %dma_start3A_124 = arith.constant 0 : i32
        %dma_start3A_125 = tpu.memref_slice %arg8[%dma_start3A_119, %dma_start3A_124] : memref<2x80xi32, #tpu.memory_space<vmem>> -> memref<1x80xi32, #tpu.memory_space<vmem>>
        %dma_start3A_126 = tpu.memref_squeeze %dma_start3A_125 : memref<1x80xi32, #tpu.memory_space<vmem>> -> memref<80xi32, #tpu.memory_space<vmem>>
        %dma_start3A_127 = arith.constant 0 : i32
        %dma_start3A_128 = arith.constant 0 : i32
        %dma_start3A_129 = tpu.memref_slice %arg16[%dma_start3A_127, %dma_start3A_128] : memref<10240x64xf32, #tpu.memory_space<vmem_shared>> -> memref<10240x64xf32, #tpu.memory_space<vmem_shared>>
        tpu.enqueue_indirect_dma source(%dma_start3A_123 : memref<80x64xf32, #tpu.memory_space<vmem>>) target(%dma_start3A_129 : memref<10240x64xf32, #tpu.memory_space<vmem_shared>>) offsets(%dma_start3A_126 : memref<80xi32, #tpu.memory_space<vmem>>) semaphore(%arg20 : memref<!tpu.dma_semaphore, #tpu.memory_space<semaphore_mem>>) {add = true}
        %dma_start3A_130 = arith.constant 0 : i32
        %dma_start3A_131 = arith.constant 0 : i32
        %dma_start3A_132 = arith.constant 0 : i32
        %dma_start3A_133 = arith.constant 0 : i32
        %dma_start3A_134 = tpu.memref_slice %arg13[%dma_start3A_130, %dma_start3A_132, %dma_start3A_133] : memref<2x80x16xf32, #tpu.memory_space<vmem>> -> memref<1x80x16xf32, #tpu.memory_space<vmem>>
        %dma_start3A_135 = tpu.memref_squeeze %dma_start3A_134 : memref<1x80x16xf32, #tpu.memory_space<vmem>> -> memref<80x16xf32, #tpu.memory_space<vmem>>
        %dma_start3A_136 = arith.constant 0 : i32
        %dma_start3A_137 = tpu.memref_slice %arg8[%dma_start3A_131, %dma_start3A_136] : memref<2x80xi32, #tpu.memory_space<vmem>> -> memref<1x80xi32, #tpu.memory_space<vmem>>
        %dma_start3A_138 = tpu.memref_squeeze %dma_start3A_137 : memref<1x80xi32, #tpu.memory_space<vmem>> -> memref<80xi32, #tpu.memory_space<vmem>>
        %dma_start3A_139 = arith.constant 0 : i32
        %dma_start3A_140 = arith.constant 0 : i32
        %dma_start3A_141 = tpu.memref_slice %arg17[%dma_start3A_139, %dma_start3A_140] : memref<10240x16xf32, #tpu.memory_space<vmem_shared>> -> memref<10240x16xf32, #tpu.memory_space<vmem_shared>>
        tpu.enqueue_indirect_dma source(%dma_start3A_135 : memref<80x16xf32, #tpu.memory_space<vmem>>) target(%dma_start3A_141 : memref<10240x16xf32, #tpu.memory_space<vmem_shared>>) offsets(%dma_start3A_138 : memref<80xi32, #tpu.memory_space<vmem>>) semaphore(%arg20 : memref<!tpu.dma_semaphore, #tpu.memory_space<semaphore_mem>>) {add = true}
        %eq3A_142 = arith.constant 0 : i32
        %eq3A_143 = arith.cmpi eq, %rem3A_74, %eq3A_142 : i32
        %add3A_144 = arith.constant 2 : i32
        %add3A_145 = arith.addi %while3A_73, %add3A_144 : i32
        %lt3A_146 = arith.cmpi slt, %add3A_145, %add3A_37 : i32
        %and3A = arith.andi %eq3A_143, %lt3A_146 : i1
        %convert_element_type3A_147 = arith.extui %and3A : i1 to i32
        %cond3A_148 = arith.constant 0 : i32
        %cond3A_149 = arith.cmpi ne, %convert_element_type3A_147, %cond3A_148 : i32
        scf.if %cond3A_149 {
          %dma_wait3A_150 = arith.constant 0 : i32
          %dma_wait3A_151 = arith.constant 0 : i32
          %dma_wait3A_152 = arith.constant 0 : i32
          %dma_wait3A_153 = tpu.memref_slice %arg11[%dma_wait3A_150, %dma_wait3A_151, %dma_wait3A_152] : memref<2x80x64xf32, #tpu.memory_space<vmem>> -> memref<1x80x64xf32, #tpu.memory_space<vmem>>
          %dma_wait3A_154 = tpu.memref_squeeze %dma_wait3A_153 : memref<1x80x64xf32, #tpu.memory_space<vmem>> -> memref<80x64xf32, #tpu.memory_space<vmem>>
          %dma_wait3A_155 = arith.constant 0 : i32
          %dma_wait3A_156 = arith.constant 0 : i32
          %dma_wait3A_157 = tpu.memref_slice %arg16[%dma_wait3A_155, %dma_wait3A_156] : memref<10240x64xf32, #tpu.memory_space<vmem_shared>> -> memref<80x64xf32, #tpu.memory_space<vmem_shared>>
          %dma_wait3A_158 = arith.constant 0 : i32
          %dma_wait3A_159 = arith.constant 0 : i32
          %dma_wait3A_160 = tpu.memref_slice %arg16[%dma_wait3A_158, %dma_wait3A_159] : memref<10240x64xf32, #tpu.memory_space<vmem_shared>> -> memref<80x64xf32, #tpu.memory_space<vmem_shared>>
          %dma_wait3A_161 = arith.constant 0 : i32
          %dma_wait3A_162 = arith.constant 0 : i32
          %dma_wait3A_163 = tpu.memref_slice %arg11[%dma_wait3A_150, %dma_wait3A_161, %dma_wait3A_162] : memref<2x80x64xf32, #tpu.memory_space<vmem>> -> memref<1x80x64xf32, #tpu.memory_space<vmem>>
          %dma_wait3A_164 = tpu.memref_squeeze %dma_wait3A_163 : memref<1x80x64xf32, #tpu.memory_space<vmem>> -> memref<80x64xf32, #tpu.memory_space<vmem>>
          tpu.wait_dma2 semaphore(%arg20 : memref<!tpu.dma_semaphore, #tpu.memory_space<semaphore_mem>>) src(%dma_wait3A_164 : memref<80x64xf32, #tpu.memory_space<vmem>>) dst(%dma_wait3A_160 : memref<80x64xf32, #tpu.memory_space<vmem_shared>>)
          %dma_wait3A_165 = arith.constant 0 : i32
          %dma_wait3A_166 = arith.constant 0 : i32
          %dma_wait3A_167 = arith.constant 0 : i32
          %dma_wait3A_168 = tpu.memref_slice %arg13[%dma_wait3A_165, %dma_wait3A_166, %dma_wait3A_167] : memref<2x80x16xf32, #tpu.memory_space<vmem>> -> memref<1x80x16xf32, #tpu.memory_space<vmem>>
          %dma_wait3A_169 = tpu.memref_squeeze %dma_wait3A_168 : memref<1x80x16xf32, #tpu.memory_space<vmem>> -> memref<80x16xf32, #tpu.memory_space<vmem>>
          %dma_wait3A_170 = arith.constant 0 : i32
          %dma_wait3A_171 = arith.constant 0 : i32
          %dma_wait3A_172 = tpu.memref_slice %arg17[%dma_wait3A_170, %dma_wait3A_171] : memref<10240x16xf32, #tpu.memory_space<vmem_shared>> -> memref<80x16xf32, #tpu.memory_space<vmem_shared>>
          %dma_wait3A_173 = arith.constant 0 : i32
          %dma_wait3A_174 = arith.constant 0 : i32
          %dma_wait3A_175 = tpu.memref_slice %arg17[%dma_wait3A_173, %dma_wait3A_174] : memref<10240x16xf32, #tpu.memory_space<vmem_shared>> -> memref<80x16xf32, #tpu.memory_space<vmem_shared>>
          %dma_wait3A_176 = arith.constant 0 : i32
          %dma_wait3A_177 = arith.constant 0 : i32
          %dma_wait3A_178 = tpu.memref_slice %arg13[%dma_wait3A_165, %dma_wait3A_176, %dma_wait3A_177] : memref<2x80x16xf32, #tpu.memory_space<vmem>> -> memref<1x80x16xf32, #tpu.memory_space<vmem>>
          %dma_wait3A_179 = tpu.memref_squeeze %dma_wait3A_178 : memref<1x80x16xf32, #tpu.memory_space<vmem>> -> memref<80x16xf32, #tpu.memory_space<vmem>>
          tpu.wait_dma2 semaphore(%arg20 : memref<!tpu.dma_semaphore, #tpu.memory_space<semaphore_mem>>) src(%dma_wait3A_179 : memref<80x16xf32, #tpu.memory_space<vmem>>) dst(%dma_wait3A_175 : memref<80x16xf32, #tpu.memory_space<vmem_shared>>)
          %add3A_180 = arith.constant 2 : i32
          %add3A_181 = arith.addi %while3A_73, %add3A_180 : i32
          %mul3A_182 = arith.constant 16 : i32
          %mul3A_183 = arith.muli %mul3A_182, %add3A_181 : i32
          %add3A_184 = arith.addi %arg1, %mul3A_183 : i32
          %mul3A_185 = arith.constant 80 : i32
          %mul3A_186 = arith.muli %add3A_184, %mul3A_185 : i32
          %run_scoped3A = arith.constant 0 : i32
          "tpu.region"() ({
            %run_scoped3A_213 = tpu.sem_alloc : memref<!tpu.dma_semaphore, #tpu.memory_space<semaphore_mem>>
            %dma_start3A_214 = arith.constant 0 : i32
            %dma_start3A_215 = tpu.memref_slice %arg8[%run_scoped3A, %dma_start3A_214] : memref<2x80xi32, #tpu.memory_space<vmem>> -> memref<1x80xi32, #tpu.memory_space<vmem>>
            %dma_start3A_216 = tpu.memref_squeeze %dma_start3A_215 : memref<1x80xi32, #tpu.memory_space<vmem>> -> memref<80xi32, #tpu.memory_space<vmem>>
            %dma_start3A_217 = tpu.memref_slice %arg5[%mul3A_186] : memref<320000xi32, #tpu.memory_space<hbm>> -> memref<80xi32, #tpu.memory_space<hbm>>
            %dma_start3A_218 = arith.constant 0 : i32
            %dma_start3A_219 = tpu.memref_slice %arg8[%run_scoped3A, %dma_start3A_218] : memref<2x80xi32, #tpu.memory_space<vmem>> -> memref<1x80xi32, #tpu.memory_space<vmem>>
            %dma_start3A_220 = tpu.memref_squeeze %dma_start3A_219 : memref<1x80xi32, #tpu.memory_space<vmem>> -> memref<80xi32, #tpu.memory_space<vmem>>
            %dma_start3A_221 = tpu.memref_slice %arg5[%mul3A_186] : memref<320000xi32, #tpu.memory_space<hbm>> -> memref<80xi32, #tpu.memory_space<hbm>>
            tpu.enqueue_dma source(%dma_start3A_221 : memref<80xi32, #tpu.memory_space<hbm>>) target(%dma_start3A_220 : memref<80xi32, #tpu.memory_space<vmem>>) target_semaphore(%run_scoped3A_213 : memref<!tpu.dma_semaphore, #tpu.memory_space<semaphore_mem>>)
            %dma_wait3A_222 = arith.constant 0 : i32
            %dma_wait3A_223 = tpu.memref_slice %arg8[%run_scoped3A, %dma_wait3A_222] : memref<2x80xi32, #tpu.memory_space<vmem>> -> memref<1x80xi32, #tpu.memory_space<vmem>>
            %dma_wait3A_224 = tpu.memref_squeeze %dma_wait3A_223 : memref<1x80xi32, #tpu.memory_space<vmem>> -> memref<80xi32, #tpu.memory_space<vmem>>
            %dma_wait3A_225 = tpu.memref_slice %arg5[%mul3A_186] : memref<320000xi32, #tpu.memory_space<hbm>> -> memref<80xi32, #tpu.memory_space<hbm>>
            %dma_wait3A_226 = arith.constant 0 : i32
            %dma_wait3A_227 = tpu.memref_slice %arg8[%run_scoped3A, %dma_wait3A_226] : memref<2x80xi32, #tpu.memory_space<vmem>> -> memref<1x80xi32, #tpu.memory_space<vmem>>
            %dma_wait3A_228 = tpu.memref_squeeze %dma_wait3A_227 : memref<1x80xi32, #tpu.memory_space<vmem>> -> memref<80xi32, #tpu.memory_space<vmem>>
            %dma_wait3A_229 = tpu.memref_slice %arg5[%mul3A_186] : memref<320000xi32, #tpu.memory_space<hbm>> -> memref<80xi32, #tpu.memory_space<hbm>>
            tpu.wait_dma2 semaphore(%run_scoped3A_213 : memref<!tpu.dma_semaphore, #tpu.memory_space<semaphore_mem>>) src(%dma_wait3A_229 : memref<80xi32, #tpu.memory_space<hbm>>) dst(%dma_wait3A_228 : memref<80xi32, #tpu.memory_space<vmem>>)
            tpu.yield
          }) : () -> ()
          %run_scoped3A_187 = arith.constant 0 : i32
          "tpu.region"() ({
            %run_scoped3A_213 = tpu.sem_alloc : memref<!tpu.dma_semaphore, #tpu.memory_space<semaphore_mem>>
            %dma_start3A_214 = arith.constant 0 : i32
            %dma_start3A_215 = tpu.memref_slice %arg9[%run_scoped3A_187, %dma_start3A_214] : memref<2x80xi32, #tpu.memory_space<vmem>> -> memref<1x80xi32, #tpu.memory_space<vmem>>
            %dma_start3A_216 = tpu.memref_squeeze %dma_start3A_215 : memref<1x80xi32, #tpu.memory_space<vmem>> -> memref<80xi32, #tpu.memory_space<vmem>>
            %dma_start3A_217 = tpu.memref_slice %arg4[%mul3A_186] : memref<320000xi32, #tpu.memory_space<hbm>> -> memref<80xi32, #tpu.memory_space<hbm>>
            %dma_start3A_218 = arith.constant 0 : i32
            %dma_start3A_219 = tpu.memref_slice %arg9[%run_scoped3A_187, %dma_start3A_218] : memref<2x80xi32, #tpu.memory_space<vmem>> -> memref<1x80xi32, #tpu.memory_space<vmem>>
            %dma_start3A_220 = tpu.memref_squeeze %dma_start3A_219 : memref<1x80xi32, #tpu.memory_space<vmem>> -> memref<80xi32, #tpu.memory_space<vmem>>
            %dma_start3A_221 = tpu.memref_slice %arg4[%mul3A_186] : memref<320000xi32, #tpu.memory_space<hbm>> -> memref<80xi32, #tpu.memory_space<hbm>>
            tpu.enqueue_dma source(%dma_start3A_221 : memref<80xi32, #tpu.memory_space<hbm>>) target(%dma_start3A_220 : memref<80xi32, #tpu.memory_space<vmem>>) target_semaphore(%run_scoped3A_213 : memref<!tpu.dma_semaphore, #tpu.memory_space<semaphore_mem>>)
            %dma_wait3A_222 = arith.constant 0 : i32
            %dma_wait3A_223 = tpu.memref_slice %arg9[%run_scoped3A_187, %dma_wait3A_222] : memref<2x80xi32, #tpu.memory_space<vmem>> -> memref<1x80xi32, #tpu.memory_space<vmem>>
            %dma_wait3A_224 = tpu.memref_squeeze %dma_wait3A_223 : memref<1x80xi32, #tpu.memory_space<vmem>> -> memref<80xi32, #tpu.memory_space<vmem>>
            %dma_wait3A_225 = tpu.memref_slice %arg4[%mul3A_186] : memref<320000xi32, #tpu.memory_space<hbm>> -> memref<80xi32, #tpu.memory_space<hbm>>
            %dma_wait3A_226 = arith.constant 0 : i32
            %dma_wait3A_227 = tpu.memref_slice %arg9[%run_scoped3A_187, %dma_wait3A_226] : memref<2x80xi32, #tpu.memory_space<vmem>> -> memref<1x80xi32, #tpu.memory_space<vmem>>
            %dma_wait3A_228 = tpu.memref_squeeze %dma_wait3A_227 : memref<1x80xi32, #tpu.memory_space<vmem>> -> memref<80xi32, #tpu.memory_space<vmem>>
            %dma_wait3A_229 = tpu.memref_slice %arg4[%mul3A_186] : memref<320000xi32, #tpu.memory_space<hbm>> -> memref<80xi32, #tpu.memory_space<hbm>>
            tpu.wait_dma2 semaphore(%run_scoped3A_213 : memref<!tpu.dma_semaphore, #tpu.memory_space<semaphore_mem>>) src(%dma_wait3A_229 : memref<80xi32, #tpu.memory_space<hbm>>) dst(%dma_wait3A_228 : memref<80xi32, #tpu.memory_space<vmem>>)
            tpu.yield
          }) : () -> ()
          %dma_start3A_188 = arith.constant 0 : i32
          %dma_start3A_189 = arith.constant 0 : i32
          %dma_start3A_190 = arith.constant 0 : i32
          %dma_start3A_191 = arith.constant 0 : i32
          %dma_start3A_192 = tpu.memref_slice %arg10[%dma_start3A_189, %dma_start3A_190, %dma_start3A_191] : memref<2x80x128xf32, #tpu.memory_space<vmem>> -> memref<1x80x128xf32, #tpu.memory_space<vmem>>
          %dma_start3A_193 = tpu.memref_squeeze %dma_start3A_192 : memref<1x80x128xf32, #tpu.memory_space<vmem>> -> memref<80x128xf32, #tpu.memory_space<vmem>>
          %dma_start3A_194 = arith.constant 0 : i32
          %dma_start3A_195 = tpu.memref_slice %arg9[%dma_start3A_188, %dma_start3A_194] : memref<2x80xi32, #tpu.memory_space<vmem>> -> memref<1x80xi32, #tpu.memory_space<vmem>>
          %dma_start3A_196 = tpu.memref_squeeze %dma_start3A_195 : memref<1x80xi32, #tpu.memory_space<vmem>> -> memref<80xi32, #tpu.memory_space<vmem>>
          %dma_start3A_197 = arith.constant 0 : i32
          %dma_start3A_198 = arith.constant 0 : i32
          %dma_start3A_199 = tpu.memref_slice %arg2[%dma_start3A_197, %dma_start3A_198] : memref<10000x128xf32, #tpu.memory_space<hbm>> -> memref<10000x128xf32, #tpu.memory_space<hbm>>
          tpu.enqueue_indirect_dma source(%dma_start3A_199 : memref<10000x128xf32, #tpu.memory_space<hbm>>) target(%dma_start3A_193 : memref<80x128xf32, #tpu.memory_space<vmem>>) offsets(%dma_start3A_196 : memref<80xi32, #tpu.memory_space<vmem>>) semaphore(%arg18 : memref<!tpu.dma_semaphore, #tpu.memory_space<semaphore_mem>>)
          %dma_start3A_200 = arith.constant 0 : i32
          %dma_start3A_201 = arith.constant 0 : i32
          %dma_start3A_202 = arith.constant 0 : i32
          %dma_start3A_203 = tpu.memref_slice %arg12[%dma_start3A_200, %dma_start3A_201, %dma_start3A_202] : memref<2x80x128xf32, #tpu.memory_space<vmem>> -> memref<1x80x128xf32, #tpu.memory_space<vmem>>
          %dma_start3A_204 = tpu.memref_squeeze %dma_start3A_203 : memref<1x80x128xf32, #tpu.memory_space<vmem>> -> memref<80x128xf32, #tpu.memory_space<vmem>>
          %dma_start3A_205 = arith.constant 0 : i32
          %dma_start3A_206 = tpu.memref_slice %arg3[%mul3A_186, %dma_start3A_205] : memref<320000x128xf32, #tpu.memory_space<hbm>> -> memref<80x128xf32, #tpu.memory_space<hbm>>
          %dma_start3A_207 = arith.constant 0 : i32
          %dma_start3A_208 = arith.constant 0 : i32
          %dma_start3A_209 = tpu.memref_slice %arg12[%dma_start3A_200, %dma_start3A_207, %dma_start3A_208] : memref<2x80x128xf32, #tpu.memory_space<vmem>> -> memref<1x80x128xf32, #tpu.memory_space<vmem>>
          %dma_start3A_210 = tpu.memref_squeeze %dma_start3A_209 : memref<1x80x128xf32, #tpu.memory_space<vmem>> -> memref<80x128xf32, #tpu.memory_space<vmem>>
          %dma_start3A_211 = arith.constant 0 : i32
          %dma_start3A_212 = tpu.memref_slice %arg3[%mul3A_186, %dma_start3A_211] : memref<320000x128xf32, #tpu.memory_space<hbm>> -> memref<80x128xf32, #tpu.memory_space<hbm>>
          tpu.enqueue_dma source(%dma_start3A_212 : memref<80x128xf32, #tpu.memory_space<hbm>>) target(%dma_start3A_210 : memref<80x128xf32, #tpu.memory_space<vmem>>) target_semaphore(%arg18 : memref<!tpu.dma_semaphore, #tpu.memory_space<semaphore_mem>>)
        } else {
        }
      } else {
      }
      %eq3A_79 = arith.constant 1 : i32
      %eq3A_80 = arith.cmpi eq, %rem3A_74, %eq3A_79 : i32
      %convert_element_type3A_81 = arith.extui %eq3A_80 : i1 to i32
      %cond3A_82 = arith.constant 0 : i32
      %cond3A_83 = arith.cmpi ne, %convert_element_type3A_81, %cond3A_82 : i32
      scf.if %cond3A_83 {
        %dma_wait3A = arith.constant 1 : i32
        %dma_wait3A_84 = arith.constant 0 : i32
        %dma_wait3A_85 = arith.constant 0 : i32
        %dma_wait3A_86 = tpu.memref_slice %arg10[%dma_wait3A, %dma_wait3A_84, %dma_wait3A_85] : memref<2x80x128xf32, #tpu.memory_space<vmem>> -> memref<1x80x128xf32, #tpu.memory_space<vmem>>
        %dma_wait3A_87 = tpu.memref_squeeze %dma_wait3A_86 : memref<1x80x128xf32, #tpu.memory_space<vmem>> -> memref<80x128xf32, #tpu.memory_space<vmem>>
        %dma_wait3A_88 = arith.constant 0 : i32
        %dma_wait3A_89 = arith.constant 0 : i32
        %dma_wait3A_90 = tpu.memref_slice %arg2[%dma_wait3A_88, %dma_wait3A_89] : memref<10000x128xf32, #tpu.memory_space<hbm>> -> memref<80x128xf32, #tpu.memory_space<hbm>>
        %dma_wait3A_91 = arith.constant 0 : i32
        %dma_wait3A_92 = arith.constant 0 : i32
        %dma_wait3A_93 = tpu.memref_slice %arg10[%dma_wait3A, %dma_wait3A_91, %dma_wait3A_92] : memref<2x80x128xf32, #tpu.memory_space<vmem>> -> memref<1x80x128xf32, #tpu.memory_space<vmem>>
        %dma_wait3A_94 = tpu.memref_squeeze %dma_wait3A_93 : memref<1x80x128xf32, #tpu.memory_space<vmem>> -> memref<80x128xf32, #tpu.memory_space<vmem>>
        %dma_wait3A_95 = arith.constant 0 : i32
        %dma_wait3A_96 = arith.constant 0 : i32
        %dma_wait3A_97 = tpu.memref_slice %arg2[%dma_wait3A_95, %dma_wait3A_96] : memref<10000x128xf32, #tpu.memory_space<hbm>> -> memref<80x128xf32, #tpu.memory_space<hbm>>
        tpu.wait_dma2 semaphore(%arg19 : memref<!tpu.dma_semaphore, #tpu.memory_space<semaphore_mem>>) src(%dma_wait3A_97 : memref<80x128xf32, #tpu.memory_space<hbm>>) dst(%dma_wait3A_94 : memref<80x128xf32, #tpu.memory_space<vmem>>)
        %dma_wait3A_98 = arith.constant 1 : i32
        %dma_wait3A_99 = arith.constant 0 : i32
        %dma_wait3A_100 = arith.constant 0 : i32
        %dma_wait3A_101 = tpu.memref_slice %arg12[%dma_wait3A_98, %dma_wait3A_99, %dma_wait3A_100] : memref<2x80x128xf32, #tpu.memory_space<vmem>> -> memref<1x80x128xf32, #tpu.memory_space<vmem>>
        %dma_wait3A_102 = tpu.memref_squeeze %dma_wait3A_101 : memref<1x80x128xf32, #tpu.memory_space<vmem>> -> memref<80x128xf32, #tpu.memory_space<vmem>>
        %dma_wait3A_103 = arith.constant 0 : i32
        %dma_wait3A_104 = arith.constant 0 : i32
        %dma_wait3A_105 = tpu.memref_slice %arg3[%dma_wait3A_103, %dma_wait3A_104] : memref<320000x128xf32, #tpu.memory_space<hbm>> -> memref<80x128xf32, #tpu.memory_space<hbm>>
        %dma_wait3A_106 = arith.constant 0 : i32
        %dma_wait3A_107 = arith.constant 0 : i32
        %dma_wait3A_108 = tpu.memref_slice %arg12[%dma_wait3A_98, %dma_wait3A_106, %dma_wait3A_107] : memref<2x80x128xf32, #tpu.memory_space<vmem>> -> memref<1x80x128xf32, #tpu.memory_space<vmem>>
        %dma_wait3A_109 = tpu.memref_squeeze %dma_wait3A_108 : memref<1x80x128xf32, #tpu.memory_space<vmem>> -> memref<80x128xf32, #tpu.memory_space<vmem>>
        %dma_wait3A_110 = arith.constant 0 : i32
        %dma_wait3A_111 = arith.constant 0 : i32
        %dma_wait3A_112 = tpu.memref_slice %arg3[%dma_wait3A_110, %dma_wait3A_111] : memref<320000x128xf32, #tpu.memory_space<hbm>> -> memref<80x128xf32, #tpu.memory_space<hbm>>
        tpu.wait_dma2 semaphore(%arg19 : memref<!tpu.dma_semaphore, #tpu.memory_space<semaphore_mem>>) src(%dma_wait3A_112 : memref<80x128xf32, #tpu.memory_space<hbm>>) dst(%dma_wait3A_109 : memref<80x128xf32, #tpu.memory_space<vmem>>)
        %scan3A_113 = arith.constant 0 : i32
        %scan3A_114 = arith.constant 0 : i32
        %scan3A_115 = arith.constant 80 : i32
        %scan3A_116 = arith.addi %scan3A_114, %scan3A_115 : i32
        %scan3A_117 = arith.constant 1 : i32
        scf.for %scan3A_150 = %scan3A_114 to %scan3A_116 step %scan3A_117  : i32 {
          %get3A = arith.constant 1 : i32
          %get3A_151 = arith.index_cast %get3A : i32 to index
          %get3A_152 = arith.index_cast %scan3A_150 : i32 to index
          %get3A_153 = arith.constant 0 : index
          %get3A_154 = tpu.vector_load %arg12[%get3A_151, %get3A_152, %get3A_153] {strides = array<i32>} : memref<2x80x128xf32, #tpu.memory_space<vmem>>, vector<1x1x16xf32>,
          %get3A_155 = vector.shape_cast %get3A_154 : vector<1x1x16xf32> to vector<16xf32>
          %swap3A = arith.constant 1 : i32
          %swap3A_156 = arith.index_cast %swap3A : i32 to index
          %swap3A_157 = arith.index_cast %scan3A_150 : i32 to index
          %swap3A_158 = arith.constant 0 : index
          %swap3A_159 = tpu.vector_load %arg13[%swap3A_156, %swap3A_157, %swap3A_158] {strides = array<i32>} : memref<2x80x16xf32, #tpu.memory_space<vmem>>, vector<1x1x16xf32>,
          %swap3A_160 = vector.shape_cast %swap3A_159 : vector<1x1x16xf32> to vector<16xf32>
          %swap3A_161 = vector.shape_cast %get3A_155 : vector<16xf32> to vector<1x1x16xf32>
          tpu.vector_store %arg13[%swap3A_156, %swap3A_157, %swap3A_158], %swap3A_161 {strides = array<i32>} : memref<2x80x16xf32, #tpu.memory_space<vmem>>, vector<1x1x16xf32>,
          %add3A_162 = arith.constant 0 : i32
          %add3A_163 = arith.addi %mul3A_33, %add3A_162 : i32
          %broadcast_in_dim3A_164 = vector.broadcast %add3A_163 : i32 to vector<16x1xi32>
          %gather3A = vector.shape_cast %broadcast_in_dim3A_164 : vector<16x1xi32> to vector<16xi32>
          %gather3A_165 = tpu.dynamic_gather %get3A_155[%gather3A] in [0] : vector<16xf32>, vector<16xi32> -> vector<16xf32>
          %add3A_166 = arith.constant 0 : i32
          %add3A_167 = arith.addi %mul3A_33, %add3A_166 : i32
          %mul3A_168 = arith.constant 16 : i32
          %mul3A_169 = arith.muli %add3A_167, %mul3A_168 : i32
          %get3A_170 = arith.constant 1 : i32
          %get3A_171 = arith.index_cast %get3A_170 : i32 to index
          %get3A_172 = arith.index_cast %scan3A_150 : i32 to index
          %get3A_173 = arith.index_cast %mul3A_169 : i32 to index
          %get3A_174 = tpu.vector_load %arg10[%get3A_171, %get3A_172, %get3A_173] {strides = array<i32>} : memref<2x80x128xf32, #tpu.memory_space<vmem>>, vector<1x1x16xf32>,
          %get3A_175 = vector.shape_cast %get3A_174 : vector<1x1x16xf32> to vector<16xf32>
          %mul3A_176 = arith.mulf %get3A_175, %gather3A_165 : vector<16xf32>
          %swap3A_177 = arith.constant 1 : i32
          %swap3A_178 = arith.index_cast %swap3A_177 : i32 to index
          %swap3A_179 = arith.index_cast %scan3A_150 : i32 to index
          %swap3A_180 = arith.constant 0 : index
          %swap3A_181 = tpu.vector_load %arg11[%swap3A_178, %swap3A_179, %swap3A_180] {strides = array<i32>} : memref<2x80x64xf32, #tpu.memory_space<vmem>>, vector<1x1x16xf32>,
          %swap3A_182 = vector.shape_cast %swap3A_181 : vector<1x1x16xf32> to vector<16xf32>
          %swap3A_183 = vector.shape_cast %mul3A_176 : vector<16xf32> to vector<1x1x16xf32>
          tpu.vector_store %arg11[%swap3A_178, %swap3A_179, %swap3A_180], %swap3A_183 {strides = array<i32>} : memref<2x80x64xf32, #tpu.memory_space<vmem>>, vector<1x1x16xf32>,
          %add3A_184 = arith.constant 1 : i32
          %add3A_185 = arith.addi %mul3A_33, %add3A_184 : i32
          %broadcast_in_dim3A_186 = vector.broadcast %add3A_185 : i32 to vector<16x1xi32>
          %gather3A_187 = vector.shape_cast %broadcast_in_dim3A_186 : vector<16x1xi32> to vector<16xi32>
          %gather3A_188 = tpu.dynamic_gather %get3A_155[%gather3A_187] in [0] : vector<16xf32>, vector<16xi32> -> vector<16xf32>
          %add3A_189 = arith.constant 1 : i32
          %add3A_190 = arith.addi %mul3A_33, %add3A_189 : i32
          %mul3A_191 = arith.constant 16 : i32
          %mul3A_192 = arith.muli %add3A_190, %mul3A_191 : i32
          %get3A_193 = arith.constant 1 : i32
          %get3A_194 = arith.index_cast %get3A_193 : i32 to index
          %get3A_195 = arith.index_cast %scan3A_150 : i32 to index
          %get3A_196 = arith.index_cast %mul3A_192 : i32 to index
          %get3A_197 = tpu.vector_load %arg10[%get3A_194, %get3A_195, %get3A_196] {strides = array<i32>} : memref<2x80x128xf32, #tpu.memory_space<vmem>>, vector<1x1x16xf32>,
          %get3A_198 = vector.shape_cast %get3A_197 : vector<1x1x16xf32> to vector<16xf32>
          %mul3A_199 = arith.mulf %get3A_198, %gather3A_188 : vector<16xf32>
          %swap3A_200 = arith.constant 1 : i32
          %swap3A_201 = arith.index_cast %swap3A_200 : i32 to index
          %swap3A_202 = arith.index_cast %scan3A_150 : i32 to index
          %swap3A_203 = arith.constant 16 : index
          %swap3A_204 = tpu.vector_load %arg11[%swap3A_201, %swap3A_202, %swap3A_203] {strides = array<i32>} : memref<2x80x64xf32, #tpu.memory_space<vmem>>, vector<1x1x16xf32>,
          %swap3A_205 = vector.shape_cast %swap3A_204 : vector<1x1x16xf32> to vector<16xf32>
          %swap3A_206 = vector.shape_cast %mul3A_199 : vector<16xf32> to vector<1x1x16xf32>
          tpu.vector_store %arg11[%swap3A_201, %swap3A_202, %swap3A_203], %swap3A_206 {strides = array<i32>} : memref<2x80x64xf32, #tpu.memory_space<vmem>>, vector<1x1x16xf32>,
          %add3A_207 = arith.constant 2 : i32
          %add3A_208 = arith.addi %mul3A_33, %add3A_207 : i32
          %broadcast_in_dim3A_209 = vector.broadcast %add3A_208 : i32 to vector<16x1xi32>
          %gather3A_210 = vector.shape_cast %broadcast_in_dim3A_209 : vector<16x1xi32> to vector<16xi32>
          %gather3A_211 = tpu.dynamic_gather %get3A_155[%gather3A_210] in [0] : vector<16xf32>, vector<16xi32> -> vector<16xf32>
          %add3A_212 = arith.constant 2 : i32
          %add3A_213 = arith.addi %mul3A_33, %add3A_212 : i32
          %mul3A_214 = arith.constant 16 : i32
          %mul3A_215 = arith.muli %add3A_213, %mul3A_214 : i32
          %get3A_216 = arith.constant 1 : i32
          %get3A_217 = arith.index_cast %get3A_216 : i32 to index
          %get3A_218 = arith.index_cast %scan3A_150 : i32 to index
          %get3A_219 = arith.index_cast %mul3A_215 : i32 to index
          %get3A_220 = tpu.vector_load %arg10[%get3A_217, %get3A_218, %get3A_219] {strides = array<i32>} : memref<2x80x128xf32, #tpu.memory_space<vmem>>, vector<1x1x16xf32>,
          %get3A_221 = vector.shape_cast %get3A_220 : vector<1x1x16xf32> to vector<16xf32>
          %mul3A_222 = arith.mulf %get3A_221, %gather3A_211 : vector<16xf32>
          %swap3A_223 = arith.constant 1 : i32
          %swap3A_224 = arith.index_cast %swap3A_223 : i32 to index
          %swap3A_225 = arith.index_cast %scan3A_150 : i32 to index
          %swap3A_226 = arith.constant 32 : index
          %swap3A_227 = tpu.vector_load %arg11[%swap3A_224, %swap3A_225, %swap3A_226] {strides = array<i32>} : memref<2x80x64xf32, #tpu.memory_space<vmem>>, vector<1x1x16xf32>,
          %swap3A_228 = vector.shape_cast %swap3A_227 : vector<1x1x16xf32> to vector<16xf32>
          %swap3A_229 = vector.shape_cast %mul3A_222 : vector<16xf32> to vector<1x1x16xf32>
          tpu.vector_store %arg11[%swap3A_224, %swap3A_225, %swap3A_226], %swap3A_229 {strides = array<i32>} : memref<2x80x64xf32, #tpu.memory_space<vmem>>, vector<1x1x16xf32>,
          %add3A_230 = arith.constant 3 : i32
          %add3A_231 = arith.addi %mul3A_33, %add3A_230 : i32
          %broadcast_in_dim3A_232 = vector.broadcast %add3A_231 : i32 to vector<16x1xi32>
          %gather3A_233 = vector.shape_cast %broadcast_in_dim3A_232 : vector<16x1xi32> to vector<16xi32>
          %gather3A_234 = tpu.dynamic_gather %get3A_155[%gather3A_233] in [0] : vector<16xf32>, vector<16xi32> -> vector<16xf32>
          %add3A_235 = arith.constant 3 : i32
          %add3A_236 = arith.addi %mul3A_33, %add3A_235 : i32
          %mul3A_237 = arith.constant 16 : i32
          %mul3A_238 = arith.muli %add3A_236, %mul3A_237 : i32
          %get3A_239 = arith.constant 1 : i32
          %get3A_240 = arith.index_cast %get3A_239 : i32 to index
          %get3A_241 = arith.index_cast %scan3A_150 : i32 to index
          %get3A_242 = arith.index_cast %mul3A_238 : i32 to index
          %get3A_243 = tpu.vector_load %arg10[%get3A_240, %get3A_241, %get3A_242] {strides = array<i32>} : memref<2x80x128xf32, #tpu.memory_space<vmem>>, vector<1x1x16xf32>,
          %get3A_244 = vector.shape_cast %get3A_243 : vector<1x1x16xf32> to vector<16xf32>
          %mul3A_245 = arith.mulf %get3A_244, %gather3A_234 : vector<16xf32>
          %swap3A_246 = arith.constant 1 : i32
          %swap3A_247 = arith.index_cast %swap3A_246 : i32 to index
          %swap3A_248 = arith.index_cast %scan3A_150 : i32 to index
          %swap3A_249 = arith.constant 48 : index
          %swap3A_250 = tpu.vector_load %arg11[%swap3A_247, %swap3A_248, %swap3A_249] {strides = array<i32>} : memref<2x80x64xf32, #tpu.memory_space<vmem>>, vector<1x1x16xf32>,
          %swap3A_251 = vector.shape_cast %swap3A_250 : vector<1x1x16xf32> to vector<16xf32>
          %swap3A_252 = vector.shape_cast %mul3A_245 : vector<16xf32> to vector<1x1x16xf32>
          tpu.vector_store %arg11[%swap3A_247, %swap3A_248, %swap3A_249], %swap3A_252 {strides = array<i32>} : memref<2x80x64xf32, #tpu.memory_space<vmem>>, vector<1x1x16xf32>,
        }
        %scan3A_118 = arith.constant 80 : i32
        %dma_start3A = arith.constant 1 : i32
        %dma_start3A_119 = arith.constant 1 : i32
        %dma_start3A_120 = arith.constant 0 : i32
        %dma_start3A_121 = arith.constant 0 : i32
        %dma_start3A_122 = tpu.memref_slice %arg11[%dma_start3A, %dma_start3A_120, %dma_start3A_121] : memref<2x80x64xf32, #tpu.memory_space<vmem>> -> memref<1x80x64xf32, #tpu.memory_space<vmem>>
        %dma_start3A_123 = tpu.memref_squeeze %dma_start3A_122 : memref<1x80x64xf32, #tpu.memory_space<vmem>> -> memref<80x64xf32, #tpu.memory_space<vmem>>
        %dma_start3A_124 = arith.constant 0 : i32
        %dma_start3A_125 = tpu.memref_slice %arg8[%dma_start3A_119, %dma_start3A_124] : memref<2x80xi32, #tpu.memory_space<vmem>> -> memref<1x80xi32, #tpu.memory_space<vmem>>
        %dma_start3A_126 = tpu.memref_squeeze %dma_start3A_125 : memref<1x80xi32, #tpu.memory_space<vmem>> -> memref<80xi32, #tpu.memory_space<vmem>>
        %dma_start3A_127 = arith.constant 0 : i32
        %dma_start3A_128 = arith.constant 0 : i32
        %dma_start3A_129 = tpu.memref_slice %arg16[%dma_start3A_127, %dma_start3A_128] : memref<10240x64xf32, #tpu.memory_space<vmem_shared>> -> memref<10240x64xf32, #tpu.memory_space<vmem_shared>>
        tpu.enqueue_indirect_dma source(%dma_start3A_123 : memref<80x64xf32, #tpu.memory_space<vmem>>) target(%dma_start3A_129 : memref<10240x64xf32, #tpu.memory_space<vmem_shared>>) offsets(%dma_start3A_126 : memref<80xi32, #tpu.memory_space<vmem>>) semaphore(%arg21 : memref<!tpu.dma_semaphore, #tpu.memory_space<semaphore_mem>>) {add = true}
        %dma_start3A_130 = arith.constant 1 : i32
        %dma_start3A_131 = arith.constant 1 : i32
        %dma_start3A_132 = arith.constant 0 : i32
        %dma_start3A_133 = arith.constant 0 : i32
        %dma_start3A_134 = tpu.memref_slice %arg13[%dma_start3A_130, %dma_start3A_132, %dma_start3A_133] : memref<2x80x16xf32, #tpu.memory_space<vmem>> -> memref<1x80x16xf32, #tpu.memory_space<vmem>>
        %dma_start3A_135 = tpu.memref_squeeze %dma_start3A_134 : memref<1x80x16xf32, #tpu.memory_space<vmem>> -> memref<80x16xf32, #tpu.memory_space<vmem>>
        %dma_start3A_136 = arith.constant 0 : i32
        %dma_start3A_137 = tpu.memref_slice %arg8[%dma_start3A_131, %dma_start3A_136] : memref<2x80xi32, #tpu.memory_space<vmem>> -> memref<1x80xi32, #tpu.memory_space<vmem>>
        %dma_start3A_138 = tpu.memref_squeeze %dma_start3A_137 : memref<1x80xi32, #tpu.memory_space<vmem>> -> memref<80xi32, #tpu.memory_space<vmem>>
        %dma_start3A_139 = arith.constant 0 : i32
        %dma_start3A_140 = arith.constant 0 : i32
        %dma_start3A_141 = tpu.memref_slice %arg17[%dma_start3A_139, %dma_start3A_140] : memref<10240x16xf32, #tpu.memory_space<vmem_shared>> -> memref<10240x16xf32, #tpu.memory_space<vmem_shared>>
        tpu.enqueue_indirect_dma source(%dma_start3A_135 : memref<80x16xf32, #tpu.memory_space<vmem>>) target(%dma_start3A_141 : memref<10240x16xf32, #tpu.memory_space<vmem_shared>>) offsets(%dma_start3A_138 : memref<80xi32, #tpu.memory_space<vmem>>) semaphore(%arg21 : memref<!tpu.dma_semaphore, #tpu.memory_space<semaphore_mem>>) {add = true}
        %eq3A_142 = arith.constant 1 : i32
        %eq3A_143 = arith.cmpi eq, %rem3A_74, %eq3A_142 : i32
        %add3A_144 = arith.constant 2 : i32
        %add3A_145 = arith.addi %while3A_73, %add3A_144 : i32
        %lt3A_146 = arith.cmpi slt, %add3A_145, %add3A_37 : i32
        %and3A = arith.andi %eq3A_143, %lt3A_146 : i1
        %convert_element_type3A_147 = arith.extui %and3A : i1 to i32
        %cond3A_148 = arith.constant 0 : i32
        %cond3A_149 = arith.cmpi ne, %convert_element_type3A_147, %cond3A_148 : i32
        scf.if %cond3A_149 {
          %dma_wait3A_150 = arith.constant 1 : i32
          %dma_wait3A_151 = arith.constant 0 : i32
          %dma_wait3A_152 = arith.constant 0 : i32
          %dma_wait3A_153 = tpu.memref_slice %arg11[%dma_wait3A_150, %dma_wait3A_151, %dma_wait3A_152] : memref<2x80x64xf32, #tpu.memory_space<vmem>> -> memref<1x80x64xf32, #tpu.memory_space<vmem>>
          %dma_wait3A_154 = tpu.memref_squeeze %dma_wait3A_153 : memref<1x80x64xf32, #tpu.memory_space<vmem>> -> memref<80x64xf32, #tpu.memory_space<vmem>>
          %dma_wait3A_155 = arith.constant 0 : i32
          %dma_wait3A_156 = arith.constant 0 : i32
          %dma_wait3A_157 = tpu.memref_slice %arg16[%dma_wait3A_155, %dma_wait3A_156] : memref<10240x64xf32, #tpu.memory_space<vmem_shared>> -> memref<80x64xf32, #tpu.memory_space<vmem_shared>>
          %dma_wait3A_158 = arith.constant 0 : i32
          %dma_wait3A_159 = arith.constant 0 : i32
          %dma_wait3A_160 = tpu.memref_slice %arg16[%dma_wait3A_158, %dma_wait3A_159] : memref<10240x64xf32, #tpu.memory_space<vmem_shared>> -> memref<80x64xf32, #tpu.memory_space<vmem_shared>>
          %dma_wait3A_161 = arith.constant 0 : i32
          %dma_wait3A_162 = arith.constant 0 : i32
          %dma_wait3A_163 = tpu.memref_slice %arg11[%dma_wait3A_150, %dma_wait3A_161, %dma_wait3A_162] : memref<2x80x64xf32, #tpu.memory_space<vmem>> -> memref<1x80x64xf32, #tpu.memory_space<vmem>>
          %dma_wait3A_164 = tpu.memref_squeeze %dma_wait3A_163 : memref<1x80x64xf32, #tpu.memory_space<vmem>> -> memref<80x64xf32, #tpu.memory_space<vmem>>
          tpu.wait_dma2 semaphore(%arg21 : memref<!tpu.dma_semaphore, #tpu.memory_space<semaphore_mem>>) src(%dma_wait3A_164 : memref<80x64xf32, #tpu.memory_space<vmem>>) dst(%dma_wait3A_160 : memref<80x64xf32, #tpu.memory_space<vmem_shared>>)
          %dma_wait3A_165 = arith.constant 1 : i32
          %dma_wait3A_166 = arith.constant 0 : i32
          %dma_wait3A_167 = arith.constant 0 : i32
          %dma_wait3A_168 = tpu.memref_slice %arg13[%dma_wait3A_165, %dma_wait3A_166, %dma_wait3A_167] : memref<2x80x16xf32, #tpu.memory_space<vmem>> -> memref<1x80x16xf32, #tpu.memory_space<vmem>>
          %dma_wait3A_169 = tpu.memref_squeeze %dma_wait3A_168 : memref<1x80x16xf32, #tpu.memory_space<vmem>> -> memref<80x16xf32, #tpu.memory_space<vmem>>
          %dma_wait3A_170 = arith.constant 0 : i32
          %dma_wait3A_171 = arith.constant 0 : i32
          %dma_wait3A_172 = tpu.memref_slice %arg17[%dma_wait3A_170, %dma_wait3A_171] : memref<10240x16xf32, #tpu.memory_space<vmem_shared>> -> memref<80x16xf32, #tpu.memory_space<vmem_shared>>
          %dma_wait3A_173 = arith.constant 0 : i32
          %dma_wait3A_174 = arith.constant 0 : i32
          %dma_wait3A_175 = tpu.memref_slice %arg17[%dma_wait3A_173, %dma_wait3A_174] : memref<10240x16xf32, #tpu.memory_space<vmem_shared>> -> memref<80x16xf32, #tpu.memory_space<vmem_shared>>
          %dma_wait3A_176 = arith.constant 0 : i32
          %dma_wait3A_177 = arith.constant 0 : i32
          %dma_wait3A_178 = tpu.memref_slice %arg13[%dma_wait3A_165, %dma_wait3A_176, %dma_wait3A_177] : memref<2x80x16xf32, #tpu.memory_space<vmem>> -> memref<1x80x16xf32, #tpu.memory_space<vmem>>
          %dma_wait3A_179 = tpu.memref_squeeze %dma_wait3A_178 : memref<1x80x16xf32, #tpu.memory_space<vmem>> -> memref<80x16xf32, #tpu.memory_space<vmem>>
          tpu.wait_dma2 semaphore(%arg21 : memref<!tpu.dma_semaphore, #tpu.memory_space<semaphore_mem>>) src(%dma_wait3A_179 : memref<80x16xf32, #tpu.memory_space<vmem>>) dst(%dma_wait3A_175 : memref<80x16xf32, #tpu.memory_space<vmem_shared>>)
          %add3A_180 = arith.constant 2 : i32
          %add3A_181 = arith.addi %while3A_73, %add3A_180 : i32
          %mul3A_182 = arith.constant 16 : i32
          %mul3A_183 = arith.muli %mul3A_182, %add3A_181 : i32
          %add3A_184 = arith.addi %arg1, %mul3A_183 : i32
          %mul3A_185 = arith.constant 80 : i32
          %mul3A_186 = arith.muli %add3A_184, %mul3A_185 : i32
          %run_scoped3A = arith.constant 1 : i32
          "tpu.region"() ({
            %run_scoped3A_213 = tpu.sem_alloc : memref<!tpu.dma_semaphore, #tpu.memory_space<semaphore_mem>>
            %dma_start3A_214 = arith.constant 0 : i32
            %dma_start3A_215 = tpu.memref_slice %arg8[%run_scoped3A, %dma_start3A_214] : memref<2x80xi32, #tpu.memory_space<vmem>> -> memref<1x80xi32, #tpu.memory_space<vmem>>
            %dma_start3A_216 = tpu.memref_squeeze %dma_start3A_215 : memref<1x80xi32, #tpu.memory_space<vmem>> -> memref<80xi32, #tpu.memory_space<vmem>>
            %dma_start3A_217 = tpu.memref_slice %arg5[%mul3A_186] : memref<320000xi32, #tpu.memory_space<hbm>> -> memref<80xi32, #tpu.memory_space<hbm>>
            %dma_start3A_218 = arith.constant 0 : i32
            %dma_start3A_219 = tpu.memref_slice %arg8[%run_scoped3A, %dma_start3A_218] : memref<2x80xi32, #tpu.memory_space<vmem>> -> memref<1x80xi32, #tpu.memory_space<vmem>>
            %dma_start3A_220 = tpu.memref_squeeze %dma_start3A_219 : memref<1x80xi32, #tpu.memory_space<vmem>> -> memref<80xi32, #tpu.memory_space<vmem>>
            %dma_start3A_221 = tpu.memref_slice %arg5[%mul3A_186] : memref<320000xi32, #tpu.memory_space<hbm>> -> memref<80xi32, #tpu.memory_space<hbm>>
            tpu.enqueue_dma source(%dma_start3A_221 : memref<80xi32, #tpu.memory_space<hbm>>) target(%dma_start3A_220 : memref<80xi32, #tpu.memory_space<vmem>>) target_semaphore(%run_scoped3A_213 : memref<!tpu.dma_semaphore, #tpu.memory_space<semaphore_mem>>)
            %dma_wait3A_222 = arith.constant 0 : i32
            %dma_wait3A_223 = tpu.memref_slice %arg8[%run_scoped3A, %dma_wait3A_222] : memref<2x80xi32, #tpu.memory_space<vmem>> -> memref<1x80xi32, #tpu.memory_space<vmem>>
            %dma_wait3A_224 = tpu.memref_squeeze %dma_wait3A_223 : memref<1x80xi32, #tpu.memory_space<vmem>> -> memref<80xi32, #tpu.memory_space<vmem>>
            %dma_wait3A_225 = tpu.memref_slice %arg5[%mul3A_186] : memref<320000xi32, #tpu.memory_space<hbm>> -> memref<80xi32, #tpu.memory_space<hbm>>
            %dma_wait3A_226 = arith.constant 0 : i32
            %dma_wait3A_227 = tpu.memref_slice %arg8[%run_scoped3A, %dma_wait3A_226] : memref<2x80xi32, #tpu.memory_space<vmem>> -> memref<1x80xi32, #tpu.memory_space<vmem>>
            %dma_wait3A_228 = tpu.memref_squeeze %dma_wait3A_227 : memref<1x80xi32, #tpu.memory_space<vmem>> -> memref<80xi32, #tpu.memory_space<vmem>>
            %dma_wait3A_229 = tpu.memref_slice %arg5[%mul3A_186] : memref<320000xi32, #tpu.memory_space<hbm>> -> memref<80xi32, #tpu.memory_space<hbm>>
            tpu.wait_dma2 semaphore(%run_scoped3A_213 : memref<!tpu.dma_semaphore, #tpu.memory_space<semaphore_mem>>) src(%dma_wait3A_229 : memref<80xi32, #tpu.memory_space<hbm>>) dst(%dma_wait3A_228 : memref<80xi32, #tpu.memory_space<vmem>>)
            tpu.yield
          }) : () -> ()
          %run_scoped3A_187 = arith.constant 1 : i32
          "tpu.region"() ({
            %run_scoped3A_213 = tpu.sem_alloc : memref<!tpu.dma_semaphore, #tpu.memory_space<semaphore_mem>>
            %dma_start3A_214 = arith.constant 0 : i32
            %dma_start3A_215 = tpu.memref_slice %arg9[%run_scoped3A_187, %dma_start3A_214] : memref<2x80xi32, #tpu.memory_space<vmem>> -> memref<1x80xi32, #tpu.memory_space<vmem>>
            %dma_start3A_216 = tpu.memref_squeeze %dma_start3A_215 : memref<1x80xi32, #tpu.memory_space<vmem>> -> memref<80xi32, #tpu.memory_space<vmem>>
            %dma_start3A_217 = tpu.memref_slice %arg4[%mul3A_186] : memref<320000xi32, #tpu.memory_space<hbm>> -> memref<80xi32, #tpu.memory_space<hbm>>
            %dma_start3A_218 = arith.constant 0 : i32
            %dma_start3A_219 = tpu.memref_slice %arg9[%run_scoped3A_187, %dma_start3A_218] : memref<2x80xi32, #tpu.memory_space<vmem>> -> memref<1x80xi32, #tpu.memory_space<vmem>>
            %dma_start3A_220 = tpu.memref_squeeze %dma_start3A_219 : memref<1x80xi32, #tpu.memory_space<vmem>> -> memref<80xi32, #tpu.memory_space<vmem>>
            %dma_start3A_221 = tpu.memref_slice %arg4[%mul3A_186] : memref<320000xi32, #tpu.memory_space<hbm>> -> memref<80xi32, #tpu.memory_space<hbm>>
            tpu.enqueue_dma source(%dma_start3A_221 : memref<80xi32, #tpu.memory_space<hbm>>) target(%dma_start3A_220 : memref<80xi32, #tpu.memory_space<vmem>>) target_semaphore(%run_scoped3A_213 : memref<!tpu.dma_semaphore, #tpu.memory_space<semaphore_mem>>)
            %dma_wait3A_222 = arith.constant 0 : i32
            %dma_wait3A_223 = tpu.memref_slice %arg9[%run_scoped3A_187, %dma_wait3A_222] : memref<2x80xi32, #tpu.memory_space<vmem>> -> memref<1x80xi32, #tpu.memory_space<vmem>>
            %dma_wait3A_224 = tpu.memref_squeeze %dma_wait3A_223 : memref<1x80xi32, #tpu.memory_space<vmem>> -> memref<80xi32, #tpu.memory_space<vmem>>
            %dma_wait3A_225 = tpu.memref_slice %arg4[%mul3A_186] : memref<320000xi32, #tpu.memory_space<hbm>> -> memref<80xi32, #tpu.memory_space<hbm>>
            %dma_wait3A_226 = arith.constant 0 : i32
            %dma_wait3A_227 = tpu.memref_slice %arg9[%run_scoped3A_187, %dma_wait3A_226] : memref<2x80xi32, #tpu.memory_space<vmem>> -> memref<1x80xi32, #tpu.memory_space<vmem>>
            %dma_wait3A_228 = tpu.memref_squeeze %dma_wait3A_227 : memref<1x80xi32, #tpu.memory_space<vmem>> -> memref<80xi32, #tpu.memory_space<vmem>>
            %dma_wait3A_229 = tpu.memref_slice %arg4[%mul3A_186] : memref<320000xi32, #tpu.memory_space<hbm>> -> memref<80xi32, #tpu.memory_space<hbm>>
            tpu.wait_dma2 semaphore(%run_scoped3A_213 : memref<!tpu.dma_semaphore, #tpu.memory_space<semaphore_mem>>) src(%dma_wait3A_229 : memref<80xi32, #tpu.memory_space<hbm>>) dst(%dma_wait3A_228 : memref<80xi32, #tpu.memory_space<vmem>>)
            tpu.yield
          }) : () -> ()
          %dma_start3A_188 = arith.constant 1 : i32
          %dma_start3A_189 = arith.constant 1 : i32
          %dma_start3A_190 = arith.constant 0 : i32
          %dma_start3A_191 = arith.constant 0 : i32
          %dma_start3A_192 = tpu.memref_slice %arg10[%dma_start3A_189, %dma_start3A_190, %dma_start3A_191] : memref<2x80x128xf32, #tpu.memory_space<vmem>> -> memref<1x80x128xf32, #tpu.memory_space<vmem>>
          %dma_start3A_193 = tpu.memref_squeeze %dma_start3A_192 : memref<1x80x128xf32, #tpu.memory_space<vmem>> -> memref<80x128xf32, #tpu.memory_space<vmem>>
          %dma_start3A_194 = arith.constant 0 : i32
          %dma_start3A_195 = tpu.memref_slice %arg9[%dma_start3A_188, %dma_start3A_194] : memref<2x80xi32, #tpu.memory_space<vmem>> -> memref<1x80xi32, #tpu.memory_space<vmem>>
          %dma_start3A_196 = tpu.memref_squeeze %dma_start3A_195 : memref<1x80xi32, #tpu.memory_space<vmem>> -> memref<80xi32, #tpu.memory_space<vmem>>
          %dma_start3A_197 = arith.constant 0 : i32
          %dma_start3A_198 = arith.constant 0 : i32
          %dma_start3A_199 = tpu.memref_slice %arg2[%dma_start3A_197, %dma_start3A_198] : memref<10000x128xf32, #tpu.memory_space<hbm>> -> memref<10000x128xf32, #tpu.memory_space<hbm>>
          tpu.enqueue_indirect_dma source(%dma_start3A_199 : memref<10000x128xf32, #tpu.memory_space<hbm>>) target(%dma_start3A_193 : memref<80x128xf32, #tpu.memory_space<vmem>>) offsets(%dma_start3A_196 : memref<80xi32, #tpu.memory_space<vmem>>) semaphore(%arg19 : memref<!tpu.dma_semaphore, #tpu.memory_space<semaphore_mem>>)
          %dma_start3A_200 = arith.constant 1 : i32
          %dma_start3A_201 = arith.constant 0 : i32
          %dma_start3A_202 = arith.constant 0 : i32
          %dma_start3A_203 = tpu.memref_slice %arg12[%dma_start3A_200, %dma_start3A_201, %dma_start3A_202] : memref<2x80x128xf32, #tpu.memory_space<vmem>> -> memref<1x80x128xf32, #tpu.memory_space<vmem>>
          %dma_start3A_204 = tpu.memref_squeeze %dma_start3A_203 : memref<1x80x128xf32, #tpu.memory_space<vmem>> -> memref<80x128xf32, #tpu.memory_space<vmem>>
          %dma_start3A_205 = arith.constant 0 : i32
          %dma_start3A_206 = tpu.memref_slice %arg3[%mul3A_186, %dma_start3A_205] : memref<320000x128xf32, #tpu.memory_space<hbm>> -> memref<80x128xf32, #tpu.memory_space<hbm>>
          %dma_start3A_207 = arith.constant 0 : i32
          %dma_start3A_208 = arith.constant 0 : i32
          %dma_start3A_209 = tpu.memref_slice %arg12[%dma_start3A_200, %dma_start3A_207, %dma_start3A_208] : memref<2x80x128xf32, #tpu.memory_space<vmem>> -> memref<1x80x128xf32, #tpu.memory_space<vmem>>
          %dma_start3A_210 = tpu.memref_squeeze %dma_start3A_209 : memref<1x80x128xf32, #tpu.memory_space<vmem>> -> memref<80x128xf32, #tpu.memory_space<vmem>>
          %dma_start3A_211 = arith.constant 0 : i32
          %dma_start3A_212 = tpu.memref_slice %arg3[%mul3A_186, %dma_start3A_211] : memref<320000x128xf32, #tpu.memory_space<hbm>> -> memref<80x128xf32, #tpu.memory_space<hbm>>
          tpu.enqueue_dma source(%dma_start3A_212 : memref<80x128xf32, #tpu.memory_space<hbm>>) target(%dma_start3A_210 : memref<80x128xf32, #tpu.memory_space<vmem>>) target_semaphore(%arg19 : memref<!tpu.dma_semaphore, #tpu.memory_space<semaphore_mem>>)
        } else {
        }
      } else {
      }
    }
    %while3A_53 = arith.constant 1 : i32
    scf.for %while3A_73 = %while3A_51 to %while3A_47 step %while3A_53  : i32 {
      %rem3A = arith.constant 2 : i32
      %rem3A_74 = arith.remsi %while3A_73, %rem3A : i32
      %eq3A = arith.constant 0 : i32
      %eq3A_75 = arith.cmpi eq, %rem3A_74, %eq3A : i32
      %convert_element_type3A_76 = arith.extui %eq3A_75 : i1 to i32
      %cond3A_77 = arith.constant 0 : i32
      %cond3A_78 = arith.cmpi ne, %convert_element_type3A_76, %cond3A_77 : i32
      scf.if %cond3A_78 {
        %dma_wait3A = arith.constant 0 : i32
        %dma_wait3A_84 = arith.constant 0 : i32
        %dma_wait3A_85 = arith.constant 0 : i32
        %dma_wait3A_86 = tpu.memref_slice %arg10[%dma_wait3A, %dma_wait3A_84, %dma_wait3A_85] : memref<2x80x128xf32, #tpu.memory_space<vmem>> -> memref<1x80x128xf32, #tpu.memory_space<vmem>>
        %dma_wait3A_87 = tpu.memref_squeeze %dma_wait3A_86 : memref<1x80x128xf32, #tpu.memory_space<vmem>> -> memref<80x128xf32, #tpu.memory_space<vmem>>
        %dma_wait3A_88 = arith.constant 0 : i32
        %dma_wait3A_89 = arith.constant 0 : i32
        %dma_wait3A_90 = tpu.memref_slice %arg2[%dma_wait3A_88, %dma_wait3A_89] : memref<10000x128xf32, #tpu.memory_space<hbm>> -> memref<80x128xf32, #tpu.memory_space<hbm>>
        %dma_wait3A_91 = arith.constant 0 : i32
        %dma_wait3A_92 = arith.constant 0 : i32
        %dma_wait3A_93 = tpu.memref_slice %arg10[%dma_wait3A, %dma_wait3A_91, %dma_wait3A_92] : memref<2x80x128xf32, #tpu.memory_space<vmem>> -> memref<1x80x128xf32, #tpu.memory_space<vmem>>
        %dma_wait3A_94 = tpu.memref_squeeze %dma_wait3A_93 : memref<1x80x128xf32, #tpu.memory_space<vmem>> -> memref<80x128xf32, #tpu.memory_space<vmem>>
        %dma_wait3A_95 = arith.constant 0 : i32
        %dma_wait3A_96 = arith.constant 0 : i32
        %dma_wait3A_97 = tpu.memref_slice %arg2[%dma_wait3A_95, %dma_wait3A_96] : memref<10000x128xf32, #tpu.memory_space<hbm>> -> memref<80x128xf32, #tpu.memory_space<hbm>>
        tpu.wait_dma2 semaphore(%arg18 : memref<!tpu.dma_semaphore, #tpu.memory_space<semaphore_mem>>) src(%dma_wait3A_97 : memref<80x128xf32, #tpu.memory_space<hbm>>) dst(%dma_wait3A_94 : memref<80x128xf32, #tpu.memory_space<vmem>>)
        %dma_wait3A_98 = arith.constant 0 : i32
        %dma_wait3A_99 = arith.constant 0 : i32
        %dma_wait3A_100 = arith.constant 0 : i32
        %dma_wait3A_101 = tpu.memref_slice %arg12[%dma_wait3A_98, %dma_wait3A_99, %dma_wait3A_100] : memref<2x80x128xf32, #tpu.memory_space<vmem>> -> memref<1x80x128xf32, #tpu.memory_space<vmem>>
        %dma_wait3A_102 = tpu.memref_squeeze %dma_wait3A_101 : memref<1x80x128xf32, #tpu.memory_space<vmem>> -> memref<80x128xf32, #tpu.memory_space<vmem>>
        %dma_wait3A_103 = arith.constant 0 : i32
        %dma_wait3A_104 = arith.constant 0 : i32
        %dma_wait3A_105 = tpu.memref_slice %arg3[%dma_wait3A_103, %dma_wait3A_104] : memref<320000x128xf32, #tpu.memory_space<hbm>> -> memref<80x128xf32, #tpu.memory_space<hbm>>
        %dma_wait3A_106 = arith.constant 0 : i32
        %dma_wait3A_107 = arith.constant 0 : i32
        %dma_wait3A_108 = tpu.memref_slice %arg12[%dma_wait3A_98, %dma_wait3A_106, %dma_wait3A_107] : memref<2x80x128xf32, #tpu.memory_space<vmem>> -> memref<1x80x128xf32, #tpu.memory_space<vmem>>
        %dma_wait3A_109 = tpu.memref_squeeze %dma_wait3A_108 : memref<1x80x128xf32, #tpu.memory_space<vmem>> -> memref<80x128xf32, #tpu.memory_space<vmem>>
        %dma_wait3A_110 = arith.constant 0 : i32
        %dma_wait3A_111 = arith.constant 0 : i32
        %dma_wait3A_112 = tpu.memref_slice %arg3[%dma_wait3A_110, %dma_wait3A_111] : memref<320000x128xf32, #tpu.memory_space<hbm>> -> memref<80x128xf32, #tpu.memory_space<hbm>>
        tpu.wait_dma2 semaphore(%arg18 : memref<!tpu.dma_semaphore, #tpu.memory_space<semaphore_mem>>) src(%dma_wait3A_112 : memref<80x128xf32, #tpu.memory_space<hbm>>) dst(%dma_wait3A_109 : memref<80x128xf32, #tpu.memory_space<vmem>>)
        %scan3A_113 = arith.constant 0 : i32
        %scan3A_114 = arith.constant 0 : i32
        %scan3A_115 = arith.constant 80 : i32
        %scan3A_116 = arith.addi %scan3A_114, %scan3A_115 : i32
        %scan3A_117 = arith.constant 1 : i32
        scf.for %scan3A_150 = %scan3A_114 to %scan3A_116 step %scan3A_117  : i32 {
          %get3A = arith.constant 0 : i32
          %get3A_151 = arith.index_cast %get3A : i32 to index
          %get3A_152 = arith.index_cast %scan3A_150 : i32 to index
          %get3A_153 = arith.constant 0 : index
          %get3A_154 = tpu.vector_load %arg12[%get3A_151, %get3A_152, %get3A_153] {strides = array<i32>} : memref<2x80x128xf32, #tpu.memory_space<vmem>>, vector<1x1x16xf32>,
          %get3A_155 = vector.shape_cast %get3A_154 : vector<1x1x16xf32> to vector<16xf32>
          %swap3A = arith.constant 0 : i32
          %swap3A_156 = arith.index_cast %swap3A : i32 to index
          %swap3A_157 = arith.index_cast %scan3A_150 : i32 to index
          %swap3A_158 = arith.constant 0 : index
          %swap3A_159 = tpu.vector_load %arg13[%swap3A_156, %swap3A_157, %swap3A_158] {strides = array<i32>} : memref<2x80x16xf32, #tpu.memory_space<vmem>>, vector<1x1x16xf32>,
          %swap3A_160 = vector.shape_cast %swap3A_159 : vector<1x1x16xf32> to vector<16xf32>
          %swap3A_161 = vector.shape_cast %get3A_155 : vector<16xf32> to vector<1x1x16xf32>
          tpu.vector_store %arg13[%swap3A_156, %swap3A_157, %swap3A_158], %swap3A_161 {strides = array<i32>} : memref<2x80x16xf32, #tpu.memory_space<vmem>>, vector<1x1x16xf32>,
          %add3A_162 = arith.constant 0 : i32
          %add3A_163 = arith.addi %mul3A_33, %add3A_162 : i32
          %broadcast_in_dim3A_164 = vector.broadcast %add3A_163 : i32 to vector<16x1xi32>
          %gather3A = vector.shape_cast %broadcast_in_dim3A_164 : vector<16x1xi32> to vector<16xi32>
          %gather3A_165 = tpu.dynamic_gather %get3A_155[%gather3A] in [0] : vector<16xf32>, vector<16xi32> -> vector<16xf32>
          %add3A_166 = arith.constant 0 : i32
          %add3A_167 = arith.addi %mul3A_33, %add3A_166 : i32
          %mul3A_168 = arith.constant 16 : i32
          %mul3A_169 = arith.muli %add3A_167, %mul3A_168 : i32
          %get3A_170 = arith.constant 0 : i32
          %get3A_171 = arith.index_cast %get3A_170 : i32 to index
          %get3A_172 = arith.index_cast %scan3A_150 : i32 to index
          %get3A_173 = arith.index_cast %mul3A_169 : i32 to index
          %get3A_174 = tpu.vector_load %arg10[%get3A_171, %get3A_172, %get3A_173] {strides = array<i32>} : memref<2x80x128xf32, #tpu.memory_space<vmem>>, vector<1x1x16xf32>,
          %get3A_175 = vector.shape_cast %get3A_174 : vector<1x1x16xf32> to vector<16xf32>
          %mul3A_176 = arith.mulf %get3A_175, %gather3A_165 : vector<16xf32>
          %swap3A_177 = arith.constant 0 : i32
          %swap3A_178 = arith.index_cast %swap3A_177 : i32 to index
          %swap3A_179 = arith.index_cast %scan3A_150 : i32 to index
          %swap3A_180 = arith.constant 0 : index
          %swap3A_181 = tpu.vector_load %arg11[%swap3A_178, %swap3A_179, %swap3A_180] {strides = array<i32>} : memref<2x80x64xf32, #tpu.memory_space<vmem>>, vector<1x1x16xf32>,
          %swap3A_182 = vector.shape_cast %swap3A_181 : vector<1x1x16xf32> to vector<16xf32>
          %swap3A_183 = vector.shape_cast %mul3A_176 : vector<16xf32> to vector<1x1x16xf32>
          tpu.vector_store %arg11[%swap3A_178, %swap3A_179, %swap3A_180], %swap3A_183 {strides = array<i32>} : memref<2x80x64xf32, #tpu.memory_space<vmem>>, vector<1x1x16xf32>,
          %add3A_184 = arith.constant 1 : i32
          %add3A_185 = arith.addi %mul3A_33, %add3A_184 : i32
          %broadcast_in_dim3A_186 = vector.broadcast %add3A_185 : i32 to vector<16x1xi32>
          %gather3A_187 = vector.shape_cast %broadcast_in_dim3A_186 : vector<16x1xi32> to vector<16xi32>
          %gather3A_188 = tpu.dynamic_gather %get3A_155[%gather3A_187] in [0] : vector<16xf32>, vector<16xi32> -> vector<16xf32>
          %add3A_189 = arith.constant 1 : i32
          %add3A_190 = arith.addi %mul3A_33, %add3A_189 : i32
          %mul3A_191 = arith.constant 16 : i32
          %mul3A_192 = arith.muli %add3A_190, %mul3A_191 : i32
          %get3A_193 = arith.constant 0 : i32
          %get3A_194 = arith.index_cast %get3A_193 : i32 to index
          %get3A_195 = arith.index_cast %scan3A_150 : i32 to index
          %get3A_196 = arith.index_cast %mul3A_192 : i32 to index
          %get3A_197 = tpu.vector_load %arg10[%get3A_194, %get3A_195, %get3A_196] {strides = array<i32>} : memref<2x80x128xf32, #tpu.memory_space<vmem>>, vector<1x1x16xf32>,
          %get3A_198 = vector.shape_cast %get3A_197 : vector<1x1x16xf32> to vector<16xf32>
          %mul3A_199 = arith.mulf %get3A_198, %gather3A_188 : vector<16xf32>
          %swap3A_200 = arith.constant 0 : i32
          %swap3A_201 = arith.index_cast %swap3A_200 : i32 to index
          %swap3A_202 = arith.index_cast %scan3A_150 : i32 to index
          %swap3A_203 = arith.constant 16 : index
          %swap3A_204 = tpu.vector_load %arg11[%swap3A_201, %swap3A_202, %swap3A_203] {strides = array<i32>} : memref<2x80x64xf32, #tpu.memory_space<vmem>>, vector<1x1x16xf32>,
          %swap3A_205 = vector.shape_cast %swap3A_204 : vector<1x1x16xf32> to vector<16xf32>
          %swap3A_206 = vector.shape_cast %mul3A_199 : vector<16xf32> to vector<1x1x16xf32>
          tpu.vector_store %arg11[%swap3A_201, %swap3A_202, %swap3A_203], %swap3A_206 {strides = array<i32>} : memref<2x80x64xf32, #tpu.memory_space<vmem>>, vector<1x1x16xf32>,
          %add3A_207 = arith.constant 2 : i32
          %add3A_208 = arith.addi %mul3A_33, %add3A_207 : i32
          %broadcast_in_dim3A_209 = vector.broadcast %add3A_208 : i32 to vector<16x1xi32>
          %gather3A_210 = vector.shape_cast %broadcast_in_dim3A_209 : vector<16x1xi32> to vector<16xi32>
          %gather3A_211 = tpu.dynamic_gather %get3A_155[%gather3A_210] in [0] : vector<16xf32>, vector<16xi32> -> vector<16xf32>
          %add3A_212 = arith.constant 2 : i32
          %add3A_213 = arith.addi %mul3A_33, %add3A_212 : i32
          %mul3A_214 = arith.constant 16 : i32
          %mul3A_215 = arith.muli %add3A_213, %mul3A_214 : i32
          %get3A_216 = arith.constant 0 : i32
          %get3A_217 = arith.index_cast %get3A_216 : i32 to index
          %get3A_218 = arith.index_cast %scan3A_150 : i32 to index
          %get3A_219 = arith.index_cast %mul3A_215 : i32 to index
          %get3A_220 = tpu.vector_load %arg10[%get3A_217, %get3A_218, %get3A_219] {strides = array<i32>} : memref<2x80x128xf32, #tpu.memory_space<vmem>>, vector<1x1x16xf32>,
          %get3A_221 = vector.shape_cast %get3A_220 : vector<1x1x16xf32> to vector<16xf32>
          %mul3A_222 = arith.mulf %get3A_221, %gather3A_211 : vector<16xf32>
          %swap3A_223 = arith.constant 0 : i32
          %swap3A_224 = arith.index_cast %swap3A_223 : i32 to index
          %swap3A_225 = arith.index_cast %scan3A_150 : i32 to index
          %swap3A_226 = arith.constant 32 : index
          %swap3A_227 = tpu.vector_load %arg11[%swap3A_224, %swap3A_225, %swap3A_226] {strides = array<i32>} : memref<2x80x64xf32, #tpu.memory_space<vmem>>, vector<1x1x16xf32>,
          %swap3A_228 = vector.shape_cast %swap3A_227 : vector<1x1x16xf32> to vector<16xf32>
          %swap3A_229 = vector.shape_cast %mul3A_222 : vector<16xf32> to vector<1x1x16xf32>
          tpu.vector_store %arg11[%swap3A_224, %swap3A_225, %swap3A_226], %swap3A_229 {strides = array<i32>} : memref<2x80x64xf32, #tpu.memory_space<vmem>>, vector<1x1x16xf32>,
          %add3A_230 = arith.constant 3 : i32
          %add3A_231 = arith.addi %mul3A_33, %add3A_230 : i32
          %broadcast_in_dim3A_232 = vector.broadcast %add3A_231 : i32 to vector<16x1xi32>
          %gather3A_233 = vector.shape_cast %broadcast_in_dim3A_232 : vector<16x1xi32> to vector<16xi32>
          %gather3A_234 = tpu.dynamic_gather %get3A_155[%gather3A_233] in [0] : vector<16xf32>, vector<16xi32> -> vector<16xf32>
          %add3A_235 = arith.constant 3 : i32
          %add3A_236 = arith.addi %mul3A_33, %add3A_235 : i32
          %mul3A_237 = arith.constant 16 : i32
          %mul3A_238 = arith.muli %add3A_236, %mul3A_237 : i32
          %get3A_239 = arith.constant 0 : i32
          %get3A_240 = arith.index_cast %get3A_239 : i32 to index
          %get3A_241 = arith.index_cast %scan3A_150 : i32 to index
          %get3A_242 = arith.index_cast %mul3A_238 : i32 to index
          %get3A_243 = tpu.vector_load %arg10[%get3A_240, %get3A_241, %get3A_242] {strides = array<i32>} : memref<2x80x128xf32, #tpu.memory_space<vmem>>, vector<1x1x16xf32>,
          %get3A_244 = vector.shape_cast %get3A_243 : vector<1x1x16xf32> to vector<16xf32>
          %mul3A_245 = arith.mulf %get3A_244, %gather3A_234 : vector<16xf32>
          %swap3A_246 = arith.constant 0 : i32
          %swap3A_247 = arith.index_cast %swap3A_246 : i32 to index
          %swap3A_248 = arith.index_cast %scan3A_150 : i32 to index
          %swap3A_249 = arith.constant 48 : index
          %swap3A_250 = tpu.vector_load %arg11[%swap3A_247, %swap3A_248, %swap3A_249] {strides = array<i32>} : memref<2x80x64xf32, #tpu.memory_space<vmem>>, vector<1x1x16xf32>,
          %swap3A_251 = vector.shape_cast %swap3A_250 : vector<1x1x16xf32> to vector<16xf32>
          %swap3A_252 = vector.shape_cast %mul3A_245 : vector<16xf32> to vector<1x1x16xf32>
          tpu.vector_store %arg11[%swap3A_247, %swap3A_248, %swap3A_249], %swap3A_252 {strides = array<i32>} : memref<2x80x64xf32, #tpu.memory_space<vmem>>, vector<1x1x16xf32>,
        }
        %scan3A_118 = arith.constant 80 : i32
        %dma_start3A = arith.constant 0 : i32
        %dma_start3A_119 = arith.constant 0 : i32
        %dma_start3A_120 = arith.constant 0 : i32
        %dma_start3A_121 = arith.constant 0 : i32
        %dma_start3A_122 = tpu.memref_slice %arg11[%dma_start3A, %dma_start3A_120, %dma_start3A_121] : memref<2x80x64xf32, #tpu.memory_space<vmem>> -> memref<1x80x64xf32, #tpu.memory_space<vmem>>
        %dma_start3A_123 = tpu.memref_squeeze %dma_start3A_122 : memref<1x80x64xf32, #tpu.memory_space<vmem>> -> memref<80x64xf32, #tpu.memory_space<vmem>>
        %dma_start3A_124 = arith.constant 0 : i32
        %dma_start3A_125 = tpu.memref_slice %arg8[%dma_start3A_119, %dma_start3A_124] : memref<2x80xi32, #tpu.memory_space<vmem>> -> memref<1x80xi32, #tpu.memory_space<vmem>>
        %dma_start3A_126 = tpu.memref_squeeze %dma_start3A_125 : memref<1x80xi32, #tpu.memory_space<vmem>> -> memref<80xi32, #tpu.memory_space<vmem>>
        %dma_start3A_127 = arith.constant 0 : i32
        %dma_start3A_128 = arith.constant 0 : i32
        %dma_start3A_129 = tpu.memref_slice %arg16[%dma_start3A_127, %dma_start3A_128] : memref<10240x64xf32, #tpu.memory_space<vmem_shared>> -> memref<10240x64xf32, #tpu.memory_space<vmem_shared>>
        tpu.enqueue_indirect_dma source(%dma_start3A_123 : memref<80x64xf32, #tpu.memory_space<vmem>>) target(%dma_start3A_129 : memref<10240x64xf32, #tpu.memory_space<vmem_shared>>) offsets(%dma_start3A_126 : memref<80xi32, #tpu.memory_space<vmem>>) semaphore(%arg20 : memref<!tpu.dma_semaphore, #tpu.memory_space<semaphore_mem>>) {add = true}
        %dma_start3A_130 = arith.constant 0 : i32
        %dma_start3A_131 = arith.constant 0 : i32
        %dma_start3A_132 = arith.constant 0 : i32
        %dma_start3A_133 = arith.constant 0 : i32
        %dma_start3A_134 = tpu.memref_slice %arg13[%dma_start3A_130, %dma_start3A_132, %dma_start3A_133] : memref<2x80x16xf32, #tpu.memory_space<vmem>> -> memref<1x80x16xf32, #tpu.memory_space<vmem>>
        %dma_start3A_135 = tpu.memref_squeeze %dma_start3A_134 : memref<1x80x16xf32, #tpu.memory_space<vmem>> -> memref<80x16xf32, #tpu.memory_space<vmem>>
        %dma_start3A_136 = arith.constant 0 : i32
        %dma_start3A_137 = tpu.memref_slice %arg8[%dma_start3A_131, %dma_start3A_136] : memref<2x80xi32, #tpu.memory_space<vmem>> -> memref<1x80xi32, #tpu.memory_space<vmem>>
        %dma_start3A_138 = tpu.memref_squeeze %dma_start3A_137 : memref<1x80xi32, #tpu.memory_space<vmem>> -> memref<80xi32, #tpu.memory_space<vmem>>
        %dma_start3A_139 = arith.constant 0 : i32
        %dma_start3A_140 = arith.constant 0 : i32
        %dma_start3A_141 = tpu.memref_slice %arg17[%dma_start3A_139, %dma_start3A_140] : memref<10240x16xf32, #tpu.memory_space<vmem_shared>> -> memref<10240x16xf32, #tpu.memory_space<vmem_shared>>
        tpu.enqueue_indirect_dma source(%dma_start3A_135 : memref<80x16xf32, #tpu.memory_space<vmem>>) target(%dma_start3A_141 : memref<10240x16xf32, #tpu.memory_space<vmem_shared>>) offsets(%dma_start3A_138 : memref<80xi32, #tpu.memory_space<vmem>>) semaphore(%arg20 : memref<!tpu.dma_semaphore, #tpu.memory_space<semaphore_mem>>) {add = true}
        %eq3A_142 = arith.constant 0 : i32
        %eq3A_143 = arith.cmpi eq, %rem3A_74, %eq3A_142 : i32
        %add3A_144 = arith.constant 2 : i32
        %add3A_145 = arith.addi %while3A_73, %add3A_144 : i32
        %lt3A_146 = arith.cmpi slt, %add3A_145, %add3A_37 : i32
        %and3A = arith.andi %eq3A_143, %lt3A_146 : i1
        %convert_element_type3A_147 = arith.extui %and3A : i1 to i32
        %cond3A_148 = arith.constant 0 : i32
        %cond3A_149 = arith.cmpi ne, %convert_element_type3A_147, %cond3A_148 : i32
        scf.if %cond3A_149 {
          %dma_wait3A_150 = arith.constant 0 : i32
          %dma_wait3A_151 = arith.constant 0 : i32
          %dma_wait3A_152 = arith.constant 0 : i32
          %dma_wait3A_153 = tpu.memref_slice %arg11[%dma_wait3A_150, %dma_wait3A_151, %dma_wait3A_152] : memref<2x80x64xf32, #tpu.memory_space<vmem>> -> memref<1x80x64xf32, #tpu.memory_space<vmem>>
          %dma_wait3A_154 = tpu.memref_squeeze %dma_wait3A_153 : memref<1x80x64xf32, #tpu.memory_space<vmem>> -> memref<80x64xf32, #tpu.memory_space<vmem>>
          %dma_wait3A_155 = arith.constant 0 : i32
          %dma_wait3A_156 = arith.constant 0 : i32
          %dma_wait3A_157 = tpu.memref_slice %arg16[%dma_wait3A_155, %dma_wait3A_156] : memref<10240x64xf32, #tpu.memory_space<vmem_shared>> -> memref<80x64xf32, #tpu.memory_space<vmem_shared>>
          %dma_wait3A_158 = arith.constant 0 : i32
          %dma_wait3A_159 = arith.constant 0 : i32
          %dma_wait3A_160 = tpu.memref_slice %arg16[%dma_wait3A_158, %dma_wait3A_159] : memref<10240x64xf32, #tpu.memory_space<vmem_shared>> -> memref<80x64xf32, #tpu.memory_space<vmem_shared>>
          %dma_wait3A_161 = arith.constant 0 : i32
          %dma_wait3A_162 = arith.constant 0 : i32
          %dma_wait3A_163 = tpu.memref_slice %arg11[%dma_wait3A_150, %dma_wait3A_161, %dma_wait3A_162] : memref<2x80x64xf32, #tpu.memory_space<vmem>> -> memref<1x80x64xf32, #tpu.memory_space<vmem>>
          %dma_wait3A_164 = tpu.memref_squeeze %dma_wait3A_163 : memref<1x80x64xf32, #tpu.memory_space<vmem>> -> memref<80x64xf32, #tpu.memory_space<vmem>>
          tpu.wait_dma2 semaphore(%arg20 : memref<!tpu.dma_semaphore, #tpu.memory_space<semaphore_mem>>) src(%dma_wait3A_164 : memref<80x64xf32, #tpu.memory_space<vmem>>) dst(%dma_wait3A_160 : memref<80x64xf32, #tpu.memory_space<vmem_shared>>)
          %dma_wait3A_165 = arith.constant 0 : i32
          %dma_wait3A_166 = arith.constant 0 : i32
          %dma_wait3A_167 = arith.constant 0 : i32
          %dma_wait3A_168 = tpu.memref_slice %arg13[%dma_wait3A_165, %dma_wait3A_166, %dma_wait3A_167] : memref<2x80x16xf32, #tpu.memory_space<vmem>> -> memref<1x80x16xf32, #tpu.memory_space<vmem>>
          %dma_wait3A_169 = tpu.memref_squeeze %dma_wait3A_168 : memref<1x80x16xf32, #tpu.memory_space<vmem>> -> memref<80x16xf32, #tpu.memory_space<vmem>>
          %dma_wait3A_170 = arith.constant 0 : i32
          %dma_wait3A_171 = arith.constant 0 : i32
          %dma_wait3A_172 = tpu.memref_slice %arg17[%dma_wait3A_170, %dma_wait3A_171] : memref<10240x16xf32, #tpu.memory_space<vmem_shared>> -> memref<80x16xf32, #tpu.memory_space<vmem_shared>>
          %dma_wait3A_173 = arith.constant 0 : i32
          %dma_wait3A_174 = arith.constant 0 : i32
          %dma_wait3A_175 = tpu.memref_slice %arg17[%dma_wait3A_173, %dma_wait3A_174] : memref<10240x16xf32, #tpu.memory_space<vmem_shared>> -> memref<80x16xf32, #tpu.memory_space<vmem_shared>>
          %dma_wait3A_176 = arith.constant 0 : i32
          %dma_wait3A_177 = arith.constant 0 : i32
          %dma_wait3A_178 = tpu.memref_slice %arg13[%dma_wait3A_165, %dma_wait3A_176, %dma_wait3A_177] : memref<2x80x16xf32, #tpu.memory_space<vmem>> -> memref<1x80x16xf32, #tpu.memory_space<vmem>>
          %dma_wait3A_179 = tpu.memref_squeeze %dma_wait3A_178 : memref<1x80x16xf32, #tpu.memory_space<vmem>> -> memref<80x16xf32, #tpu.memory_space<vmem>>
          tpu.wait_dma2 semaphore(%arg20 : memref<!tpu.dma_semaphore, #tpu.memory_space<semaphore_mem>>) src(%dma_wait3A_179 : memref<80x16xf32, #tpu.memory_space<vmem>>) dst(%dma_wait3A_175 : memref<80x16xf32, #tpu.memory_space<vmem_shared>>)
          %add3A_180 = arith.constant 2 : i32
          %add3A_181 = arith.addi %while3A_73, %add3A_180 : i32
          %mul3A_182 = arith.constant 16 : i32
          %mul3A_183 = arith.muli %mul3A_182, %add3A_181 : i32
          %add3A_184 = arith.addi %arg1, %mul3A_183 : i32
          %mul3A_185 = arith.constant 80 : i32
          %mul3A_186 = arith.muli %add3A_184, %mul3A_185 : i32
          %run_scoped3A = arith.constant 0 : i32
          "tpu.region"() ({
            %run_scoped3A_213 = tpu.sem_alloc : memref<!tpu.dma_semaphore, #tpu.memory_space<semaphore_mem>>
            %dma_start3A_214 = arith.constant 0 : i32
            %dma_start3A_215 = tpu.memref_slice %arg8[%run_scoped3A, %dma_start3A_214] : memref<2x80xi32, #tpu.memory_space<vmem>> -> memref<1x80xi32, #tpu.memory_space<vmem>>
            %dma_start3A_216 = tpu.memref_squeeze %dma_start3A_215 : memref<1x80xi32, #tpu.memory_space<vmem>> -> memref<80xi32, #tpu.memory_space<vmem>>
            %dma_start3A_217 = tpu.memref_slice %arg5[%mul3A_186] : memref<320000xi32, #tpu.memory_space<hbm>> -> memref<80xi32, #tpu.memory_space<hbm>>
            %dma_start3A_218 = arith.constant 0 : i32
            %dma_start3A_219 = tpu.memref_slice %arg8[%run_scoped3A, %dma_start3A_218] : memref<2x80xi32, #tpu.memory_space<vmem>> -> memref<1x80xi32, #tpu.memory_space<vmem>>
            %dma_start3A_220 = tpu.memref_squeeze %dma_start3A_219 : memref<1x80xi32, #tpu.memory_space<vmem>> -> memref<80xi32, #tpu.memory_space<vmem>>
            %dma_start3A_221 = tpu.memref_slice %arg5[%mul3A_186] : memref<320000xi32, #tpu.memory_space<hbm>> -> memref<80xi32, #tpu.memory_space<hbm>>
            tpu.enqueue_dma source(%dma_start3A_221 : memref<80xi32, #tpu.memory_space<hbm>>) target(%dma_start3A_220 : memref<80xi32, #tpu.memory_space<vmem>>) target_semaphore(%run_scoped3A_213 : memref<!tpu.dma_semaphore, #tpu.memory_space<semaphore_mem>>)
            %dma_wait3A_222 = arith.constant 0 : i32
            %dma_wait3A_223 = tpu.memref_slice %arg8[%run_scoped3A, %dma_wait3A_222] : memref<2x80xi32, #tpu.memory_space<vmem>> -> memref<1x80xi32, #tpu.memory_space<vmem>>
            %dma_wait3A_224 = tpu.memref_squeeze %dma_wait3A_223 : memref<1x80xi32, #tpu.memory_space<vmem>> -> memref<80xi32, #tpu.memory_space<vmem>>
            %dma_wait3A_225 = tpu.memref_slice %arg5[%mul3A_186] : memref<320000xi32, #tpu.memory_space<hbm>> -> memref<80xi32, #tpu.memory_space<hbm>>
            %dma_wait3A_226 = arith.constant 0 : i32
            %dma_wait3A_227 = tpu.memref_slice %arg8[%run_scoped3A, %dma_wait3A_226] : memref<2x80xi32, #tpu.memory_space<vmem>> -> memref<1x80xi32, #tpu.memory_space<vmem>>
            %dma_wait3A_228 = tpu.memref_squeeze %dma_wait3A_227 : memref<1x80xi32, #tpu.memory_space<vmem>> -> memref<80xi32, #tpu.memory_space<vmem>>
            %dma_wait3A_229 = tpu.memref_slice %arg5[%mul3A_186] : memref<320000xi32, #tpu.memory_space<hbm>> -> memref<80xi32, #tpu.memory_space<hbm>>
            tpu.wait_dma2 semaphore(%run_scoped3A_213 : memref<!tpu.dma_semaphore, #tpu.memory_space<semaphore_mem>>) src(%dma_wait3A_229 : memref<80xi32, #tpu.memory_space<hbm>>) dst(%dma_wait3A_228 : memref<80xi32, #tpu.memory_space<vmem>>)
            tpu.yield
          }) : () -> ()
          %run_scoped3A_187 = arith.constant 0 : i32
          "tpu.region"() ({
            %run_scoped3A_213 = tpu.sem_alloc : memref<!tpu.dma_semaphore, #tpu.memory_space<semaphore_mem>>
            %dma_start3A_214 = arith.constant 0 : i32
            %dma_start3A_215 = tpu.memref_slice %arg9[%run_scoped3A_187, %dma_start3A_214] : memref<2x80xi32, #tpu.memory_space<vmem>> -> memref<1x80xi32, #tpu.memory_space<vmem>>
            %dma_start3A_216 = tpu.memref_squeeze %dma_start3A_215 : memref<1x80xi32, #tpu.memory_space<vmem>> -> memref<80xi32, #tpu.memory_space<vmem>>
            %dma_start3A_217 = tpu.memref_slice %arg4[%mul3A_186] : memref<320000xi32, #tpu.memory_space<hbm>> -> memref<80xi32, #tpu.memory_space<hbm>>
            %dma_start3A_218 = arith.constant 0 : i32
            %dma_start3A_219 = tpu.memref_slice %arg9[%run_scoped3A_187, %dma_start3A_218] : memref<2x80xi32, #tpu.memory_space<vmem>> -> memref<1x80xi32, #tpu.memory_space<vmem>>
            %dma_start3A_220 = tpu.memref_squeeze %dma_start3A_219 : memref<1x80xi32, #tpu.memory_space<vmem>> -> memref<80xi32, #tpu.memory_space<vmem>>
            %dma_start3A_221 = tpu.memref_slice %arg4[%mul3A_186] : memref<320000xi32, #tpu.memory_space<hbm>> -> memref<80xi32, #tpu.memory_space<hbm>>
            tpu.enqueue_dma source(%dma_start3A_221 : memref<80xi32, #tpu.memory_space<hbm>>) target(%dma_start3A_220 : memref<80xi32, #tpu.memory_space<vmem>>) target_semaphore(%run_scoped3A_213 : memref<!tpu.dma_semaphore, #tpu.memory_space<semaphore_mem>>)
            %dma_wait3A_222 = arith.constant 0 : i32
            %dma_wait3A_223 = tpu.memref_slice %arg9[%run_scoped3A_187, %dma_wait3A_222] : memref<2x80xi32, #tpu.memory_space<vmem>> -> memref<1x80xi32, #tpu.memory_space<vmem>>
            %dma_wait3A_224 = tpu.memref_squeeze %dma_wait3A_223 : memref<1x80xi32, #tpu.memory_space<vmem>> -> memref<80xi32, #tpu.memory_space<vmem>>
            %dma_wait3A_225 = tpu.memref_slice %arg4[%mul3A_186] : memref<320000xi32, #tpu.memory_space<hbm>> -> memref<80xi32, #tpu.memory_space<hbm>>
            %dma_wait3A_226 = arith.constant 0 : i32
            %dma_wait3A_227 = tpu.memref_slice %arg9[%run_scoped3A_187, %dma_wait3A_226] : memref<2x80xi32, #tpu.memory_space<vmem>> -> memref<1x80xi32, #tpu.memory_space<vmem>>
            %dma_wait3A_228 = tpu.memref_squeeze %dma_wait3A_227 : memref<1x80xi32, #tpu.memory_space<vmem>> -> memref<80xi32, #tpu.memory_space<vmem>>
            %dma_wait3A_229 = tpu.memref_slice %arg4[%mul3A_186] : memref<320000xi32, #tpu.memory_space<hbm>> -> memref<80xi32, #tpu.memory_space<hbm>>
            tpu.wait_dma2 semaphore(%run_scoped3A_213 : memref<!tpu.dma_semaphore, #tpu.memory_space<semaphore_mem>>) src(%dma_wait3A_229 : memref<80xi32, #tpu.memory_space<hbm>>) dst(%dma_wait3A_228 : memref<80xi32, #tpu.memory_space<vmem>>)
            tpu.yield
          }) : () -> ()
          %dma_start3A_188 = arith.constant 0 : i32
          %dma_start3A_189 = arith.constant 0 : i32
          %dma_start3A_190 = arith.constant 0 : i32
          %dma_start3A_191 = arith.constant 0 : i32
          %dma_start3A_192 = tpu.memref_slice %arg10[%dma_start3A_189, %dma_start3A_190, %dma_start3A_191] : memref<2x80x128xf32, #tpu.memory_space<vmem>> -> memref<1x80x128xf32, #tpu.memory_space<vmem>>
          %dma_start3A_193 = tpu.memref_squeeze %dma_start3A_192 : memref<1x80x128xf32, #tpu.memory_space<vmem>> -> memref<80x128xf32, #tpu.memory_space<vmem>>
          %dma_start3A_194 = arith.constant 0 : i32
          %dma_start3A_195 = tpu.memref_slice %arg9[%dma_start3A_188, %dma_start3A_194] : memref<2x80xi32, #tpu.memory_space<vmem>> -> memref<1x80xi32, #tpu.memory_space<vmem>>
          %dma_start3A_196 = tpu.memref_squeeze %dma_start3A_195 : memref<1x80xi32, #tpu.memory_space<vmem>> -> memref<80xi32, #tpu.memory_space<vmem>>
          %dma_start3A_197 = arith.constant 0 : i32
          %dma_start3A_198 = arith.constant 0 : i32
          %dma_start3A_199 = tpu.memref_slice %arg2[%dma_start3A_197, %dma_start3A_198] : memref<10000x128xf32, #tpu.memory_space<hbm>> -> memref<10000x128xf32, #tpu.memory_space<hbm>>
          tpu.enqueue_indirect_dma source(%dma_start3A_199 : memref<10000x128xf32, #tpu.memory_space<hbm>>) target(%dma_start3A_193 : memref<80x128xf32, #tpu.memory_space<vmem>>) offsets(%dma_start3A_196 : memref<80xi32, #tpu.memory_space<vmem>>) semaphore(%arg18 : memref<!tpu.dma_semaphore, #tpu.memory_space<semaphore_mem>>)
          %dma_start3A_200 = arith.constant 0 : i32
          %dma_start3A_201 = arith.constant 0 : i32
          %dma_start3A_202 = arith.constant 0 : i32
          %dma_start3A_203 = tpu.memref_slice %arg12[%dma_start3A_200, %dma_start3A_201, %dma_start3A_202] : memref<2x80x128xf32, #tpu.memory_space<vmem>> -> memref<1x80x128xf32, #tpu.memory_space<vmem>>
          %dma_start3A_204 = tpu.memref_squeeze %dma_start3A_203 : memref<1x80x128xf32, #tpu.memory_space<vmem>> -> memref<80x128xf32, #tpu.memory_space<vmem>>
          %dma_start3A_205 = arith.constant 0 : i32
          %dma_start3A_206 = tpu.memref_slice %arg3[%mul3A_186, %dma_start3A_205] : memref<320000x128xf32, #tpu.memory_space<hbm>> -> memref<80x128xf32, #tpu.memory_space<hbm>>
          %dma_start3A_207 = arith.constant 0 : i32
          %dma_start3A_208 = arith.constant 0 : i32
          %dma_start3A_209 = tpu.memref_slice %arg12[%dma_start3A_200, %dma_start3A_207, %dma_start3A_208] : memref<2x80x128xf32, #tpu.memory_space<vmem>> -> memref<1x80x128xf32, #tpu.memory_space<vmem>>
          %dma_start3A_210 = tpu.memref_squeeze %dma_start3A_209 : memref<1x80x128xf32, #tpu.memory_space<vmem>> -> memref<80x128xf32, #tpu.memory_space<vmem>>
          %dma_start3A_211 = arith.constant 0 : i32
          %dma_start3A_212 = tpu.memref_slice %arg3[%mul3A_186, %dma_start3A_211] : memref<320000x128xf32, #tpu.memory_space<hbm>> -> memref<80x128xf32, #tpu.memory_space<hbm>>
          tpu.enqueue_dma source(%dma_start3A_212 : memref<80x128xf32, #tpu.memory_space<hbm>>) target(%dma_start3A_210 : memref<80x128xf32, #tpu.memory_space<vmem>>) target_semaphore(%arg18 : memref<!tpu.dma_semaphore, #tpu.memory_space<semaphore_mem>>)
        } else {
        }
      } else {
      }
      %eq3A_79 = arith.constant 1 : i32
      %eq3A_80 = arith.cmpi eq, %rem3A_74, %eq3A_79 : i32
      %convert_element_type3A_81 = arith.extui %eq3A_80 : i1 to i32
      %cond3A_82 = arith.constant 0 : i32
      %cond3A_83 = arith.cmpi ne, %convert_element_type3A_81, %cond3A_82 : i32
      scf.if %cond3A_83 {
        %dma_wait3A = arith.constant 1 : i32
        %dma_wait3A_84 = arith.constant 0 : i32
        %dma_wait3A_85 = arith.constant 0 : i32
        %dma_wait3A_86 = tpu.memref_slice %arg10[%dma_wait3A, %dma_wait3A_84, %dma_wait3A_85] : memref<2x80x128xf32, #tpu.memory_space<vmem>> -> memref<1x80x128xf32, #tpu.memory_space<vmem>>
        %dma_wait3A_87 = tpu.memref_squeeze %dma_wait3A_86 : memref<1x80x128xf32, #tpu.memory_space<vmem>> -> memref<80x128xf32, #tpu.memory_space<vmem>>
        %dma_wait3A_88 = arith.constant 0 : i32
        %dma_wait3A_89 = arith.constant 0 : i32
        %dma_wait3A_90 = tpu.memref_slice %arg2[%dma_wait3A_88, %dma_wait3A_89] : memref<10000x128xf32, #tpu.memory_space<hbm>> -> memref<80x128xf32, #tpu.memory_space<hbm>>
        %dma_wait3A_91 = arith.constant 0 : i32
        %dma_wait3A_92 = arith.constant 0 : i32
        %dma_wait3A_93 = tpu.memref_slice %arg10[%dma_wait3A, %dma_wait3A_91, %dma_wait3A_92] : memref<2x80x128xf32, #tpu.memory_space<vmem>> -> memref<1x80x128xf32, #tpu.memory_space<vmem>>
        %dma_wait3A_94 = tpu.memref_squeeze %dma_wait3A_93 : memref<1x80x128xf32, #tpu.memory_space<vmem>> -> memref<80x128xf32, #tpu.memory_space<vmem>>
        %dma_wait3A_95 = arith.constant 0 : i32
        %dma_wait3A_96 = arith.constant 0 : i32
        %dma_wait3A_97 = tpu.memref_slice %arg2[%dma_wait3A_95, %dma_wait3A_96] : memref<10000x128xf32, #tpu.memory_space<hbm>> -> memref<80x128xf32, #tpu.memory_space<hbm>>
        tpu.wait_dma2 semaphore(%arg19 : memref<!tpu.dma_semaphore, #tpu.memory_space<semaphore_mem>>) src(%dma_wait3A_97 : memref<80x128xf32, #tpu.memory_space<hbm>>) dst(%dma_wait3A_94 : memref<80x128xf32, #tpu.memory_space<vmem>>)
        %dma_wait3A_98 = arith.constant 1 : i32
        %dma_wait3A_99 = arith.constant 0 : i32
        %dma_wait3A_100 = arith.constant 0 : i32
        %dma_wait3A_101 = tpu.memref_slice %arg12[%dma_wait3A_98, %dma_wait3A_99, %dma_wait3A_100] : memref<2x80x128xf32, #tpu.memory_space<vmem>> -> memref<1x80x128xf32, #tpu.memory_space<vmem>>
        %dma_wait3A_102 = tpu.memref_squeeze %dma_wait3A_101 : memref<1x80x128xf32, #tpu.memory_space<vmem>> -> memref<80x128xf32, #tpu.memory_space<vmem>>
        %dma_wait3A_103 = arith.constant 0 : i32
        %dma_wait3A_104 = arith.constant 0 : i32
        %dma_wait3A_105 = tpu.memref_slice %arg3[%dma_wait3A_103, %dma_wait3A_104] : memref<320000x128xf32, #tpu.memory_space<hbm>> -> memref<80x128xf32, #tpu.memory_space<hbm>>
        %dma_wait3A_106 = arith.constant 0 : i32
        %dma_wait3A_107 = arith.constant 0 : i32
        %dma_wait3A_108 = tpu.memref_slice %arg12[%dma_wait3A_98, %dma_wait3A_106, %dma_wait3A_107] : memref<2x80x128xf32, #tpu.memory_space<vmem>> -> memref<1x80x128xf32, #tpu.memory_space<vmem>>
        %dma_wait3A_109 = tpu.memref_squeeze %dma_wait3A_108 : memref<1x80x128xf32, #tpu.memory_space<vmem>> -> memref<80x128xf32, #tpu.memory_space<vmem>>
        %dma_wait3A_110 = arith.constant 0 : i32
        %dma_wait3A_111 = arith.constant 0 : i32
        %dma_wait3A_112 = tpu.memref_slice %arg3[%dma_wait3A_110, %dma_wait3A_111] : memref<320000x128xf32, #tpu.memory_space<hbm>> -> memref<80x128xf32, #tpu.memory_space<hbm>>
        tpu.wait_dma2 semaphore(%arg19 : memref<!tpu.dma_semaphore, #tpu.memory_space<semaphore_mem>>) src(%dma_wait3A_112 : memref<80x128xf32, #tpu.memory_space<hbm>>) dst(%dma_wait3A_109 : memref<80x128xf32, #tpu.memory_space<vmem>>)
        %scan3A_113 = arith.constant 0 : i32
        %scan3A_114 = arith.constant 0 : i32
        %scan3A_115 = arith.constant 80 : i32
        %scan3A_116 = arith.addi %scan3A_114, %scan3A_115 : i32
        %scan3A_117 = arith.constant 1 : i32
        scf.for %scan3A_150 = %scan3A_114 to %scan3A_116 step %scan3A_117  : i32 {
          %get3A = arith.constant 1 : i32
          %get3A_151 = arith.index_cast %get3A : i32 to index
          %get3A_152 = arith.index_cast %scan3A_150 : i32 to index
          %get3A_153 = arith.constant 0 : index
          %get3A_154 = tpu.vector_load %arg12[%get3A_151, %get3A_152, %get3A_153] {strides = array<i32>} : memref<2x80x128xf32, #tpu.memory_space<vmem>>, vector<1x1x16xf32>,
          %get3A_155 = vector.shape_cast %get3A_154 : vector<1x1x16xf32> to vector<16xf32>
          %swap3A = arith.constant 1 : i32
          %swap3A_156 = arith.index_cast %swap3A : i32 to index
          %swap3A_157 = arith.index_cast %scan3A_150 : i32 to index
          %swap3A_158 = arith.constant 0 : index
          %swap3A_159 = tpu.vector_load %arg13[%swap3A_156, %swap3A_157, %swap3A_158] {strides = array<i32>} : memref<2x80x16xf32, #tpu.memory_space<vmem>>, vector<1x1x16xf32>,
          %swap3A_160 = vector.shape_cast %swap3A_159 : vector<1x1x16xf32> to vector<16xf32>
          %swap3A_161 = vector.shape_cast %get3A_155 : vector<16xf32> to vector<1x1x16xf32>
          tpu.vector_store %arg13[%swap3A_156, %swap3A_157, %swap3A_158], %swap3A_161 {strides = array<i32>} : memref<2x80x16xf32, #tpu.memory_space<vmem>>, vector<1x1x16xf32>,
          %add3A_162 = arith.constant 0 : i32
          %add3A_163 = arith.addi %mul3A_33, %add3A_162 : i32
          %broadcast_in_dim3A_164 = vector.broadcast %add3A_163 : i32 to vector<16x1xi32>
          %gather3A = vector.shape_cast %broadcast_in_dim3A_164 : vector<16x1xi32> to vector<16xi32>
          %gather3A_165 = tpu.dynamic_gather %get3A_155[%gather3A] in [0] : vector<16xf32>, vector<16xi32> -> vector<16xf32>
          %add3A_166 = arith.constant 0 : i32
          %add3A_167 = arith.addi %mul3A_33, %add3A_166 : i32
          %mul3A_168 = arith.constant 16 : i32
          %mul3A_169 = arith.muli %add3A_167, %mul3A_168 : i32
          %get3A_170 = arith.constant 1 : i32
          %get3A_171 = arith.index_cast %get3A_170 : i32 to index
          %get3A_172 = arith.index_cast %scan3A_150 : i32 to index
          %get3A_173 = arith.index_cast %mul3A_169 : i32 to index
          %get3A_174 = tpu.vector_load %arg10[%get3A_171, %get3A_172, %get3A_173] {strides = array<i32>} : memref<2x80x128xf32, #tpu.memory_space<vmem>>, vector<1x1x16xf32>,
          %get3A_175 = vector.shape_cast %get3A_174 : vector<1x1x16xf32> to vector<16xf32>
          %mul3A_176 = arith.mulf %get3A_175, %gather3A_165 : vector<16xf32>
          %swap3A_177 = arith.constant 1 : i32
          %swap3A_178 = arith.index_cast %swap3A_177 : i32 to index
          %swap3A_179 = arith.index_cast %scan3A_150 : i32 to index
          %swap3A_180 = arith.constant 0 : index
          %swap3A_181 = tpu.vector_load %arg11[%swap3A_178, %swap3A_179, %swap3A_180] {strides = array<i32>} : memref<2x80x64xf32, #tpu.memory_space<vmem>>, vector<1x1x16xf32>,
          %swap3A_182 = vector.shape_cast %swap3A_181 : vector<1x1x16xf32> to vector<16xf32>
          %swap3A_183 = vector.shape_cast %mul3A_176 : vector<16xf32> to vector<1x1x16xf32>
          tpu.vector_store %arg11[%swap3A_178, %swap3A_179, %swap3A_180], %swap3A_183 {strides = array<i32>} : memref<2x80x64xf32, #tpu.memory_space<vmem>>, vector<1x1x16xf32>,
          %add3A_184 = arith.constant 1 : i32
          %add3A_185 = arith.addi %mul3A_33, %add3A_184 : i32
          %broadcast_in_dim3A_186 = vector.broadcast %add3A_185 : i32 to vector<16x1xi32>
          %gather3A_187 = vector.shape_cast %broadcast_in_dim3A_186 : vector<16x1xi32> to vector<16xi32>
          %gather3A_188 = tpu.dynamic_gather %get3A_155[%gather3A_187] in [0] : vector<16xf32>, vector<16xi32> -> vector<16xf32>
          %add3A_189 = arith.constant 1 : i32
          %add3A_190 = arith.addi %mul3A_33, %add3A_189 : i32
          %mul3A_191 = arith.constant 16 : i32
          %mul3A_192 = arith.muli %add3A_190, %mul3A_191 : i32
          %get3A_193 = arith.constant 1 : i32
          %get3A_194 = arith.index_cast %get3A_193 : i32 to index
          %get3A_195 = arith.index_cast %scan3A_150 : i32 to index
          %get3A_196 = arith.index_cast %mul3A_192 : i32 to index
          %get3A_197 = tpu.vector_load %arg10[%get3A_194, %get3A_195, %get3A_196] {strides = array<i32>} : memref<2x80x128xf32, #tpu.memory_space<vmem>>, vector<1x1x16xf32>,
          %get3A_198 = vector.shape_cast %get3A_197 : vector<1x1x16xf32> to vector<16xf32>
          %mul3A_199 = arith.mulf %get3A_198, %gather3A_188 : vector<16xf32>
          %swap3A_200 = arith.constant 1 : i32
          %swap3A_201 = arith.index_cast %swap3A_200 : i32 to index
          %swap3A_202 = arith.index_cast %scan3A_150 : i32 to index
          %swap3A_203 = arith.constant 16 : index
          %swap3A_204 = tpu.vector_load %arg11[%swap3A_201, %swap3A_202, %swap3A_203] {strides = array<i32>} : memref<2x80x64xf32, #tpu.memory_space<vmem>>, vector<1x1x16xf32>,
          %swap3A_205 = vector.shape_cast %swap3A_204 : vector<1x1x16xf32> to vector<16xf32>
          %swap3A_206 = vector.shape_cast %mul3A_199 : vector<16xf32> to vector<1x1x16xf32>
          tpu.vector_store %arg11[%swap3A_201, %swap3A_202, %swap3A_203], %swap3A_206 {strides = array<i32>} : memref<2x80x64xf32, #tpu.memory_space<vmem>>, vector<1x1x16xf32>,
          %add3A_207 = arith.constant 2 : i32
          %add3A_208 = arith.addi %mul3A_33, %add3A_207 : i32
          %broadcast_in_dim3A_209 = vector.broadcast %add3A_208 : i32 to vector<16x1xi32>
          %gather3A_210 = vector.shape_cast %broadcast_in_dim3A_209 : vector<16x1xi32> to vector<16xi32>
          %gather3A_211 = tpu.dynamic_gather %get3A_155[%gather3A_210] in [0] : vector<16xf32>, vector<16xi32> -> vector<16xf32>
          %add3A_212 = arith.constant 2 : i32
          %add3A_213 = arith.addi %mul3A_33, %add3A_212 : i32
          %mul3A_214 = arith.constant 16 : i32
          %mul3A_215 = arith.muli %add3A_213, %mul3A_214 : i32
          %get3A_216 = arith.constant 1 : i32
          %get3A_217 = arith.index_cast %get3A_216 : i32 to index
          %get3A_218 = arith.index_cast %scan3A_150 : i32 to index
          %get3A_219 = arith.index_cast %mul3A_215 : i32 to index
          %get3A_220 = tpu.vector_load %arg10[%get3A_217, %get3A_218, %get3A_219] {strides = array<i32>} : memref<2x80x128xf32, #tpu.memory_space<vmem>>, vector<1x1x16xf32>,
          %get3A_221 = vector.shape_cast %get3A_220 : vector<1x1x16xf32> to vector<16xf32>
          %mul3A_222 = arith.mulf %get3A_221, %gather3A_211 : vector<16xf32>
          %swap3A_223 = arith.constant 1 : i32
          %swap3A_224 = arith.index_cast %swap3A_223 : i32 to index
          %swap3A_225 = arith.index_cast %scan3A_150 : i32 to index
          %swap3A_226 = arith.constant 32 : index
          %swap3A_227 = tpu.vector_load %arg11[%swap3A_224, %swap3A_225, %swap3A_226] {strides = array<i32>} : memref<2x80x64xf32, #tpu.memory_space<vmem>>, vector<1x1x16xf32>,
          %swap3A_228 = vector.shape_cast %swap3A_227 : vector<1x1x16xf32> to vector<16xf32>
          %swap3A_229 = vector.shape_cast %mul3A_222 : vector<16xf32> to vector<1x1x16xf32>
          tpu.vector_store %arg11[%swap3A_224, %swap3A_225, %swap3A_226], %swap3A_229 {strides = array<i32>} : memref<2x80x64xf32, #tpu.memory_space<vmem>>, vector<1x1x16xf32>,
          %add3A_230 = arith.constant 3 : i32
          %add3A_231 = arith.addi %mul3A_33, %add3A_230 : i32
          %broadcast_in_dim3A_232 = vector.broadcast %add3A_231 : i32 to vector<16x1xi32>
          %gather3A_233 = vector.shape_cast %broadcast_in_dim3A_232 : vector<16x1xi32> to vector<16xi32>
          %gather3A_234 = tpu.dynamic_gather %get3A_155[%gather3A_233] in [0] : vector<16xf32>, vector<16xi32> -> vector<16xf32>
          %add3A_235 = arith.constant 3 : i32
          %add3A_236 = arith.addi %mul3A_33, %add3A_235 : i32
          %mul3A_237 = arith.constant 16 : i32
          %mul3A_238 = arith.muli %add3A_236, %mul3A_237 : i32
          %get3A_239 = arith.constant 1 : i32
          %get3A_240 = arith.index_cast %get3A_239 : i32 to index
          %get3A_241 = arith.index_cast %scan3A_150 : i32 to index
          %get3A_242 = arith.index_cast %mul3A_238 : i32 to index
          %get3A_243 = tpu.vector_load %arg10[%get3A_240, %get3A_241, %get3A_242] {strides = array<i32>} : memref<2x80x128xf32, #tpu.memory_space<vmem>>, vector<1x1x16xf32>,
          %get3A_244 = vector.shape_cast %get3A_243 : vector<1x1x16xf32> to vector<16xf32>
          %mul3A_245 = arith.mulf %get3A_244, %gather3A_234 : vector<16xf32>
          %swap3A_246 = arith.constant 1 : i32
          %swap3A_247 = arith.index_cast %swap3A_246 : i32 to index
          %swap3A_248 = arith.index_cast %scan3A_150 : i32 to index
          %swap3A_249 = arith.constant 48 : index
          %swap3A_250 = tpu.vector_load %arg11[%swap3A_247, %swap3A_248, %swap3A_249] {strides = array<i32>} : memref<2x80x64xf32, #tpu.memory_space<vmem>>, vector<1x1x16xf32>,
          %swap3A_251 = vector.shape_cast %swap3A_250 : vector<1x1x16xf32> to vector<16xf32>
          %swap3A_252 = vector.shape_cast %mul3A_245 : vector<16xf32> to vector<1x1x16xf32>
          tpu.vector_store %arg11[%swap3A_247, %swap3A_248, %swap3A_249], %swap3A_252 {strides = array<i32>} : memref<2x80x64xf32, #tpu.memory_space<vmem>>, vector<1x1x16xf32>,
        }
        %scan3A_118 = arith.constant 80 : i32
        %dma_start3A = arith.constant 1 : i32
        %dma_start3A_119 = arith.constant 1 : i32
        %dma_start3A_120 = arith.constant 0 : i32
        %dma_start3A_121 = arith.constant 0 : i32
        %dma_start3A_122 = tpu.memref_slice %arg11[%dma_start3A, %dma_start3A_120, %dma_start3A_121] : memref<2x80x64xf32, #tpu.memory_space<vmem>> -> memref<1x80x64xf32, #tpu.memory_space<vmem>>
        %dma_start3A_123 = tpu.memref_squeeze %dma_start3A_122 : memref<1x80x64xf32, #tpu.memory_space<vmem>> -> memref<80x64xf32, #tpu.memory_space<vmem>>
        %dma_start3A_124 = arith.constant 0 : i32
        %dma_start3A_125 = tpu.memref_slice %arg8[%dma_start3A_119, %dma_start3A_124] : memref<2x80xi32, #tpu.memory_space<vmem>> -> memref<1x80xi32, #tpu.memory_space<vmem>>
        %dma_start3A_126 = tpu.memref_squeeze %dma_start3A_125 : memref<1x80xi32, #tpu.memory_space<vmem>> -> memref<80xi32, #tpu.memory_space<vmem>>
        %dma_start3A_127 = arith.constant 0 : i32
        %dma_start3A_128 = arith.constant 0 : i32
        %dma_start3A_129 = tpu.memref_slice %arg16[%dma_start3A_127, %dma_start3A_128] : memref<10240x64xf32, #tpu.memory_space<vmem_shared>> -> memref<10240x64xf32, #tpu.memory_space<vmem_shared>>
        tpu.enqueue_indirect_dma source(%dma_start3A_123 : memref<80x64xf32, #tpu.memory_space<vmem>>) target(%dma_start3A_129 : memref<10240x64xf32, #tpu.memory_space<vmem_shared>>) offsets(%dma_start3A_126 : memref<80xi32, #tpu.memory_space<vmem>>) semaphore(%arg21 : memref<!tpu.dma_semaphore, #tpu.memory_space<semaphore_mem>>) {add = true}
        %dma_start3A_130 = arith.constant 1 : i32
        %dma_start3A_131 = arith.constant 1 : i32
        %dma_start3A_132 = arith.constant 0 : i32
        %dma_start3A_133 = arith.constant 0 : i32
        %dma_start3A_134 = tpu.memref_slice %arg13[%dma_start3A_130, %dma_start3A_132, %dma_start3A_133] : memref<2x80x16xf32, #tpu.memory_space<vmem>> -> memref<1x80x16xf32, #tpu.memory_space<vmem>>
        %dma_start3A_135 = tpu.memref_squeeze %dma_start3A_134 : memref<1x80x16xf32, #tpu.memory_space<vmem>> -> memref<80x16xf32, #tpu.memory_space<vmem>>
        %dma_start3A_136 = arith.constant 0 : i32
        %dma_start3A_137 = tpu.memref_slice %arg8[%dma_start3A_131, %dma_start3A_136] : memref<2x80xi32, #tpu.memory_space<vmem>> -> memref<1x80xi32, #tpu.memory_space<vmem>>
        %dma_start3A_138 = tpu.memref_squeeze %dma_start3A_137 : memref<1x80xi32, #tpu.memory_space<vmem>> -> memref<80xi32, #tpu.memory_space<vmem>>
        %dma_start3A_139 = arith.constant 0 : i32
        %dma_start3A_140 = arith.constant 0 : i32
        %dma_start3A_141 = tpu.memref_slice %arg17[%dma_start3A_139, %dma_start3A_140] : memref<10240x16xf32, #tpu.memory_space<vmem_shared>> -> memref<10240x16xf32, #tpu.memory_space<vmem_shared>>
        tpu.enqueue_indirect_dma source(%dma_start3A_135 : memref<80x16xf32, #tpu.memory_space<vmem>>) target(%dma_start3A_141 : memref<10240x16xf32, #tpu.memory_space<vmem_shared>>) offsets(%dma_start3A_138 : memref<80xi32, #tpu.memory_space<vmem>>) semaphore(%arg21 : memref<!tpu.dma_semaphore, #tpu.memory_space<semaphore_mem>>) {add = true}
        %eq3A_142 = arith.constant 1 : i32
        %eq3A_143 = arith.cmpi eq, %rem3A_74, %eq3A_142 : i32
        %add3A_144 = arith.constant 2 : i32
        %add3A_145 = arith.addi %while3A_73, %add3A_144 : i32
        %lt3A_146 = arith.cmpi slt, %add3A_145, %add3A_37 : i32
        %and3A = arith.andi %eq3A_143, %lt3A_146 : i1
        %convert_element_type3A_147 = arith.extui %and3A : i1 to i32
        %cond3A_148 = arith.constant 0 : i32
        %cond3A_149 = arith.cmpi ne, %convert_element_type3A_147, %cond3A_148 : i32
        scf.if %cond3A_149 {
          %dma_wait3A_150 = arith.constant 1 : i32
          %dma_wait3A_151 = arith.constant 0 : i32
          %dma_wait3A_152 = arith.constant 0 : i32
          %dma_wait3A_153 = tpu.memref_slice %arg11[%dma_wait3A_150, %dma_wait3A_151, %dma_wait3A_152] : memref<2x80x64xf32, #tpu.memory_space<vmem>> -> memref<1x80x64xf32, #tpu.memory_space<vmem>>
          %dma_wait3A_154 = tpu.memref_squeeze %dma_wait3A_153 : memref<1x80x64xf32, #tpu.memory_space<vmem>> -> memref<80x64xf32, #tpu.memory_space<vmem>>
          %dma_wait3A_155 = arith.constant 0 : i32
          %dma_wait3A_156 = arith.constant 0 : i32
          %dma_wait3A_157 = tpu.memref_slice %arg16[%dma_wait3A_155, %dma_wait3A_156] : memref<10240x64xf32, #tpu.memory_space<vmem_shared>> -> memref<80x64xf32, #tpu.memory_space<vmem_shared>>
          %dma_wait3A_158 = arith.constant 0 : i32
          %dma_wait3A_159 = arith.constant 0 : i32
          %dma_wait3A_160 = tpu.memref_slice %arg16[%dma_wait3A_158, %dma_wait3A_159] : memref<10240x64xf32, #tpu.memory_space<vmem_shared>> -> memref<80x64xf32, #tpu.memory_space<vmem_shared>>
          %dma_wait3A_161 = arith.constant 0 : i32
          %dma_wait3A_162 = arith.constant 0 : i32
          %dma_wait3A_163 = tpu.memref_slice %arg11[%dma_wait3A_150, %dma_wait3A_161, %dma_wait3A_162] : memref<2x80x64xf32, #tpu.memory_space<vmem>> -> memref<1x80x64xf32, #tpu.memory_space<vmem>>
          %dma_wait3A_164 = tpu.memref_squeeze %dma_wait3A_163 : memref<1x80x64xf32, #tpu.memory_space<vmem>> -> memref<80x64xf32, #tpu.memory_space<vmem>>
          tpu.wait_dma2 semaphore(%arg21 : memref<!tpu.dma_semaphore, #tpu.memory_space<semaphore_mem>>) src(%dma_wait3A_164 : memref<80x64xf32, #tpu.memory_space<vmem>>) dst(%dma_wait3A_160 : memref<80x64xf32, #tpu.memory_space<vmem_shared>>)
          %dma_wait3A_165 = arith.constant 1 : i32
          %dma_wait3A_166 = arith.constant 0 : i32
          %dma_wait3A_167 = arith.constant 0 : i32
          %dma_wait3A_168 = tpu.memref_slice %arg13[%dma_wait3A_165, %dma_wait3A_166, %dma_wait3A_167] : memref<2x80x16xf32, #tpu.memory_space<vmem>> -> memref<1x80x16xf32, #tpu.memory_space<vmem>>
          %dma_wait3A_169 = tpu.memref_squeeze %dma_wait3A_168 : memref<1x80x16xf32, #tpu.memory_space<vmem>> -> memref<80x16xf32, #tpu.memory_space<vmem>>
          %dma_wait3A_170 = arith.constant 0 : i32
          %dma_wait3A_171 = arith.constant 0 : i32
          %dma_wait3A_172 = tpu.memref_slice %arg17[%dma_wait3A_170, %dma_wait3A_171] : memref<10240x16xf32, #tpu.memory_space<vmem_shared>> -> memref<80x16xf32, #tpu.memory_space<vmem_shared>>
          %dma_wait3A_173 = arith.constant 0 : i32
          %dma_wait3A_174 = arith.constant 0 : i32
          %dma_wait3A_175 = tpu.memref_slice %arg17[%dma_wait3A_173, %dma_wait3A_174] : memref<10240x16xf32, #tpu.memory_space<vmem_shared>> -> memref<80x16xf32, #tpu.memory_space<vmem_shared>>
          %dma_wait3A_176 = arith.constant 0 : i32
          %dma_wait3A_177 = arith.constant 0 : i32
          %dma_wait3A_178 = tpu.memref_slice %arg13[%dma_wait3A_165, %dma_wait3A_176, %dma_wait3A_177] : memref<2x80x16xf32, #tpu.memory_space<vmem>> -> memref<1x80x16xf32, #tpu.memory_space<vmem>>
          %dma_wait3A_179 = tpu.memref_squeeze %dma_wait3A_178 : memref<1x80x16xf32, #tpu.memory_space<vmem>> -> memref<80x16xf32, #tpu.memory_space<vmem>>
          tpu.wait_dma2 semaphore(%arg21 : memref<!tpu.dma_semaphore, #tpu.memory_space<semaphore_mem>>) src(%dma_wait3A_179 : memref<80x16xf32, #tpu.memory_space<vmem>>) dst(%dma_wait3A_175 : memref<80x16xf32, #tpu.memory_space<vmem_shared>>)
          %add3A_180 = arith.constant 2 : i32
          %add3A_181 = arith.addi %while3A_73, %add3A_180 : i32
          %mul3A_182 = arith.constant 16 : i32
          %mul3A_183 = arith.muli %mul3A_182, %add3A_181 : i32
          %add3A_184 = arith.addi %arg1, %mul3A_183 : i32
          %mul3A_185 = arith.constant 80 : i32
          %mul3A_186 = arith.muli %add3A_184, %mul3A_185 : i32
          %run_scoped3A = arith.constant 1 : i32
          "tpu.region"() ({
            %run_scoped3A_213 = tpu.sem_alloc : memref<!tpu.dma_semaphore, #tpu.memory_space<semaphore_mem>>
            %dma_start3A_214 = arith.constant 0 : i32
            %dma_start3A_215 = tpu.memref_slice %arg8[%run_scoped3A, %dma_start3A_214] : memref<2x80xi32, #tpu.memory_space<vmem>> -> memref<1x80xi32, #tpu.memory_space<vmem>>
            %dma_start3A_216 = tpu.memref_squeeze %dma_start3A_215 : memref<1x80xi32, #tpu.memory_space<vmem>> -> memref<80xi32, #tpu.memory_space<vmem>>
            %dma_start3A_217 = tpu.memref_slice %arg5[%mul3A_186] : memref<320000xi32, #tpu.memory_space<hbm>> -> memref<80xi32, #tpu.memory_space<hbm>>
            %dma_start3A_218 = arith.constant 0 : i32
            %dma_start3A_219 = tpu.memref_slice %arg8[%run_scoped3A, %dma_start3A_218] : memref<2x80xi32, #tpu.memory_space<vmem>> -> memref<1x80xi32, #tpu.memory_space<vmem>>
            %dma_start3A_220 = tpu.memref_squeeze %dma_start3A_219 : memref<1x80xi32, #tpu.memory_space<vmem>> -> memref<80xi32, #tpu.memory_space<vmem>>
            %dma_start3A_221 = tpu.memref_slice %arg5[%mul3A_186] : memref<320000xi32, #tpu.memory_space<hbm>> -> memref<80xi32, #tpu.memory_space<hbm>>
            tpu.enqueue_dma source(%dma_start3A_221 : memref<80xi32, #tpu.memory_space<hbm>>) target(%dma_start3A_220 : memref<80xi32, #tpu.memory_space<vmem>>) target_semaphore(%run_scoped3A_213 : memref<!tpu.dma_semaphore, #tpu.memory_space<semaphore_mem>>)
            %dma_wait3A_222 = arith.constant 0 : i32
            %dma_wait3A_223 = tpu.memref_slice %arg8[%run_scoped3A, %dma_wait3A_222] : memref<2x80xi32, #tpu.memory_space<vmem>> -> memref<1x80xi32, #tpu.memory_space<vmem>>
            %dma_wait3A_224 = tpu.memref_squeeze %dma_wait3A_223 : memref<1x80xi32, #tpu.memory_space<vmem>> -> memref<80xi32, #tpu.memory_space<vmem>>
            %dma_wait3A_225 = tpu.memref_slice %arg5[%mul3A_186] : memref<320000xi32, #tpu.memory_space<hbm>> -> memref<80xi32, #tpu.memory_space<hbm>>
            %dma_wait3A_226 = arith.constant 0 : i32
            %dma_wait3A_227 = tpu.memref_slice %arg8[%run_scoped3A, %dma_wait3A_226] : memref<2x80xi32, #tpu.memory_space<vmem>> -> memref<1x80xi32, #tpu.memory_space<vmem>>
            %dma_wait3A_228 = tpu.memref_squeeze %dma_wait3A_227 : memref<1x80xi32, #tpu.memory_space<vmem>> -> memref<80xi32, #tpu.memory_space<vmem>>
            %dma_wait3A_229 = tpu.memref_slice %arg5[%mul3A_186] : memref<320000xi32, #tpu.memory_space<hbm>> -> memref<80xi32, #tpu.memory_space<hbm>>
            tpu.wait_dma2 semaphore(%run_scoped3A_213 : memref<!tpu.dma_semaphore, #tpu.memory_space<semaphore_mem>>) src(%dma_wait3A_229 : memref<80xi32, #tpu.memory_space<hbm>>) dst(%dma_wait3A_228 : memref<80xi32, #tpu.memory_space<vmem>>)
            tpu.yield
          }) : () -> ()
          %run_scoped3A_187 = arith.constant 1 : i32
          "tpu.region"() ({
            %run_scoped3A_213 = tpu.sem_alloc : memref<!tpu.dma_semaphore, #tpu.memory_space<semaphore_mem>>
            %dma_start3A_214 = arith.constant 0 : i32
            %dma_start3A_215 = tpu.memref_slice %arg9[%run_scoped3A_187, %dma_start3A_214] : memref<2x80xi32, #tpu.memory_space<vmem>> -> memref<1x80xi32, #tpu.memory_space<vmem>>
            %dma_start3A_216 = tpu.memref_squeeze %dma_start3A_215 : memref<1x80xi32, #tpu.memory_space<vmem>> -> memref<80xi32, #tpu.memory_space<vmem>>
            %dma_start3A_217 = tpu.memref_slice %arg4[%mul3A_186] : memref<320000xi32, #tpu.memory_space<hbm>> -> memref<80xi32, #tpu.memory_space<hbm>>
            %dma_start3A_218 = arith.constant 0 : i32
            %dma_start3A_219 = tpu.memref_slice %arg9[%run_scoped3A_187, %dma_start3A_218] : memref<2x80xi32, #tpu.memory_space<vmem>> -> memref<1x80xi32, #tpu.memory_space<vmem>>
            %dma_start3A_220 = tpu.memref_squeeze %dma_start3A_219 : memref<1x80xi32, #tpu.memory_space<vmem>> -> memref<80xi32, #tpu.memory_space<vmem>>
            %dma_start3A_221 = tpu.memref_slice %arg4[%mul3A_186] : memref<320000xi32, #tpu.memory_space<hbm>> -> memref<80xi32, #tpu.memory_space<hbm>>
            tpu.enqueue_dma source(%dma_start3A_221 : memref<80xi32, #tpu.memory_space<hbm>>) target(%dma_start3A_220 : memref<80xi32, #tpu.memory_space<vmem>>) target_semaphore(%run_scoped3A_213 : memref<!tpu.dma_semaphore, #tpu.memory_space<semaphore_mem>>)
            %dma_wait3A_222 = arith.constant 0 : i32
            %dma_wait3A_223 = tpu.memref_slice %arg9[%run_scoped3A_187, %dma_wait3A_222] : memref<2x80xi32, #tpu.memory_space<vmem>> -> memref<1x80xi32, #tpu.memory_space<vmem>>
            %dma_wait3A_224 = tpu.memref_squeeze %dma_wait3A_223 : memref<1x80xi32, #tpu.memory_space<vmem>> -> memref<80xi32, #tpu.memory_space<vmem>>
            %dma_wait3A_225 = tpu.memref_slice %arg4[%mul3A_186] : memref<320000xi32, #tpu.memory_space<hbm>> -> memref<80xi32, #tpu.memory_space<hbm>>
            %dma_wait3A_226 = arith.constant 0 : i32
            %dma_wait3A_227 = tpu.memref_slice %arg9[%run_scoped3A_187, %dma_wait3A_226] : memref<2x80xi32, #tpu.memory_space<vmem>> -> memref<1x80xi32, #tpu.memory_space<vmem>>
            %dma_wait3A_228 = tpu.memref_squeeze %dma_wait3A_227 : memref<1x80xi32, #tpu.memory_space<vmem>> -> memref<80xi32, #tpu.memory_space<vmem>>
            %dma_wait3A_229 = tpu.memref_slice %arg4[%mul3A_186] : memref<320000xi32, #tpu.memory_space<hbm>> -> memref<80xi32, #tpu.memory_space<hbm>>
            tpu.wait_dma2 semaphore(%run_scoped3A_213 : memref<!tpu.dma_semaphore, #tpu.memory_space<semaphore_mem>>) src(%dma_wait3A_229 : memref<80xi32, #tpu.memory_space<hbm>>) dst(%dma_wait3A_228 : memref<80xi32, #tpu.memory_space<vmem>>)
            tpu.yield
          }) : () -> ()
          %dma_start3A_188 = arith.constant 1 : i32
          %dma_start3A_189 = arith.constant 1 : i32
          %dma_start3A_190 = arith.constant 0 : i32
          %dma_start3A_191 = arith.constant 0 : i32
          %dma_start3A_192 = tpu.memref_slice %arg10[%dma_start3A_189, %dma_start3A_190, %dma_start3A_191] : memref<2x80x128xf32, #tpu.memory_space<vmem>> -> memref<1x80x128xf32, #tpu.memory_space<vmem>>
          %dma_start3A_193 = tpu.memref_squeeze %dma_start3A_192 : memref<1x80x128xf32, #tpu.memory_space<vmem>> -> memref<80x128xf32, #tpu.memory_space<vmem>>
          %dma_start3A_194 = arith.constant 0 : i32
          %dma_start3A_195 = tpu.memref_slice %arg9[%dma_start3A_188, %dma_start3A_194] : memref<2x80xi32, #tpu.memory_space<vmem>> -> memref<1x80xi32, #tpu.memory_space<vmem>>
          %dma_start3A_196 = tpu.memref_squeeze %dma_start3A_195 : memref<1x80xi32, #tpu.memory_space<vmem>> -> memref<80xi32, #tpu.memory_space<vmem>>
          %dma_start3A_197 = arith.constant 0 : i32
          %dma_start3A_198 = arith.constant 0 : i32
          %dma_start3A_199 = tpu.memref_slice %arg2[%dma_start3A_197, %dma_start3A_198] : memref<10000x128xf32, #tpu.memory_space<hbm>> -> memref<10000x128xf32, #tpu.memory_space<hbm>>
          tpu.enqueue_indirect_dma source(%dma_start3A_199 : memref<10000x128xf32, #tpu.memory_space<hbm>>) target(%dma_start3A_193 : memref<80x128xf32, #tpu.memory_space<vmem>>) offsets(%dma_start3A_196 : memref<80xi32, #tpu.memory_space<vmem>>) semaphore(%arg19 : memref<!tpu.dma_semaphore, #tpu.memory_space<semaphore_mem>>)
          %dma_start3A_200 = arith.constant 1 : i32
          %dma_start3A_201 = arith.constant 0 : i32
          %dma_start3A_202 = arith.constant 0 : i32
          %dma_start3A_203 = tpu.memref_slice %arg12[%dma_start3A_200, %dma_start3A_201, %dma_start3A_202] : memref<2x80x128xf32, #tpu.memory_space<vmem>> -> memref<1x80x128xf32, #tpu.memory_space<vmem>>
          %dma_start3A_204 = tpu.memref_squeeze %dma_start3A_203 : memref<1x80x128xf32, #tpu.memory_space<vmem>> -> memref<80x128xf32, #tpu.memory_space<vmem>>
          %dma_start3A_205 = arith.constant 0 : i32
          %dma_start3A_206 = tpu.memref_slice %arg3[%mul3A_186, %dma_start3A_205] : memref<320000x128xf32, #tpu.memory_space<hbm>> -> memref<80x128xf32, #tpu.memory_space<hbm>>
          %dma_start3A_207 = arith.constant 0 : i32
          %dma_start3A_208 = arith.constant 0 : i32
          %dma_start3A_209 = tpu.memref_slice %arg12[%dma_start3A_200, %dma_start3A_207, %dma_start3A_208] : memref<2x80x128xf32, #tpu.memory_space<vmem>> -> memref<1x80x128xf32, #tpu.memory_space<vmem>>
          %dma_start3A_210 = tpu.memref_squeeze %dma_start3A_209 : memref<1x80x128xf32, #tpu.memory_space<vmem>> -> memref<80x128xf32, #tpu.memory_space<vmem>>
          %dma_start3A_211 = arith.constant 0 : i32
          %dma_start3A_212 = tpu.memref_slice %arg3[%mul3A_186, %dma_start3A_211] : memref<320000x128xf32, #tpu.memory_space<hbm>> -> memref<80x128xf32, #tpu.memory_space<hbm>>
          tpu.enqueue_dma source(%dma_start3A_212 : memref<80x128xf32, #tpu.memory_space<hbm>>) target(%dma_start3A_210 : memref<80x128xf32, #tpu.memory_space<vmem>>) target_semaphore(%arg19 : memref<!tpu.dma_semaphore, #tpu.memory_space<semaphore_mem>>)
        } else {
        }
      } else {
      }
    }
    %gt3A_54 = arith.constant 0 : i32
    %gt3A_55 = arith.cmpi sgt, %add3A_37, %gt3A_54 : i32
    %convert_element_type3A_56 = arith.extui %gt3A_55 : i1 to i32
    %cond3A_57 = arith.constant 0 : i32
    %cond3A_58 = arith.cmpi ne, %convert_element_type3A_56, %cond3A_57 : i32
    scf.if %cond3A_58 {
      %dma_wait3A = arith.constant 0 : i32
      %dma_wait3A_73 = arith.constant 0 : i32
      %dma_wait3A_74 = arith.constant 0 : i32
      %dma_wait3A_75 = tpu.memref_slice %arg11[%dma_wait3A, %dma_wait3A_73, %dma_wait3A_74] : memref<2x80x64xf32, #tpu.memory_space<vmem>> -> memref<1x80x64xf32, #tpu.memory_space<vmem>>
      %dma_wait3A_76 = tpu.memref_squeeze %dma_wait3A_75 : memref<1x80x64xf32, #tpu.memory_space<vmem>> -> memref<80x64xf32, #tpu.memory_space<vmem>>
      %dma_wait3A_77 = arith.constant 0 : i32
      %dma_wait3A_78 = arith.constant 0 : i32
      %dma_wait3A_79 = tpu.memref_slice %arg16[%dma_wait3A_77, %dma_wait3A_78] : memref<10240x64xf32, #tpu.memory_space<vmem_shared>> -> memref<80x64xf32, #tpu.memory_space<vmem_shared>>
      %dma_wait3A_80 = arith.constant 0 : i32
      %dma_wait3A_81 = arith.constant 0 : i32
      %dma_wait3A_82 = tpu.memref_slice %arg16[%dma_wait3A_80, %dma_wait3A_81] : memref<10240x64xf32, #tpu.memory_space<vmem_shared>> -> memref<80x64xf32, #tpu.memory_space<vmem_shared>>
      %dma_wait3A_83 = arith.constant 0 : i32
      %dma_wait3A_84 = arith.constant 0 : i32
      %dma_wait3A_85 = tpu.memref_slice %arg11[%dma_wait3A, %dma_wait3A_83, %dma_wait3A_84] : memref<2x80x64xf32, #tpu.memory_space<vmem>> -> memref<1x80x64xf32, #tpu.memory_space<vmem>>
      %dma_wait3A_86 = tpu.memref_squeeze %dma_wait3A_85 : memref<1x80x64xf32, #tpu.memory_space<vmem>> -> memref<80x64xf32, #tpu.memory_space<vmem>>
      tpu.wait_dma2 semaphore(%arg20 : memref<!tpu.dma_semaphore, #tpu.memory_space<semaphore_mem>>) src(%dma_wait3A_86 : memref<80x64xf32, #tpu.memory_space<vmem>>) dst(%dma_wait3A_82 : memref<80x64xf32, #tpu.memory_space<vmem_shared>>)
      %dma_wait3A_87 = arith.constant 0 : i32
      %dma_wait3A_88 = arith.constant 0 : i32
      %dma_wait3A_89 = arith.constant 0 : i32
      %dma_wait3A_90 = tpu.memref_slice %arg13[%dma_wait3A_87, %dma_wait3A_88, %dma_wait3A_89] : memref<2x80x16xf32, #tpu.memory_space<vmem>> -> memref<1x80x16xf32, #tpu.memory_space<vmem>>
      %dma_wait3A_91 = tpu.memref_squeeze %dma_wait3A_90 : memref<1x80x16xf32, #tpu.memory_space<vmem>> -> memref<80x16xf32, #tpu.memory_space<vmem>>
      %dma_wait3A_92 = arith.constant 0 : i32
      %dma_wait3A_93 = arith.constant 0 : i32
      %dma_wait3A_94 = tpu.memref_slice %arg17[%dma_wait3A_92, %dma_wait3A_93] : memref<10240x16xf32, #tpu.memory_space<vmem_shared>> -> memref<80x16xf32, #tpu.memory_space<vmem_shared>>
      %dma_wait3A_95 = arith.constant 0 : i32
      %dma_wait3A_96 = arith.constant 0 : i32
      %dma_wait3A_97 = tpu.memref_slice %arg17[%dma_wait3A_95, %dma_wait3A_96] : memref<10240x16xf32, #tpu.memory_space<vmem_shared>> -> memref<80x16xf32, #tpu.memory_space<vmem_shared>>
      %dma_wait3A_98 = arith.constant 0 : i32
      %dma_wait3A_99 = arith.constant 0 : i32
      %dma_wait3A_100 = tpu.memref_slice %arg13[%dma_wait3A_87, %dma_wait3A_98, %dma_wait3A_99] : memref<2x80x16xf32, #tpu.memory_space<vmem>> -> memref<1x80x16xf32, #tpu.memory_space<vmem>>
      %dma_wait3A_101 = tpu.memref_squeeze %dma_wait3A_100 : memref<1x80x16xf32, #tpu.memory_space<vmem>> -> memref<80x16xf32, #tpu.memory_space<vmem>>
      tpu.wait_dma2 semaphore(%arg20 : memref<!tpu.dma_semaphore, #tpu.memory_space<semaphore_mem>>) src(%dma_wait3A_101 : memref<80x16xf32, #tpu.memory_space<vmem>>) dst(%dma_wait3A_97 : memref<80x16xf32, #tpu.memory_space<vmem_shared>>)
    } else {
    }
    %gt3A_59 = arith.constant 1 : i32
    %gt3A_60 = arith.cmpi sgt, %add3A_37, %gt3A_59 : i32
    %convert_element_type3A_61 = arith.extui %gt3A_60 : i1 to i32
    %cond3A_62 = arith.constant 0 : i32
    %cond3A_63 = arith.cmpi ne, %convert_element_type3A_61, %cond3A_62 : i32
    scf.if %cond3A_63 {
      %dma_wait3A = arith.constant 1 : i32
      %dma_wait3A_73 = arith.constant 0 : i32
      %dma_wait3A_74 = arith.constant 0 : i32
      %dma_wait3A_75 = tpu.memref_slice %arg11[%dma_wait3A, %dma_wait3A_73, %dma_wait3A_74] : memref<2x80x64xf32, #tpu.memory_space<vmem>> -> memref<1x80x64xf32, #tpu.memory_space<vmem>>
      %dma_wait3A_76 = tpu.memref_squeeze %dma_wait3A_75 : memref<1x80x64xf32, #tpu.memory_space<vmem>> -> memref<80x64xf32, #tpu.memory_space<vmem>>
      %dma_wait3A_77 = arith.constant 0 : i32
      %dma_wait3A_78 = arith.constant 0 : i32
      %dma_wait3A_79 = tpu.memref_slice %arg16[%dma_wait3A_77, %dma_wait3A_78] : memref<10240x64xf32, #tpu.memory_space<vmem_shared>> -> memref<80x64xf32, #tpu.memory_space<vmem_shared>>
      %dma_wait3A_80 = arith.constant 0 : i32
      %dma_wait3A_81 = arith.constant 0 : i32
      %dma_wait3A_82 = tpu.memref_slice %arg16[%dma_wait3A_80, %dma_wait3A_81] : memref<10240x64xf32, #tpu.memory_space<vmem_shared>> -> memref<80x64xf32, #tpu.memory_space<vmem_shared>>
      %dma_wait3A_83 = arith.constant 0 : i32
      %dma_wait3A_84 = arith.constant 0 : i32
      %dma_wait3A_85 = tpu.memref_slice %arg11[%dma_wait3A, %dma_wait3A_83, %dma_wait3A_84] : memref<2x80x64xf32, #tpu.memory_space<vmem>> -> memref<1x80x64xf32, #tpu.memory_space<vmem>>
      %dma_wait3A_86 = tpu.memref_squeeze %dma_wait3A_85 : memref<1x80x64xf32, #tpu.memory_space<vmem>> -> memref<80x64xf32, #tpu.memory_space<vmem>>
      tpu.wait_dma2 semaphore(%arg21 : memref<!tpu.dma_semaphore, #tpu.memory_space<semaphore_mem>>) src(%dma_wait3A_86 : memref<80x64xf32, #tpu.memory_space<vmem>>) dst(%dma_wait3A_82 : memref<80x64xf32, #tpu.memory_space<vmem_shared>>)
      %dma_wait3A_87 = arith.constant 1 : i32
      %dma_wait3A_88 = arith.constant 0 : i32
      %dma_wait3A_89 = arith.constant 0 : i32
      %dma_wait3A_90 = tpu.memref_slice %arg13[%dma_wait3A_87, %dma_wait3A_88, %dma_wait3A_89] : memref<2x80x16xf32, #tpu.memory_space<vmem>> -> memref<1x80x16xf32, #tpu.memory_space<vmem>>
      %dma_wait3A_91 = tpu.memref_squeeze %dma_wait3A_90 : memref<1x80x16xf32, #tpu.memory_space<vmem>> -> memref<80x16xf32, #tpu.memory_space<vmem>>
      %dma_wait3A_92 = arith.constant 0 : i32
      %dma_wait3A_93 = arith.constant 0 : i32
      %dma_wait3A_94 = tpu.memref_slice %arg17[%dma_wait3A_92, %dma_wait3A_93] : memref<10240x16xf32, #tpu.memory_space<vmem_shared>> -> memref<80x16xf32, #tpu.memory_space<vmem_shared>>
      %dma_wait3A_95 = arith.constant 0 : i32
      %dma_wait3A_96 = arith.constant 0 : i32
      %dma_wait3A_97 = tpu.memref_slice %arg17[%dma_wait3A_95, %dma_wait3A_96] : memref<10240x16xf32, #tpu.memory_space<vmem_shared>> -> memref<80x16xf32, #tpu.memory_space<vmem_shared>>
      %dma_wait3A_98 = arith.constant 0 : i32
      %dma_wait3A_99 = arith.constant 0 : i32
      %dma_wait3A_100 = tpu.memref_slice %arg13[%dma_wait3A_87, %dma_wait3A_98, %dma_wait3A_99] : memref<2x80x16xf32, #tpu.memory_space<vmem>> -> memref<1x80x16xf32, #tpu.memory_space<vmem>>
      %dma_wait3A_101 = tpu.memref_squeeze %dma_wait3A_100 : memref<1x80x16xf32, #tpu.memory_space<vmem>> -> memref<80x16xf32, #tpu.memory_space<vmem>>
      tpu.wait_dma2 semaphore(%arg21 : memref<!tpu.dma_semaphore, #tpu.memory_space<semaphore_mem>>) src(%dma_wait3A_101 : memref<80x16xf32, #tpu.memory_space<vmem>>) dst(%dma_wait3A_97 : memref<80x16xf32, #tpu.memory_space<vmem_shared>>)
    } else {
    }
    %barrier3A_64 = arith.constant 0 : index
    tpu.barrier barrier_id(%barrier3A_64)
    %mul3A_65 = arith.constant 640 : i32
    %mul3A_66 = arith.muli %arg1, %mul3A_65 : i32
    %mul3A_67 = arith.constant 640 : i32
    %mul3A_68 = arith.muli %arg1, %mul3A_67 : i32
    "tpu.region"() ({
      %run_scoped3A = tpu.sem_alloc : memref<!tpu.dma_semaphore, #tpu.memory_space<semaphore_mem>>
      %dma_start3A = arith.constant 0 : i32
      %dma_start3A_73 = tpu.memref_slice %arg6[%arg0, %mul3A_68, %dma_start3A] : memref<2x10240x64xf32, #tpu.memory_space<hbm>> -> memref<1x640x64xf32, #tpu.memory_space<hbm>>
      %dma_start3A_74 = tpu.memref_squeeze %dma_start3A_73 : memref<1x640x64xf32, #tpu.memory_space<hbm>> -> memref<640x64xf32, #tpu.memory_space<hbm>>
      %dma_start3A_75 = arith.constant 0 : i32
      %dma_start3A_76 = tpu.memref_slice %arg16[%mul3A_66, %dma_start3A_75] : memref<10240x64xf32, #tpu.memory_space<vmem_shared>> -> memref<640x64xf32, #tpu.memory_space<vmem_shared>>
      tpu.enqueue_dma source(%dma_start3A_76 : memref<640x64xf32, #tpu.memory_space<vmem_shared>>) target(%dma_start3A_74 : memref<640x64xf32, #tpu.memory_space<hbm>>) target_semaphore(%run_scoped3A : memref<!tpu.dma_semaphore, #tpu.memory_space<semaphore_mem>>)
      %dma_wait3A = arith.constant 0 : i32
      %dma_wait3A_77 = tpu.memref_slice %arg6[%arg0, %mul3A_68, %dma_wait3A] : memref<2x10240x64xf32, #tpu.memory_space<hbm>> -> memref<1x640x64xf32, #tpu.memory_space<hbm>>
      %dma_wait3A_78 = tpu.memref_squeeze %dma_wait3A_77 : memref<1x640x64xf32, #tpu.memory_space<hbm>> -> memref<640x64xf32, #tpu.memory_space<hbm>>
      %dma_wait3A_79 = arith.constant 0 : i32
      %dma_wait3A_80 = tpu.memref_slice %arg16[%mul3A_66, %dma_wait3A_79] : memref<10240x64xf32, #tpu.memory_space<vmem_shared>> -> memref<640x64xf32, #tpu.memory_space<vmem_shared>>
      tpu.wait_dma2 semaphore(%run_scoped3A : memref<!tpu.dma_semaphore, #tpu.memory_space<semaphore_mem>>) src(%dma_wait3A_80 : memref<640x64xf32, #tpu.memory_space<vmem_shared>>) dst(%dma_wait3A_78 : memref<640x64xf32, #tpu.memory_space<hbm>>)
      tpu.yield
    }) : () -> ()
    %mul3A_69 = arith.constant 640 : i32
    %mul3A_70 = arith.muli %arg1, %mul3A_69 : i32
    %mul3A_71 = arith.constant 640 : i32
    %mul3A_72 = arith.muli %arg1, %mul3A_71 : i32
    "tpu.region"() ({
      %run_scoped3A = tpu.sem_alloc : memref<!tpu.dma_semaphore, #tpu.memory_space<semaphore_mem>>
      %dma_start3A = arith.constant 0 : i32
      %dma_start3A_73 = tpu.memref_slice %arg7[%arg0, %mul3A_72, %dma_start3A] : memref<2x10240x16xf32, #tpu.memory_space<hbm>> -> memref<1x640x16xf32, #tpu.memory_space<hbm>>
      %dma_start3A_74 = tpu.memref_squeeze %dma_start3A_73 : memref<1x640x16xf32, #tpu.memory_space<hbm>> -> memref<640x16xf32, #tpu.memory_space<hbm>>
      %dma_start3A_75 = arith.constant 0 : i32
      %dma_start3A_76 = tpu.memref_slice %arg17[%mul3A_70, %dma_start3A_75] : memref<10240x16xf32, #tpu.memory_space<vmem_shared>> -> memref<640x16xf32, #tpu.memory_space<vmem_shared>>
      tpu.enqueue_dma source(%dma_start3A_76 : memref<640x16xf32, #tpu.memory_space<vmem_shared>>) target(%dma_start3A_74 : memref<640x16xf32, #tpu.memory_space<hbm>>) target_semaphore(%run_scoped3A : memref<!tpu.dma_semaphore, #tpu.memory_space<semaphore_mem>>)
      %dma_wait3A = arith.constant 0 : i32
      %dma_wait3A_77 = tpu.memref_slice %arg7[%arg0, %mul3A_72, %dma_wait3A] : memref<2x10240x16xf32, #tpu.memory_space<hbm>> -> memref<1x640x16xf32, #tpu.memory_space<hbm>>
      %dma_wait3A_78 = tpu.memref_squeeze %dma_wait3A_77 : memref<1x640x16xf32, #tpu.memory_space<hbm>> -> memref<640x16xf32, #tpu.memory_space<hbm>>
      %dma_wait3A_79 = arith.constant 0 : i32
      %dma_wait3A_80 = tpu.memref_slice %arg17[%mul3A_70, %dma_wait3A_79] : memref<10240x16xf32, #tpu.memory_space<vmem_shared>> -> memref<640x16xf32, #tpu.memory_space<vmem_shared>>
      tpu.wait_dma2 semaphore(%run_scoped3A : memref<!tpu.dma_semaphore, #tpu.memory_space<semaphore_mem>>) src(%dma_wait3A_80 : memref<640x16xf32, #tpu.memory_space<vmem_shared>>) dst(%dma_wait3A_78 : memref<640x16xf32, #tpu.memory_space<hbm>>)
      tpu.yield
    }) : () -> ()
    return
  }
}

module attributes {stable_mosaic.version = 14 : i64} {
  func.func @body(%arg0: i32, %arg1: memref<1000x128xf32, #tpu.memory_space<vmem>>, %arg2: memref<128x128xf32, #tpu.memory_space<vmem>>, %arg3: memref<1x128xf32, #tpu.memory_space<vmem>>, %arg4: memref<128x128xf32, #tpu.memory_space<vmem>>, %arg5: memref<1x128xf32, #tpu.memory_space<vmem>>, %arg6: memref<128x128xf32, #tpu.memory_space<vmem>>, %arg7: memref<1x128xf32, #tpu.memory_space<vmem>>, %arg8: memref<1000x128xf32, #tpu.memory_space<vmem>>, %arg9: memref<1000x128xf32, #tpu.memory_space<vmem>>, %arg10: memref<1000x128xf32, #tpu.memory_space<vmem>>) attributes {dimension_semantics = [#tpu.dimension_semantics<arbitrary>], iteration_bounds = array<i64: 10>, scalar_prefetch = 0 : i64, scratch_operands = 0 : i64, tpu.core_type = #tpu.core_type<tc>, window_params = [{transform_indices = @transform_0, window_bounds = array<i64: 1000, 128>}, {pipeline_mode = #tpu.pipeline_mode<synchronous>, transform_indices = @transform_1, window_bounds = array<i64: 128, 128>}, {pipeline_mode = #tpu.pipeline_mode<synchronous>, transform_indices = @transform_2, window_bounds = array<i64: 1, 128>}, {pipeline_mode = #tpu.pipeline_mode<synchronous>, transform_indices = @transform_3, window_bounds = array<i64: 128, 128>}, {pipeline_mode = #tpu.pipeline_mode<synchronous>, transform_indices = @transform_4, window_bounds = array<i64: 1, 128>}, {pipeline_mode = #tpu.pipeline_mode<synchronous>, transform_indices = @transform_5, window_bounds = array<i64: 128, 128>}, {pipeline_mode = #tpu.pipeline_mode<synchronous>, transform_indices = @transform_6, window_bounds = array<i64: 1, 128>}, {transform_indices = @transform_7, window_bounds = array<i64: 1000, 128>}, {transform_indices = @transform_8, window_bounds = array<i64: 1000, 128>}, {transform_indices = @transform_9, window_bounds = array<i64: 1000, 128>}]} {
    %get3A = arith.constant 0 : index
    %get3A_0 = arith.constant 0 : index
    %get3A_1 = vector.load %arg1[%get3A, %get3A_0] : memref<1000x128xf32, #tpu.memory_space<vmem>>, vector<1000x128xf32>
    %get3A_2 = arith.constant 0 : index
    %get3A_3 = arith.constant 0 : index
    %get3A_4 = vector.load %arg2[%get3A_2, %get3A_3] : memref<128x128xf32, #tpu.memory_space<vmem>>, vector<128x128xf32>
    %dot_general3A = arith.constant dense<0.000000e+00> : vector<1000x128xf32>
    %dot_general3A_5 = tpu.matmul %get3A_1, %get3A_4, %dot_general3A {dimension_numbers = #tpu.dot_dimension_numbers<[1], [0], [0], [1], [0, 0, 1, 1], [], []>, transpose_lhs_hint = false} : vector<1000x128xf32>, vector<128x128xf32>, vector<1000x128xf32> -> vector<1000x128xf32>
    %get3A_6 = arith.constant 0 : index
    %get3A_7 = arith.constant 0 : index
    %get3A_8 = vector.load %arg3[%get3A_6, %get3A_7] : memref<1x128xf32, #tpu.memory_space<vmem>>, vector<1x128xf32>
    %add3A = vector.broadcast %get3A_8 : vector<1x128xf32> to vector<1000x128xf32>
    %add3A_9 = arith.addf %dot_general3A_5, %add3A : vector<1000x128xf32>
    %swap3A = arith.constant 0 : index
    %swap3A_10 = arith.constant 0 : index
    %swap3A_11 = vector.load %arg8[%swap3A, %swap3A_10] : memref<1000x128xf32, #tpu.memory_space<vmem>>, vector<1000x128xf32>
    tpu.vector_store %arg8[%swap3A, %swap3A_10], %add3A_9 {strides = array<i32>} : memref<1000x128xf32, #tpu.memory_space<vmem>>, vector<1000x128xf32>,
    %get3A_12 = arith.constant 0 : index
    %get3A_13 = arith.constant 0 : index
    %get3A_14 = vector.load %arg4[%get3A_12, %get3A_13] : memref<128x128xf32, #tpu.memory_space<vmem>>, vector<128x128xf32>
    %dot_general3A_15 = arith.constant dense<0.000000e+00> : vector<1000x128xf32>
    %dot_general3A_16 = tpu.matmul %get3A_1, %get3A_14, %dot_general3A_15 {dimension_numbers = #tpu.dot_dimension_numbers<[1], [0], [0], [1], [0, 0, 1, 1], [], []>, transpose_lhs_hint = false} : vector<1000x128xf32>, vector<128x128xf32>, vector<1000x128xf32> -> vector<1000x128xf32>
    %get3A_17 = arith.constant 0 : index
    %get3A_18 = arith.constant 0 : index
    %get3A_19 = vector.load %arg5[%get3A_17, %get3A_18] : memref<1x128xf32, #tpu.memory_space<vmem>>, vector<1x128xf32>
    %add3A_20 = vector.broadcast %get3A_19 : vector<1x128xf32> to vector<1000x128xf32>
    %add3A_21 = arith.addf %dot_general3A_16, %add3A_20 : vector<1000x128xf32>
    %swap3A_22 = arith.constant 0 : index
    %swap3A_23 = arith.constant 0 : index
    %swap3A_24 = vector.load %arg9[%swap3A_22, %swap3A_23] : memref<1000x128xf32, #tpu.memory_space<vmem>>, vector<1000x128xf32>
    tpu.vector_store %arg9[%swap3A_22, %swap3A_23], %add3A_21 {strides = array<i32>} : memref<1000x128xf32, #tpu.memory_space<vmem>>, vector<1000x128xf32>,
    %get3A_25 = arith.constant 0 : index
    %get3A_26 = arith.constant 0 : index
    %get3A_27 = vector.load %arg6[%get3A_25, %get3A_26] : memref<128x128xf32, #tpu.memory_space<vmem>>, vector<128x128xf32>
    %dot_general3A_28 = arith.constant dense<0.000000e+00> : vector<1000x128xf32>
    %dot_general3A_29 = tpu.matmul %get3A_1, %get3A_27, %dot_general3A_28 {dimension_numbers = #tpu.dot_dimension_numbers<[1], [0], [0], [1], [0, 0, 1, 1], [], []>, transpose_lhs_hint = false} : vector<1000x128xf32>, vector<128x128xf32>, vector<1000x128xf32> -> vector<1000x128xf32>
    %get3A_30 = arith.constant 0 : index
    %get3A_31 = arith.constant 0 : index
    %get3A_32 = vector.load %arg7[%get3A_30, %get3A_31] : memref<1x128xf32, #tpu.memory_space<vmem>>, vector<1x128xf32>
    %add3A_33 = vector.broadcast %get3A_32 : vector<1x128xf32> to vector<1000x128xf32>
    %add3A_34 = arith.addf %dot_general3A_29, %add3A_33 : vector<1000x128xf32>
    %swap3A_35 = arith.constant 0 : index
    %swap3A_36 = arith.constant 0 : index
    %swap3A_37 = vector.load %arg10[%swap3A_35, %swap3A_36] : memref<1000x128xf32, #tpu.memory_space<vmem>>, vector<1000x128xf32>
    tpu.vector_store %arg10[%swap3A_35, %swap3A_36], %add3A_34 {strides = array<i32>} : memref<1000x128xf32, #tpu.memory_space<vmem>>, vector<1000x128xf32>,
    return
  }
  func.func @transform_0(%arg0: i32) -> (i32, i32) {
    %c0_i32 = arith.constant 0 : i32
    %c0_i32_0 = arith.constant 0 : i32
    return %arg0, %c0_i32 : i32, i32
  }
  func.func @transform_1(%arg0: i32) -> (i32, i32) {
    %c0_i32 = arith.constant 0 : i32
    %c0_i32_0 = arith.constant 0 : i32
    %c0_i32_1 = arith.constant 0 : i32
    return %c0_i32, %c0_i32_0 : i32, i32
  }
  func.func @transform_2(%arg0: i32) -> (i32, i32) {
    %c0_i32 = arith.constant 0 : i32
    %c0_i32_0 = arith.constant 0 : i32
    %c0_i32_1 = arith.constant 0 : i32
    return %c0_i32, %c0_i32_0 : i32, i32
  }
  func.func @transform_3(%arg0: i32) -> (i32, i32) {
    %c0_i32 = arith.constant 0 : i32
    %c0_i32_0 = arith.constant 0 : i32
    %c0_i32_1 = arith.constant 0 : i32
    return %c0_i32, %c0_i32_0 : i32, i32
  }
  func.func @transform_4(%arg0: i32) -> (i32, i32) {
    %c0_i32 = arith.constant 0 : i32
    %c0_i32_0 = arith.constant 0 : i32
    %c0_i32_1 = arith.constant 0 : i32
    return %c0_i32, %c0_i32_0 : i32, i32
  }
  func.func @transform_5(%arg0: i32) -> (i32, i32) {
    %c0_i32 = arith.constant 0 : i32
    %c0_i32_0 = arith.constant 0 : i32
    %c0_i32_1 = arith.constant 0 : i32
    return %c0_i32, %c0_i32_0 : i32, i32
  }
  func.func @transform_6(%arg0: i32) -> (i32, i32) {
    %c0_i32 = arith.constant 0 : i32
    %c0_i32_0 = arith.constant 0 : i32
    %c0_i32_1 = arith.constant 0 : i32
    return %c0_i32, %c0_i32_0 : i32, i32
  }
  func.func @transform_7(%arg0: i32) -> (i32, i32) {
    %c0_i32 = arith.constant 0 : i32
    %c0_i32_0 = arith.constant 0 : i32
    return %arg0, %c0_i32 : i32, i32
  }
  func.func @transform_8(%arg0: i32) -> (i32, i32) {
    %c0_i32 = arith.constant 0 : i32
    %c0_i32_0 = arith.constant 0 : i32
    return %arg0, %c0_i32 : i32, i32
  }
  func.func @transform_9(%arg0: i32) -> (i32, i32) {
    %c0_i32 = arith.constant 0 : i32
    %c0_i32_0 = arith.constant 0 : i32
    return %arg0, %c0_i32 : i32, i32
  }
}

module attributes {stable_mosaic.version = 14 : i64} {
  func.func @body(%arg0: i32, %arg1: memref<2000x128xf32, #tpu.memory_space<vmem>>, %arg2: memref<2000x16xf32, #tpu.memory_space<vmem>>, %arg3: memref<128x128xf32, #tpu.memory_space<vmem>>, %arg4: memref<16x128xf32, #tpu.memory_space<vmem>>, %arg5: memref<1x128xf32, #tpu.memory_space<vmem>>, %arg6: memref<2000x128xf32, #tpu.memory_space<vmem>>) attributes {dimension_semantics = [#tpu.dimension_semantics<arbitrary>], iteration_bounds = array<i64: 160>, scalar_prefetch = 0 : i64, scratch_operands = 0 : i64, tpu.core_type = #tpu.core_type<tc>, window_params = [{transform_indices = @transform_0, window_bounds = array<i64: 2000, 128>}, {transform_indices = @transform_1, window_bounds = array<i64: 2000, 16>}, {pipeline_mode = #tpu.pipeline_mode<synchronous>, transform_indices = @transform_2, window_bounds = array<i64: 128, 128>}, {pipeline_mode = #tpu.pipeline_mode<synchronous>, transform_indices = @transform_3, window_bounds = array<i64: 16, 128>}, {pipeline_mode = #tpu.pipeline_mode<synchronous>, transform_indices = @transform_4, window_bounds = array<i64: 1, 128>}, {transform_indices = @transform_5, window_bounds = array<i64: 2000, 128>}]} {
    %get3A = arith.constant 0 : index
    %get3A_0 = arith.constant 0 : index
    %get3A_1 = vector.load %arg1[%get3A, %get3A_0] : memref<2000x128xf32, #tpu.memory_space<vmem>>, vector<2000x128xf32>
    %ge3A = arith.constant 0.000000e+00 : f32
    %ge3A_2 = vector.broadcast %ge3A : f32 to vector<2000x128xf32>
    %ge3A_3 = arith.cmpf oge, %get3A_1, %ge3A_2 : vector<2000x128xf32>
    %mul3A = arith.constant 2.000000e-01 : f32
    %mul3A_4 = vector.broadcast %mul3A : f32 to vector<2000x128xf32>
    %mul3A_5 = arith.mulf %mul3A_4, %get3A_1 : vector<2000x128xf32>
    %select_n3A = arith.select %ge3A_3, %get3A_1, %mul3A_5 : vector<2000x128xi1>, vector<2000x128xf32>
    %get3A_6 = arith.constant 0 : index
    %get3A_7 = arith.constant 0 : index
    %get3A_8 = vector.load %arg3[%get3A_6, %get3A_7] : memref<128x128xf32, #tpu.memory_space<vmem>>, vector<128x128xf32>
    %dot_general3A = arith.constant dense<0.000000e+00> : vector<2000x128xf32>
    %dot_general3A_9 = tpu.matmul %select_n3A, %get3A_8, %dot_general3A {dimension_numbers = #tpu.dot_dimension_numbers<[1], [0], [0], [1], [0, 0, 1, 1], [], []>, transpose_lhs_hint = false} : vector<2000x128xf32>, vector<128x128xf32>, vector<2000x128xf32> -> vector<2000x128xf32>
    %get3A_10 = arith.constant 0 : index
    %get3A_11 = arith.constant 0 : index
    %get3A_12 = vector.load %arg2[%get3A_10, %get3A_11] : memref<2000x16xf32, #tpu.memory_space<vmem>>, vector<2000x16xf32>
    %get3A_13 = arith.constant 0 : index
    %get3A_14 = arith.constant 0 : index
    %get3A_15 = vector.load %arg4[%get3A_13, %get3A_14] : memref<16x128xf32, #tpu.memory_space<vmem>>, vector<16x128xf32>
    %dot_general3A_16 = arith.constant dense<0.000000e+00> : vector<2000x128xf32>
    %dot_general3A_17 = tpu.matmul %get3A_12, %get3A_15, %dot_general3A_16 {dimension_numbers = #tpu.dot_dimension_numbers<[1], [0], [0], [1], [0, 0, 1, 1], [], []>, transpose_lhs_hint = false} : vector<2000x16xf32>, vector<16x128xf32>, vector<2000x128xf32> -> vector<2000x128xf32>
    %add3A = arith.addf %dot_general3A_9, %dot_general3A_17 : vector<2000x128xf32>
    %get3A_18 = arith.constant 0 : index
    %get3A_19 = arith.constant 0 : index
    %get3A_20 = vector.load %arg5[%get3A_18, %get3A_19] : memref<1x128xf32, #tpu.memory_space<vmem>>, vector<1x128xf32>
    %add3A_21 = vector.broadcast %get3A_20 : vector<1x128xf32> to vector<2000x128xf32>
    %add3A_22 = arith.addf %add3A, %add3A_21 : vector<2000x128xf32>
    %exp3A = math.exp %add3A_22 : vector<2000x128xf32>
    %swap3A = arith.constant 0 : index
    %swap3A_23 = arith.constant 0 : index
    %swap3A_24 = vector.load %arg6[%swap3A, %swap3A_23] : memref<2000x128xf32, #tpu.memory_space<vmem>>, vector<2000x128xf32>
    tpu.vector_store %arg6[%swap3A, %swap3A_23], %exp3A {strides = array<i32>} : memref<2000x128xf32, #tpu.memory_space<vmem>>, vector<2000x128xf32>,
    return
  }
  func.func @transform_0(%arg0: i32) -> (i32, i32) {
    %c0_i32 = arith.constant 0 : i32
    %c0_i32_0 = arith.constant 0 : i32
    return %arg0, %c0_i32 : i32, i32
  }
  func.func @transform_1(%arg0: i32) -> (i32, i32) {
    %c0_i32 = arith.constant 0 : i32
    %c0_i32_0 = arith.constant 0 : i32
    return %arg0, %c0_i32 : i32, i32
  }
  func.func @transform_2(%arg0: i32) -> (i32, i32) {
    %c0_i32 = arith.constant 0 : i32
    %c0_i32_0 = arith.constant 0 : i32
    %c0_i32_1 = arith.constant 0 : i32
    return %c0_i32, %c0_i32_0 : i32, i32
  }
  func.func @transform_3(%arg0: i32) -> (i32, i32) {
    %c0_i32 = arith.constant 0 : i32
    %c0_i32_0 = arith.constant 0 : i32
    %c0_i32_1 = arith.constant 0 : i32
    return %c0_i32, %c0_i32_0 : i32, i32
  }
  func.func @transform_4(%arg0: i32) -> (i32, i32) {
    %c0_i32 = arith.constant 0 : i32
    %c0_i32_0 = arith.constant 0 : i32
    %c0_i32_1 = arith.constant 0 : i32
    return %c0_i32, %c0_i32_0 : i32, i32
  }
  func.func @transform_5(%arg0: i32) -> (i32, i32) {
    %c0_i32 = arith.constant 0 : i32
    %c0_i32_0 = arith.constant 0 : i32
    return %arg0, %c0_i32 : i32, i32
  }
}

module attributes {stable_mosaic.version = 14 : i64} {
  func.func @body(%arg0: i32, %arg1: memref<2x1000x64xf32, #tpu.memory_space<vmem>>, %arg2: memref<2x1000x16xf32, #tpu.memory_space<vmem>>, %arg3: memref<16x64xf32, #tpu.memory_space<vmem>>, %arg4: memref<16x64xf32, #tpu.memory_space<vmem>>, %arg5: memref<64x128xf32, #tpu.memory_space<vmem>>, %arg6: memref<64x128xf32, #tpu.memory_space<vmem>>, %arg7: memref<1x128xf32, #tpu.memory_space<vmem>>, %arg8: memref<1000x128xf32, #tpu.memory_space<vmem>>) attributes {dimension_semantics = [#tpu.dimension_semantics<arbitrary>], iteration_bounds = array<i64: 10>, scalar_prefetch = 0 : i64, scratch_operands = 0 : i64, tpu.core_type = #tpu.core_type<tc>, window_params = [{transform_indices = @transform_0, window_bounds = array<i64: 2, 1000, 64>}, {transform_indices = @transform_1, window_bounds = array<i64: 2, 1000, 16>}, {pipeline_mode = #tpu.pipeline_mode<synchronous>, transform_indices = @transform_2, window_bounds = array<i64: 16, 64>}, {pipeline_mode = #tpu.pipeline_mode<synchronous>, transform_indices = @transform_3, window_bounds = array<i64: 16, 64>}, {pipeline_mode = #tpu.pipeline_mode<synchronous>, transform_indices = @transform_4, window_bounds = array<i64: 64, 128>}, {pipeline_mode = #tpu.pipeline_mode<synchronous>, transform_indices = @transform_5, window_bounds = array<i64: 64, 128>}, {pipeline_mode = #tpu.pipeline_mode<synchronous>, transform_indices = @transform_6, window_bounds = array<i64: 1, 128>}, {transform_indices = @transform_7, window_bounds = array<i64: 1000, 128>}]} {
    %get3A = arith.constant 0 : index
    %get3A_0 = arith.constant 0 : index
    %get3A_1 = arith.constant 0 : index
    %get3A_2 = vector.load %arg2[%get3A, %get3A_0, %get3A_1] : memref<2x1000x16xf32, #tpu.memory_space<vmem>>, vector<1x1000x16xf32>
    %get3A_3 = vector.shape_cast %get3A_2 : vector<1x1000x16xf32> to vector<1000x16xf32>
    %get3A_4 = arith.constant 1 : index
    %get3A_5 = arith.constant 0 : index
    %get3A_6 = arith.constant 0 : index
    %get3A_7 = vector.load %arg2[%get3A_4, %get3A_5, %get3A_6] : memref<2x1000x16xf32, #tpu.memory_space<vmem>>, vector<1x1000x16xf32>
    %get3A_8 = vector.shape_cast %get3A_7 : vector<1x1000x16xf32> to vector<1000x16xf32>
    %add3A = arith.addf %get3A_3, %get3A_8 : vector<1000x16xf32>
    %add3A_9 = arith.constant 1.000000e-30 : f32
    %add3A_10 = vector.broadcast %add3A_9 : f32 to vector<1000x16xf32>
    %add3A_11 = arith.addf %add3A, %add3A_10 : vector<1000x16xf32>
    %div3A = arith.constant 1.000000e+00 : f32
    %div3A_12 = vector.broadcast %div3A : f32 to vector<1000x16xf32>
    %div3A_13 = arith.divf %div3A_12, %add3A_11 : vector<1000x16xf32>
    %get3A_14 = arith.constant 0 : index
    %get3A_15 = arith.constant 0 : index
    %get3A_16 = vector.load %arg3[%get3A_14, %get3A_15] : memref<16x64xf32, #tpu.memory_space<vmem>>, vector<16x64xf32>
    %dot_general3A = arith.constant dense<0.000000e+00> : vector<1000x64xf32>
    %dot_general3A_17 = tpu.matmul %div3A_13, %get3A_16, %dot_general3A {dimension_numbers = #tpu.dot_dimension_numbers<[1], [0], [0], [1], [0, 0, 1, 1], [], []>, transpose_lhs_hint = false} : vector<1000x16xf32>, vector<16x64xf32>, vector<1000x64xf32> -> vector<1000x64xf32>
    %get3A_18 = arith.constant 0 : index
    %get3A_19 = arith.constant 0 : index
    %get3A_20 = vector.load %arg4[%get3A_18, %get3A_19] : memref<16x64xf32, #tpu.memory_space<vmem>>, vector<16x64xf32>
    %dot_general3A_21 = arith.constant dense<0.000000e+00> : vector<1000x64xf32>
    %dot_general3A_22 = tpu.matmul %div3A_13, %get3A_20, %dot_general3A_21 {dimension_numbers = #tpu.dot_dimension_numbers<[1], [0], [0], [1], [0, 0, 1, 1], [], []>, transpose_lhs_hint = false} : vector<1000x16xf32>, vector<16x64xf32>, vector<1000x64xf32> -> vector<1000x64xf32>
    %get3A_23 = arith.constant 0 : index
    %get3A_24 = arith.constant 0 : index
    %get3A_25 = arith.constant 0 : index
    %get3A_26 = vector.load %arg1[%get3A_23, %get3A_24, %get3A_25] : memref<2x1000x64xf32, #tpu.memory_space<vmem>>, vector<1x1000x64xf32>
    %get3A_27 = vector.shape_cast %get3A_26 : vector<1x1000x64xf32> to vector<1000x64xf32>
    %mul3A = arith.mulf %get3A_27, %dot_general3A_17 : vector<1000x64xf32>
    %get3A_28 = arith.constant 0 : index
    %get3A_29 = arith.constant 0 : index
    %get3A_30 = vector.load %arg5[%get3A_28, %get3A_29] : memref<64x128xf32, #tpu.memory_space<vmem>>, vector<64x128xf32>
    %dot_general3A_31 = arith.constant dense<0.000000e+00> : vector<1000x128xf32>
    %dot_general3A_32 = tpu.matmul %mul3A, %get3A_30, %dot_general3A_31 {dimension_numbers = #tpu.dot_dimension_numbers<[1], [0], [0], [1], [0, 0, 1, 1], [], []>, transpose_lhs_hint = false} : vector<1000x64xf32>, vector<64x128xf32>, vector<1000x128xf32> -> vector<1000x128xf32>
    %get3A_33 = arith.constant 1 : index
    %get3A_34 = arith.constant 0 : index
    %get3A_35 = arith.constant 0 : index
    %get3A_36 = vector.load %arg1[%get3A_33, %get3A_34, %get3A_35] : memref<2x1000x64xf32, #tpu.memory_space<vmem>>, vector<1x1000x64xf32>
    %get3A_37 = vector.shape_cast %get3A_36 : vector<1x1000x64xf32> to vector<1000x64xf32>
    %mul3A_38 = arith.mulf %get3A_37, %dot_general3A_22 : vector<1000x64xf32>
    %get3A_39 = arith.constant 0 : index
    %get3A_40 = arith.constant 0 : index
    %get3A_41 = vector.load %arg6[%get3A_39, %get3A_40] : memref<64x128xf32, #tpu.memory_space<vmem>>, vector<64x128xf32>
    %dot_general3A_42 = arith.constant dense<0.000000e+00> : vector<1000x128xf32>
    %dot_general3A_43 = tpu.matmul %mul3A_38, %get3A_41, %dot_general3A_42 {dimension_numbers = #tpu.dot_dimension_numbers<[1], [0], [0], [1], [0, 0, 1, 1], [], []>, transpose_lhs_hint = false} : vector<1000x64xf32>, vector<64x128xf32>, vector<1000x128xf32> -> vector<1000x128xf32>
    %add3A_44 = arith.addf %dot_general3A_32, %dot_general3A_43 : vector<1000x128xf32>
    %get3A_45 = arith.constant 0 : index
    %get3A_46 = arith.constant 0 : index
    %get3A_47 = vector.load %arg7[%get3A_45, %get3A_46] : memref<1x128xf32, #tpu.memory_space<vmem>>, vector<1x128xf32>
    %add3A_48 = vector.broadcast %get3A_47 : vector<1x128xf32> to vector<1000x128xf32>
    %add3A_49 = arith.addf %add3A_44, %add3A_48 : vector<1000x128xf32>
    %swap3A = arith.constant 0 : index
    %swap3A_50 = arith.constant 0 : index
    %swap3A_51 = vector.load %arg8[%swap3A, %swap3A_50] : memref<1000x128xf32, #tpu.memory_space<vmem>>, vector<1000x128xf32>
    tpu.vector_store %arg8[%swap3A, %swap3A_50], %add3A_49 {strides = array<i32>} : memref<1000x128xf32, #tpu.memory_space<vmem>>, vector<1000x128xf32>,
    return
  }
  func.func @transform_0(%arg0: i32) -> (i32, i32, i32) {
    %c0_i32 = arith.constant 0 : i32
    %c0_i32_0 = arith.constant 0 : i32
    %c0_i32_1 = arith.constant 0 : i32
    return %c0_i32, %arg0, %c0_i32_0 : i32, i32, i32
  }
  func.func @transform_1(%arg0: i32) -> (i32, i32, i32) {
    %c0_i32 = arith.constant 0 : i32
    %c0_i32_0 = arith.constant 0 : i32
    %c0_i32_1 = arith.constant 0 : i32
    return %c0_i32, %arg0, %c0_i32_0 : i32, i32, i32
  }
  func.func @transform_2(%arg0: i32) -> (i32, i32) {
    %c0_i32 = arith.constant 0 : i32
    %c0_i32_0 = arith.constant 0 : i32
    %c0_i32_1 = arith.constant 0 : i32
    return %c0_i32, %c0_i32_0 : i32, i32
  }
  func.func @transform_3(%arg0: i32) -> (i32, i32) {
    %c0_i32 = arith.constant 0 : i32
    %c0_i32_0 = arith.constant 0 : i32
    %c0_i32_1 = arith.constant 0 : i32
    return %c0_i32, %c0_i32_0 : i32, i32
  }
  func.func @transform_4(%arg0: i32) -> (i32, i32) {
    %c0_i32 = arith.constant 0 : i32
    %c0_i32_0 = arith.constant 0 : i32
    %c0_i32_1 = arith.constant 0 : i32
    return %c0_i32, %c0_i32_0 : i32, i32
  }
  func.func @transform_5(%arg0: i32) -> (i32, i32) {
    %c0_i32 = arith.constant 0 : i32
    %c0_i32_0 = arith.constant 0 : i32
    %c0_i32_1 = arith.constant 0 : i32
    return %c0_i32, %c0_i32_0 : i32, i32
  }
  func.func @transform_6(%arg0: i32) -> (i32, i32) {
    %c0_i32 = arith.constant 0 : i32
    %c0_i32_0 = arith.constant 0 : i32
    %c0_i32_1 = arith.constant 0 : i32
    return %c0_i32, %c0_i32_0 : i32, i32
  }
  func.func @transform_7(%arg0: i32) -> (i32, i32) {
    %c0_i32 = arith.constant 0 : i32
    %c0_i32_0 = arith.constant 0 : i32
    return %arg0, %c0_i32 : i32, i32
  }
}

</mosaic_0001>

<sc_bundles>
// kernel: kernel.10.cloned.1.call-start
scs
__scs_entry_jumppad:
0x0: {  	(pc) =	sbr.rel $0x88, $3  }
0x1: {  	(tag) =	ssettag $0x0;
	lr =	simm.s32 $0x1  }
0x2: {  	[smem:$0x3F93] =	sst lr;
	_ =	strace $0xD0000000  }
0x3: {  	_ = 	snop  }
0x4: {  	_ = 	snop  }
0x5: {  	_ = 	snop  }
0x6: {  	_ = 	snop  }
0x7: {  	_ = 	snop  }
__scs_overlays_trampoline_lowered:
0x8: {  	[smem:$0x3FA2] =	sst s0  }
0x9: {  	[smem:$0x3FA3] =	sst s1  }
0xa: {  	[smem:$0x3FA4] =	sst s2  }
0xb: {  	[smem:$0x3FA5] =	sst s3  }
0xc: {  	[smem:$0x3FA6] =	sst s4  }
0xd: {  	[smem:$0x3FA7] =	sst s5  }
0xe: {  	[smem:$0x3FA8] =	sst s6  }
0xf: {  	[smem:$0x3FA9] =	sst s7  }
0x10: {  	[smem:$0x3FAA] =	sst s8  }
0x11: {  	[smem:$0x3FAB] =	sst s9;
	s0 =	simm.s32 @!p0 $0x0  }
0x12: {  	s1 =	sld [smem:$0x3F91];
	s0 =	simm.s32 @p0 $0x1  }
0x13: {  	[smem:$0x3FAC] =	sst s0;
	s0 =	simm.s32 @!p1 $0x0  }
0x14: {  	s2 =	sld [smem:$0x3F90];
	s0 =	simm.s32 @p1 $0x1  }
0x15: {  	[smem:$0x3FAD] =	sst s0;
	s0 =	simm.s32 @!p2 $0x0  }
0x16: {  	s3 =	sld [smem:$0x3FDB];
	s0 =	simm.s32 @p2 $0x1  }
0x17: {  	s4 =	simm.s32 $0x1BF5;
	[smem:$0x3FAF] =	sst s0  }
0x18: {  	s0 =	sld [smem:$0x3F92];
	_ =	swait.ge [sflag:s4], $0x0  }
0x19: {  	s7 =	sld [smem:$0x3F93]  }
0x1a: {  	s8 =	sadd.s32 $0xFFFFE003, lr  }
0x1b: {  	s9 =	sadd.s32 $0xFFFFFEF7, lr;
	s5 =	simm.s32 $0xFFFFFFFF;
	p2 =	slt.u32 s8, $0xFFFFF086  }
0x1c: {  	p1 =	slt.u32 s9, $0xF7A;
	s5 =	simm.s32 @!p2 $0x0  }
0x1d: {  	s5 =	simm.s32 @p1 $0x1;
	p0 =	seq.s32 s7, s2  }
0x1e: {  	s7 =	smul.u32 @!p0 $0xF7A, s2;
	p2 =	seq.s32 @!p0 s5, $0x0  }
0x1f: {  	s9 =	smul.u32 $0xF7A, s1;
	s8 =	simm.s32 @!p0 $0x1BF5;
	p2 =	por !p2, p0  }
0x20: {  	[sflag:s8] =	ssyncset.s32 @!p0 $0xFFFFF086;
	s6 =	sadd.s32 @!p0 s3, s7;
	s7 =	simm.s32 @!p0 $0x108  }
0x21: {  	s3 =	sadd.s32 s3, s9;
	s6 =	sadd.s32 @!p0 $0x88, s6;
	s7 =	simm.s32 @p2 $0x1082  }
0x22: {  	[simem:s7], [sflag:s8] =	dma.local @!p0 [hbm:s6], $0xF7A  }
0x23: {  	s9 =	sor.u32 $0xD0000000, s2;
	s6 =	simm.s32 $0x108;
	_ =	swait.ge @!p0 [sflag:s8], $0x0  }
0x24: {  	s3 =	sadd.s32 $0x88, s3;
	s6 =	simm.s32 @!p1 $0x1082;
	[sflag:s4] =	ssyncset.s32 $0xFFFFF086  }
0x25: {  	[simem:s6], [sflag:s4] =	dma.local [hbm:s3], $0xF7A  }
0x26: {  	[smem:$0x3F93] =	sst s1;
	(tag) =	ssettag s2;
	_ =	strace s9  }
0x27: {  	s1 =	sld [smem:$0x3FA3]  }
0x28: {  	s2 =	sld [smem:$0x3FA4]  }
0x29: {  	s4 =	sld [smem:$0x3FA6]  }
0x2a: {  	p0 =	seq.s32 s5, $0x0;
	s5 =	sld [smem:$0x3FA7]  }
0x2b: {  	s6 =	sld [smem:$0x3FA8]  }
0x2c: {  	s7 =	sld [smem:$0x3FA9]  }
0x2d: {  	s3 =	simm.s32 $0x108;
	s8 =	sld [smem:$0x3FAA]  }
0x2e: {  	s3 =	simm.s32 @!p0 $0x1082;
	s9 =	sld [smem:$0x3FAB]  }
0x2f: {  	lr =	sadd.s32 s0, s3;
	s0 =	sld [smem:$0x3FA2]  }
0x30: {  	s3 =	sld [smem:$0x3FA5]  }
0x31: {  	[smem:$0x3FAE] =	sst s10  }
0x32: {  	s10 =	sld [smem:$0x3FAC];
	_ =	sdelay $0x3  }
0x33: {  	p0 =	seq.s32 s10, $0x1;
	s10 =	sld [smem:$0x3FAE];
	_ =	sdelay $0x3  }
0x34: {  	[smem:$0x3FAE] =	sst s10  }
0x35: {  	s10 =	sld [smem:$0x3FAD];
	_ =	sdelay $0x3  }
0x36: {  	p1 =	seq.s32 s10, $0x1;
	s10 =	sld [smem:$0x3FAE];
	_ =	sdelay $0x3  }
0x37: {  	[smem:$0x3FAE] =	sst s10  }
0x38: {  	s10 =	sld [smem:$0x3FAF]  }
0x39: {  	_ = 	snop;
	(pc) =	sbr.ind lr, $3  }
0x3a: {  	_ = 	snop  }
0x3b: {  	_ = 	snop  }
0x3c: {  	p2 =	seq.s32 s10, $0x1;
	s10 =	sld [smem:$0x3FAE]  }
0x3d: {  	_ =	shalt  }
0x3e: {  	_ =	shalt  }
0x3f: {  	_ =	shalt  }
0x40: {  	_ =	shalt  }
0x41: {  	_ =	shalt  }
0x42: {  	_ =	shalt  }
0x43: {  	_ =	shalt  }
0x44: {  	_ =	shalt  }
0x45: {  	_ =	shalt  }
0x46: {  	_ =	shalt  }
0x47: {  	_ =	shalt  }
0x48: {  	_ =	shalt  }
0x49: {  	_ =	shalt  }
0x4a: {  	_ =	shalt  }
0x4b: {  	_ =	shalt  }
0x4c: {  	_ =	shalt  }
0x4d: {  	_ =	shalt  }
0x4e: {  	_ =	shalt  }
0x4f: {  	_ =	shalt  }
0x50: {  	_ =	shalt  }
0x51: {  	_ =	shalt  }
0x52: {  	_ =	shalt  }
0x53: {  	_ =	shalt  }
0x54: {  	_ =	shalt  }
0x55: {  	_ =	shalt  }
0x56: {  	_ =	shalt  }
0x57: {  	_ =	shalt  }
0x58: {  	_ =	shalt  }
0x59: {  	_ =	shalt  }
0x5a: {  	_ =	shalt  }
0x5b: {  	_ =	shalt  }
0x5c: {  	_ =	shalt  }
0x5d: {  	_ =	shalt  }
0x5e: {  	_ =	shalt  }
0x5f: {  	_ =	shalt  }
0x60: {  	_ =	shalt  }
0x61: {  	_ =	shalt  }
0x62: {  	_ =	shalt  }
0x63: {  	_ =	shalt  }
0x64: {  	_ =	shalt  }
0x65: {  	_ =	shalt  }
0x66: {  	_ =	shalt  }
0x67: {  	_ =	shalt  }
0x68: {  	_ =	shalt  }
0x69: {  	_ =	shalt  }
0x6a: {  	_ =	shalt  }
0x6b: {  	_ =	shalt  }
0x6c: {  	_ =	shalt  }
0x6d: {  	_ =	shalt  }
0x6e: {  	_ =	shalt  }
0x6f: {  	_ =	shalt  }
0x70: {  	_ =	shalt  }
0x71: {  	_ =	shalt  }
0x72: {  	_ =	shalt  }
0x73: {  	_ =	shalt  }
0x74: {  	_ =	shalt  }
0x75: {  	_ =	shalt  }
0x76: {  	_ =	shalt  }
0x77: {  	_ =	shalt  }
0x78: {  	_ =	shalt  }
0x79: {  	_ =	shalt  }
0x7a: {  	_ =	shalt  }
0x7b: {  	_ =	shalt  }
0x7c: {  	_ =	shalt  }
0x7d: {  	_ =	shalt  }
0x7e: {  	_ =	shalt  }
0x7f: {  	_ =	shalt  }
0x80: {  	_ =	shalt  }
0x81: {  	_ =	shalt  }
0x82: {  	_ =	shalt  }
0x83: {  	_ =	shalt  }
0x84: {  	_ =	shalt  }
0x85: {  	_ =	shalt  }
0x86: {  	_ =	shalt  }
0x87: {  	_ =	shalt  }
.Lfunc_end0:
.L_simem_size_0:
called_computation.1_lowered:
.L_overlay_start_0:
0x88: {  	s2 =	sld [smem:$0x3FD9]  }
0x89: {  	s3 =	sld [smem:$0x3FFE];
	_ =	sdelay $0x1  }
0x8a: {  	s1 =	srdreg.scid  }
0x8b: {  	s0 =	sand.u32 $0x1, s1  }
0x8c: {  	s17 =	sshll.u32 s0, $0xA;
	s2 =	sadd.s32 s3, s2  }
0x8d: {  	s2 =	sadd.s32 s2, s17  }
0x8e: {  	[smem:$0x3FBA] =	sst s2  }
0x8f: {  	_ = 	snop  }
0x90: {  	s2 =	sld [smem:$0x3FD0];
	(tm) =	ssettm $0x1  }
0x91: {  	s18 =	sld [smem:$0x3FFB];
	_ =	sdelay $0x3  }
0x92: {  	_ =	strace s18  }
0x93: {  	s3 =	sld [smem:$0x3FFC];
	_ =	sdelay $0x3  }
0x94: {  	_ =	strace s3  }
0x95: {  	s3 =	sld [smem:$0x3FFD];
	_ =	sdelay $0x3  }
0x96: {  	_ =	strace s3  }
0x97: {  	_ =	strace $0x8FFFFFFF  }
0x98: {  	s19 =	sld [smem:$0x3FDB];
	_ =	sdelay $0x1  }
0x99: {  	s4 =	simm.s32 $_scs_section_size  }
0x9a: {  	s5 =	simm.s32 $_size__tile_overlayer_lowered;
	s6 =	simm.s32 $_tile_overlayer_lowered  }
0x9b: {  	s22 =	simm.s32 $0x1BFF;
	s21 =	sshll.u32 s6, $0x1;
	s3 =	sadd.s32 s4, s19  }
0x9c: {  	s7 =	simm.s32 $0x0;
	s20 =	sshll.u32 s5, $0x1;
	s5 =	sadd.s32 s21, s3  }
0x9d: {  	[timem:s7], [sflag:s22] =	dma.local [hbm:s5], s20  }
0x9e: {  	_ =	swait.ge [sflag:s22], s20  }
0x9f: {  	s4 =	ssub.s32 $0x0, s20;
	[sflag:s22] =	ssyncset.done $0x0  }
0xa0: {  	[sflag:s22] =	ssyncadd.s32 s4;
	_ =	sdelay $0x1  }
0xa1: {  	s23 =	simm.s32 $0x1B8B  }
0xa2: {  	_ =	swait.ge [sflag:s23], $0x1  }
0xa3: {  	[sflag:s23] =	ssyncset.done $0x0  }
0xa4: {  	s25 =	simm.s32 $0x1B8E;
	s24 =	sld [smem:$0x3FFE];
	[sflag:s23] =	ssyncadd.s32 $0xFFFFFFFF  }
0xa5: {  	s26 =	simm.s32 $execute0_lowered;
	[smem:$0x3FD2] =	sst s25  }
0xa6: {  	s5 =	sshll.u32 s26, $0x1;
	_ =	strace $0x80000049;
	[dreg:$0x1] =	wrdreg $0xFFFFFFFF  }
0xa7: {  	s28 =	simm.s32 $_size_execute0_lowered;
	s3 =	sadd.s32 s3, s5;
	[dreg:$0x0] =	wrdreg $0x0  }
0xa8: {  	s5 =	sshll.u32 s28, $0x1;
	[dreg:$0x2] =	wrdreg s3  }
0xa9: {  	[dreg:$0x3] =	wrdreg s5  }
0xaa: {  	[dreg:$0x4] =	wrdreg $0xC0  }
0xab: {  	_ =	task [dreg:s7], $0x5FFFF  }
0xac: {  	[dreg:$0x1] =	wrdreg $0xFFFFFFFF  }
0xad: {  	[dreg:$0x0] =	wrdreg $0x60  }
0xae: {  	[dreg:$0x2] =	wrdreg s2  }
0xaf: {  	[dreg:$0x3] =	wrdreg s24  }
0xb0: {  	[dreg:$0x4] =	wrdreg $0x11B400  }
0xb1: {  	[dreg:$0x5] =	wrdreg $0x1BB400  }
0xb2: {  	[dreg:$0x6] =	wrdreg $0x9  }
0xb3: {  	_ =	task.clear_ibuf [dreg:s7], $0x7FFFF;
	_ =	strace $0x90000049  }
0xb4: {  	s29 =	simm.s32 $0x9;
	_ =	strace $0x8000004B  }
0xb5: {  	_ =	swait.ge [sflag:s29], $0x1  }
0xb6: {  	[sflag:s29] =	ssyncadd.s32 $0xFFFFFFFF  }
0xb7: {  	_ =	strace $0x9000004B  }
0xb8: {  	_ =	sfence  }
0xb9: {  	s30 =	sld [smem:$0x0];
	_ =	sdelay $0x2  }
0xba: {  	s31 =	sshll.u32 s1, $0xD;
	s1 =	sshrl.u32 s1, $0x2  }
0xbb: {  	s3 =	sand.u32 $0x4000, s31;
	s1 =	sadd.s32 s1, s30  }
0xbc: {  	s0 =	sor.u32 s3, s0;
	s1 =	sshll.u32 s1, $0x11  }
0xbd: {  	s0 =	sor.u32 s1, s0  }
0xbe: {  	s0 =	sadd.s32 $0x8F2B, s0  }
0xbf: {  	[sflag:s0] =	ssyncadd.remote.s32 $0x1  }
0xc0: {  	_ =	sfence.sel $0xFFFF  }
0xc1: {  	[dreg:$0x0] =	wrdreg $0xFFFFFFFF;
	(pc) =	sbr.abs _section_cstart, $3  }
0xc2: {  	[dreg:$0x1] =	wrdreg $0xFFFFFFFF  }
0xc3: {  	_ =	task.clear_ibuf [dreg:s7], $0x2FFFF;
	_ =	strace $0x9FFFFFFF  }
0xc4: {  	(tm) =	ssettm $0x7FFFFFFF  }
0xc5: {  	_ =	shalt  }
tec
execute0_lowered:
.L_overlay_start_1:
0x0: {  	(tag) =	ssettag $0x1  }
0x1: {  	s1 =	rddreg [dreg:$0x0]  }
0x2: {  	s0 =	rddreg [dreg:$0x1];
	s17 =	stileid.u32  }
0x3: {  	s2 =	rddreg [dreg:$0x2];
	s9 =	smul.u32 $0xA000, s17  }
0x4: {  	s4 =	rddreg [dreg:$0x3];
	s5 =	simm.s32 $0x0;
	s10 =	smul.u32 $0x2800, s17  }
0x5: {  	s3 =	srdreg.scid;
	s29 =	simm.s32 $0xA0;
	s13 =	smul.u32 $0x28000, s17  }
0x6: {  	s30 =	simm.s32 $0x50;
	s28 =	simm.s32 $0xF0;
	s21 =	smul.u32 $0xA, s17  }
0x7: {  	s31 =	simm.s32 $0x2;
	[smem:$0x7FF] =	sst s5;
	s16 =	smul.u32 $0x50, s17  }
0x8: {  	s3 =	sand.u32 $0x1, s3;
	s6 =	sadd.s32 $0xA28A00, s0;
	s24 =	smul.u32 $0x500, s17  }
0x9: {  	s7 =	sadd.s32 $0xC800, s0;
	s8 =	smul.u32 $0xA0000, s3;
	s14 =	ssub.s32 $0x2, s3  }
0xa: {  	_ =	strace $0x8000004A;
	s12 =	smul.u32 $0x28000, s3;
	s15 =	sshrl.u32 s14, $0x1  }
0xb: {  	s13 =	sshrl.u32 s13, $0x2;
	s16 =	sadd.s32 $0x500, s16;
	s11 =	sadd.s32 s9, s8  }
0xc: {  	s8 =	sadd.s32 $0x2A00, s0;
	s12 =	sadd.s32 s10, s12;
	s19 =	ssub.s32 s14, s15  }
0xd: {  	s13 =	sadd.s32 s13, s2;
	s9 =	sadd.s32 s9, s2;
	s15 =	sadd.s32 s7, s21  }
0xe: {  	s14 =	sadd.s32 s10, s4;
	s10 =	sadd.s32 s6, s24;
	[dreg:$0xa] =	wrdreg s15  }
0xf: {  	s25 =	sshrl.u32 s16, $0x3;
	s20 =	sadd.s32 $0x2000, s13;
	[dreg:$0xb] =	wrdreg s10  }
0x10: {  	s24 =	sor.u32 $0x20, s17;
	s22 =	sadd.s32 $0x4000, s13;
	[dreg:$0x5] =	wrdreg s20  }
0x11: {  	s11 =	sshrl.u32 s11, $0x3;
	s23 =	sadd.s32 $0x6000, s13;
	[dreg:$0x6] =	wrdreg s22  }
0x12: {  	s12 =	sshrl.u32 s12, $0x3;
	s13 =	sadd.s32 $0x8000, s13;
	[dreg:$0x7] =	wrdreg s23  }
0x13: {  	s18 =	sadd.s32 s8, s21;
	s26 =	sadd.s32 s8, s25;
	[dreg:$0x8] =	wrdreg s13  }
0x14: {  	s10 =	sadd.s32 s7, s25;
	s15 =	sshll.u32 s16, $0x4;
	[dreg:$0x9] =	wrdreg s18  }
0x15: {  	s25 =	simm.s32 $0xD340;
	s11 =	sadd.s32 s11, s0;
	[dreg:$0xc] =	wrdreg s26  }
0x16: {  	s0 =	sadd.s32 s12, s0;
	s13 =	sshll.u32 s3, $0x2;
	[dreg:$0xd] =	wrdreg s10  }
0x17: {  	s10 =	sadd.s32 s6, s15;
	s18 =	smax.u32 s19, $0x1;
	s19 =	sshllo.u32 s3, $0x2  }
0x18: {  	s3 =	sshll.u32 s3, $0x6;
	s26 =	simm.s32 $0x5;
	s12 =	simm.s32 $0x1  }
0x19: {  	s15 =	simm.s32 $0xC940;
	[dreg:$0xe] =	wrdreg s10;
	s16 =	sadd.s32 $0x16600, s11  }
.Ltmp0:
0x1a: {  	s0 =	sadd.s32 $0x3E600, s0;
	[dreg:$0x11] =	wrdreg s18;
	(pc) =	sbr.rel .LBB2_1-.Ltmp0, $4  }
0x1b: {  	v6 =	vimm.f32 $0.0e+00;
	s20 =	sadd.s32 $0x170, s3;
	s22 =	sor.u32 $0x1, s13;
	s23 =	sor.u32 $0x2, s13;
	v2 =	vmov s13  }
0x1c: {  	s21 =	sadd.s32 $0x2970, s3;
	v5 =	vmov s19;
	s3 =	simm.s32 $0xCE40;
	s10 =	simm.s32 $0x3;
	v3 =	vmov s22;
	v4 =	vmov s23  }
0x1d: {  	s11 =	simm.s32 $0x4;
	s13 =	simm.s32 $0x5140;
	[dreg:$0xf] =	wrdreg s16;
	v0 =	vmov s20;
	v2 =	vbroadcast v2, $0x0;
	v5 =	vbroadcast v5, $0x0  }
0x1e: {  	[dreg:$0x10] =	wrdreg s0;
	s0 =	simm.s32 $0x6540;
	v1 =	vmov s21;
	s16 =	simm.s32 $0x0;
	v3 =	vbroadcast v3, $0x0;
	v4 =	vbroadcast v4, $0x0  }
.LBB2_14:
0x1f: {  	_ =	swait.ge [sflag:s10], $0x1400  }
0x20: {  	[sflag:s10] =	ssyncset.done $0x0  }
0x21: {  	[sflag:s10] =	ssyncadd.s32 $0xFFFFEC00  }
0x22: {  	_ =	swait.ge [sflag:s10], $0x500  }
0x23: {  	[sflag:s10] =	ssyncset.done $0x0  }
0x24: {  	[sflag:s10] =	ssyncadd.s32 $0xFFFFFB00  }
0x25: {  	_ =	swait.ge [sflag:s11], $0x1400  }
0x26: {  	[sflag:s11] =	ssyncset.done $0x0  }
0x27: {  	[sflag:s11] =	ssyncadd.s32 $0xFFFFEC00  }
0x28: {  	_ =	swait.ge [sflag:s11], $0x500  }
0x29: {  	[sflag:s11] =	ssyncset.done $0x0  }
0x2a: {  	s17 =	stileid.u32;
	[sflag:s11] =	ssyncadd.s32 $0xFFFFFB00  }
0x2b: {  	s17 =	sshll.u32 s17, $0x6;
	[bflag:$0x0] =	sbarrier.arrive $0xFFFF  }
0x2c: {  	s18 =	sshrl.u32 s9, $0x3;
	s17 =	sor.u32 $0x1C05, s17;
	s19 =	rddreg [dreg:$0xf]  }
0x2d: {  	[hbm:s19], [sflag:s17] =	dma.local [spmem:s18], $0x1400  }
0x2e: {  	_ =	swait.ge [sflag:s26], $0x1400  }
0x2f: {  	[sflag:s26] =	ssyncset.done $0x0  }
0x30: {  	s21 =	sshrl.u32 s14, $0x3;
	s22 =	rddreg [dreg:$0x10];
	[sflag:s26] =	ssyncadd.s32 $0xFFFFEC00  }
0x31: {  	[hbm:s22], [sflag:s17] =	dma.local [spmem:s21], $0x500  }
0x32: {  	_ =	swait.ge [sflag:s26], $0x500  }
0x33: {  	s16 =	sadd.s32 $0x1, s16;
	s23 =	rddreg [dreg:$0x11]  }
0x34: {  	p0 =	sne.s32 s16, s23  }
.Ltmp1:
0x35: {  	_ = 	snop;
	(pc) =	sbr.rel @!p0 .LBB2_15-.Ltmp1, $3  }
0x36: {  	_ =	sdelay $0x1  }
0x37: {  	[sflag:s26] =	ssyncset.done $0x0  }
0x38: {  	[sflag:s26] =	ssyncadd.s32 $0xFFFFFB00  }
.LBB2_1:
0x39: {  	s17 =	simm.s32 $0x0  }
.LBB2_2:
0x3a: {  	p0 =	sne.s32 s17, $0x7F00  }
.Ltmp2:
0x3b: {  	s18 =	sshra.s32 s17, $0x2;
	(pc) =	sbr.rel @p0 .LBB2_2-.Ltmp2, $4  }
0x3c: {  	[tilespmem:s18+$0xD340] =	vst v6  }
0x3d: {  	[tilespmem:s18+$0xD350] =	vst v6  }
0x3e: {  	[tilespmem:s18+$0xD360] =	vst v6  }
0x3f: {  	s17 =	sadd.s32 $0x100, s17;
	[tilespmem:s18+$0xD370] =	vst v6  }
0x40: {  	s17 =	simm.s32 $0x40;
	s18 =	simm.s32 $0x0  }
.LBB2_4:
0x41: {  	p0 =	sne.s32 s17, $0x9FC0;
	[tilespmem:s18+$0xF340] =	vst v6;
	s18 =	smov.u32 s17;
	s17 =	sadd.s32 $0x40, s17  }
.Ltmp3:
0x42: {  	(pc) =	sbr.rel @p0 .LBB2_4-.Ltmp3, $2  }
0x43: {  	_ =	sdelay $0x2  }
0x44: {  	s18 =	sshra.s32 s18, $0x2  }
0x45: {  	[tilespmem:s18+$0xF340] =	vst v6  }
0x46: {  	[spmem:s9] =	stream.linear.scatter [tilespmem:s25], [sflag:$0x5], $0x2000, $0x38;
	[tilespmem:$0x1E340] =	vst v63  }
0x47: {  	_ =	swait.ge [sflag:s26], $0x2000  }
0x48: {  	[sflag:s26] =	ssyncset.done $0x0  }
0x49: {  	s17 =	rddreg [dreg:$0x5];
	[sflag:s26] =	ssyncadd.s32 $0xFFFFE000  }
0x4a: {  	[spmem:s17] =	stream.linear.scatter [tilespmem:s25], [sflag:$0x5], $0x2000, $0x38;
	[tilespmem:$0x1E340] =	vst v63  }
0x4b: {  	_ =	swait.ge [sflag:s26], $0x2000  }
0x4c: {  	[sflag:s26] =	ssyncset.done $0x0  }
0x4d: {  	s22 =	rddreg [dreg:$0x6];
	[sflag:s26] =	ssyncadd.s32 $0xFFFFE000  }
0x4e: {  	[spmem:s22] =	stream.linear.scatter [tilespmem:s25], [sflag:$0x5], $0x2000, $0x38;
	[tilespmem:$0x1E340] =	vst v63  }
0x4f: {  	_ =	swait.ge [sflag:s26], $0x2000  }
0x50: {  	[sflag:s26] =	ssyncset.done $0x0  }
0x51: {  	s23 =	rddreg [dreg:$0x7];
	[sflag:s26] =	ssyncadd.s32 $0xFFFFE000  }
0x52: {  	[spmem:s23] =	stream.linear.scatter [tilespmem:s25], [sflag:$0x5], $0x2000, $0x38;
	[tilespmem:$0x1E340] =	vst v63  }
0x53: {  	_ =	swait.ge [sflag:s26], $0x2000  }
0x54: {  	[sflag:s26] =	ssyncset.done $0x0  }
0x55: {  	s18 =	rddreg [dreg:$0x8];
	[sflag:s26] =	ssyncadd.s32 $0xFFFFE000  }
0x56: {  	[spmem:s18] =	stream.linear.scatter [tilespmem:s25], [sflag:$0x5], $0x2000, $0x38;
	[tilespmem:$0x1E340] =	vst v63  }
0x57: {  	_ =	swait.ge [sflag:s26], $0x2000  }
0x58: {  	[sflag:s26] =	ssyncset.done $0x0  }
0x59: {  	s19 =	simm.s32 $0xF340;
	[sflag:s26] =	ssyncadd.s32 $0xFFFFE000  }
0x5a: {  	[spmem:s14] =	stream.linear.scatter [tilespmem:s19], [sflag:$0x5], $0x2800, $0x38;
	[tilespmem:$0x1E340] =	vst v63  }
0x5b: {  	_ =	swait.ge [sflag:s26], $0x2800  }
0x5c: {  	[sflag:s26] =	ssyncset.done $0x0  }
0x5d: {  	[sflag:s26] =	ssyncadd.s32 $0xFFFFD800  }
0x5e: {  	[bflag:$0x0] =	sbarrier.arrive $0xFFFF  }
0x5f: {  	s17 =	simm.s32 $0x0;
	s20 =	rddreg [dreg:$0x9]  }
0x60: {  	[tilespmem:s17], [sflag:$0x5] =	stream.linear.gather [hbm4b:s20+s17], $0x50, $0x38;
	[tilespmem:$0x1E340] =	vst v63  }
0x61: {  	_ =	swait.ge [sflag:s26], $0x50  }
0x62: {  	[sflag:s26] =	ssyncset.done $0x0  }
0x63: {  	s21 =	rddreg [dreg:$0xa];
	[sflag:s26] =	ssyncadd.s32 $0xFFFFFFB0  }
0x64: {  	[tilespmem:s29], [sflag:$0x5] =	stream.linear.gather [hbm4b:s21+s17], $0x50, $0x38;
	[tilespmem:$0x1E340] =	vst v63  }
0x65: {  	_ =	swait.ge [sflag:s26], $0x50  }
0x66: {  	[sflag:s26] =	ssyncset.done $0x0  }
0x67: {  	s22 =	simm.s32 $0x140;
	[sflag:s26] =	ssyncadd.s32 $0xFFFFFFB0  }
0x68: {  	[tilespmem:s22], [sflag:$0x1] =	stream.indirect.gather [hbm4b:s1+s30], $0x80, s29, s30, $0xb8;
	[tilespmem:$0x1E340] =	vst v63  }
0x69: {  	s19 =	simm.s32 $0x7940;
	s23 =	rddreg [dreg:$0xb]  }
0x6a: {  	[tilespmem:s19], [sflag:$0x1] =	stream.linear.gather [hbm4b:s23+s17], $0x2800, $0x38;
	[tilespmem:$0x1E340] =	vst v63  }
0x6b: {  	s19 =	rddreg [dreg:$0xc]  }
0x6c: {  	[tilespmem:s30], [sflag:$0x5] =	stream.linear.gather [hbm4b:s19+s17], $0x50, $0x38;
	[tilespmem:$0x1E340] =	vst v63  }
0x6d: {  	_ =	swait.ge [sflag:s26], $0x50  }
0x6e: {  	[sflag:s26] =	ssyncset.done $0x0  }
0x6f: {  	s20 =	rddreg [dreg:$0xd];
	[sflag:s26] =	ssyncadd.s32 $0xFFFFFFB0  }
0x70: {  	[tilespmem:s28], [sflag:$0x5] =	stream.linear.gather [hbm4b:s20+s17], $0x50, $0x38;
	[tilespmem:$0x1E340] =	vst v63  }
0x71: {  	_ =	swait.ge [sflag:s26], $0x50  }
.Ltmp4:
0x72: {  	[sflag:s26] =	ssyncset.done $0x0;
	(pc) =	sbr.rel .LBB2_6-.Ltmp4, $4  }
0x73: {  	s21 =	simm.s32 $0x2940;
	[sflag:s26] =	ssyncadd.s32 $0xFFFFFFB0  }
0x74: {  	[tilespmem:s21], [sflag:$0x2] =	stream.indirect.gather [hbm4b:s1+s30], $0x80, s28, s30, $0xb8;
	[tilespmem:$0x1E340] =	vst v63  }
0x75: {  	s23 =	simm.s32 $0xA140;
	s22 =	rddreg [dreg:$0xe]  }
0x76: {  	[tilespmem:s23], [sflag:$0x2] =	stream.linear.gather [hbm4b:s22+s17], $0x2800, $0x38;
	[tilespmem:$0x1E340] =	vst v63  }
.LBB2_9:
0x77: {  	v7 =	vld [tilespmem:s20+$0x7940];
	_ =	sdelay $0x3  }
0x78: {  	s18 =	sadd.s32 $0x10, s18  }
0x79: {  	[tilespmem:s18+$0x0] =	vst v7  }
0x7a: {  	v8 =	vld.idx.msk [tilespmem:v0+s20+$0xFFFFFFD0 ss:$0x1], $0xffff;
	_ =	sdelay $0x2  }
0x7b: {  	v9 =	vperm.xlane v7, v2;
	_ =	sdelay $0x1  }
0x7c: {  	v8 =	vmul.f32 v8, v9  }
0x7d: {  	s23 =	sadd.s32 $0x40, s19  }
0x7e: {  	[tilespmem:s23+$0xFFFFFFE0] =	vst v8  }
0x7f: {  	v8 =	vld.idx.msk [tilespmem:v0+s20+$0xFFFFFFE0 ss:$0x1], $0xffff;
	_ =	sdelay $0x2  }
0x80: {  	v62 =	vperm.xlane v7, v3;
	_ =	sdelay $0x1  }
0x81: {  	v8 =	vmul.f32 v8, v62;
	_ =	sdelay $0x1  }
0x82: {  	[tilespmem:s23+$0xFFFFFFF0] =	vst v8  }
0x83: {  	v8 =	vld.idx.msk [tilespmem:v0+s20+$0xFFFFFFF0 ss:$0x1], $0xffff;
	_ =	sdelay $0x2  }
0x84: {  	v63 =	vperm.xlane v7, v4;
	_ =	sdelay $0x1  }
0x85: {  	v8 =	vmul.f32 v8, v63;
	_ =	sdelay $0x1  }
0x86: {  	[tilespmem:s23+$0x0] =	vst v8  }
0x87: {  	v8 =	vld.idx.msk [tilespmem:v0+s20+$0x0 ss:$0x1], $0xffff;
	_ =	sdelay $0x2  }
0x88: {  	v7 =	vperm.xlane v7, v5;
	_ =	sdelay $0x1  }
0x89: {  	v7 =	vmul.f32 v8, v7;
	_ =	sdelay $0x1  }
0x8a: {  	p0 =	sgt.u32 s17, $0xF7;
	[tilespmem:s23+$0x10] =	vst v7  }
0x8b: {  	[spmem:s2] =	stream.indirect.scatter.add.f32 [tilespmem:s13], [sflag:$0x3], $0x40, s5, s30, $0xb8;
	[tilespmem:$0x1E340] =	vst v63  }
0x8c: {  	s18 =	simm.s32 @!p0 $0x3  }
0x8d: {  	[spmem:s4] =	stream.indirect.scatter.add.f32 [tilespmem:s15], [sflag:$0x3], $0x10, s5, s30, $0xb8;
	[tilespmem:$0x1E340] =	vst v63  }
0x8e: {  	_ =	swait.ge @!p0 [sflag:s18], $0x1400  }
0x8f: {  	s19 =	sshll.u32 @!p0 s17, $0x4;
	[sflag:s18] =	ssyncset.done @!p0 $0x0  }
0x90: {  	s19 =	sadd.s32 @!p0 s24, s19;
	[sflag:s18] =	ssyncadd.s32 @!p0 $0xFFFFEC00  }
0x91: {  	s20 =	smul.u32 @!p0 $0xA, s19;
	_ =	swait.ge @!p0 [sflag:s18], $0x500  }
0x92: {  	[sflag:s18] =	ssyncset.done @!p0 $0x0  }
0x93: {  	s21 =	simm.s32 @!p0 $0x0;
	[sflag:s18] =	ssyncadd.s32 @!p0 $0xFFFFFB00;
	s18 =	sadd.s32 @!p0 s8, s20  }
0x94: {  	[tilespmem:s21], [sflag:$0x5] =	stream.linear.gather @!p0 [hbm4b:s18+s21], $0x50, $0x38;
	[tilespmem:$0x1E340] =	vst v63  }
0x95: {  	s18 =	simm.s32 @!p0 $0x5  }
0x96: {  	_ =	swait.ge @!p0 [sflag:s18], $0x50  }
0x97: {  	[sflag:s18] =	ssyncset.done @!p0 $0x0  }
0x98: {  	s22 =	simm.s32 @!p0 $0xA0;
	s20 =	sadd.s32 @!p0 s7, s20;
	[sflag:s18] =	ssyncadd.s32 @!p0 $0xFFFFFFB0  }
0x99: {  	[tilespmem:s22], [sflag:$0x5] =	stream.linear.gather @!p0 [hbm4b:s20+s21], $0x50, $0x38;
	[tilespmem:$0x1E340] =	vst v63  }
0x9a: {  	_ =	swait.ge @!p0 [sflag:s18], $0x50  }
0x9b: {  	s19 =	smul.u32 @!p0 $0x500, s19;
	[sflag:s18] =	ssyncset.done @!p0 $0x0  }
0x9c: {  	s20 =	simm.s32 @!p0 $0x140;
	[sflag:s18] =	ssyncadd.s32 @!p0 $0xFFFFFFB0;
	s18 =	simm.s32 @!p0 $0x50  }
0x9d: {  	[tilespmem:s20], [sflag:$0x1] =	stream.indirect.gather @!p0 [hbm4b:s1+s18], $0x80, s22, s18, $0xb8;
	[tilespmem:$0x1E340] =	vst v63  }
0x9e: {  	s18 =	sadd.s32 @!p0 s6, s19;
	s19 =	simm.s32 @!p0 $0x7940  }
0x9f: {  	[tilespmem:s19], [sflag:$0x1] =	stream.linear.gather @!p0 [hbm4b:s18+s21], $0x2800, $0x38;
	[tilespmem:$0x1E340] =	vst v63  }
.LBB2_13:
0xa0: {  	s17 =	sadd.s32 $0x1, s17  }
0xa1: {  	p0 =	sne.s32 s17, $0xFA  }
.Ltmp5:
0xa2: {  	_ = 	snop;
	(pc) =	sbr.rel @!p0 .LBB2_14-.Ltmp5, $1  }
0xa3: {  	_ =	sdelay $0x3  }
.LBB2_6:
0xa4: {  	s18 =	sand.u32 $0x1, s17  }
0xa5: {  	p0 =	seq.s32 s18, $0x1  }
.Ltmp6:
0xa6: {  	_ = 	snop;
	(pc) =	sbr.rel @!p0 .LBB2_7-.Ltmp6, $1  }
0xa7: {  	_ =	sdelay $0x3  }
0xa8: {  	_ =	swait.ge [sflag:s31], $0x2800  }
0xa9: {  	[sflag:s31] =	ssyncset.done $0x0  }
0xaa: {  	[sflag:s31] =	ssyncadd.s32 $0xFFFFD800  }
0xab: {  	_ =	swait.ge [sflag:s31], $0x2800  }
0xac: {  	[sflag:s31] =	ssyncset.done $0x0  }
0xad: {  	s20 =	simm.s32 $0x0;
	[sflag:s31] =	ssyncadd.s32 $0xFFFFD800  }
0xae: {  	v7 =	vld [tilespmem:s20+$0xA140];
	_ =	sdelay $0x3  }
0xaf: {  	s18 =	simm.s32 $0xCE40  }
0xb0: {  	[tilespmem:s18+$0x0] =	vst v7  }
0xb1: {  	v8 =	vld.idx.msk [tilespmem:v1+s20+$0xFFFFFFD0 ss:$0x1], $0xffff;
	_ =	sdelay $0x2  }
0xb2: {  	v9 =	vperm.xlane v7, v2;
	_ =	sdelay $0x1  }
0xb3: {  	v8 =	vmul.f32 v8, v9  }
0xb4: {  	s19 =	simm.s32 $0x6570  }
0xb5: {  	[tilespmem:s19+$0xFFFFFFD0] =	vst v8  }
0xb6: {  	v8 =	vld.idx.msk [tilespmem:v1+s20+$0xFFFFFFE0 ss:$0x1], $0xffff;
	_ =	sdelay $0x2  }
0xb7: {  	v62 =	vperm.xlane v7, v3;
	_ =	sdelay $0x1  }
0xb8: {  	v8 =	vmul.f32 v8, v62;
	_ =	sdelay $0x1  }
0xb9: {  	[tilespmem:s19+$0xFFFFFFE0] =	vst v8  }
0xba: {  	v8 =	vld.idx.msk [tilespmem:v1+s20+$0xFFFFFFF0 ss:$0x1], $0xffff;
	_ =	sdelay $0x2  }
0xbb: {  	v63 =	vperm.xlane v7, v4;
	_ =	sdelay $0x1  }
0xbc: {  	v8 =	vmul.f32 v8, v63;
	_ =	sdelay $0x1  }
0xbd: {  	[tilespmem:s19+$0xFFFFFFF0] =	vst v8  }
0xbe: {  	v8 =	vld.idx.msk [tilespmem:v1+s20+$0x0 ss:$0x1], $0xffff;
	_ =	sdelay $0x2  }
0xbf: {  	v7 =	vperm.xlane v7, v5;
	_ =	sdelay $0x1  }
0xc0: {  	v7 =	vmul.f32 v8, v7;
	_ =	sdelay $0x1  }
0xc1: {  	s21 =	simm.s32 $0x400;
	s20 =	simm.s32 $0x80;
	[tilespmem:s19+$0x0] =	vst v7  }
.LBB2_11:
0xc2: {  	p0 =	sne.s32 s21, $0x9E00;
	v7 =	vld [tilespmem:s20+$0xA140];
	_ =	sdelay $0x3  }
0xc3: {  	s18 =	sadd.s32 $0x10, s18  }
0xc4: {  	[tilespmem:s18+$0x0] =	vst v7;
	v8 =	vperm.xlane v7, v3;
	v9 =	vperm.xlane v7, v5  }
0xc5: {  	v10 =	vld.idx.msk [tilespmem:v1+s20+$0xFFFFFFD0 ss:$0x1], $0xffff;
	_ =	sdelay $0x3  }
0xc6: {  	v11 =	vperm.xlane v7, v2;
	_ =	sdelay $0x1  }
0xc7: {  	v10 =	vmul.f32 v10, v11  }
0xc8: {  	s19 =	sadd.s32 $0x40, s19  }
0xc9: {  	[tilespmem:s19+$0xFFFFFFD0] =	vst v10  }
0xca: {  	v10 =	vld.idx.msk [tilespmem:v1+s20+$0xFFFFFFE0 ss:$0x1], $0xffff;
	_ =	sdelay $0x5  }
0xcb: {  	v8 =	vmul.f32 v10, v8;
	_ =	sdelay $0x1  }
0xcc: {  	[tilespmem:s19+$0xFFFFFFE0] =	vst v8  }
0xcd: {  	v8 =	vld.idx.msk [tilespmem:v1+s20+$0xFFFFFFF0 ss:$0x1], $0xffff;
	_ =	sdelay $0x3  }
0xce: {  	v7 =	vperm.xlane v7, v4;
	_ =	sdelay $0x1  }
0xcf: {  	v7 =	vmul.f32 v8, v7;
	_ =	sdelay $0x1  }
0xd0: {  	[tilespmem:s19+$0xFFFFFFF0] =	vst v7  }
0xd1: {  	v7 =	vld.idx.msk [tilespmem:v1+s20+$0x0 ss:$0x1], $0xffff;
	_ =	sdelay $0x3  }
.Ltmp7:
0xd2: {  	(pc) =	sbr.rel @p0 .LBB2_11-.Ltmp7, $3  }
0xd3: {  	_ = 	snop  }
0xd4: {  	v7 =	vmul.f32 v7, v9;
	_ =	sdelay $0x1  }
0xd5: {  	s20 =	sshra.s32 s21, $0x2;
	s21 =	sadd.s32 $0x200, s21;
	[tilespmem:s19+$0x0] =	vst v7  }
0xd6: {  	v7 =	vld [tilespmem:s20+$0xA140];
	_ =	sdelay $0x3  }
0xd7: {  	s18 =	sadd.s32 $0x10, s18  }
0xd8: {  	[tilespmem:s18+$0x0] =	vst v7  }
0xd9: {  	v8 =	vld.idx.msk [tilespmem:v1+s20+$0xFFFFFFD0 ss:$0x1], $0xffff;
	_ =	sdelay $0x2  }
0xda: {  	v9 =	vperm.xlane v7, v2;
	_ =	sdelay $0x1  }
0xdb: {  	v8 =	vmul.f32 v8, v9  }
0xdc: {  	s23 =	sadd.s32 $0x40, s19  }
0xdd: {  	[tilespmem:s23+$0xFFFFFFD0] =	vst v8  }
0xde: {  	v8 =	vld.idx.msk [tilespmem:v1+s20+$0xFFFFFFE0 ss:$0x1], $0xffff;
	_ =	sdelay $0x2  }
0xdf: {  	v62 =	vperm.xlane v7, v3;
	_ =	sdelay $0x1  }
0xe0: {  	v8 =	vmul.f32 v8, v62;
	_ =	sdelay $0x1  }
0xe1: {  	[tilespmem:s23+$0xFFFFFFE0] =	vst v8  }
0xe2: {  	v8 =	vld.idx.msk [tilespmem:v1+s20+$0xFFFFFFF0 ss:$0x1], $0xffff;
	_ =	sdelay $0x2  }
0xe3: {  	v63 =	vperm.xlane v7, v4;
	_ =	sdelay $0x1  }
0xe4: {  	v8 =	vmul.f32 v8, v63;
	_ =	sdelay $0x1  }
0xe5: {  	[tilespmem:s23+$0xFFFFFFF0] =	vst v8  }
0xe6: {  	v8 =	vld.idx.msk [tilespmem:v1+s20+$0x0 ss:$0x1], $0xffff;
	_ =	sdelay $0x2  }
0xe7: {  	v7 =	vperm.xlane v7, v5;
	_ =	sdelay $0x1  }
0xe8: {  	v7 =	vmul.f32 v8, v7;
	_ =	sdelay $0x1  }
0xe9: {  	p0 =	sgt.u32 s17, $0xF7;
	[tilespmem:s23+$0x0] =	vst v7  }
0xea: {  	[spmem:s2] =	stream.indirect.scatter.add.f32 [tilespmem:s0], [sflag:$0x4], $0x40, s30, s30, $0xb8;
	[tilespmem:$0x1E340] =	vst v63  }
0xeb: {  	s18 =	simm.s32 @!p0 $0x4  }
0xec: {  	[spmem:s4] =	stream.indirect.scatter.add.f32 [tilespmem:s3], [sflag:$0x4], $0x10, s30, s30, $0xb8;
	[tilespmem:$0x1E340] =	vst v63  }
0xed: {  	_ =	swait.ge @!p0 [sflag:s18], $0x1400  }
0xee: {  	s19 =	sshll.u32 @!p0 s17, $0x4;
	[sflag:s18] =	ssyncset.done @!p0 $0x0  }
0xef: {  	s19 =	sadd.s32 @!p0 s24, s19;
	[sflag:s18] =	ssyncadd.s32 @!p0 $0xFFFFEC00  }
0xf0: {  	s20 =	smul.u32 @!p0 $0xA, s19;
	_ =	swait.ge @!p0 [sflag:s18], $0x500  }
0xf1: {  	s21 =	simm.s32 @!p0 $0x0;
	[sflag:s18] =	ssyncset.done @!p0 $0x0  }
0xf2: {  	s22 =	simm.s32 @!p0 $0x50;
	[sflag:s18] =	ssyncadd.s32 @!p0 $0xFFFFFB00;
	s18 =	sadd.s32 @!p0 s8, s20  }
0xf3: {  	[tilespmem:s22], [sflag:$0x5] =	stream.linear.gather @!p0 [hbm4b:s18+s21], $0x50, $0x38;
	[tilespmem:$0x1E340] =	vst v63  }
0xf4: {  	s18 =	simm.s32 @!p0 $0x5  }
0xf5: {  	_ =	swait.ge @!p0 [sflag:s18], $0x50  }
0xf6: {  	[sflag:s18] =	ssyncset.done @!p0 $0x0  }
0xf7: {  	s23 =	simm.s32 @!p0 $0xF0;
	s20 =	sadd.s32 @!p0 s7, s20;
	[sflag:s18] =	ssyncadd.s32 @!p0 $0xFFFFFFB0  }
0xf8: {  	[tilespmem:s23], [sflag:$0x5] =	stream.linear.gather @!p0 [hbm4b:s20+s21], $0x50, $0x38;
	[tilespmem:$0x1E340] =	vst v63  }
0xf9: {  	_ =	swait.ge @!p0 [sflag:s18], $0x50  }
.Ltmp8:
0xfa: {  	[sflag:s18] =	ssyncset.done @!p0 $0x0;
	(pc) =	sbr.rel .LBB2_13-.Ltmp8, $4  }
0xfb: {  	s19 =	smul.u32 @!p0 $0x500, s19;
	[sflag:s18] =	ssyncadd.s32 @!p0 $0xFFFFFFB0;
	s18 =	simm.s32 @!p0 $0x2940  }
0xfc: {  	[tilespmem:s18], [sflag:$0x2] =	stream.indirect.gather @!p0 [hbm4b:s1+s22], $0x80, s23, s22, $0xb8;
	[tilespmem:$0x1E340] =	vst v63  }
0xfd: {  	s18 =	sadd.s32 @!p0 s6, s19;
	s19 =	simm.s32 @!p0 $0xA140  }
0xfe: {  	[tilespmem:s19], [sflag:$0x2] =	stream.linear.gather @!p0 [hbm4b:s18+s21], $0x2800, $0x38;
	[tilespmem:$0x1E340] =	vst v63  }
.LBB2_7:
0xff: {  	_ =	swait.ge [sflag:s12], $0x2800  }
0x100: {  	[sflag:s12] =	ssyncset.done $0x0  }
0x101: {  	[sflag:s12] =	ssyncadd.s32 $0xFFFFD800  }
0x102: {  	_ =	swait.ge [sflag:s12], $0x2800  }
0x103: {  	[sflag:s12] =	ssyncset.done $0x0  }
0x104: {  	s20 =	simm.s32 $0x0;
	[sflag:s12] =	ssyncadd.s32 $0xFFFFD800  }
0x105: {  	v7 =	vld [tilespmem:s20+$0x7940];
	_ =	sdelay $0x3  }
0x106: {  	s18 =	simm.s32 $0xC940  }
0x107: {  	[tilespmem:s18+$0x0] =	vst v7  }
0x108: {  	v8 =	vld.idx.msk [tilespmem:v0+s20+$0xFFFFFFD0 ss:$0x1], $0xffff;
	_ =	sdelay $0x2  }
0x109: {  	v9 =	vperm.xlane v7, v2;
	_ =	sdelay $0x1  }
0x10a: {  	v8 =	vmul.f32 v8, v9  }
0x10b: {  	s19 =	simm.s32 $0x5160  }
0x10c: {  	[tilespmem:s19+$0xFFFFFFE0] =	vst v8  }
0x10d: {  	v8 =	vld.idx.msk [tilespmem:v0+s20+$0xFFFFFFE0 ss:$0x1], $0xffff;
	_ =	sdelay $0x2  }
0x10e: {  	v62 =	vperm.xlane v7, v3;
	_ =	sdelay $0x1  }
0x10f: {  	v8 =	vmul.f32 v8, v62;
	_ =	sdelay $0x1  }
0x110: {  	[tilespmem:s19+$0xFFFFFFF0] =	vst v8  }
0x111: {  	v8 =	vld.idx.msk [tilespmem:v0+s20+$0xFFFFFFF0 ss:$0x1], $0xffff;
	_ =	sdelay $0x2  }
0x112: {  	v63 =	vperm.xlane v7, v4;
	_ =	sdelay $0x1  }
0x113: {  	v8 =	vmul.f32 v8, v63;
	_ =	sdelay $0x1  }
0x114: {  	[tilespmem:s19+$0x0] =	vst v8  }
0x115: {  	v8 =	vld.idx.msk [tilespmem:v0+s20+$0x0 ss:$0x1], $0xffff;
	_ =	sdelay $0x2  }
0x116: {  	v7 =	vperm.xlane v7, v5;
	_ =	sdelay $0x1  }
0x117: {  	v7 =	vmul.f32 v8, v7;
	_ =	sdelay $0x1  }
0x118: {  	s21 =	simm.s32 $0x400;
	s20 =	simm.s32 $0x80;
	[tilespmem:s19+$0x10] =	vst v7  }
.LBB2_8:
0x119: {  	p0 =	sne.s32 s21, $0x9E00;
	v7 =	vld [tilespmem:s20+$0x7940];
	_ =	sdelay $0x3  }
0x11a: {  	s18 =	sadd.s32 $0x10, s18  }
0x11b: {  	[tilespmem:s18+$0x0] =	vst v7;
	v8 =	vperm.xlane v7, v3;
	v9 =	vperm.xlane v7, v5  }
0x11c: {  	v10 =	vld.idx.msk [tilespmem:v0+s20+$0xFFFFFFD0 ss:$0x1], $0xffff;
	_ =	sdelay $0x3  }
0x11d: {  	v11 =	vperm.xlane v7, v2;
	_ =	sdelay $0x1  }
0x11e: {  	v10 =	vmul.f32 v10, v11  }
0x11f: {  	s19 =	sadd.s32 $0x40, s19  }
0x120: {  	[tilespmem:s19+$0xFFFFFFE0] =	vst v10  }
0x121: {  	v10 =	vld.idx.msk [tilespmem:v0+s20+$0xFFFFFFE0 ss:$0x1], $0xffff;
	_ =	sdelay $0x5  }
0x122: {  	v8 =	vmul.f32 v10, v8;
	_ =	sdelay $0x1  }
0x123: {  	[tilespmem:s19+$0xFFFFFFF0] =	vst v8  }
0x124: {  	v8 =	vld.idx.msk [tilespmem:v0+s20+$0xFFFFFFF0 ss:$0x1], $0xffff;
	_ =	sdelay $0x3  }
0x125: {  	v7 =	vperm.xlane v7, v4;
	_ =	sdelay $0x1  }
0x126: {  	v7 =	vmul.f32 v8, v7;
	_ =	sdelay $0x1  }
0x127: {  	[tilespmem:s19+$0x0] =	vst v7  }
0x128: {  	v7 =	vld.idx.msk [tilespmem:v0+s20+$0x0 ss:$0x1], $0xffff;
	_ =	sdelay $0x3  }
.Ltmp9:
0x129: {  	(pc) =	sbr.rel @p0 .LBB2_8-.Ltmp9, $3  }
0x12a: {  	_ = 	snop  }
0x12b: {  	v7 =	vmul.f32 v7, v9;
	_ =	sdelay $0x1  }
0x12c: {  	s20 =	sshra.s32 s21, $0x2;
	s21 =	sadd.s32 $0x200, s21;
	[tilespmem:s19+$0x10] =	vst v7  }
.Ltmp10:
0x12d: {  	_ = 	snop;
	(pc) =	sbr.rel .LBB2_9-.Ltmp10, $1  }
0x12e: {  	_ =	sdelay $0x3  }
.LBB2_15:
0x12f: {  	_ =	sfence.sel $0x180000  }
0x130: {  	[bflag:$0x0] =	sbarrier.arrive $0xFFFF  }
0x131: {  	_ =	strace $0x9000004A  }
0x132: {  	s0 =	stileid.u32;
	[bflag:$0x2] =	sbarrier.arrive $0xFFFF  }
0x133: {  	p0 =	sne.s32 s0, $0x0;
	s0 =	rddreg [dreg:$0x4]  }
0x134: {  	s0 =	sadd.s32 @!p0 $0x100000, s0  }
0x135: {  	[sflag:s0] =	ssyncadd.tile.s32 @!p0 $0x1;
	_ =	shalt  }
.Lfunc_end2:
_tile_overlayer_lowered:
.L_overlay_start_2:
0x136: {  	(tag) =	ssettag $0x2  }
0x137: {  	s0 =	rddreg [dreg:$0x0];
	s2 =	stileid.u32  }
0x138: {  	s1 =	rddreg [dreg:$0x1];
	p0 =	sne.s32 s2, $0x0  }
0x139: {  	s3 =	rddreg [dreg:$0x2];
	[bflag:$0x3] =	sbarrier.arrive $0xFFFF;
	s2 =	simm.s32 @!p0 $0x1C05  }
0x13a: {  	[timem:s3], [sflag:s2] =	dma.local @!p0 [hbm:s0], s1  }
0x13b: {  	s0 =	simm.s32 @!p0 $0x5  }
0x13c: {  	_ =	swait.ge @!p0 [sflag:s0], s1  }
0x13d: {  	s1 =	ssub.s32 @!p0 $0x0, s1;
	[sflag:s0] =	ssyncset.done @!p0 $0x0  }
0x13e: {  	[sflag:s0] =	ssyncadd.s32 @!p0 s1  }
0x13f: {  	[bflag:$0x3] =	sbarrier.arrive $0xFFFF  }
0x140: {  	_ =	shalt  }

// kernel: kernel.7.cloned.1.call-start
scs
__scs_entry_jumppad:
0x0: {  	(pc) =	sbr.rel $0x88, $3  }
0x1: {  	(tag) =	ssettag $0x0;
	lr =	simm.s32 $0x1  }
0x2: {  	[smem:$0x3F93] =	sst lr;
	_ =	strace $0xD0000000  }
0x3: {  	_ = 	snop  }
0x4: {  	_ = 	snop  }
0x5: {  	_ = 	snop  }
0x6: {  	_ = 	snop  }
0x7: {  	_ = 	snop  }
__scs_overlays_trampoline_lowered:
0x8: {  	[smem:$0x3FA2] =	sst s0  }
0x9: {  	[smem:$0x3FA3] =	sst s1  }
0xa: {  	[smem:$0x3FA4] =	sst s2  }
0xb: {  	[smem:$0x3FA5] =	sst s3  }
0xc: {  	[smem:$0x3FA6] =	sst s4  }
0xd: {  	[smem:$0x3FA7] =	sst s5  }
0xe: {  	[smem:$0x3FA8] =	sst s6  }
0xf: {  	[smem:$0x3FA9] =	sst s7  }
0x10: {  	[smem:$0x3FAA] =	sst s8  }
0x11: {  	[smem:$0x3FAB] =	sst s9;
	s0 =	simm.s32 @!p0 $0x0  }
0x12: {  	s1 =	sld [smem:$0x3F91];
	s0 =	simm.s32 @p0 $0x1  }
0x13: {  	[smem:$0x3FAC] =	sst s0;
	s0 =	simm.s32 @!p1 $0x0  }
0x14: {  	s2 =	sld [smem:$0x3F90];
	s0 =	simm.s32 @p1 $0x1  }
0x15: {  	[smem:$0x3FAD] =	sst s0;
	s0 =	simm.s32 @!p2 $0x0  }
0x16: {  	s3 =	sld [smem:$0x3FDB];
	s0 =	simm.s32 @p2 $0x1  }
0x17: {  	s4 =	simm.s32 $0x1BF5;
	[smem:$0x3FAF] =	sst s0  }
0x18: {  	s0 =	sld [smem:$0x3F92];
	_ =	swait.ge [sflag:s4], $0x0  }
0x19: {  	s7 =	sld [smem:$0x3F93]  }
0x1a: {  	s8 =	sadd.s32 $0xFFFFE003, lr  }
0x1b: {  	s9 =	sadd.s32 $0xFFFFFEF7, lr;
	s5 =	simm.s32 $0xFFFFFFFF;
	p2 =	slt.u32 s8, $0xFFFFF086  }
0x1c: {  	p1 =	slt.u32 s9, $0xF7A;
	s5 =	simm.s32 @!p2 $0x0  }
0x1d: {  	s5 =	simm.s32 @p1 $0x1;
	p0 =	seq.s32 s7, s2  }
0x1e: {  	s7 =	smul.u32 @!p0 $0xF7A, s2;
	p2 =	seq.s32 @!p0 s5, $0x0  }
0x1f: {  	s9 =	smul.u32 $0xF7A, s1;
	s8 =	simm.s32 @!p0 $0x1BF5;
	p2 =	por !p2, p0  }
0x20: {  	[sflag:s8] =	ssyncset.s32 @!p0 $0xFFFFF086;
	s6 =	sadd.s32 @!p0 s3, s7;
	s7 =	simm.s32 @!p0 $0x108  }
0x21: {  	s3 =	sadd.s32 s3, s9;
	s6 =	sadd.s32 @!p0 $0x88, s6;
	s7 =	simm.s32 @p2 $0x1082  }
0x22: {  	[simem:s7], [sflag:s8] =	dma.local @!p0 [hbm:s6], $0xF7A  }
0x23: {  	s9 =	sor.u32 $0xD0000000, s2;
	s6 =	simm.s32 $0x108;
	_ =	swait.ge @!p0 [sflag:s8], $0x0  }
0x24: {  	s3 =	sadd.s32 $0x88, s3;
	s6 =	simm.s32 @!p1 $0x1082;
	[sflag:s4] =	ssyncset.s32 $0xFFFFF086  }
0x25: {  	[simem:s6], [sflag:s4] =	dma.local [hbm:s3], $0xF7A  }
0x26: {  	[smem:$0x3F93] =	sst s1;
	(tag) =	ssettag s2;
	_ =	strace s9  }
0x27: {  	s1 =	sld [smem:$0x3FA3]  }
0x28: {  	s2 =	sld [smem:$0x3FA4]  }
0x29: {  	s4 =	sld [smem:$0x3FA6]  }
0x2a: {  	p0 =	seq.s32 s5, $0x0;
	s5 =	sld [smem:$0x3FA7]  }
0x2b: {  	s6 =	sld [smem:$0x3FA8]  }
0x2c: {  	s7 =	sld [smem:$0x3FA9]  }
0x2d: {  	s3 =	simm.s32 $0x108;
	s8 =	sld [smem:$0x3FAA]  }
0x2e: {  	s3 =	simm.s32 @!p0 $0x1082;
	s9 =	sld [smem:$0x3FAB]  }
0x2f: {  	lr =	sadd.s32 s0, s3;
	s0 =	sld [smem:$0x3FA2]  }
0x30: {  	s3 =	sld [smem:$0x3FA5]  }
0x31: {  	[smem:$0x3FAE] =	sst s10  }
0x32: {  	s10 =	sld [smem:$0x3FAC];
	_ =	sdelay $0x3  }
0x33: {  	p0 =	seq.s32 s10, $0x1;
	s10 =	sld [smem:$0x3FAE];
	_ =	sdelay $0x3  }
0x34: {  	[smem:$0x3FAE] =	sst s10  }
0x35: {  	s10 =	sld [smem:$0x3FAD];
	_ =	sdelay $0x3  }
0x36: {  	p1 =	seq.s32 s10, $0x1;
	s10 =	sld [smem:$0x3FAE];
	_ =	sdelay $0x3  }
0x37: {  	[smem:$0x3FAE] =	sst s10  }
0x38: {  	s10 =	sld [smem:$0x3FAF]  }
0x39: {  	_ = 	snop;
	(pc) =	sbr.ind lr, $3  }
0x3a: {  	_ = 	snop  }
0x3b: {  	_ = 	snop  }
0x3c: {  	p2 =	seq.s32 s10, $0x1;
	s10 =	sld [smem:$0x3FAE]  }
0x3d: {  	_ =	shalt  }
0x3e: {  	_ =	shalt  }
0x3f: {  	_ =	shalt  }
0x40: {  	_ =	shalt  }
0x41: {  	_ =	shalt  }
0x42: {  	_ =	shalt  }
0x43: {  	_ =	shalt  }
0x44: {  	_ =	shalt  }
0x45: {  	_ =	shalt  }
0x46: {  	_ =	shalt  }
0x47: {  	_ =	shalt  }
0x48: {  	_ =	shalt  }
0x49: {  	_ =	shalt  }
0x4a: {  	_ =	shalt  }
0x4b: {  	_ =	shalt  }
0x4c: {  	_ =	shalt  }
0x4d: {  	_ =	shalt  }
0x4e: {  	_ =	shalt  }
0x4f: {  	_ =	shalt  }
0x50: {  	_ =	shalt  }
0x51: {  	_ =	shalt  }
0x52: {  	_ =	shalt  }
0x53: {  	_ =	shalt  }
0x54: {  	_ =	shalt  }
0x55: {  	_ =	shalt  }
0x56: {  	_ =	shalt  }
0x57: {  	_ =	shalt  }
0x58: {  	_ =	shalt  }
0x59: {  	_ =	shalt  }
0x5a: {  	_ =	shalt  }
0x5b: {  	_ =	shalt  }
0x5c: {  	_ =	shalt  }
0x5d: {  	_ =	shalt  }
0x5e: {  	_ =	shalt  }
0x5f: {  	_ =	shalt  }
0x60: {  	_ =	shalt  }
0x61: {  	_ =	shalt  }
0x62: {  	_ =	shalt  }
0x63: {  	_ =	shalt  }
0x64: {  	_ =	shalt  }
0x65: {  	_ =	shalt  }
0x66: {  	_ =	shalt  }
0x67: {  	_ =	shalt  }
0x68: {  	_ =	shalt  }
0x69: {  	_ =	shalt  }
0x6a: {  	_ =	shalt  }
0x6b: {  	_ =	shalt  }
0x6c: {  	_ =	shalt  }
0x6d: {  	_ =	shalt  }
0x6e: {  	_ =	shalt  }
0x6f: {  	_ =	shalt  }
0x70: {  	_ =	shalt  }
0x71: {  	_ =	shalt  }
0x72: {  	_ =	shalt  }
0x73: {  	_ =	shalt  }
0x74: {  	_ =	shalt  }
0x75: {  	_ =	shalt  }
0x76: {  	_ =	shalt  }
0x77: {  	_ =	shalt  }
0x78: {  	_ =	shalt  }
0x79: {  	_ =	shalt  }
0x7a: {  	_ =	shalt  }
0x7b: {  	_ =	shalt  }
0x7c: {  	_ =	shalt  }
0x7d: {  	_ =	shalt  }
0x7e: {  	_ =	shalt  }
0x7f: {  	_ =	shalt  }
0x80: {  	_ =	shalt  }
0x81: {  	_ =	shalt  }
0x82: {  	_ =	shalt  }
0x83: {  	_ =	shalt  }
0x84: {  	_ =	shalt  }
0x85: {  	_ =	shalt  }
0x86: {  	_ =	shalt  }
0x87: {  	_ =	shalt  }
.Lfunc_end0:
.L_simem_size_0:
called_computation_lowered:
.L_overlay_start_0:
0x88: {  	s2 =	sld [smem:$0x3FD9]  }
0x89: {  	s3 =	sld [smem:$0x3FFE];
	_ =	sdelay $0x1  }
0x8a: {  	s1 =	srdreg.scid  }
0x8b: {  	s0 =	sand.u32 $0x1, s1  }
0x8c: {  	s16 =	sshll.u32 s0, $0xA;
	s2 =	sadd.s32 s3, s2  }
0x8d: {  	s2 =	sadd.s32 s2, s16  }
0x8e: {  	[smem:$0x3FBA] =	sst s2  }
0x8f: {  	_ = 	snop  }
0x90: {  	(tm) =	ssettm $0x1  }
0x91: {  	s17 =	sld [smem:$0x3FFB];
	_ =	sdelay $0x3  }
0x92: {  	_ =	strace s17  }
0x93: {  	s2 =	sld [smem:$0x3FFC];
	_ =	sdelay $0x3  }
0x94: {  	_ =	strace s2  }
0x95: {  	s2 =	sld [smem:$0x3FFD];
	_ =	sdelay $0x3  }
0x96: {  	_ =	strace s2  }
0x97: {  	_ =	strace $0x8FFFFFFF  }
0x98: {  	s18 =	sld [smem:$0x3FDB];
	_ =	sdelay $0x1  }
0x99: {  	s19 =	simm.s32 $_scs_section_size  }
0x9a: {  	s4 =	simm.s32 $_size__tile_overlayer_lowered;
	s5 =	simm.s32 $_tile_overlayer_lowered  }
0x9b: {  	s22 =	simm.s32 $0x1BFF;
	s21 =	sshll.u32 s5, $0x1;
	s2 =	sadd.s32 s19, s18  }
0x9c: {  	s6 =	simm.s32 $0x0;
	s20 =	sshll.u32 s4, $0x1;
	s4 =	sadd.s32 s21, s2  }
0x9d: {  	[timem:s6], [sflag:s22] =	dma.local [hbm:s4], s20  }
0x9e: {  	_ =	swait.ge [sflag:s22], s20  }
0x9f: {  	s3 =	ssub.s32 $0x0, s20;
	[sflag:s22] =	ssyncset.done $0x0  }
0xa0: {  	[sflag:s22] =	ssyncadd.s32 s3;
	_ =	sdelay $0x1  }
0xa1: {  	s23 =	simm.s32 $0x1B8B  }
0xa2: {  	_ =	swait.ge [sflag:s23], $0x1  }
0xa3: {  	[sflag:s23] =	ssyncset.done $0x0  }
0xa4: {  	s25 =	simm.s32 $0x1B8E;
	s24 =	sld [smem:$0x3FFE];
	[sflag:s23] =	ssyncadd.s32 $0xFFFFFFFF  }
0xa5: {  	s26 =	simm.s32 $execute0_lowered;
	[smem:$0x3FD2] =	sst s25  }
0xa6: {  	s4 =	sshll.u32 s26, $0x1;
	_ =	strace $0x80000046;
	[dreg:$0x1] =	wrdreg $0xFFFFFFFF  }
0xa7: {  	s28 =	simm.s32 $_size_execute0_lowered;
	s2 =	sadd.s32 s2, s4;
	[dreg:$0x0] =	wrdreg $0x0  }
0xa8: {  	s4 =	sshll.u32 s28, $0x1;
	[dreg:$0x2] =	wrdreg s2  }
0xa9: {  	[dreg:$0x3] =	wrdreg s4  }
0xaa: {  	[dreg:$0x4] =	wrdreg $0xC0  }
0xab: {  	_ =	task [dreg:s6], $0x5FFFF  }
0xac: {  	[dreg:$0x1] =	wrdreg $0xFFFFFFFF  }
0xad: {  	[dreg:$0x0] =	wrdreg $0x60  }
0xae: {  	[dreg:$0x2] =	wrdreg s24  }
0xaf: {  	[dreg:$0x3] =	wrdreg $0x9  }
0xb0: {  	_ =	task.clear_ibuf [dreg:s6], $0x4FFFF;
	_ =	strace $0x90000046  }
0xb1: {  	s29 =	simm.s32 $0x9;
	_ =	strace $0x80000048  }
0xb2: {  	_ =	swait.ge [sflag:s29], $0x1  }
0xb3: {  	[sflag:s29] =	ssyncadd.s32 $0xFFFFFFFF  }
0xb4: {  	_ =	strace $0x90000048  }
0xb5: {  	_ =	sfence  }
0xb6: {  	s30 =	sld [smem:$0x0];
	_ =	sdelay $0x2  }
0xb7: {  	s31 =	sshll.u32 s1, $0xD;
	s1 =	sshrl.u32 s1, $0x2  }
0xb8: {  	s3 =	sand.u32 $0x4000, s31;
	s1 =	sadd.s32 s1, s30  }
0xb9: {  	s0 =	sor.u32 s3, s0;
	s1 =	sshll.u32 s1, $0x11  }
0xba: {  	s0 =	sor.u32 s1, s0  }
0xbb: {  	s0 =	sadd.s32 $0x8F2B, s0  }
0xbc: {  	[sflag:s0] =	ssyncadd.remote.s32 $0x1  }
0xbd: {  	_ =	sfence.sel $0xFFFF  }
0xbe: {  	[dreg:$0x0] =	wrdreg $0xFFFFFFFF;
	(pc) =	sbr.abs _section_cstart, $3  }
0xbf: {  	[dreg:$0x1] =	wrdreg $0xFFFFFFFF  }
0xc0: {  	_ =	task.clear_ibuf [dreg:s6], $0x2FFFF;
	_ =	strace $0x9FFFFFFF  }
0xc1: {  	(tm) =	ssettm $0x7FFFFFFF  }
tec
execute0_lowered:
.L_overlay_start_1:
0x0: {  	(tag) =	ssettag $0x1  }
0x1: {  	s0 =	rddreg [dreg:$0x0]  }
0x2: {  	s1 =	simm.s32 $0x0;
	s2 =	srdreg.scid;
	s6 =	stileid.u32  }
0x3: {  	s17 =	simm.s32 $0x7;
	s19 =	simm.s32 $0x80;
	s20 =	simm.s32 $0x400  }
0x4: {  	s28 =	simm.s32 $0x8400;
	s30 =	simm.s32 $0x3;
	s31 =	simm.s32 $0x4  }
0x5: {  	s21 =	simm.s32 $0x2;
	s29 =	simm.s32 $0x0;
	[smem:$0x7FF] =	sst s1  }
0x6: {  	s3 =	sadd.s32 $0x16600, s0;
	s4 =	sadd.s32 $0x3D800, s0;
	s5 =	sadd.s32 $0xC800, s0  }
0x7: {  	s2 =	sand.u32 $0x1, s2;
	s7 =	sshll.u32 s6, $0x1;
	s6 =	sadd.s32 $0x2A00, s0  }
0x8: {  	s8 =	sadd.s32 $0x64A00, s0;
	s9 =	ssub.s32 $0x2, s2;
	s7 =	sor.u32 s2, s7  }
0x9: {  	_ =	strace $0x80000047;
	s22 =	sshrl.u32 s9, $0x1;
	s2 =	sshll.u32 s7, $0x4  }
0xa: {  	s15 =	sor.u32 $0x60, s7;
	s0 =	ssub.s32 s9, s22;
	s23 =	sadd.s32 s6, s2  }
0xb: {  	s24 =	sor.u32 $0x200, s2;
	s10 =	sadd.s32 s5, s2;
	[dreg:$0x2] =	wrdreg s23  }
0xc: {  	s2 =	sor.u32 $0x400, s2;
	s22 =	simm.s32 $0x280;
	[dreg:$0x3] =	wrdreg s10  }
.Ltmp0:
0xd: {  	s25 =	sadd.s32 s6, s24;
	s9 =	sadd.s32 s5, s24;
	(pc) =	sbr.rel .LBB2_1-.Ltmp0, $4  }
0xe: {  	s26 =	sadd.s32 s6, s2;
	s14 =	sadd.s32 s5, s2;
	s16 =	smax.u32 s0, $0x1  }
0xf: {  	s23 =	simm.s32 $0x4400;
	s0 =	simm.s32 $0x5;
	[dreg:$0x4] =	wrdreg s25  }
0x10: {  	s2 =	simm.s32 $0x6;
	s24 =	simm.s32 $0x1;
	[dreg:$0x5] =	wrdreg s9  }
0x11: {  	[dreg:$0x6] =	wrdreg s26;
	s25 =	simm.s32 $0x100;
	s26 =	simm.s32 $0x300  }
.LBB2_14:
0x12: {  	_ =	swait.ge [sflag:s31], $0x4000  }
0x13: {  	[sflag:s31] =	ssyncset.done $0x0  }
0x14: {  	s29 =	sadd.s32 $0x1, s29;
	[sflag:s31] =	ssyncadd.s32 $0xFFFFC000  }
0x15: {  	p0 =	sne.s32 s29, s16;
	_ =	swait.ge [sflag:s0], $0x4000  }
.Ltmp1:
0x16: {  	[sflag:s0] =	ssyncset.done $0x0;
	(pc) =	sbr.rel @!p0 .LBB2_15-.Ltmp1, $4  }
0x17: {  	[sflag:s0] =	ssyncadd.s32 $0xFFFFC000  }
0x18: {  	_ =	swait.ge [sflag:s2], $0x4000  }
0x19: {  	[sflag:s2] =	ssyncset.done $0x0  }
0x1a: {  	[sflag:s2] =	ssyncadd.s32 $0xFFFFC000  }
.LBB2_1:
0x1b: {  	s9 =	rddreg [dreg:$0x2]  }
0x1c: {  	[tilespmem:s1], [sflag:$0x7] =	stream.linear.gather [hbm4b:s9+s1], $0x80, $0x38;
	[tilespmem:$0x18400] =	vst v63  }
0x1d: {  	_ =	swait.ge [sflag:s17], $0x80  }
0x1e: {  	[sflag:s17] =	ssyncset.done $0x0  }
0x1f: {  	s10 =	simm.s32 $0x200;
	s13 =	rddreg [dreg:$0x3];
	[sflag:s17] =	ssyncadd.s32 $0xFFFFFF80  }
0x20: {  	[tilespmem:s10], [sflag:$0x7] =	stream.linear.gather [hbm4b:s13+s1], $0x80, $0x38;
	[tilespmem:$0x18400] =	vst v63  }
0x21: {  	_ =	swait.ge [sflag:s17], $0x80  }
0x22: {  	[sflag:s17] =	ssyncset.done $0x0  }
0x23: {  	[sflag:s17] =	ssyncadd.s32 $0xFFFFFF80  }
0x24: {  	[tilespmem:s20], [sflag:$0x1] =	stream.indirect.gather [hbm4b:s3+s19], $0x80, s1, s19, $0xb8;
	[tilespmem:$0x18400] =	vst v63  }
0x25: {  	s18 =	simm.s32 $0xC400  }
0x26: {  	[tilespmem:s18], [sflag:$0x1] =	stream.indirect.gather [hbm4b:s4+s19], $0x80, s10, s19, $0xb8;
	[tilespmem:$0x18400] =	vst v63  }
0x27: {  	s10 =	rddreg [dreg:$0x4]  }
0x28: {  	[tilespmem:s19], [sflag:$0x7] =	stream.linear.gather [hbm4b:s10+s1], $0x80, $0x38;
	[tilespmem:$0x18400] =	vst v63  }
0x29: {  	_ =	swait.ge [sflag:s17], $0x80  }
0x2a: {  	[sflag:s17] =	ssyncset.done $0x0  }
0x2b: {  	s11 =	rddreg [dreg:$0x5];
	[sflag:s17] =	ssyncadd.s32 $0xFFFFFF80  }
0x2c: {  	[tilespmem:s22], [sflag:$0x7] =	stream.linear.gather [hbm4b:s11+s1], $0x80, $0x38;
	[tilespmem:$0x18400] =	vst v63  }
0x2d: {  	_ =	swait.ge [sflag:s17], $0x80  }
0x2e: {  	[sflag:s17] =	ssyncset.done $0x0  }
0x2f: {  	[sflag:s17] =	ssyncadd.s32 $0xFFFFFF80  }
0x30: {  	[tilespmem:s23], [sflag:$0x2] =	stream.indirect.gather [hbm4b:s3+s19], $0x80, s19, s19, $0xb8;
	[tilespmem:$0x18400] =	vst v63  }
0x31: {  	s12 =	simm.s32 $0x10400  }
0x32: {  	[tilespmem:s12], [sflag:$0x2] =	stream.indirect.gather [hbm4b:s4+s19], $0x80, s22, s19, $0xb8;
	[tilespmem:$0x18400] =	vst v63  }
0x33: {  	s13 =	rddreg [dreg:$0x6]  }
0x34: {  	[tilespmem:s25], [sflag:$0x7] =	stream.linear.gather [hbm4b:s13+s1], $0x80, $0x38;
	[tilespmem:$0x18400] =	vst v63  }
0x35: {  	_ =	swait.ge [sflag:s17], $0x80  }
0x36: {  	[sflag:s17] =	ssyncset.done $0x0  }
0x37: {  	[sflag:s17] =	ssyncadd.s32 $0xFFFFFF80  }
0x38: {  	[tilespmem:s26], [sflag:$0x7] =	stream.linear.gather [hbm4b:s14+s1], $0x80, $0x38;
	[tilespmem:$0x18400] =	vst v63  }
0x39: {  	_ =	swait.ge [sflag:s17], $0x80  }
.Ltmp2:
0x3a: {  	[sflag:s17] =	ssyncset.done $0x0;
	(pc) =	sbr.rel .LBB2_2-.Ltmp2, $4  }
0x3b: {  	[sflag:s17] =	ssyncadd.s32 $0xFFFFFF80  }
0x3c: {  	[tilespmem:s28], [sflag:$0x3] =	stream.indirect.gather [hbm4b:s3+s19], $0x80, s25, s19, $0xb8;
	[tilespmem:$0x18400] =	vst v63  }
0x3d: {  	s9 =	simm.s32 $0x0;
	s18 =	simm.s32 $0x14400  }
0x3e: {  	[tilespmem:s18], [sflag:$0x3] =	stream.indirect.gather [hbm4b:s4+s19], $0x80, s26, s19, $0xb8;
	[tilespmem:$0x18400] =	vst v63  }
.LBB2_13:
0x3f: {  	s9 =	sadd.s32 $0x1, s9  }
0x40: {  	p0 =	sne.s32 s9, $0x4F  }
.Ltmp3:
0x41: {  	_ = 	snop;
	(pc) =	sbr.rel @!p0 .LBB2_14-.Ltmp3, $1  }
0x42: {  	_ =	sdelay $0x3  }
.LBB2_2:
0x43: {  	s10 =	smul.u32 $0xAB, s9;
	_ =	sdelay $0x1  }
0x44: {  	s10 =	sshrl.u32 s10, $0x9  }
0x45: {  	s10 =	sand.u32 $0x7F, s10  }
0x46: {  	s10 =	smul.u32 $0x3, s10;
	_ =	sdelay $0x1  }
0x47: {  	s10 =	ssub.s32 s9, s10  }
0x48: {  	s10 =	sand.u32 $0xFF, s10  }
0x49: {  	p0 =	seq.s32 s10, $0x2  }
.Ltmp4:
0x4a: {  	_ = 	snop;
	(pc) =	sbr.rel @p0 .LBB2_10-.Ltmp4, $1  }
0x4b: {  	_ =	sdelay $0x3  }
0x4c: {  	p0 =	seq.s32 s10, $0x1  }
.Ltmp5:
0x4d: {  	_ = 	snop;
	(pc) =	sbr.rel @!p0 .LBB2_4-.Ltmp5, $1  }
0x4e: {  	_ =	sdelay $0x3  }
0x4f: {  	_ =	swait.ge [sflag:s21], $0x4000  }
0x50: {  	[sflag:s21] =	ssyncset.done $0x0  }
0x51: {  	[sflag:s21] =	ssyncadd.s32 $0xFFFFC000  }
0x52: {  	_ =	swait.ge [sflag:s21], $0x4000  }
0x53: {  	[sflag:s21] =	ssyncset.done $0x0  }
0x54: {  	s10 =	simm.s32 $0x0;
	[sflag:s21] =	ssyncadd.s32 $0xFFFFC000  }
0x55: {  	v6 =	vld [tilespmem:s10+$0x10400]  }
0x56: {  	v11 =	vld [tilespmem:s10+$0x10410]  }
0x57: {  	v5 =	vld [tilespmem:s10+$0x10420]  }
0x58: {  	v4 =	vld [tilespmem:s10+$0x10430]  }
0x59: {  	v3 =	vld [tilespmem:s10+$0x10440]  }
0x5a: {  	v2 =	vld [tilespmem:s10+$0x10450]  }
0x5b: {  	v1 =	vld [tilespmem:s10+$0x10460]  }
0x5c: {  	v0 =	vld [tilespmem:s10+$0x10470]  }
0x5d: {  	v12 =	vld [tilespmem:s10+$0x4400]  }
0x5e: {  	v13 =	vld [tilespmem:s10+$0x4410]  }
0x5f: {  	v10 =	vld [tilespmem:s10+$0x4420]  }
0x60: {  	v9 =	vld [tilespmem:s10+$0x4430]  }
0x61: {  	v8 =	vld [tilespmem:s10+$0x4440]  }
0x62: {  	v7 =	vld [tilespmem:s10+$0x4450];
	v12 =	vadd.f32 v6, v12  }
0x63: {  	s11 =	simm.s32 $0x200;
	v11 =	vadd.f32 v11, v13;
	v6 =	vld [tilespmem:s10+$0x4460]  }
.LBB2_8:
0x64: {  	s12 =	sshra.s32 s11, $0x2;
	p0 =	sne.s32 s11, $0xFE00;
	[tilespmem:s10+$0x4400] =	vst v12;
	v5 =	vadd.f32 v5, v10;
	v10 =	vld [tilespmem:s10+$0x4470]  }
0x65: {  	v12 =	vld [tilespmem:s12+$0x10400];
	[tilespmem:s10+$0x4410] =	vst v11;
	v4 =	vadd.f32 v4, v9  }
0x66: {  	v11 =	vld [tilespmem:s12+$0x10410];
	[tilespmem:s10+$0x4420] =	vst v5;
	v3 =	vadd.f32 v3, v8  }
0x67: {  	v5 =	vld [tilespmem:s12+$0x10420];
	[tilespmem:s10+$0x4430] =	vst v4;
	v2 =	vadd.f32 v2, v7  }
0x68: {  	v4 =	vld [tilespmem:s12+$0x10430];
	[tilespmem:s10+$0x4440] =	vst v3;
	v1 =	vadd.f32 v1, v6  }
0x69: {  	v3 =	vld [tilespmem:s12+$0x10440];
	[tilespmem:s10+$0x4450] =	vst v2;
	v0 =	vadd.f32 v0, v10  }
0x6a: {  	v2 =	vld [tilespmem:s12+$0x10450];
	[tilespmem:s10+$0x4460] =	vst v1  }
0x6b: {  	v1 =	vld [tilespmem:s12+$0x10460];
	[tilespmem:s10+$0x4470] =	vst v0;
	s10 =	smov.u32 s12  }
0x6c: {  	v0 =	vld [tilespmem:s10+$0x10470]  }
0x6d: {  	v6 =	vld [tilespmem:s10+$0x4400]  }
0x6e: {  	v13 =	vld [tilespmem:s10+$0x4410]  }
.Ltmp6:
0x6f: {  	v10 =	vld [tilespmem:s10+$0x4420];
	(pc) =	sbr.rel @p0 .LBB2_8-.Ltmp6, $4  }
0x70: {  	v9 =	vld [tilespmem:s10+$0x4430]  }
0x71: {  	v8 =	vld [tilespmem:s10+$0x4440]  }
0x72: {  	v12 =	vadd.f32 v12, v6;
	v7 =	vld [tilespmem:s10+$0x4450]  }
0x73: {  	s11 =	sadd.s32 $0x200, s11;
	v11 =	vadd.f32 v11, v13;
	v6 =	vld [tilespmem:s10+$0x4460]  }
0x74: {  	[tilespmem:s10+$0x4400] =	vst v12;
	v5 =	vadd.f32 v5, v10;
	v63 =	vld [tilespmem:s10+$0x4470]  }
0x75: {  	[tilespmem:s10+$0x4410] =	vst v11;
	v4 =	vadd.f32 v4, v9  }
0x76: {  	[tilespmem:s10+$0x4420] =	vst v5;
	v3 =	vadd.f32 v3, v8  }
0x77: {  	s11 =	sshll.u32 s9, $0x5;
	[tilespmem:s10+$0x4430] =	vst v4;
	v2 =	vadd.f32 v2, v7  }
0x78: {  	s12 =	sor.u32 s7, s11;
	[tilespmem:s10+$0x4440] =	vst v3;
	v1 =	vadd.f32 v1, v6  }
0x79: {  	s12 =	smin.u32 s12, $0x9C3;
	[tilespmem:s10+$0x4450] =	vst v2;
	v0 =	vadd.f32 v0, v63  }
0x7a: {  	p0 =	sgt.u32 s9, $0x4B;
	s12 =	sshll.u32 s12, $0xB;
	[tilespmem:s10+$0x4460] =	vst v1  }
0x7b: {  	s18 =	sadd.s32 s8, s12;
	[tilespmem:s10+$0x4470] =	vst v0;
	s10 =	simm.s32 @!p0 $0x5  }
0x7c: {  	[hbm4b:s18+s1] =	stream.linear.scatter [tilespmem:s23], [sflag:$0x5], $0x4000, $0x38;
	[tilespmem:$0x18400] =	vst v63  }
0x7d: {  	s11 =	sadd.s32 @!p0 s15, s11;
	_ =	swait.ge @!p0 [sflag:s10], $0x4000  }
0x7e: {  	s11 =	smin.u32 @!p0 s11, $0x9C3;
	[sflag:s10] =	ssyncset.done @!p0 $0x0  }
0x7f: {  	[sflag:s10] =	ssyncadd.s32 @!p0 $0xFFFFC000;
	s10 =	sshll.u32 @!p0 s11, $0x4  }
0x80: {  	s12 =	simm.s32 @!p0 $0x0;
	s18 =	simm.s32 @!p0 $0x80;
	s11 =	sadd.s32 @!p0 s6, s10  }
0x81: {  	[tilespmem:s18], [sflag:$0x7] =	stream.linear.gather @!p0 [hbm4b:s11+s12], $0x80, $0x38;
	[tilespmem:$0x18400] =	vst v63  }
0x82: {  	s11 =	simm.s32 @!p0 $0x7  }
0x83: {  	_ =	swait.ge @!p0 [sflag:s11], $0x80  }
0x84: {  	[sflag:s11] =	ssyncset.done @!p0 $0x0  }
0x85: {  	s13 =	simm.s32 @!p0 $0x280;
	s10 =	sadd.s32 @!p0 s5, s10;
	[sflag:s11] =	ssyncadd.s32 @!p0 $0xFFFFFF80  }
0x86: {  	[tilespmem:s13], [sflag:$0x7] =	stream.linear.gather @!p0 [hbm4b:s10+s12], $0x80, $0x38;
	[tilespmem:$0x18400] =	vst v63  }
0x87: {  	_ =	swait.ge @!p0 [sflag:s11], $0x80  }
.Ltmp7:
0x88: {  	[sflag:s11] =	ssyncset.done @!p0 $0x0;
	(pc) =	sbr.rel .LBB2_13-.Ltmp7, $4  }
0x89: {  	s10 =	simm.s32 @!p0 $0x4400;
	[sflag:s11] =	ssyncadd.s32 @!p0 $0xFFFFFF80  }
0x8a: {  	[tilespmem:s10], [sflag:$0x2] =	stream.indirect.gather @!p0 [hbm4b:s3+s18], $0x80, s18, s18, $0xb8;
	[tilespmem:$0x18400] =	vst v63  }
0x8b: {  	s10 =	simm.s32 @!p0 $0x10400  }
0x8c: {  	[tilespmem:s10], [sflag:$0x2] =	stream.indirect.gather @!p0 [hbm4b:s4+s18], $0x80, s13, s18, $0xb8;
	[tilespmem:$0x18400] =	vst v63  }
.LBB2_10:
0x8d: {  	_ =	swait.ge [sflag:s30], $0x4000  }
0x8e: {  	[sflag:s30] =	ssyncset.done $0x0  }
0x8f: {  	[sflag:s30] =	ssyncadd.s32 $0xFFFFC000  }
0x90: {  	_ =	swait.ge [sflag:s30], $0x4000  }
0x91: {  	[sflag:s30] =	ssyncset.done $0x0  }
0x92: {  	s10 =	simm.s32 $0x0;
	[sflag:s30] =	ssyncadd.s32 $0xFFFFC000  }
0x93: {  	v6 =	vld [tilespmem:s10+$0x14400]  }
0x94: {  	v11 =	vld [tilespmem:s10+$0x14410]  }
0x95: {  	v5 =	vld [tilespmem:s10+$0x14420]  }
0x96: {  	v4 =	vld [tilespmem:s10+$0x14430]  }
0x97: {  	v3 =	vld [tilespmem:s10+$0x14440]  }
0x98: {  	v2 =	vld [tilespmem:s10+$0x14450]  }
0x99: {  	v1 =	vld [tilespmem:s10+$0x14460]  }
0x9a: {  	v0 =	vld [tilespmem:s10+$0x14470]  }
0x9b: {  	v12 =	vld [tilespmem:s10+$0x8400]  }
0x9c: {  	v13 =	vld [tilespmem:s10+$0x8410]  }
0x9d: {  	v10 =	vld [tilespmem:s10+$0x8420]  }
0x9e: {  	v9 =	vld [tilespmem:s10+$0x8430]  }
0x9f: {  	v8 =	vld [tilespmem:s10+$0x8440]  }
0xa0: {  	v7 =	vld [tilespmem:s10+$0x8450];
	v12 =	vadd.f32 v6, v12  }
0xa1: {  	s11 =	simm.s32 $0x200;
	v11 =	vadd.f32 v11, v13;
	v6 =	vld [tilespmem:s10+$0x8460]  }
.LBB2_11:
0xa2: {  	s12 =	sshra.s32 s11, $0x2;
	p0 =	sne.s32 s11, $0xFE00;
	[tilespmem:s10+$0x8400] =	vst v12;
	v5 =	vadd.f32 v5, v10;
	v10 =	vld [tilespmem:s10+$0x8470]  }
0xa3: {  	v12 =	vld [tilespmem:s12+$0x14400];
	[tilespmem:s10+$0x8410] =	vst v11;
	v4 =	vadd.f32 v4, v9  }
0xa4: {  	v11 =	vld [tilespmem:s12+$0x14410];
	[tilespmem:s10+$0x8420] =	vst v5;
	v3 =	vadd.f32 v3, v8  }
0xa5: {  	v5 =	vld [tilespmem:s12+$0x14420];
	[tilespmem:s10+$0x8430] =	vst v4;
	v2 =	vadd.f32 v2, v7  }
0xa6: {  	v4 =	vld [tilespmem:s12+$0x14430];
	[tilespmem:s10+$0x8440] =	vst v3;
	v1 =	vadd.f32 v1, v6  }
0xa7: {  	v3 =	vld [tilespmem:s12+$0x14440];
	[tilespmem:s10+$0x8450] =	vst v2;
	v0 =	vadd.f32 v0, v10  }
0xa8: {  	v2 =	vld [tilespmem:s12+$0x14450];
	[tilespmem:s10+$0x8460] =	vst v1  }
0xa9: {  	v1 =	vld [tilespmem:s12+$0x14460];
	[tilespmem:s10+$0x8470] =	vst v0;
	s10 =	smov.u32 s12  }
0xaa: {  	v0 =	vld [tilespmem:s10+$0x14470]  }
0xab: {  	v6 =	vld [tilespmem:s10+$0x8400]  }
0xac: {  	v13 =	vld [tilespmem:s10+$0x8410]  }
.Ltmp8:
0xad: {  	v10 =	vld [tilespmem:s10+$0x8420];
	(pc) =	sbr.rel @p0 .LBB2_11-.Ltmp8, $4  }
0xae: {  	v9 =	vld [tilespmem:s10+$0x8430]  }
0xaf: {  	v8 =	vld [tilespmem:s10+$0x8440]  }
0xb0: {  	v12 =	vadd.f32 v12, v6;
	v7 =	vld [tilespmem:s10+$0x8450]  }
0xb1: {  	s11 =	sadd.s32 $0x200, s11;
	v11 =	vadd.f32 v11, v13;
	v6 =	vld [tilespmem:s10+$0x8460]  }
0xb2: {  	[tilespmem:s10+$0x8400] =	vst v12;
	v5 =	vadd.f32 v5, v10;
	v63 =	vld [tilespmem:s10+$0x8470]  }
0xb3: {  	[tilespmem:s10+$0x8410] =	vst v11;
	v4 =	vadd.f32 v4, v9  }
0xb4: {  	[tilespmem:s10+$0x8420] =	vst v5;
	v3 =	vadd.f32 v3, v8  }
0xb5: {  	s11 =	sshll.u32 s9, $0x5;
	[tilespmem:s10+$0x8430] =	vst v4;
	v2 =	vadd.f32 v2, v7  }
0xb6: {  	s12 =	sor.u32 s7, s11;
	[tilespmem:s10+$0x8440] =	vst v3;
	v1 =	vadd.f32 v1, v6  }
0xb7: {  	s12 =	smin.u32 s12, $0x9C3;
	[tilespmem:s10+$0x8450] =	vst v2;
	v0 =	vadd.f32 v0, v63  }
0xb8: {  	p0 =	sgt.u32 s9, $0x4B;
	s12 =	sshll.u32 s12, $0xB;
	[tilespmem:s10+$0x8460] =	vst v1  }
0xb9: {  	s18 =	sadd.s32 s8, s12;
	[tilespmem:s10+$0x8470] =	vst v0;
	s10 =	simm.s32 @!p0 $0x6  }
0xba: {  	[hbm4b:s18+s1] =	stream.linear.scatter [tilespmem:s28], [sflag:$0x6], $0x4000, $0x38;
	[tilespmem:$0x18400] =	vst v63  }
0xbb: {  	s11 =	sadd.s32 @!p0 s15, s11;
	_ =	swait.ge @!p0 [sflag:s10], $0x4000  }
0xbc: {  	s11 =	smin.u32 @!p0 s11, $0x9C3;
	[sflag:s10] =	ssyncset.done @!p0 $0x0  }
0xbd: {  	[sflag:s10] =	ssyncadd.s32 @!p0 $0xFFFFC000;
	s10 =	sshll.u32 @!p0 s11, $0x4  }
0xbe: {  	s13 =	simm.s32 @!p0 $0x100;
	s12 =	simm.s32 @!p0 $0x0;
	s11 =	sadd.s32 @!p0 s6, s10  }
0xbf: {  	[tilespmem:s13], [sflag:$0x7] =	stream.linear.gather @!p0 [hbm4b:s11+s12], $0x80, $0x38;
	[tilespmem:$0x18400] =	vst v63  }
0xc0: {  	s11 =	simm.s32 @!p0 $0x7  }
0xc1: {  	_ =	swait.ge @!p0 [sflag:s11], $0x80  }
0xc2: {  	[sflag:s11] =	ssyncset.done @!p0 $0x0  }
0xc3: {  	s18 =	simm.s32 @!p0 $0x300;
	s10 =	sadd.s32 @!p0 s5, s10;
	[sflag:s11] =	ssyncadd.s32 @!p0 $0xFFFFFF80  }
0xc4: {  	[tilespmem:s18], [sflag:$0x7] =	stream.linear.gather @!p0 [hbm4b:s10+s12], $0x80, $0x38;
	[tilespmem:$0x18400] =	vst v63  }
0xc5: {  	_ =	swait.ge @!p0 [sflag:s11], $0x80  }
.Ltmp9:
0xc6: {  	[sflag:s11] =	ssyncset.done @!p0 $0x0;
	(pc) =	sbr.rel .LBB2_13-.Ltmp9, $4  }
0xc7: {  	s10 =	simm.s32 @!p0 $0x80;
	[sflag:s11] =	ssyncadd.s32 @!p0 $0xFFFFFF80;
	s11 =	simm.s32 @!p0 $0x8400  }
0xc8: {  	[tilespmem:s11], [sflag:$0x3] =	stream.indirect.gather @!p0 [hbm4b:s3+s10], $0x80, s13, s10, $0xb8;
	[tilespmem:$0x18400] =	vst v63  }
0xc9: {  	s11 =	simm.s32 @!p0 $0x14400  }
0xca: {  	[tilespmem:s11], [sflag:$0x3] =	stream.indirect.gather @!p0 [hbm4b:s4+s10], $0x80, s18, s10, $0xb8;
	[tilespmem:$0x18400] =	vst v63  }
.LBB2_4:
0xcb: {  	_ =	swait.ge [sflag:s24], $0x4000  }
0xcc: {  	[sflag:s24] =	ssyncset.done $0x0  }
0xcd: {  	[sflag:s24] =	ssyncadd.s32 $0xFFFFC000  }
0xce: {  	_ =	swait.ge [sflag:s24], $0x4000  }
0xcf: {  	[sflag:s24] =	ssyncset.done $0x0  }
0xd0: {  	s10 =	simm.s32 $0x0;
	[sflag:s24] =	ssyncadd.s32 $0xFFFFC000  }
0xd1: {  	v6 =	vld [tilespmem:s10+$0xC400]  }
0xd2: {  	v11 =	vld [tilespmem:s10+$0xC410]  }
0xd3: {  	v5 =	vld [tilespmem:s10+$0xC420]  }
0xd4: {  	v4 =	vld [tilespmem:s10+$0xC430]  }
0xd5: {  	v3 =	vld [tilespmem:s10+$0xC440]  }
0xd6: {  	v2 =	vld [tilespmem:s10+$0xC450]  }
0xd7: {  	v1 =	vld [tilespmem:s10+$0xC460]  }
0xd8: {  	v0 =	vld [tilespmem:s10+$0xC470]  }
0xd9: {  	v12 =	vld [tilespmem:s10+$0x400]  }
0xda: {  	v13 =	vld [tilespmem:s10+$0x410]  }
0xdb: {  	v10 =	vld [tilespmem:s10+$0x420]  }
0xdc: {  	v9 =	vld [tilespmem:s10+$0x430]  }
0xdd: {  	v8 =	vld [tilespmem:s10+$0x440]  }
0xde: {  	v7 =	vld [tilespmem:s10+$0x450];
	v12 =	vadd.f32 v6, v12  }
0xdf: {  	s11 =	simm.s32 $0x200;
	v11 =	vadd.f32 v11, v13;
	v6 =	vld [tilespmem:s10+$0x460]  }
.LBB2_5:
0xe0: {  	s18 =	sshra.s32 s11, $0x2;
	p0 =	sne.s32 s11, $0xFE00;
	[tilespmem:s10+$0x400] =	vst v12;
	v5 =	vadd.f32 v5, v10;
	v10 =	vld [tilespmem:s10+$0x470]  }
0xe1: {  	v12 =	vld [tilespmem:s18+$0xC400];
	[tilespmem:s10+$0x410] =	vst v11;
	v4 =	vadd.f32 v4, v9  }
0xe2: {  	v11 =	vld [tilespmem:s18+$0xC410];
	[tilespmem:s10+$0x420] =	vst v5;
	v3 =	vadd.f32 v3, v8  }
0xe3: {  	v5 =	vld [tilespmem:s18+$0xC420];
	[tilespmem:s10+$0x430] =	vst v4;
	v2 =	vadd.f32 v2, v7  }
0xe4: {  	v4 =	vld [tilespmem:s18+$0xC430];
	[tilespmem:s10+$0x440] =	vst v3;
	v1 =	vadd.f32 v1, v6  }
0xe5: {  	v3 =	vld [tilespmem:s18+$0xC440];
	[tilespmem:s10+$0x450] =	vst v2;
	v0 =	vadd.f32 v0, v10  }
0xe6: {  	v2 =	vld [tilespmem:s18+$0xC450];
	[tilespmem:s10+$0x460] =	vst v1  }
0xe7: {  	v1 =	vld [tilespmem:s18+$0xC460];
	[tilespmem:s10+$0x470] =	vst v0;
	s10 =	smov.u32 s18  }
0xe8: {  	v0 =	vld [tilespmem:s10+$0xC470]  }
0xe9: {  	v6 =	vld [tilespmem:s10+$0x400]  }
0xea: {  	v13 =	vld [tilespmem:s10+$0x410]  }
.Ltmp10:
0xeb: {  	v10 =	vld [tilespmem:s10+$0x420];
	(pc) =	sbr.rel @p0 .LBB2_5-.Ltmp10, $4  }
0xec: {  	v9 =	vld [tilespmem:s10+$0x430]  }
0xed: {  	v8 =	vld [tilespmem:s10+$0x440]  }
0xee: {  	v12 =	vadd.f32 v12, v6;
	v7 =	vld [tilespmem:s10+$0x450]  }
0xef: {  	s11 =	sadd.s32 $0x200, s11;
	v11 =	vadd.f32 v11, v13;
	v6 =	vld [tilespmem:s10+$0x460]  }
0xf0: {  	[tilespmem:s10+$0x400] =	vst v12;
	v5 =	vadd.f32 v5, v10;
	v63 =	vld [tilespmem:s10+$0x470]  }
0xf1: {  	[tilespmem:s10+$0x410] =	vst v11;
	v4 =	vadd.f32 v4, v9  }
0xf2: {  	[tilespmem:s10+$0x420] =	vst v5;
	v3 =	vadd.f32 v3, v8  }
0xf3: {  	s11 =	sshll.u32 s9, $0x5;
	[tilespmem:s10+$0x430] =	vst v4;
	v2 =	vadd.f32 v2, v7  }
0xf4: {  	s18 =	sor.u32 s7, s11;
	[tilespmem:s10+$0x440] =	vst v3;
	v1 =	vadd.f32 v1, v6  }
0xf5: {  	s18 =	smin.u32 s18, $0x9C3;
	[tilespmem:s10+$0x450] =	vst v2;
	v0 =	vadd.f32 v0, v63  }
0xf6: {  	p0 =	sgt.u32 s9, $0x4B;
	s18 =	sshll.u32 s18, $0xB;
	[tilespmem:s10+$0x460] =	vst v1  }
0xf7: {  	s11 =	sadd.s32 @!p0 s15, s11;
	s18 =	sadd.s32 s8, s18;
	[tilespmem:s10+$0x470] =	vst v0;
	s10 =	simm.s32 @!p0 $0x4  }
0xf8: {  	[hbm4b:s18+s1] =	stream.linear.scatter [tilespmem:s20], [sflag:$0x4], $0x4000, $0x38;
	[tilespmem:$0x18400] =	vst v63  }
0xf9: {  	s11 =	smin.u32 @!p0 s11, $0x9C3;
	_ =	swait.ge @!p0 [sflag:s10], $0x4000  }
0xfa: {  	s11 =	sshll.u32 @!p0 s11, $0x4;
	[sflag:s10] =	ssyncset.done @!p0 $0x0  }
0xfb: {  	s18 =	simm.s32 @!p0 $0x0;
	[sflag:s10] =	ssyncadd.s32 @!p0 $0xFFFFC000;
	s10 =	sadd.s32 @!p0 s6, s11  }
0xfc: {  	[tilespmem:s18], [sflag:$0x7] =	stream.linear.gather @!p0 [hbm4b:s10+s18], $0x80, $0x38;
	[tilespmem:$0x18400] =	vst v63  }
0xfd: {  	s10 =	simm.s32 @!p0 $0x7  }
0xfe: {  	_ =	swait.ge @!p0 [sflag:s10], $0x80  }
0xff: {  	[sflag:s10] =	ssyncset.done @!p0 $0x0  }
0x100: {  	s12 =	simm.s32 @!p0 $0x200;
	s11 =	sadd.s32 @!p0 s5, s11;
	[sflag:s10] =	ssyncadd.s32 @!p0 $0xFFFFFF80  }
0x101: {  	[tilespmem:s12], [sflag:$0x7] =	stream.linear.gather @!p0 [hbm4b:s11+s18], $0x80, $0x38;
	[tilespmem:$0x18400] =	vst v63  }
0x102: {  	_ =	swait.ge @!p0 [sflag:s10], $0x80  }
.Ltmp11:
0x103: {  	[sflag:s10] =	ssyncset.done @!p0 $0x0;
	(pc) =	sbr.rel .LBB2_13-.Ltmp11, $4  }
0x104: {  	s11 =	simm.s32 @!p0 $0x400;
	[sflag:s10] =	ssyncadd.s32 @!p0 $0xFFFFFF80;
	s10 =	simm.s32 @!p0 $0x80  }
0x105: {  	[tilespmem:s11], [sflag:$0x1] =	stream.indirect.gather @!p0 [hbm4b:s3+s10], $0x80, s18, s10, $0xb8;
	[tilespmem:$0x18400] =	vst v63  }
0x106: {  	s11 =	simm.s32 @!p0 $0xC400  }
0x107: {  	[tilespmem:s11], [sflag:$0x1] =	stream.indirect.gather @!p0 [hbm4b:s4+s10], $0x80, s12, s10, $0xb8;
	[tilespmem:$0x18400] =	vst v63  }
.LBB2_15:
0x108: {  	_ =	sfence.sel $0x180000  }
0x109: {  	[bflag:$0x0] =	sbarrier.arrive $0xFFFF  }
0x10a: {  	_ =	strace $0x90000047  }
0x10b: {  	s0 =	stileid.u32;
	[bflag:$0x2] =	sbarrier.arrive $0xFFFF  }
0x10c: {  	p0 =	sne.s32 s0, $0x0;
	s0 =	rddreg [dreg:$0x1]  }
0x10d: {  	s0 =	sadd.s32 @!p0 $0x100000, s0  }
0x10e: {  	[sflag:s0] =	ssyncadd.tile.s32 @!p0 $0x1;
	_ =	shalt  }
.Lfunc_end2:
_tile_overlayer_lowered:
.L_overlay_start_2:
0x10f: {  	(tag) =	ssettag $0x2  }
0x110: {  	s0 =	rddreg [dreg:$0x0];
	s2 =	stileid.u32  }
0x111: {  	s1 =	rddreg [dreg:$0x1];
	p0 =	sne.s32 s2, $0x0  }
0x112: {  	s3 =	rddreg [dreg:$0x2];
	[bflag:$0x3] =	sbarrier.arrive $0xFFFF;
	s2 =	simm.s32 @!p0 $0x1C07  }
0x113: {  	[timem:s3], [sflag:s2] =	dma.local @!p0 [hbm:s0], s1  }
0x114: {  	s0 =	simm.s32 @!p0 $0x7  }
0x115: {  	_ =	swait.ge @!p0 [sflag:s0], s1  }
0x116: {  	s1 =	ssub.s32 @!p0 $0x0, s1;
	[sflag:s0] =	ssyncset.done @!p0 $0x0  }
0x117: {  	[sflag:s0] =	ssyncadd.s32 @!p0 s1  }
0x118: {  	[bflag:$0x3] =	sbarrier.arrive $0xFFFF  }
0x119: {  	_ =	shalt  }

</sc_bundles>
